<compile_context>
chip_gen: v7x
topology: tpu7x:2x2x1
jax: 0.10.2.dev20260603
libtpu: 0.0.44.dev20260713+nightly
codegen_flags: <defaults>
</compile_context>

<pallas_src>
import functools

import jax
import jax.numpy as jnp
from jax import lax
from jax.experimental import pallas as pl
from jax.experimental.pallas import tpu as pltpu
from jax.experimental.pallas import tpu_sc as plsc

_ALPHA = 0.25
_K = 100000

_B, _C, _H, _W = 8, 4, 512, 512
_N = _B * _C * _H * _W
_NW = 32
_PER_W = _N // _NW
_CHUNK = 16384
_NCHUNK = _PER_W // _CHUNK
_NB = 65536
_SHIFT = 15
_UNROLL = 8


def _mesh():
    return plsc.VectorSubcoreMesh(
        core_axis_name="c", subcore_axis_name="s",
        num_cores=2, num_subcores=16)


def _wid():
    return lax.axis_index("s") * 2 + lax.axis_index("c")


def _loss_body(pred_ref, tgt_ref, mask_ref, key_ref):
    x = pred_ref[0, 0]
    tb = tgt_ref[0, 0] != 0
    z = jnp.where(tb, x, -x)
    e = jnp.exp(-jnp.abs(x))
    l1p = jnp.log1p(e)
    sp_pos = jnp.maximum(z, 0.0) + l1p
    ce = jnp.maximum(-z, 0.0) + l1p
    pm2 = jnp.exp(-2.0 * sp_pos)
    alpha_t = jnp.where(tb, _ALPHA, 1.0 - _ALPHA)
    loss = alpha_t * ce * pm2 + 0.0
    key = lax.bitcast_convert_type(loss, jnp.int32)
    key_ref[...] = jnp.where(mask_ref[...] == 0, key, 0).reshape(_H * _W)


def _loss_keys(predictions, targets, mask_plane, interpret=False):
    return pl.pallas_call(
        _loss_body,
        grid=(_B, _C),
        in_specs=[
            pl.BlockSpec((1, 1, _H, _W), lambda b, c: (b, c, 0, 0)),
            pl.BlockSpec((1, 1, _H, _W), lambda b, c: (b, c + 1, 0, 0)),
            pl.BlockSpec((_H, _W), lambda b, c: (0, 0)),
        ],
        out_specs=pl.BlockSpec((_H * _W,), lambda b, c: (b * _C + c,)),
        out_shape=jax.ShapeDtypeStruct((_N,), jnp.int32),
        interpret=interpret,
    )(predictions, targets, mask_plane)


def _stream_chunks(keys_hbm, base, bufs, sems, process_chunk):
    copies = [None, None]
    copies[0] = pltpu.async_copy(
        keys_hbm.at[pl.ds(base, _CHUNK)], bufs[0], sems[0])
    for c in range(_NCHUNK):
        if c + 1 < _NCHUNK:
            nxt = (c + 1) % 2
            copies[nxt] = pltpu.async_copy(
                keys_hbm.at[pl.ds(base + (c + 1) * _CHUNK, _CHUNK)],
                bufs[nxt], sems[nxt])
        copies[c % 2].wait()
        process_chunk(bufs[c % 2])


def _make_hist_pass(interpret=False):

    @functools.partial(
        pl.kernel,
        out_type=jax.ShapeDtypeStruct((_NW, _NB), jnp.int32),
        mesh=_mesh(),
        scratch_types=[
            pltpu.VMEM((_CHUNK,), jnp.int32),
            pltpu.VMEM((_CHUNK,), jnp.int32),
            pltpu.VMEM((_NB,), jnp.int32),
            pltpu.SemaphoreType.DMA,
            pltpu.SemaphoreType.DMA,
        ],
        compiler_params=pltpu.CompilerParams(needs_layout_passes=False),
        interpret=interpret,
    )
    def hist(keys_hbm, cnt_hbm, buf0, buf1, cnt, sem0, sem1):
        wid = _wid()
        zero16i = jnp.zeros((16,), jnp.int32)

        @plsc.parallel_loop(0, _NB, step=16, unroll=8)
        def _zero(i):
            cnt[pl.ds(i, 16)] = zero16i

        ones = jnp.ones((16,), jnp.int32)

        def process(buf):
            @plsc.parallel_loop(0, _CHUNK, step=16, unroll=16)
            def _scatter(i):
                key = buf[pl.ds(i, 16)]
                bucket = lax.shift_right_logical(key, _SHIFT)
                plsc.addupdate_scatter(cnt, [bucket], ones)

        _stream_chunks(keys_hbm, wid * _PER_W, (buf0, buf1),
                       (sem0, sem1), process)
        pltpu.sync_copy(cnt, cnt_hbm.at[wid])

    return hist


def _make_sum_pass(interpret=False):

    @functools.partial(
        pl.kernel,
        out_type=(
            jax.ShapeDtypeStruct((_NW, 16), jnp.float32),
            jax.ShapeDtypeStruct((_NW, 16), jnp.float32),
        ),
        mesh=_mesh(),
        scratch_types=[
            pltpu.VMEM((_CHUNK,), jnp.int32),
            pltpu.VMEM((_CHUNK,), jnp.int32),
            pltpu.VMEM((16,), jnp.int32),
            pltpu.VMEM((16,), jnp.float32),
            pltpu.VMEM((16,), jnp.float32),
            pltpu.SemaphoreType.DMA,
            pltpu.SemaphoreType.DMA,
        ],
        compiler_params=pltpu.CompilerParams(needs_layout_passes=False),
        interpret=interpret,
    )
    def sums(keys_hbm, thr_hbm, sgt_hbm, seq_hbm,
             buf0, buf1, thrv, gt_v, eq_v, sem0, sem1):
        wid = _wid()
        pltpu.sync_copy(thr_hbm, thrv)
        thr = thrv[...]
        zf = jnp.zeros((16,), jnp.float32)

        carry = (zf, zf, zf, zf)
        copies = [None, None]
        bufs = (buf0, buf1)
        sems = (sem0, sem1)
        base = wid * _PER_W
        copies[0] = pltpu.async_copy(
            keys_hbm.at[pl.ds(base, _CHUNK)], buf0, sem0)
        for c in range(_NCHUNK):
            if c + 1 < _NCHUNK:
                nxt = (c + 1) % 2
                copies[nxt] = pltpu.async_copy(
                    keys_hbm.at[pl.ds(base + (c + 1) * _CHUNK, _CHUNK)],
                    bufs[nxt], sems[nxt])
            copies[c % 2].wait()
            buf = bufs[c % 2]

            def body(i, a):
                g0, g1, e0, e1 = a
                key = buf[pl.ds(i, 16)]
                q = lax.shift_right_arithmetic(key, _SHIFT)
                val = plsc.bitcast(key, jnp.float32)
                return (g1, g0 + jnp.where(q > thr, val, 0.0),
                        e1, e0 + jnp.where(q == thr, val, 0.0))

            carry = plsc.parallel_loop(
                0, _CHUNK, step=16, unroll=_UNROLL, carry=carry)(body)

        gt_v[...] = carry[0] + carry[1]
        eq_v[...] = carry[2] + carry[3]
        pltpu.sync_copy(gt_v, sgt_hbm.at[wid])
        pltpu.sync_copy(eq_v, seq_hbm.at[wid])

    return sums


_make_hist_pass = functools.lru_cache(maxsize=None)(_make_hist_pass)
_make_sum_pass = functools.lru_cache(maxsize=None)(_make_sum_pass)


def _select(cnt, need):
    rc = jnp.cumsum(cnt[::-1])[::-1]
    ca = rc - cnt
    cross = jnp.logical_and(ca < need, rc >= need)
    b = jnp.argmax(cross)
    return b, need - ca[b]


def kernel(predictions, targets, batch_idx):
    mask_plane = lax.dynamic_index_in_dim(
        targets, batch_idx, axis=0, keepdims=False)[0]
    keys = _loss_keys(predictions, targets, mask_plane)

    cnt = _make_hist_pass()(keys).sum(0)
    n_masked = (mask_plane != 0).sum() * (_B * _C)
    cnt = cnt.at[0].add(-n_masked)
    b, k2 = _select(cnt, _K)

    thr = jnp.full((16,), b, jnp.int32)
    sgt_t, seq_t = _make_sum_pass()(keys, thr)
    s_gt = sgt_t.sum()
    s_eq = seq_t.sum()

    avg = s_eq / cnt[b].astype(jnp.float32)
    res = (s_gt + k2.astype(jnp.float32) * avg) / jnp.float32(_K)
    total = cnt.sum()
    return jnp.where(total >= _K, res, -jnp.inf).astype(jnp.float32)

# --- scband reference (transcript-rebuilt; emitter-appended) ---
"""Pipeline reference for scband-custom-focal-loss-32908039422238 (READ-ONLY COPY).

The authoritative reference and input builder live on the scoring server;
editing this copy changes nothing except your own understanding.
"""

import jax, jax.numpy as jnp
import numpy as np

ALPHA = 0.25
GAMMA = 2.0
TOP_K = 100000


def setup_inputs(seed: int = 0) -> dict:
    key = jax.random.key(seed)
    k1, k2 = jax.random.split(key)
    predictions = jax.random.normal(k1, (8, 4, 512, 512), dtype=jnp.float32)
    targets = jax.random.randint(k2, (8, 5, 512, 512), 0, 2, dtype=jnp.int32)
    return {"predictions": predictions, "targets": targets, "batch_idx": 0}


def _sigmoid_focal_loss(x, t):
    # torchvision.ops.sigmoid_focal_loss, reduction='none', gamma=2
    p = jax.nn.sigmoid(x)
    ce = jnp.maximum(x, 0.0) - x * t + jnp.log1p(jnp.exp(-jnp.abs(x)))
    p_t = p * t + (1.0 - p) * (1.0 - t)
    loss = ce * jnp.power(1.0 - p_t, GAMMA)
    alpha_t = ALPHA * t + (1.0 - ALPHA) * (1.0 - t)
    return alpha_t * loss


def reference(predictions, targets, batch_idx):
    t = targets[:, 1:].astype(jnp.float32)
    loss = _sigmoid_focal_loss(predictions, t)
    # mask over spatial dims from channel 0 of sample batch_idx (constant wrt float inputs)
    mask = targets[batch_idx, 0] == 0
    mask_b = jnp.broadcast_to(mask, loss.shape)
    masked = jnp.where(mask_b.ravel(), loss.ravel(), -jnp.inf)
    # SOM: sort descending, keep top_k, then mean == top_k values mean
    topv = jax.lax.top_k(masked, TOP_K)[0]
    return jnp.mean(topv)

if __name__ == "__main__":
    import jax
    _d = setup_inputs()
    print(jax.jit(kernel)(*tuple(_d.values())))

</pallas_src>

<mosaic_0001>
#map = affine_map<(d0, d1) -> (0)>
#map1 = affine_map<(d0, d1) -> (0, 0)>
module attributes {stable_mosaic.version = 14 : i64} {
  func.func @hist(%arg0: i32, %arg1: i32, %arg2: memref<8388608xi32, #tpu.memory_space<hbm>>, %arg3: memref<32x65536xi32, #tpu.memory_space<hbm>>, %arg4: memref<16384xi32, #tpu.memory_space<vmem>>, %arg5: memref<16384xi32, #tpu.memory_space<vmem>>, %arg6: memref<65536xi32, #tpu.memory_space<vmem>>, %arg7: memref<!tpu.dma_semaphore, #tpu.memory_space<semaphore_mem>>, %arg8: memref<!tpu.dma_semaphore, #tpu.memory_space<semaphore_mem>>) attributes {dimension_semantics = [#tpu.dimension_semantics<core_parallel>, #tpu.dimension_semantics<subcore_parallel>], iteration_bounds = array<i64: 2, 16>, scalar_prefetch = 0 : i64, scratch_operands = 5 : i64, tpu.core_type = #tpu.core_type<sc_vector_subcore>, window_params = [{transform_indices = #map}, {transform_indices = #map1}]} {
    %mul3A = arith.constant 2 : i32
    %mul3A_0 = arith.muli %arg1, %mul3A : i32
    %add3A = arith.addi %mul3A_0, %arg0 : i32
    %broadcast_in_dim3A = arith.constant 0 : i32
    %broadcast_in_dim3A_1 = vector.broadcast %broadcast_in_dim3A : i32 to vector<16xi32>
    %parallel_loop3A = arith.constant 0 : i32
    %parallel_loop3A_2 = arith.constant 65536 : i32
    %parallel_loop3A_3 = arith.constant 16 : i32
    scf.for %parallel_loop3A_148 = %parallel_loop3A to %parallel_loop3A_2 step %parallel_loop3A_3  : i32 {
      %parallel_loop3A_149 = arith.index_cast %parallel_loop3A_148 : i32 to index
      %parallel_loop3A_150 = tpu.vector_load %arg6[%parallel_loop3A_149] {strides = array<i32>} : memref<65536xi32, #tpu.memory_space<vmem>>, vector<16xi32>,
      tpu.vector_store %arg6[%parallel_loop3A_149], %broadcast_in_dim3A_1 {strides = array<i32>} : memref<65536xi32, #tpu.memory_space<vmem>>, vector<16xi32>,
    } {sc.loop_unroll_factor = 8 : i64, sc.parallel_access}
    %broadcast_in_dim3A_4 = arith.constant 1 : i32
    %broadcast_in_dim3A_5 = vector.broadcast %broadcast_in_dim3A_4 : i32 to vector<16xi32>
    %mul3A_6 = arith.constant 262144 : i32
    %mul3A_7 = arith.muli %add3A, %mul3A_6 : i32
    %dma_start3A = tpu.memref_slice %arg2[%mul3A_7] : memref<8388608xi32, #tpu.memory_space<hbm>> -> memref<16384xi32, #tpu.memory_space<hbm>>
    %dma_start3A_8 = tpu.memref_slice %arg2[%mul3A_7] : memref<8388608xi32, #tpu.memory_space<hbm>> -> memref<16384xi32, #tpu.memory_space<hbm>>
    tpu.enqueue_dma source(%dma_start3A_8 : memref<16384xi32, #tpu.memory_space<hbm>>) target(%arg4 : memref<16384xi32, #tpu.memory_space<vmem>>) target_semaphore(%arg7 : memref<!tpu.dma_semaphore, #tpu.memory_space<semaphore_mem>>)
    %add3A_9 = arith.constant 16384 : i32
    %add3A_10 = arith.addi %mul3A_7, %add3A_9 : i32
    %dma_start3A_11 = tpu.memref_slice %arg2[%add3A_10] : memref<8388608xi32, #tpu.memory_space<hbm>> -> memref<16384xi32, #tpu.memory_space<hbm>>
    %dma_start3A_12 = tpu.memref_slice %arg2[%add3A_10] : memref<8388608xi32, #tpu.memory_space<hbm>> -> memref<16384xi32, #tpu.memory_space<hbm>>
    tpu.enqueue_dma source(%dma_start3A_12 : memref<16384xi32, #tpu.memory_space<hbm>>) target(%arg5 : memref<16384xi32, #tpu.memory_space<vmem>>) target_semaphore(%arg8 : memref<!tpu.dma_semaphore, #tpu.memory_space<semaphore_mem>>)
    %dma_wait3A = tpu.memref_slice %arg2[%mul3A_7] : memref<8388608xi32, #tpu.memory_space<hbm>> -> memref<16384xi32, #tpu.memory_space<hbm>>
    %dma_wait3A_13 = tpu.memref_slice %arg2[%mul3A_7] : memref<8388608xi32, #tpu.memory_space<hbm>> -> memref<16384xi32, #tpu.memory_space<hbm>>
    tpu.wait_dma2 semaphore(%arg7 : memref<!tpu.dma_semaphore, #tpu.memory_space<semaphore_mem>>) src(%dma_wait3A_13 : memref<16384xi32, #tpu.memory_space<hbm>>) dst(%arg4 : memref<16384xi32, #tpu.memory_space<vmem>>)
    %parallel_loop3A_14 = arith.constant 0 : i32
    %parallel_loop3A_15 = arith.constant 16384 : i32
    %parallel_loop3A_16 = arith.constant 16 : i32
    scf.for %parallel_loop3A_148 = %parallel_loop3A_14 to %parallel_loop3A_15 step %parallel_loop3A_16  : i32 {
      %parallel_loop3A_149 = arith.index_cast %parallel_loop3A_148 : i32 to index
      %parallel_loop3A_150 = tpu.vector_load %arg4[%parallel_loop3A_149] {strides = array<i32>} : memref<16384xi32, #tpu.memory_space<vmem>>, vector<16xi32>,
      %parallel_loop3A_151 = arith.constant 15 : i32
      %parallel_loop3A_152 = vector.broadcast %parallel_loop3A_151 : i32 to vector<16xi32>
      %parallel_loop3A_153 = arith.shrui %parallel_loop3A_150, %parallel_loop3A_152 : vector<16xi32>
      tpu.vector_store_idx %arg6[%parallel_loop3A_153], %broadcast_in_dim3A_5 {add = true} : memref<65536xi32, #tpu.memory_space<vmem>>[vector<16xi32>], vector<16xi32>,
    } {sc.loop_unroll_factor = 16 : i64, sc.parallel_access}
    %add3A_17 = arith.constant 32768 : i32
    %add3A_18 = arith.addi %mul3A_7, %add3A_17 : i32
    %dma_start3A_19 = tpu.memref_slice %arg2[%add3A_18] : memref<8388608xi32, #tpu.memory_space<hbm>> -> memref<16384xi32, #tpu.memory_space<hbm>>
    %dma_start3A_20 = tpu.memref_slice %arg2[%add3A_18] : memref<8388608xi32, #tpu.memory_space<hbm>> -> memref<16384xi32, #tpu.memory_space<hbm>>
    tpu.enqueue_dma source(%dma_start3A_20 : memref<16384xi32, #tpu.memory_space<hbm>>) target(%arg4 : memref<16384xi32, #tpu.memory_space<vmem>>) target_semaphore(%arg7 : memref<!tpu.dma_semaphore, #tpu.memory_space<semaphore_mem>>)
    %dma_wait3A_21 = tpu.memref_slice %arg2[%add3A_10] : memref<8388608xi32, #tpu.memory_space<hbm>> -> memref<16384xi32, #tpu.memory_space<hbm>>
    %dma_wait3A_22 = tpu.memref_slice %arg2[%add3A_10] : memref<8388608xi32, #tpu.memory_space<hbm>> -> memref<16384xi32, #tpu.memory_space<hbm>>
    tpu.wait_dma2 semaphore(%arg8 : memref<!tpu.dma_semaphore, #tpu.memory_space<semaphore_mem>>) src(%dma_wait3A_22 : memref<16384xi32, #tpu.memory_space<hbm>>) dst(%arg5 : memref<16384xi32, #tpu.memory_space<vmem>>)
    %parallel_loop3A_23 = arith.constant 0 : i32
    %parallel_loop3A_24 = arith.constant 16384 : i32
    %parallel_loop3A_25 = arith.constant 16 : i32
    scf.for %parallel_loop3A_148 = %parallel_loop3A_23 to %parallel_loop3A_24 step %parallel_loop3A_25  : i32 {
      %parallel_loop3A_149 = arith.index_cast %parallel_loop3A_148 : i32 to index
      %parallel_loop3A_150 = tpu.vector_load %arg5[%parallel_loop3A_149] {strides = array<i32>} : memref<16384xi32, #tpu.memory_space<vmem>>, vector<16xi32>,
      %parallel_loop3A_151 = arith.constant 15 : i32
      %parallel_loop3A_152 = vector.broadcast %parallel_loop3A_151 : i32 to vector<16xi32>
      %parallel_loop3A_153 = arith.shrui %parallel_loop3A_150, %parallel_loop3A_152 : vector<16xi32>
      tpu.vector_store_idx %arg6[%parallel_loop3A_153], %broadcast_in_dim3A_5 {add = true} : memref<65536xi32, #tpu.memory_space<vmem>>[vector<16xi32>], vector<16xi32>,
    } {sc.loop_unroll_factor = 16 : i64, sc.parallel_access}
    %add3A_26 = arith.constant 49152 : i32
    %add3A_27 = arith.addi %mul3A_7, %add3A_26 : i32
    %dma_start3A_28 = tpu.memref_slice %arg2[%add3A_27] : memref<8388608xi32, #tpu.memory_space<hbm>> -> memref<16384xi32, #tpu.memory_space<hbm>>
    %dma_start3A_29 = tpu.memref_slice %arg2[%add3A_27] : memref<8388608xi32, #tpu.memory_space<hbm>> -> memref<16384xi32, #tpu.memory_space<hbm>>
    tpu.enqueue_dma source(%dma_start3A_29 : memref<16384xi32, #tpu.memory_space<hbm>>) target(%arg5 : memref<16384xi32, #tpu.memory_space<vmem>>) target_semaphore(%arg8 : memref<!tpu.dma_semaphore, #tpu.memory_space<semaphore_mem>>)
    %dma_wait3A_30 = tpu.memref_slice %arg2[%add3A_18] : memref<8388608xi32, #tpu.memory_space<hbm>> -> memref<16384xi32, #tpu.memory_space<hbm>>
    %dma_wait3A_31 = tpu.memref_slice %arg2[%add3A_18] : memref<8388608xi32, #tpu.memory_space<hbm>> -> memref<16384xi32, #tpu.memory_space<hbm>>
    tpu.wait_dma2 semaphore(%arg7 : memref<!tpu.dma_semaphore, #tpu.memory_space<semaphore_mem>>) src(%dma_wait3A_31 : memref<16384xi32, #tpu.memory_space<hbm>>) dst(%arg4 : memref<16384xi32, #tpu.memory_space<vmem>>)
    %parallel_loop3A_32 = arith.constant 0 : i32
    %parallel_loop3A_33 = arith.constant 16384 : i32
    %parallel_loop3A_34 = arith.constant 16 : i32
    scf.for %parallel_loop3A_148 = %parallel_loop3A_32 to %parallel_loop3A_33 step %parallel_loop3A_34  : i32 {
      %parallel_loop3A_149 = arith.index_cast %parallel_loop3A_148 : i32 to index
      %parallel_loop3A_150 = tpu.vector_load %arg4[%parallel_loop3A_149] {strides = array<i32>} : memref<16384xi32, #tpu.memory_space<vmem>>, vector<16xi32>,
      %parallel_loop3A_151 = arith.constant 15 : i32
      %parallel_loop3A_152 = vector.broadcast %parallel_loop3A_151 : i32 to vector<16xi32>
      %parallel_loop3A_153 = arith.shrui %parallel_loop3A_150, %parallel_loop3A_152 : vector<16xi32>
      tpu.vector_store_idx %arg6[%parallel_loop3A_153], %broadcast_in_dim3A_5 {add = true} : memref<65536xi32, #tpu.memory_space<vmem>>[vector<16xi32>], vector<16xi32>,
    } {sc.loop_unroll_factor = 16 : i64, sc.parallel_access}
    %add3A_35 = arith.constant 65536 : i32
    %add3A_36 = arith.addi %mul3A_7, %add3A_35 : i32
    %dma_start3A_37 = tpu.memref_slice %arg2[%add3A_36] : memref<8388608xi32, #tpu.memory_space<hbm>> -> memref<16384xi32, #tpu.memory_space<hbm>>
    %dma_start3A_38 = tpu.memref_slice %arg2[%add3A_36] : memref<8388608xi32, #tpu.memory_space<hbm>> -> memref<16384xi32, #tpu.memory_space<hbm>>
    tpu.enqueue_dma source(%dma_start3A_38 : memref<16384xi32, #tpu.memory_space<hbm>>) target(%arg4 : memref<16384xi32, #tpu.memory_space<vmem>>) target_semaphore(%arg7 : memref<!tpu.dma_semaphore, #tpu.memory_space<semaphore_mem>>)
    %dma_wait3A_39 = tpu.memref_slice %arg2[%add3A_27] : memref<8388608xi32, #tpu.memory_space<hbm>> -> memref<16384xi32, #tpu.memory_space<hbm>>
    %dma_wait3A_40 = tpu.memref_slice %arg2[%add3A_27] : memref<8388608xi32, #tpu.memory_space<hbm>> -> memref<16384xi32, #tpu.memory_space<hbm>>
    tpu.wait_dma2 semaphore(%arg8 : memref<!tpu.dma_semaphore, #tpu.memory_space<semaphore_mem>>) src(%dma_wait3A_40 : memref<16384xi32, #tpu.memory_space<hbm>>) dst(%arg5 : memref<16384xi32, #tpu.memory_space<vmem>>)
    %parallel_loop3A_41 = arith.constant 0 : i32
    %parallel_loop3A_42 = arith.constant 16384 : i32
    %parallel_loop3A_43 = arith.constant 16 : i32
    scf.for %parallel_loop3A_148 = %parallel_loop3A_41 to %parallel_loop3A_42 step %parallel_loop3A_43  : i32 {
      %parallel_loop3A_149 = arith.index_cast %parallel_loop3A_148 : i32 to index
      %parallel_loop3A_150 = tpu.vector_load %arg5[%parallel_loop3A_149] {strides = array<i32>} : memref<16384xi32, #tpu.memory_space<vmem>>, vector<16xi32>,
      %parallel_loop3A_151 = arith.constant 15 : i32
      %parallel_loop3A_152 = vector.broadcast %parallel_loop3A_151 : i32 to vector<16xi32>
      %parallel_loop3A_153 = arith.shrui %parallel_loop3A_150, %parallel_loop3A_152 : vector<16xi32>
      tpu.vector_store_idx %arg6[%parallel_loop3A_153], %broadcast_in_dim3A_5 {add = true} : memref<65536xi32, #tpu.memory_space<vmem>>[vector<16xi32>], vector<16xi32>,
    } {sc.loop_unroll_factor = 16 : i64, sc.parallel_access}
    %add3A_44 = arith.constant 81920 : i32
    %add3A_45 = arith.addi %mul3A_7, %add3A_44 : i32
    %dma_start3A_46 = tpu.memref_slice %arg2[%add3A_45] : memref<8388608xi32, #tpu.memory_space<hbm>> -> memref<16384xi32, #tpu.memory_space<hbm>>
    %dma_start3A_47 = tpu.memref_slice %arg2[%add3A_45] : memref<8388608xi32, #tpu.memory_space<hbm>> -> memref<16384xi32, #tpu.memory_space<hbm>>
    tpu.enqueue_dma source(%dma_start3A_47 : memref<16384xi32, #tpu.memory_space<hbm>>) target(%arg5 : memref<16384xi32, #tpu.memory_space<vmem>>) target_semaphore(%arg8 : memref<!tpu.dma_semaphore, #tpu.memory_space<semaphore_mem>>)
    %dma_wait3A_48 = tpu.memref_slice %arg2[%add3A_36] : memref<8388608xi32, #tpu.memory_space<hbm>> -> memref<16384xi32, #tpu.memory_space<hbm>>
    %dma_wait3A_49 = tpu.memref_slice %arg2[%add3A_36] : memref<8388608xi32, #tpu.memory_space<hbm>> -> memref<16384xi32, #tpu.memory_space<hbm>>
    tpu.wait_dma2 semaphore(%arg7 : memref<!tpu.dma_semaphore, #tpu.memory_space<semaphore_mem>>) src(%dma_wait3A_49 : memref<16384xi32, #tpu.memory_space<hbm>>) dst(%arg4 : memref<16384xi32, #tpu.memory_space<vmem>>)
    %parallel_loop3A_50 = arith.constant 0 : i32
    %parallel_loop3A_51 = arith.constant 16384 : i32
    %parallel_loop3A_52 = arith.constant 16 : i32
    scf.for %parallel_loop3A_148 = %parallel_loop3A_50 to %parallel_loop3A_51 step %parallel_loop3A_52  : i32 {
      %parallel_loop3A_149 = arith.index_cast %parallel_loop3A_148 : i32 to index
      %parallel_loop3A_150 = tpu.vector_load %arg4[%parallel_loop3A_149] {strides = array<i32>} : memref<16384xi32, #tpu.memory_space<vmem>>, vector<16xi32>,
      %parallel_loop3A_151 = arith.constant 15 : i32
      %parallel_loop3A_152 = vector.broadcast %parallel_loop3A_151 : i32 to vector<16xi32>
      %parallel_loop3A_153 = arith.shrui %parallel_loop3A_150, %parallel_loop3A_152 : vector<16xi32>
      tpu.vector_store_idx %arg6[%parallel_loop3A_153], %broadcast_in_dim3A_5 {add = true} : memref<65536xi32, #tpu.memory_space<vmem>>[vector<16xi32>], vector<16xi32>,
    } {sc.loop_unroll_factor = 16 : i64, sc.parallel_access}
    %add3A_53 = arith.constant 98304 : i32
    %add3A_54 = arith.addi %mul3A_7, %add3A_53 : i32
    %dma_start3A_55 = tpu.memref_slice %arg2[%add3A_54] : memref<8388608xi32, #tpu.memory_space<hbm>> -> memref<16384xi32, #tpu.memory_space<hbm>>
    %dma_start3A_56 = tpu.memref_slice %arg2[%add3A_54] : memref<8388608xi32, #tpu.memory_space<hbm>> -> memref<16384xi32, #tpu.memory_space<hbm>>
    tpu.enqueue_dma source(%dma_start3A_56 : memref<16384xi32, #tpu.memory_space<hbm>>) target(%arg4 : memref<16384xi32, #tpu.memory_space<vmem>>) target_semaphore(%arg7 : memref<!tpu.dma_semaphore, #tpu.memory_space<semaphore_mem>>)
    %dma_wait3A_57 = tpu.memref_slice %arg2[%add3A_45] : memref<8388608xi32, #tpu.memory_space<hbm>> -> memref<16384xi32, #tpu.memory_space<hbm>>
    %dma_wait3A_58 = tpu.memref_slice %arg2[%add3A_45] : memref<8388608xi32, #tpu.memory_space<hbm>> -> memref<16384xi32, #tpu.memory_space<hbm>>
    tpu.wait_dma2 semaphore(%arg8 : memref<!tpu.dma_semaphore, #tpu.memory_space<semaphore_mem>>) src(%dma_wait3A_58 : memref<16384xi32, #tpu.memory_space<hbm>>) dst(%arg5 : memref<16384xi32, #tpu.memory_space<vmem>>)
    %parallel_loop3A_59 = arith.constant 0 : i32
    %parallel_loop3A_60 = arith.constant 16384 : i32
    %parallel_loop3A_61 = arith.constant 16 : i32
    scf.for %parallel_loop3A_148 = %parallel_loop3A_59 to %parallel_loop3A_60 step %parallel_loop3A_61  : i32 {
      %parallel_loop3A_149 = arith.index_cast %parallel_loop3A_148 : i32 to index
      %parallel_loop3A_150 = tpu.vector_load %arg5[%parallel_loop3A_149] {strides = array<i32>} : memref<16384xi32, #tpu.memory_space<vmem>>, vector<16xi32>,
      %parallel_loop3A_151 = arith.constant 15 : i32
      %parallel_loop3A_152 = vector.broadcast %parallel_loop3A_151 : i32 to vector<16xi32>
      %parallel_loop3A_153 = arith.shrui %parallel_loop3A_150, %parallel_loop3A_152 : vector<16xi32>
      tpu.vector_store_idx %arg6[%parallel_loop3A_153], %broadcast_in_dim3A_5 {add = true} : memref<65536xi32, #tpu.memory_space<vmem>>[vector<16xi32>], vector<16xi32>,
    } {sc.loop_unroll_factor = 16 : i64, sc.parallel_access}
    %add3A_62 = arith.constant 114688 : i32
    %add3A_63 = arith.addi %mul3A_7, %add3A_62 : i32
    %dma_start3A_64 = tpu.memref_slice %arg2[%add3A_63] : memref<8388608xi32, #tpu.memory_space<hbm>> -> memref<16384xi32, #tpu.memory_space<hbm>>
    %dma_start3A_65 = tpu.memref_slice %arg2[%add3A_63] : memref<8388608xi32, #tpu.memory_space<hbm>> -> memref<16384xi32, #tpu.memory_space<hbm>>
    tpu.enqueue_dma source(%dma_start3A_65 : memref<16384xi32, #tpu.memory_space<hbm>>) target(%arg5 : memref<16384xi32, #tpu.memory_space<vmem>>) target_semaphore(%arg8 : memref<!tpu.dma_semaphore, #tpu.memory_space<semaphore_mem>>)
    %dma_wait3A_66 = tpu.memref_slice %arg2[%add3A_54] : memref<8388608xi32, #tpu.memory_space<hbm>> -> memref<16384xi32, #tpu.memory_space<hbm>>
    %dma_wait3A_67 = tpu.memref_slice %arg2[%add3A_54] : memref<8388608xi32, #tpu.memory_space<hbm>> -> memref<16384xi32, #tpu.memory_space<hbm>>
    tpu.wait_dma2 semaphore(%arg7 : memref<!tpu.dma_semaphore, #tpu.memory_space<semaphore_mem>>) src(%dma_wait3A_67 : memref<16384xi32, #tpu.memory_space<hbm>>) dst(%arg4 : memref<16384xi32, #tpu.memory_space<vmem>>)
    %parallel_loop3A_68 = arith.constant 0 : i32
    %parallel_loop3A_69 = arith.constant 16384 : i32
    %parallel_loop3A_70 = arith.constant 16 : i32
    scf.for %parallel_loop3A_148 = %parallel_loop3A_68 to %parallel_loop3A_69 step %parallel_loop3A_70  : i32 {
      %parallel_loop3A_149 = arith.index_cast %parallel_loop3A_148 : i32 to index
      %parallel_loop3A_150 = tpu.vector_load %arg4[%parallel_loop3A_149] {strides = array<i32>} : memref<16384xi32, #tpu.memory_space<vmem>>, vector<16xi32>,
      %parallel_loop3A_151 = arith.constant 15 : i32
      %parallel_loop3A_152 = vector.broadcast %parallel_loop3A_151 : i32 to vector<16xi32>
      %parallel_loop3A_153 = arith.shrui %parallel_loop3A_150, %parallel_loop3A_152 : vector<16xi32>
      tpu.vector_store_idx %arg6[%parallel_loop3A_153], %broadcast_in_dim3A_5 {add = true} : memref<65536xi32, #tpu.memory_space<vmem>>[vector<16xi32>], vector<16xi32>,
    } {sc.loop_unroll_factor = 16 : i64, sc.parallel_access}
    %add3A_71 = arith.constant 131072 : i32
    %add3A_72 = arith.addi %mul3A_7, %add3A_71 : i32
    %dma_start3A_73 = tpu.memref_slice %arg2[%add3A_72] : memref<8388608xi32, #tpu.memory_space<hbm>> -> memref<16384xi32, #tpu.memory_space<hbm>>
    %dma_start3A_74 = tpu.memref_slice %arg2[%add3A_72] : memref<8388608xi32, #tpu.memory_space<hbm>> -> memref<16384xi32, #tpu.memory_space<hbm>>
    tpu.enqueue_dma source(%dma_start3A_74 : memref<16384xi32, #tpu.memory_space<hbm>>) target(%arg4 : memref<16384xi32, #tpu.memory_space<vmem>>) target_semaphore(%arg7 : memref<!tpu.dma_semaphore, #tpu.memory_space<semaphore_mem>>)
    %dma_wait3A_75 = tpu.memref_slice %arg2[%add3A_63] : memref<8388608xi32, #tpu.memory_space<hbm>> -> memref<16384xi32, #tpu.memory_space<hbm>>
    %dma_wait3A_76 = tpu.memref_slice %arg2[%add3A_63] : memref<8388608xi32, #tpu.memory_space<hbm>> -> memref<16384xi32, #tpu.memory_space<hbm>>
    tpu.wait_dma2 semaphore(%arg8 : memref<!tpu.dma_semaphore, #tpu.memory_space<semaphore_mem>>) src(%dma_wait3A_76 : memref<16384xi32, #tpu.memory_space<hbm>>) dst(%arg5 : memref<16384xi32, #tpu.memory_space<vmem>>)
    %parallel_loop3A_77 = arith.constant 0 : i32
    %parallel_loop3A_78 = arith.constant 16384 : i32
    %parallel_loop3A_79 = arith.constant 16 : i32
    scf.for %parallel_loop3A_148 = %parallel_loop3A_77 to %parallel_loop3A_78 step %parallel_loop3A_79  : i32 {
      %parallel_loop3A_149 = arith.index_cast %parallel_loop3A_148 : i32 to index
      %parallel_loop3A_150 = tpu.vector_load %arg5[%parallel_loop3A_149] {strides = array<i32>} : memref<16384xi32, #tpu.memory_space<vmem>>, vector<16xi32>,
      %parallel_loop3A_151 = arith.constant 15 : i32
      %parallel_loop3A_152 = vector.broadcast %parallel_loop3A_151 : i32 to vector<16xi32>
      %parallel_loop3A_153 = arith.shrui %parallel_loop3A_150, %parallel_loop3A_152 : vector<16xi32>
      tpu.vector_store_idx %arg6[%parallel_loop3A_153], %broadcast_in_dim3A_5 {add = true} : memref<65536xi32, #tpu.memory_space<vmem>>[vector<16xi32>], vector<16xi32>,
    } {sc.loop_unroll_factor = 16 : i64, sc.parallel_access}
    %add3A_80 = arith.constant 147456 : i32
    %add3A_81 = arith.addi %mul3A_7, %add3A_80 : i32
    %dma_start3A_82 = tpu.memref_slice %arg2[%add3A_81] : memref<8388608xi32, #tpu.memory_space<hbm>> -> memref<16384xi32, #tpu.memory_space<hbm>>
    %dma_start3A_83 = tpu.memref_slice %arg2[%add3A_81] : memref<8388608xi32, #tpu.memory_space<hbm>> -> memref<16384xi32, #tpu.memory_space<hbm>>
    tpu.enqueue_dma source(%dma_start3A_83 : memref<16384xi32, #tpu.memory_space<hbm>>) target(%arg5 : memref<16384xi32, #tpu.memory_space<vmem>>) target_semaphore(%arg8 : memref<!tpu.dma_semaphore, #tpu.memory_space<semaphore_mem>>)
    %dma_wait3A_84 = tpu.memref_slice %arg2[%add3A_72] : memref<8388608xi32, #tpu.memory_space<hbm>> -> memref<16384xi32, #tpu.memory_space<hbm>>
    %dma_wait3A_85 = tpu.memref_slice %arg2[%add3A_72] : memref<8388608xi32, #tpu.memory_space<hbm>> -> memref<16384xi32, #tpu.memory_space<hbm>>
    tpu.wait_dma2 semaphore(%arg7 : memref<!tpu.dma_semaphore, #tpu.memory_space<semaphore_mem>>) src(%dma_wait3A_85 : memref<16384xi32, #tpu.memory_space<hbm>>) dst(%arg4 : memref<16384xi32, #tpu.memory_space<vmem>>)
    %parallel_loop3A_86 = arith.constant 0 : i32
    %parallel_loop3A_87 = arith.constant 16384 : i32
    %parallel_loop3A_88 = arith.constant 16 : i32
    scf.for %parallel_loop3A_148 = %parallel_loop3A_86 to %parallel_loop3A_87 step %parallel_loop3A_88  : i32 {
      %parallel_loop3A_149 = arith.index_cast %parallel_loop3A_148 : i32 to index
      %parallel_loop3A_150 = tpu.vector_load %arg4[%parallel_loop3A_149] {strides = array<i32>} : memref<16384xi32, #tpu.memory_space<vmem>>, vector<16xi32>,
      %parallel_loop3A_151 = arith.constant 15 : i32
      %parallel_loop3A_152 = vector.broadcast %parallel_loop3A_151 : i32 to vector<16xi32>
      %parallel_loop3A_153 = arith.shrui %parallel_loop3A_150, %parallel_loop3A_152 : vector<16xi32>
      tpu.vector_store_idx %arg6[%parallel_loop3A_153], %broadcast_in_dim3A_5 {add = true} : memref<65536xi32, #tpu.memory_space<vmem>>[vector<16xi32>], vector<16xi32>,
    } {sc.loop_unroll_factor = 16 : i64, sc.parallel_access}
    %add3A_89 = arith.constant 163840 : i32
    %add3A_90 = arith.addi %mul3A_7, %add3A_89 : i32
    %dma_start3A_91 = tpu.memref_slice %arg2[%add3A_90] : memref<8388608xi32, #tpu.memory_space<hbm>> -> memref<16384xi32, #tpu.memory_space<hbm>>
    %dma_start3A_92 = tpu.memref_slice %arg2[%add3A_90] : memref<8388608xi32, #tpu.memory_space<hbm>> -> memref<16384xi32, #tpu.memory_space<hbm>>
    tpu.enqueue_dma source(%dma_start3A_92 : memref<16384xi32, #tpu.memory_space<hbm>>) target(%arg4 : memref<16384xi32, #tpu.memory_space<vmem>>) target_semaphore(%arg7 : memref<!tpu.dma_semaphore, #tpu.memory_space<semaphore_mem>>)
    %dma_wait3A_93 = tpu.memref_slice %arg2[%add3A_81] : memref<8388608xi32, #tpu.memory_space<hbm>> -> memref<16384xi32, #tpu.memory_space<hbm>>
    %dma_wait3A_94 = tpu.memref_slice %arg2[%add3A_81] : memref<8388608xi32, #tpu.memory_space<hbm>> -> memref<16384xi32, #tpu.memory_space<hbm>>
    tpu.wait_dma2 semaphore(%arg8 : memref<!tpu.dma_semaphore, #tpu.memory_space<semaphore_mem>>) src(%dma_wait3A_94 : memref<16384xi32, #tpu.memory_space<hbm>>) dst(%arg5 : memref<16384xi32, #tpu.memory_space<vmem>>)
    %parallel_loop3A_95 = arith.constant 0 : i32
    %parallel_loop3A_96 = arith.constant 16384 : i32
    %parallel_loop3A_97 = arith.constant 16 : i32
    scf.for %parallel_loop3A_148 = %parallel_loop3A_95 to %parallel_loop3A_96 step %parallel_loop3A_97  : i32 {
      %parallel_loop3A_149 = arith.index_cast %parallel_loop3A_148 : i32 to index
      %parallel_loop3A_150 = tpu.vector_load %arg5[%parallel_loop3A_149] {strides = array<i32>} : memref<16384xi32, #tpu.memory_space<vmem>>, vector<16xi32>,
      %parallel_loop3A_151 = arith.constant 15 : i32
      %parallel_loop3A_152 = vector.broadcast %parallel_loop3A_151 : i32 to vector<16xi32>
      %parallel_loop3A_153 = arith.shrui %parallel_loop3A_150, %parallel_loop3A_152 : vector<16xi32>
      tpu.vector_store_idx %arg6[%parallel_loop3A_153], %broadcast_in_dim3A_5 {add = true} : memref<65536xi32, #tpu.memory_space<vmem>>[vector<16xi32>], vector<16xi32>,
    } {sc.loop_unroll_factor = 16 : i64, sc.parallel_access}
    %add3A_98 = arith.constant 180224 : i32
    %add3A_99 = arith.addi %mul3A_7, %add3A_98 : i32
    %dma_start3A_100 = tpu.memref_slice %arg2[%add3A_99] : memref<8388608xi32, #tpu.memory_space<hbm>> -> memref<16384xi32, #tpu.memory_space<hbm>>
    %dma_start3A_101 = tpu.memref_slice %arg2[%add3A_99] : memref<8388608xi32, #tpu.memory_space<hbm>> -> memref<16384xi32, #tpu.memory_space<hbm>>
    tpu.enqueue_dma source(%dma_start3A_101 : memref<16384xi32, #tpu.memory_space<hbm>>) target(%arg5 : memref<16384xi32, #tpu.memory_space<vmem>>) target_semaphore(%arg8 : memref<!tpu.dma_semaphore, #tpu.memory_space<semaphore_mem>>)
    %dma_wait3A_102 = tpu.memref_slice %arg2[%add3A_90] : memref<8388608xi32, #tpu.memory_space<hbm>> -> memref<16384xi32, #tpu.memory_space<hbm>>
    %dma_wait3A_103 = tpu.memref_slice %arg2[%add3A_90] : memref<8388608xi32, #tpu.memory_space<hbm>> -> memref<16384xi32, #tpu.memory_space<hbm>>
    tpu.wait_dma2 semaphore(%arg7 : memref<!tpu.dma_semaphore, #tpu.memory_space<semaphore_mem>>) src(%dma_wait3A_103 : memref<16384xi32, #tpu.memory_space<hbm>>) dst(%arg4 : memref<16384xi32, #tpu.memory_space<vmem>>)
    %parallel_loop3A_104 = arith.constant 0 : i32
    %parallel_loop3A_105 = arith.constant 16384 : i32
    %parallel_loop3A_106 = arith.constant 16 : i32
    scf.for %parallel_loop3A_148 = %parallel_loop3A_104 to %parallel_loop3A_105 step %parallel_loop3A_106  : i32 {
      %parallel_loop3A_149 = arith.index_cast %parallel_loop3A_148 : i32 to index
      %parallel_loop3A_150 = tpu.vector_load %arg4[%parallel_loop3A_149] {strides = array<i32>} : memref<16384xi32, #tpu.memory_space<vmem>>, vector<16xi32>,
      %parallel_loop3A_151 = arith.constant 15 : i32
      %parallel_loop3A_152 = vector.broadcast %parallel_loop3A_151 : i32 to vector<16xi32>
      %parallel_loop3A_153 = arith.shrui %parallel_loop3A_150, %parallel_loop3A_152 : vector<16xi32>
      tpu.vector_store_idx %arg6[%parallel_loop3A_153], %broadcast_in_dim3A_5 {add = true} : memref<65536xi32, #tpu.memory_space<vmem>>[vector<16xi32>], vector<16xi32>,
    } {sc.loop_unroll_factor = 16 : i64, sc.parallel_access}
    %add3A_107 = arith.constant 196608 : i32
    %add3A_108 = arith.addi %mul3A_7, %add3A_107 : i32
    %dma_start3A_109 = tpu.memref_slice %arg2[%add3A_108] : memref<8388608xi32, #tpu.memory_space<hbm>> -> memref<16384xi32, #tpu.memory_space<hbm>>
    %dma_start3A_110 = tpu.memref_slice %arg2[%add3A_108] : memref<8388608xi32, #tpu.memory_space<hbm>> -> memref<16384xi32, #tpu.memory_space<hbm>>
    tpu.enqueue_dma source(%dma_start3A_110 : memref<16384xi32, #tpu.memory_space<hbm>>) target(%arg4 : memref<16384xi32, #tpu.memory_space<vmem>>) target_semaphore(%arg7 : memref<!tpu.dma_semaphore, #tpu.memory_space<semaphore_mem>>)
    %dma_wait3A_111 = tpu.memref_slice %arg2[%add3A_99] : memref<8388608xi32, #tpu.memory_space<hbm>> -> memref<16384xi32, #tpu.memory_space<hbm>>
    %dma_wait3A_112 = tpu.memref_slice %arg2[%add3A_99] : memref<8388608xi32, #tpu.memory_space<hbm>> -> memref<16384xi32, #tpu.memory_space<hbm>>
    tpu.wait_dma2 semaphore(%arg8 : memref<!tpu.dma_semaphore, #tpu.memory_space<semaphore_mem>>) src(%dma_wait3A_112 : memref<16384xi32, #tpu.memory_space<hbm>>) dst(%arg5 : memref<16384xi32, #tpu.memory_space<vmem>>)
    %parallel_loop3A_113 = arith.constant 0 : i32
    %parallel_loop3A_114 = arith.constant 16384 : i32
    %parallel_loop3A_115 = arith.constant 16 : i32
    scf.for %parallel_loop3A_148 = %parallel_loop3A_113 to %parallel_loop3A_114 step %parallel_loop3A_115  : i32 {
      %parallel_loop3A_149 = arith.index_cast %parallel_loop3A_148 : i32 to index
      %parallel_loop3A_150 = tpu.vector_load %arg5[%parallel_loop3A_149] {strides = array<i32>} : memref<16384xi32, #tpu.memory_space<vmem>>, vector<16xi32>,
      %parallel_loop3A_151 = arith.constant 15 : i32
      %parallel_loop3A_152 = vector.broadcast %parallel_loop3A_151 : i32 to vector<16xi32>
      %parallel_loop3A_153 = arith.shrui %parallel_loop3A_150, %parallel_loop3A_152 : vector<16xi32>
      tpu.vector_store_idx %arg6[%parallel_loop3A_153], %broadcast_in_dim3A_5 {add = true} : memref<65536xi32, #tpu.memory_space<vmem>>[vector<16xi32>], vector<16xi32>,
    } {sc.loop_unroll_factor = 16 : i64, sc.parallel_access}
    %add3A_116 = arith.constant 212992 : i32
    %add3A_117 = arith.addi %mul3A_7, %add3A_116 : i32
    %dma_start3A_118 = tpu.memref_slice %arg2[%add3A_117] : memref<8388608xi32, #tpu.memory_space<hbm>> -> memref<16384xi32, #tpu.memory_space<hbm>>
    %dma_start3A_119 = tpu.memref_slice %arg2[%add3A_117] : memref<8388608xi32, #tpu.memory_space<hbm>> -> memref<16384xi32, #tpu.memory_space<hbm>>
    tpu.enqueue_dma source(%dma_start3A_119 : memref<16384xi32, #tpu.memory_space<hbm>>) target(%arg5 : memref<16384xi32, #tpu.memory_space<vmem>>) target_semaphore(%arg8 : memref<!tpu.dma_semaphore, #tpu.memory_space<semaphore_mem>>)
    %dma_wait3A_120 = tpu.memref_slice %arg2[%add3A_108] : memref<8388608xi32, #tpu.memory_space<hbm>> -> memref<16384xi32, #tpu.memory_space<hbm>>
    %dma_wait3A_121 = tpu.memref_slice %arg2[%add3A_108] : memref<8388608xi32, #tpu.memory_space<hbm>> -> memref<16384xi32, #tpu.memory_space<hbm>>
    tpu.wait_dma2 semaphore(%arg7 : memref<!tpu.dma_semaphore, #tpu.memory_space<semaphore_mem>>) src(%dma_wait3A_121 : memref<16384xi32, #tpu.memory_space<hbm>>) dst(%arg4 : memref<16384xi32, #tpu.memory_space<vmem>>)
    %parallel_loop3A_122 = arith.constant 0 : i32
    %parallel_loop3A_123 = arith.constant 16384 : i32
    %parallel_loop3A_124 = arith.constant 16 : i32
    scf.for %parallel_loop3A_148 = %parallel_loop3A_122 to %parallel_loop3A_123 step %parallel_loop3A_124  : i32 {
      %parallel_loop3A_149 = arith.index_cast %parallel_loop3A_148 : i32 to index
      %parallel_loop3A_150 = tpu.vector_load %arg4[%parallel_loop3A_149] {strides = array<i32>} : memref<16384xi32, #tpu.memory_space<vmem>>, vector<16xi32>,
      %parallel_loop3A_151 = arith.constant 15 : i32
      %parallel_loop3A_152 = vector.broadcast %parallel_loop3A_151 : i32 to vector<16xi32>
      %parallel_loop3A_153 = arith.shrui %parallel_loop3A_150, %parallel_loop3A_152 : vector<16xi32>
      tpu.vector_store_idx %arg6[%parallel_loop3A_153], %broadcast_in_dim3A_5 {add = true} : memref<65536xi32, #tpu.memory_space<vmem>>[vector<16xi32>], vector<16xi32>,
    } {sc.loop_unroll_factor = 16 : i64, sc.parallel_access}
    %add3A_125 = arith.constant 229376 : i32
    %add3A_126 = arith.addi %mul3A_7, %add3A_125 : i32
    %dma_start3A_127 = tpu.memref_slice %arg2[%add3A_126] : memref<8388608xi32, #tpu.memory_space<hbm>> -> memref<16384xi32, #tpu.memory_space<hbm>>
    %dma_start3A_128 = tpu.memref_slice %arg2[%add3A_126] : memref<8388608xi32, #tpu.memory_space<hbm>> -> memref<16384xi32, #tpu.memory_space<hbm>>
    tpu.enqueue_dma source(%dma_start3A_128 : memref<16384xi32, #tpu.memory_space<hbm>>) target(%arg4 : memref<16384xi32, #tpu.memory_space<vmem>>) target_semaphore(%arg7 : memref<!tpu.dma_semaphore, #tpu.memory_space<semaphore_mem>>)
    %dma_wait3A_129 = tpu.memref_slice %arg2[%add3A_117] : memref<8388608xi32, #tpu.memory_space<hbm>> -> memref<16384xi32, #tpu.memory_space<hbm>>
    %dma_wait3A_130 = tpu.memref_slice %arg2[%add3A_117] : memref<8388608xi32, #tpu.memory_space<hbm>> -> memref<16384xi32, #tpu.memory_space<hbm>>
    tpu.wait_dma2 semaphore(%arg8 : memref<!tpu.dma_semaphore, #tpu.memory_space<semaphore_mem>>) src(%dma_wait3A_130 : memref<16384xi32, #tpu.memory_space<hbm>>) dst(%arg5 : memref<16384xi32, #tpu.memory_space<vmem>>)
    %parallel_loop3A_131 = arith.constant 0 : i32
    %parallel_loop3A_132 = arith.constant 16384 : i32
    %parallel_loop3A_133 = arith.constant 16 : i32
    scf.for %parallel_loop3A_148 = %parallel_loop3A_131 to %parallel_loop3A_132 step %parallel_loop3A_133  : i32 {
      %parallel_loop3A_149 = arith.index_cast %parallel_loop3A_148 : i32 to index
      %parallel_loop3A_150 = tpu.vector_load %arg5[%parallel_loop3A_149] {strides = array<i32>} : memref<16384xi32, #tpu.memory_space<vmem>>, vector<16xi32>,
      %parallel_loop3A_151 = arith.constant 15 : i32
      %parallel_loop3A_152 = vector.broadcast %parallel_loop3A_151 : i32 to vector<16xi32>
      %parallel_loop3A_153 = arith.shrui %parallel_loop3A_150, %parallel_loop3A_152 : vector<16xi32>
      tpu.vector_store_idx %arg6[%parallel_loop3A_153], %broadcast_in_dim3A_5 {add = true} : memref<65536xi32, #tpu.memory_space<vmem>>[vector<16xi32>], vector<16xi32>,
    } {sc.loop_unroll_factor = 16 : i64, sc.parallel_access}
    %add3A_134 = arith.constant 245760 : i32
    %add3A_135 = arith.addi %mul3A_7, %add3A_134 : i32
    %dma_start3A_136 = tpu.memref_slice %arg2[%add3A_135] : memref<8388608xi32, #tpu.memory_space<hbm>> -> memref<16384xi32, #tpu.memory_space<hbm>>
    %dma_start3A_137 = tpu.memref_slice %arg2[%add3A_135] : memref<8388608xi32, #tpu.memory_space<hbm>> -> memref<16384xi32, #tpu.memory_space<hbm>>
    tpu.enqueue_dma source(%dma_start3A_137 : memref<16384xi32, #tpu.memory_space<hbm>>) target(%arg5 : memref<16384xi32, #tpu.memory_space<vmem>>) target_semaphore(%arg8 : memref<!tpu.dma_semaphore, #tpu.memory_space<semaphore_mem>>)
    %dma_wait3A_138 = tpu.memref_slice %arg2[%add3A_126] : memref<8388608xi32, #tpu.memory_space<hbm>> -> memref<16384xi32, #tpu.memory_space<hbm>>
    %dma_wait3A_139 = tpu.memref_slice %arg2[%add3A_126] : memref<8388608xi32, #tpu.memory_space<hbm>> -> memref<16384xi32, #tpu.memory_space<hbm>>
    tpu.wait_dma2 semaphore(%arg7 : memref<!tpu.dma_semaphore, #tpu.memory_space<semaphore_mem>>) src(%dma_wait3A_139 : memref<16384xi32, #tpu.memory_space<hbm>>) dst(%arg4 : memref<16384xi32, #tpu.memory_space<vmem>>)
    %parallel_loop3A_140 = arith.constant 0 : i32
    %parallel_loop3A_141 = arith.constant 16384 : i32
    %parallel_loop3A_142 = arith.constant 16 : i32
    scf.for %parallel_loop3A_148 = %parallel_loop3A_140 to %parallel_loop3A_141 step %parallel_loop3A_142  : i32 {
      %parallel_loop3A_149 = arith.index_cast %parallel_loop3A_148 : i32 to index
      %parallel_loop3A_150 = tpu.vector_load %arg4[%parallel_loop3A_149] {strides = array<i32>} : memref<16384xi32, #tpu.memory_space<vmem>>, vector<16xi32>,
      %parallel_loop3A_151 = arith.constant 15 : i32
      %parallel_loop3A_152 = vector.broadcast %parallel_loop3A_151 : i32 to vector<16xi32>
      %parallel_loop3A_153 = arith.shrui %parallel_loop3A_150, %parallel_loop3A_152 : vector<16xi32>
      tpu.vector_store_idx %arg6[%parallel_loop3A_153], %broadcast_in_dim3A_5 {add = true} : memref<65536xi32, #tpu.memory_space<vmem>>[vector<16xi32>], vector<16xi32>,
    } {sc.loop_unroll_factor = 16 : i64, sc.parallel_access}
    %dma_wait3A_143 = tpu.memref_slice %arg2[%add3A_135] : memref<8388608xi32, #tpu.memory_space<hbm>> -> memref<16384xi32, #tpu.memory_space<hbm>>
    %dma_wait3A_144 = tpu.memref_slice %arg2[%add3A_135] : memref<8388608xi32, #tpu.memory_space<hbm>> -> memref<16384xi32, #tpu.memory_space<hbm>>
    tpu.wait_dma2 semaphore(%arg8 : memref<!tpu.dma_semaphore, #tpu.memory_space<semaphore_mem>>) src(%dma_wait3A_144 : memref<16384xi32, #tpu.memory_space<hbm>>) dst(%arg5 : memref<16384xi32, #tpu.memory_space<vmem>>)
    %parallel_loop3A_145 = arith.constant 0 : i32
    %parallel_loop3A_146 = arith.constant 16384 : i32
    %parallel_loop3A_147 = arith.constant 16 : i32
    scf.for %parallel_loop3A_148 = %parallel_loop3A_145 to %parallel_loop3A_146 step %parallel_loop3A_147  : i32 {
      %parallel_loop3A_149 = arith.index_cast %parallel_loop3A_148 : i32 to index
      %parallel_loop3A_150 = tpu.vector_load %arg5[%parallel_loop3A_149] {strides = array<i32>} : memref<16384xi32, #tpu.memory_space<vmem>>, vector<16xi32>,
      %parallel_loop3A_151 = arith.constant 15 : i32
      %parallel_loop3A_152 = vector.broadcast %parallel_loop3A_151 : i32 to vector<16xi32>
      %parallel_loop3A_153 = arith.shrui %parallel_loop3A_150, %parallel_loop3A_152 : vector<16xi32>
      tpu.vector_store_idx %arg6[%parallel_loop3A_153], %broadcast_in_dim3A_5 {add = true} : memref<65536xi32, #tpu.memory_space<vmem>>[vector<16xi32>], vector<16xi32>,
    } {sc.loop_unroll_factor = 16 : i64, sc.parallel_access}
    "tpu.region"() ({
      %run_scoped3A = tpu.sem_alloc : memref<!tpu.dma_semaphore, #tpu.memory_space<semaphore_mem>>
      %dma_start3A_148 = arith.constant 0 : i32
      %dma_start3A_149 = tpu.memref_slice %arg3[%add3A, %dma_start3A_148] : memref<32x65536xi32, #tpu.memory_space<hbm>> -> memref<1x65536xi32, #tpu.memory_space<hbm>>
      %dma_start3A_150 = tpu.memref_squeeze %dma_start3A_149 : memref<1x65536xi32, #tpu.memory_space<hbm>> -> memref<65536xi32, #tpu.memory_space<hbm>>
      %dma_start3A_151 = arith.constant 0 : i32
      %dma_start3A_152 = tpu.memref_slice %arg3[%add3A, %dma_start3A_151] : memref<32x65536xi32, #tpu.memory_space<hbm>> -> memref<1x65536xi32, #tpu.memory_space<hbm>>
      %dma_start3A_153 = tpu.memref_squeeze %dma_start3A_152 : memref<1x65536xi32, #tpu.memory_space<hbm>> -> memref<65536xi32, #tpu.memory_space<hbm>>
      tpu.enqueue_dma source(%arg6 : memref<65536xi32, #tpu.memory_space<vmem>>) target(%dma_start3A_153 : memref<65536xi32, #tpu.memory_space<hbm>>) target_semaphore(%run_scoped3A : memref<!tpu.dma_semaphore, #tpu.memory_space<semaphore_mem>>)
      %dma_wait3A_154 = arith.constant 0 : i32
      %dma_wait3A_155 = tpu.memref_slice %arg3[%add3A, %dma_wait3A_154] : memref<32x65536xi32, #tpu.memory_space<hbm>> -> memref<1x65536xi32, #tpu.memory_space<hbm>>
      %dma_wait3A_156 = tpu.memref_squeeze %dma_wait3A_155 : memref<1x65536xi32, #tpu.memory_space<hbm>> -> memref<65536xi32, #tpu.memory_space<hbm>>
      %dma_wait3A_157 = arith.constant 0 : i32
      %dma_wait3A_158 = tpu.memref_slice %arg3[%add3A, %dma_wait3A_157] : memref<32x65536xi32, #tpu.memory_space<hbm>> -> memref<1x65536xi32, #tpu.memory_space<hbm>>
      %dma_wait3A_159 = tpu.memref_squeeze %dma_wait3A_158 : memref<1x65536xi32, #tpu.memory_space<hbm>> -> memref<65536xi32, #tpu.memory_space<hbm>>
      tpu.wait_dma2 semaphore(%run_scoped3A : memref<!tpu.dma_semaphore, #tpu.memory_space<semaphore_mem>>) src(%arg6 : memref<65536xi32, #tpu.memory_space<vmem>>) dst(%dma_wait3A_159 : memref<65536xi32, #tpu.memory_space<hbm>>)
      tpu.yield
    }) : () -> ()
    return
  }
}

#map = affine_map<(d0, d1) -> (0)>
#map1 = affine_map<(d0, d1) -> (0, 0)>
module attributes {stable_mosaic.version = 14 : i64} {
  func.func @sums(%arg0: i32, %arg1: i32, %arg2: memref<8388608xi32, #tpu.memory_space<hbm>>, %arg3: memref<16xi32, #tpu.memory_space<hbm>>, %arg4: memref<32x16xf32, #tpu.memory_space<hbm>>, %arg5: memref<32x16xf32, #tpu.memory_space<hbm>>, %arg6: memref<16384xi32, #tpu.memory_space<vmem>>, %arg7: memref<16384xi32, #tpu.memory_space<vmem>>, %arg8: memref<16xi32, #tpu.memory_space<vmem>>, %arg9: memref<16xf32, #tpu.memory_space<vmem>>, %arg10: memref<16xf32, #tpu.memory_space<vmem>>, %arg11: memref<!tpu.dma_semaphore, #tpu.memory_space<semaphore_mem>>, %arg12: memref<!tpu.dma_semaphore, #tpu.memory_space<semaphore_mem>>) attributes {dimension_semantics = [#tpu.dimension_semantics<core_parallel>, #tpu.dimension_semantics<subcore_parallel>], iteration_bounds = array<i64: 2, 16>, scalar_prefetch = 0 : i64, scratch_operands = 7 : i64, tpu.core_type = #tpu.core_type<sc_vector_subcore>, window_params = [{transform_indices = #map}, {transform_indices = #map}, {transform_indices = #map1}, {transform_indices = #map1}]} {
    %mul3A = arith.constant 2 : i32
    %mul3A_0 = arith.muli %arg1, %mul3A : i32
    %add3A = arith.addi %mul3A_0, %arg0 : i32
    "tpu.region"() ({
      %run_scoped3A = tpu.sem_alloc : memref<!tpu.dma_semaphore, #tpu.memory_space<semaphore_mem>>
      tpu.enqueue_dma source(%arg3 : memref<16xi32, #tpu.memory_space<hbm>>) target(%arg8 : memref<16xi32, #tpu.memory_space<vmem>>) target_semaphore(%run_scoped3A : memref<!tpu.dma_semaphore, #tpu.memory_space<semaphore_mem>>)
      tpu.wait_dma2 semaphore(%run_scoped3A : memref<!tpu.dma_semaphore, #tpu.memory_space<semaphore_mem>>) src(%arg3 : memref<16xi32, #tpu.memory_space<hbm>>) dst(%arg8 : memref<16xi32, #tpu.memory_space<vmem>>)
      tpu.yield
    }) : () -> ()
    %get3A = arith.constant 0 : index
    %get3A_1 = tpu.vector_load %arg8[%get3A] {strides = array<i32>} : memref<16xi32, #tpu.memory_space<vmem>>, vector<16xi32>,
    %broadcast_in_dim3A = arith.constant 0.000000e+00 : f32
    %broadcast_in_dim3A_2 = vector.broadcast %broadcast_in_dim3A : f32 to vector<16xf32>
    %mul3A_3 = arith.constant 262144 : i32
    %mul3A_4 = arith.muli %add3A, %mul3A_3 : i32
    %dma_start3A = tpu.memref_slice %arg2[%mul3A_4] : memref<8388608xi32, #tpu.memory_space<hbm>> -> memref<16384xi32, #tpu.memory_space<hbm>>
    %dma_start3A_5 = tpu.memref_slice %arg2[%mul3A_4] : memref<8388608xi32, #tpu.memory_space<hbm>> -> memref<16384xi32, #tpu.memory_space<hbm>>
    tpu.enqueue_dma source(%dma_start3A_5 : memref<16384xi32, #tpu.memory_space<hbm>>) target(%arg6 : memref<16384xi32, #tpu.memory_space<vmem>>) target_semaphore(%arg11 : memref<!tpu.dma_semaphore, #tpu.memory_space<semaphore_mem>>)
    %add3A_6 = arith.constant 16384 : i32
    %add3A_7 = arith.addi %mul3A_4, %add3A_6 : i32
    %dma_start3A_8 = tpu.memref_slice %arg2[%add3A_7] : memref<8388608xi32, #tpu.memory_space<hbm>> -> memref<16384xi32, #tpu.memory_space<hbm>>
    %dma_start3A_9 = tpu.memref_slice %arg2[%add3A_7] : memref<8388608xi32, #tpu.memory_space<hbm>> -> memref<16384xi32, #tpu.memory_space<hbm>>
    tpu.enqueue_dma source(%dma_start3A_9 : memref<16384xi32, #tpu.memory_space<hbm>>) target(%arg7 : memref<16384xi32, #tpu.memory_space<vmem>>) target_semaphore(%arg12 : memref<!tpu.dma_semaphore, #tpu.memory_space<semaphore_mem>>)
    %dma_wait3A = tpu.memref_slice %arg2[%mul3A_4] : memref<8388608xi32, #tpu.memory_space<hbm>> -> memref<16384xi32, #tpu.memory_space<hbm>>
    %dma_wait3A_10 = tpu.memref_slice %arg2[%mul3A_4] : memref<8388608xi32, #tpu.memory_space<hbm>> -> memref<16384xi32, #tpu.memory_space<hbm>>
    tpu.wait_dma2 semaphore(%arg11 : memref<!tpu.dma_semaphore, #tpu.memory_space<semaphore_mem>>) src(%dma_wait3A_10 : memref<16384xi32, #tpu.memory_space<hbm>>) dst(%arg6 : memref<16384xi32, #tpu.memory_space<vmem>>)
    %parallel_loop3A = arith.constant 0 : i32
    %parallel_loop3A_11 = arith.constant 16384 : i32
    %parallel_loop3A_12 = arith.constant 16 : i32
    %parallel_loop3A_13:4 = scf.for %parallel_loop3A_165 = %parallel_loop3A to %parallel_loop3A_11 step %parallel_loop3A_12 iter_args(%parallel_loop3A_166 = %broadcast_in_dim3A_2, %parallel_loop3A_167 = %broadcast_in_dim3A_2, %parallel_loop3A_168 = %broadcast_in_dim3A_2, %parallel_loop3A_169 = %broadcast_in_dim3A_2) -> (vector<16xf32>, vector<16xf32>, vector<16xf32>, vector<16xf32>)  : i32 {
      %parallel_loop3A_170 = arith.index_cast %parallel_loop3A_165 : i32 to index
      %parallel_loop3A_171 = tpu.vector_load %arg6[%parallel_loop3A_170] {strides = array<i32>} : memref<16384xi32, #tpu.memory_space<vmem>>, vector<16xi32>,
      %parallel_loop3A_172 = arith.constant 15 : i32
      %parallel_loop3A_173 = vector.broadcast %parallel_loop3A_172 : i32 to vector<16xi32>
      %parallel_loop3A_174 = arith.shrsi %parallel_loop3A_171, %parallel_loop3A_173 : vector<16xi32>
      %parallel_loop3A_175 = vector.bitcast %parallel_loop3A_171 : vector<16xi32> to vector<16xf32>
      %parallel_loop3A_176 = arith.cmpi sgt, %parallel_loop3A_174, %get3A_1 : vector<16xi32>
      %parallel_loop3A_177 = arith.constant 0.000000e+00 : f32
      %parallel_loop3A_178 = vector.broadcast %parallel_loop3A_177 : f32 to vector<16xf32>
      %parallel_loop3A_179 = arith.select %parallel_loop3A_176, %parallel_loop3A_175, %parallel_loop3A_178 : vector<16xi1>, vector<16xf32>
      %parallel_loop3A_180 = arith.addf %parallel_loop3A_166, %parallel_loop3A_179 : vector<16xf32>
      %parallel_loop3A_181 = arith.cmpi eq, %parallel_loop3A_174, %get3A_1 : vector<16xi32>
      %parallel_loop3A_182 = arith.constant 0.000000e+00 : f32
      %parallel_loop3A_183 = vector.broadcast %parallel_loop3A_182 : f32 to vector<16xf32>
      %parallel_loop3A_184 = arith.select %parallel_loop3A_181, %parallel_loop3A_175, %parallel_loop3A_183 : vector<16xi1>, vector<16xf32>
      %parallel_loop3A_185 = arith.addf %parallel_loop3A_168, %parallel_loop3A_184 : vector<16xf32>
      scf.yield %parallel_loop3A_167, %parallel_loop3A_180, %parallel_loop3A_169, %parallel_loop3A_185 : vector<16xf32>, vector<16xf32>, vector<16xf32>, vector<16xf32>
    } {sc.loop_unroll_factor = 8 : i64, sc.parallel_access}
    %add3A_14 = arith.constant 32768 : i32
    %add3A_15 = arith.addi %mul3A_4, %add3A_14 : i32
    %dma_start3A_16 = tpu.memref_slice %arg2[%add3A_15] : memref<8388608xi32, #tpu.memory_space<hbm>> -> memref<16384xi32, #tpu.memory_space<hbm>>
    %dma_start3A_17 = tpu.memref_slice %arg2[%add3A_15] : memref<8388608xi32, #tpu.memory_space<hbm>> -> memref<16384xi32, #tpu.memory_space<hbm>>
    tpu.enqueue_dma source(%dma_start3A_17 : memref<16384xi32, #tpu.memory_space<hbm>>) target(%arg6 : memref<16384xi32, #tpu.memory_space<vmem>>) target_semaphore(%arg11 : memref<!tpu.dma_semaphore, #tpu.memory_space<semaphore_mem>>)
    %dma_wait3A_18 = tpu.memref_slice %arg2[%add3A_7] : memref<8388608xi32, #tpu.memory_space<hbm>> -> memref<16384xi32, #tpu.memory_space<hbm>>
    %dma_wait3A_19 = tpu.memref_slice %arg2[%add3A_7] : memref<8388608xi32, #tpu.memory_space<hbm>> -> memref<16384xi32, #tpu.memory_space<hbm>>
    tpu.wait_dma2 semaphore(%arg12 : memref<!tpu.dma_semaphore, #tpu.memory_space<semaphore_mem>>) src(%dma_wait3A_19 : memref<16384xi32, #tpu.memory_space<hbm>>) dst(%arg7 : memref<16384xi32, #tpu.memory_space<vmem>>)
    %parallel_loop3A_20 = arith.constant 0 : i32
    %parallel_loop3A_21 = arith.constant 16384 : i32
    %parallel_loop3A_22 = arith.constant 16 : i32
    %parallel_loop3A_23:4 = scf.for %parallel_loop3A_165 = %parallel_loop3A_20 to %parallel_loop3A_21 step %parallel_loop3A_22 iter_args(%parallel_loop3A_166 = %parallel_loop3A_13#0, %parallel_loop3A_167 = %parallel_loop3A_13#1, %parallel_loop3A_168 = %parallel_loop3A_13#2, %parallel_loop3A_169 = %parallel_loop3A_13#3) -> (vector<16xf32>, vector<16xf32>, vector<16xf32>, vector<16xf32>)  : i32 {
      %parallel_loop3A_170 = arith.index_cast %parallel_loop3A_165 : i32 to index
      %parallel_loop3A_171 = tpu.vector_load %arg7[%parallel_loop3A_170] {strides = array<i32>} : memref<16384xi32, #tpu.memory_space<vmem>>, vector<16xi32>,
      %parallel_loop3A_172 = arith.constant 15 : i32
      %parallel_loop3A_173 = vector.broadcast %parallel_loop3A_172 : i32 to vector<16xi32>
      %parallel_loop3A_174 = arith.shrsi %parallel_loop3A_171, %parallel_loop3A_173 : vector<16xi32>
      %parallel_loop3A_175 = vector.bitcast %parallel_loop3A_171 : vector<16xi32> to vector<16xf32>
      %parallel_loop3A_176 = arith.cmpi sgt, %parallel_loop3A_174, %get3A_1 : vector<16xi32>
      %parallel_loop3A_177 = arith.constant 0.000000e+00 : f32
      %parallel_loop3A_178 = vector.broadcast %parallel_loop3A_177 : f32 to vector<16xf32>
      %parallel_loop3A_179 = arith.select %parallel_loop3A_176, %parallel_loop3A_175, %parallel_loop3A_178 : vector<16xi1>, vector<16xf32>
      %parallel_loop3A_180 = arith.addf %parallel_loop3A_166, %parallel_loop3A_179 : vector<16xf32>
      %parallel_loop3A_181 = arith.cmpi eq, %parallel_loop3A_174, %get3A_1 : vector<16xi32>
      %parallel_loop3A_182 = arith.constant 0.000000e+00 : f32
      %parallel_loop3A_183 = vector.broadcast %parallel_loop3A_182 : f32 to vector<16xf32>
      %parallel_loop3A_184 = arith.select %parallel_loop3A_181, %parallel_loop3A_175, %parallel_loop3A_183 : vector<16xi1>, vector<16xf32>
      %parallel_loop3A_185 = arith.addf %parallel_loop3A_168, %parallel_loop3A_184 : vector<16xf32>
      scf.yield %parallel_loop3A_167, %parallel_loop3A_180, %parallel_loop3A_169, %parallel_loop3A_185 : vector<16xf32>, vector<16xf32>, vector<16xf32>, vector<16xf32>
    } {sc.loop_unroll_factor = 8 : i64, sc.parallel_access}
    %add3A_24 = arith.constant 49152 : i32
    %add3A_25 = arith.addi %mul3A_4, %add3A_24 : i32
    %dma_start3A_26 = tpu.memref_slice %arg2[%add3A_25] : memref<8388608xi32, #tpu.memory_space<hbm>> -> memref<16384xi32, #tpu.memory_space<hbm>>
    %dma_start3A_27 = tpu.memref_slice %arg2[%add3A_25] : memref<8388608xi32, #tpu.memory_space<hbm>> -> memref<16384xi32, #tpu.memory_space<hbm>>
    tpu.enqueue_dma source(%dma_start3A_27 : memref<16384xi32, #tpu.memory_space<hbm>>) target(%arg7 : memref<16384xi32, #tpu.memory_space<vmem>>) target_semaphore(%arg12 : memref<!tpu.dma_semaphore, #tpu.memory_space<semaphore_mem>>)
    %dma_wait3A_28 = tpu.memref_slice %arg2[%add3A_15] : memref<8388608xi32, #tpu.memory_space<hbm>> -> memref<16384xi32, #tpu.memory_space<hbm>>
    %dma_wait3A_29 = tpu.memref_slice %arg2[%add3A_15] : memref<8388608xi32, #tpu.memory_space<hbm>> -> memref<16384xi32, #tpu.memory_space<hbm>>
    tpu.wait_dma2 semaphore(%arg11 : memref<!tpu.dma_semaphore, #tpu.memory_space<semaphore_mem>>) src(%dma_wait3A_29 : memref<16384xi32, #tpu.memory_space<hbm>>) dst(%arg6 : memref<16384xi32, #tpu.memory_space<vmem>>)
    %parallel_loop3A_30 = arith.constant 0 : i32
    %parallel_loop3A_31 = arith.constant 16384 : i32
    %parallel_loop3A_32 = arith.constant 16 : i32
    %parallel_loop3A_33:4 = scf.for %parallel_loop3A_165 = %parallel_loop3A_30 to %parallel_loop3A_31 step %parallel_loop3A_32 iter_args(%parallel_loop3A_166 = %parallel_loop3A_23#0, %parallel_loop3A_167 = %parallel_loop3A_23#1, %parallel_loop3A_168 = %parallel_loop3A_23#2, %parallel_loop3A_169 = %parallel_loop3A_23#3) -> (vector<16xf32>, vector<16xf32>, vector<16xf32>, vector<16xf32>)  : i32 {
      %parallel_loop3A_170 = arith.index_cast %parallel_loop3A_165 : i32 to index
      %parallel_loop3A_171 = tpu.vector_load %arg6[%parallel_loop3A_170] {strides = array<i32>} : memref<16384xi32, #tpu.memory_space<vmem>>, vector<16xi32>,
      %parallel_loop3A_172 = arith.constant 15 : i32
      %parallel_loop3A_173 = vector.broadcast %parallel_loop3A_172 : i32 to vector<16xi32>
      %parallel_loop3A_174 = arith.shrsi %parallel_loop3A_171, %parallel_loop3A_173 : vector<16xi32>
      %parallel_loop3A_175 = vector.bitcast %parallel_loop3A_171 : vector<16xi32> to vector<16xf32>
      %parallel_loop3A_176 = arith.cmpi sgt, %parallel_loop3A_174, %get3A_1 : vector<16xi32>
      %parallel_loop3A_177 = arith.constant 0.000000e+00 : f32
      %parallel_loop3A_178 = vector.broadcast %parallel_loop3A_177 : f32 to vector<16xf32>
      %parallel_loop3A_179 = arith.select %parallel_loop3A_176, %parallel_loop3A_175, %parallel_loop3A_178 : vector<16xi1>, vector<16xf32>
      %parallel_loop3A_180 = arith.addf %parallel_loop3A_166, %parallel_loop3A_179 : vector<16xf32>
      %parallel_loop3A_181 = arith.cmpi eq, %parallel_loop3A_174, %get3A_1 : vector<16xi32>
      %parallel_loop3A_182 = arith.constant 0.000000e+00 : f32
      %parallel_loop3A_183 = vector.broadcast %parallel_loop3A_182 : f32 to vector<16xf32>
      %parallel_loop3A_184 = arith.select %parallel_loop3A_181, %parallel_loop3A_175, %parallel_loop3A_183 : vector<16xi1>, vector<16xf32>
      %parallel_loop3A_185 = arith.addf %parallel_loop3A_168, %parallel_loop3A_184 : vector<16xf32>
      scf.yield %parallel_loop3A_167, %parallel_loop3A_180, %parallel_loop3A_169, %parallel_loop3A_185 : vector<16xf32>, vector<16xf32>, vector<16xf32>, vector<16xf32>
    } {sc.loop_unroll_factor = 8 : i64, sc.parallel_access}
    %add3A_34 = arith.constant 65536 : i32
    %add3A_35 = arith.addi %mul3A_4, %add3A_34 : i32
    %dma_start3A_36 = tpu.memref_slice %arg2[%add3A_35] : memref<8388608xi32, #tpu.memory_space<hbm>> -> memref<16384xi32, #tpu.memory_space<hbm>>
    %dma_start3A_37 = tpu.memref_slice %arg2[%add3A_35] : memref<8388608xi32, #tpu.memory_space<hbm>> -> memref<16384xi32, #tpu.memory_space<hbm>>
    tpu.enqueue_dma source(%dma_start3A_37 : memref<16384xi32, #tpu.memory_space<hbm>>) target(%arg6 : memref<16384xi32, #tpu.memory_space<vmem>>) target_semaphore(%arg11 : memref<!tpu.dma_semaphore, #tpu.memory_space<semaphore_mem>>)
    %dma_wait3A_38 = tpu.memref_slice %arg2[%add3A_25] : memref<8388608xi32, #tpu.memory_space<hbm>> -> memref<16384xi32, #tpu.memory_space<hbm>>
    %dma_wait3A_39 = tpu.memref_slice %arg2[%add3A_25] : memref<8388608xi32, #tpu.memory_space<hbm>> -> memref<16384xi32, #tpu.memory_space<hbm>>
    tpu.wait_dma2 semaphore(%arg12 : memref<!tpu.dma_semaphore, #tpu.memory_space<semaphore_mem>>) src(%dma_wait3A_39 : memref<16384xi32, #tpu.memory_space<hbm>>) dst(%arg7 : memref<16384xi32, #tpu.memory_space<vmem>>)
    %parallel_loop3A_40 = arith.constant 0 : i32
    %parallel_loop3A_41 = arith.constant 16384 : i32
    %parallel_loop3A_42 = arith.constant 16 : i32
    %parallel_loop3A_43:4 = scf.for %parallel_loop3A_165 = %parallel_loop3A_40 to %parallel_loop3A_41 step %parallel_loop3A_42 iter_args(%parallel_loop3A_166 = %parallel_loop3A_33#0, %parallel_loop3A_167 = %parallel_loop3A_33#1, %parallel_loop3A_168 = %parallel_loop3A_33#2, %parallel_loop3A_169 = %parallel_loop3A_33#3) -> (vector<16xf32>, vector<16xf32>, vector<16xf32>, vector<16xf32>)  : i32 {
      %parallel_loop3A_170 = arith.index_cast %parallel_loop3A_165 : i32 to index
      %parallel_loop3A_171 = tpu.vector_load %arg7[%parallel_loop3A_170] {strides = array<i32>} : memref<16384xi32, #tpu.memory_space<vmem>>, vector<16xi32>,
      %parallel_loop3A_172 = arith.constant 15 : i32
      %parallel_loop3A_173 = vector.broadcast %parallel_loop3A_172 : i32 to vector<16xi32>
      %parallel_loop3A_174 = arith.shrsi %parallel_loop3A_171, %parallel_loop3A_173 : vector<16xi32>
      %parallel_loop3A_175 = vector.bitcast %parallel_loop3A_171 : vector<16xi32> to vector<16xf32>
      %parallel_loop3A_176 = arith.cmpi sgt, %parallel_loop3A_174, %get3A_1 : vector<16xi32>
      %parallel_loop3A_177 = arith.constant 0.000000e+00 : f32
      %parallel_loop3A_178 = vector.broadcast %parallel_loop3A_177 : f32 to vector<16xf32>
      %parallel_loop3A_179 = arith.select %parallel_loop3A_176, %parallel_loop3A_175, %parallel_loop3A_178 : vector<16xi1>, vector<16xf32>
      %parallel_loop3A_180 = arith.addf %parallel_loop3A_166, %parallel_loop3A_179 : vector<16xf32>
      %parallel_loop3A_181 = arith.cmpi eq, %parallel_loop3A_174, %get3A_1 : vector<16xi32>
      %parallel_loop3A_182 = arith.constant 0.000000e+00 : f32
      %parallel_loop3A_183 = vector.broadcast %parallel_loop3A_182 : f32 to vector<16xf32>
      %parallel_loop3A_184 = arith.select %parallel_loop3A_181, %parallel_loop3A_175, %parallel_loop3A_183 : vector<16xi1>, vector<16xf32>
      %parallel_loop3A_185 = arith.addf %parallel_loop3A_168, %parallel_loop3A_184 : vector<16xf32>
      scf.yield %parallel_loop3A_167, %parallel_loop3A_180, %parallel_loop3A_169, %parallel_loop3A_185 : vector<16xf32>, vector<16xf32>, vector<16xf32>, vector<16xf32>
    } {sc.loop_unroll_factor = 8 : i64, sc.parallel_access}
    %add3A_44 = arith.constant 81920 : i32
    %add3A_45 = arith.addi %mul3A_4, %add3A_44 : i32
    %dma_start3A_46 = tpu.memref_slice %arg2[%add3A_45] : memref<8388608xi32, #tpu.memory_space<hbm>> -> memref<16384xi32, #tpu.memory_space<hbm>>
    %dma_start3A_47 = tpu.memref_slice %arg2[%add3A_45] : memref<8388608xi32, #tpu.memory_space<hbm>> -> memref<16384xi32, #tpu.memory_space<hbm>>
    tpu.enqueue_dma source(%dma_start3A_47 : memref<16384xi32, #tpu.memory_space<hbm>>) target(%arg7 : memref<16384xi32, #tpu.memory_space<vmem>>) target_semaphore(%arg12 : memref<!tpu.dma_semaphore, #tpu.memory_space<semaphore_mem>>)
    %dma_wait3A_48 = tpu.memref_slice %arg2[%add3A_35] : memref<8388608xi32, #tpu.memory_space<hbm>> -> memref<16384xi32, #tpu.memory_space<hbm>>
    %dma_wait3A_49 = tpu.memref_slice %arg2[%add3A_35] : memref<8388608xi32, #tpu.memory_space<hbm>> -> memref<16384xi32, #tpu.memory_space<hbm>>
    tpu.wait_dma2 semaphore(%arg11 : memref<!tpu.dma_semaphore, #tpu.memory_space<semaphore_mem>>) src(%dma_wait3A_49 : memref<16384xi32, #tpu.memory_space<hbm>>) dst(%arg6 : memref<16384xi32, #tpu.memory_space<vmem>>)
    %parallel_loop3A_50 = arith.constant 0 : i32
    %parallel_loop3A_51 = arith.constant 16384 : i32
    %parallel_loop3A_52 = arith.constant 16 : i32
    %parallel_loop3A_53:4 = scf.for %parallel_loop3A_165 = %parallel_loop3A_50 to %parallel_loop3A_51 step %parallel_loop3A_52 iter_args(%parallel_loop3A_166 = %parallel_loop3A_43#0, %parallel_loop3A_167 = %parallel_loop3A_43#1, %parallel_loop3A_168 = %parallel_loop3A_43#2, %parallel_loop3A_169 = %parallel_loop3A_43#3) -> (vector<16xf32>, vector<16xf32>, vector<16xf32>, vector<16xf32>)  : i32 {
      %parallel_loop3A_170 = arith.index_cast %parallel_loop3A_165 : i32 to index
      %parallel_loop3A_171 = tpu.vector_load %arg6[%parallel_loop3A_170] {strides = array<i32>} : memref<16384xi32, #tpu.memory_space<vmem>>, vector<16xi32>,
      %parallel_loop3A_172 = arith.constant 15 : i32
      %parallel_loop3A_173 = vector.broadcast %parallel_loop3A_172 : i32 to vector<16xi32>
      %parallel_loop3A_174 = arith.shrsi %parallel_loop3A_171, %parallel_loop3A_173 : vector<16xi32>
      %parallel_loop3A_175 = vector.bitcast %parallel_loop3A_171 : vector<16xi32> to vector<16xf32>
      %parallel_loop3A_176 = arith.cmpi sgt, %parallel_loop3A_174, %get3A_1 : vector<16xi32>
      %parallel_loop3A_177 = arith.constant 0.000000e+00 : f32
      %parallel_loop3A_178 = vector.broadcast %parallel_loop3A_177 : f32 to vector<16xf32>
      %parallel_loop3A_179 = arith.select %parallel_loop3A_176, %parallel_loop3A_175, %parallel_loop3A_178 : vector<16xi1>, vector<16xf32>
      %parallel_loop3A_180 = arith.addf %parallel_loop3A_166, %parallel_loop3A_179 : vector<16xf32>
      %parallel_loop3A_181 = arith.cmpi eq, %parallel_loop3A_174, %get3A_1 : vector<16xi32>
      %parallel_loop3A_182 = arith.constant 0.000000e+00 : f32
      %parallel_loop3A_183 = vector.broadcast %parallel_loop3A_182 : f32 to vector<16xf32>
      %parallel_loop3A_184 = arith.select %parallel_loop3A_181, %parallel_loop3A_175, %parallel_loop3A_183 : vector<16xi1>, vector<16xf32>
      %parallel_loop3A_185 = arith.addf %parallel_loop3A_168, %parallel_loop3A_184 : vector<16xf32>
      scf.yield %parallel_loop3A_167, %parallel_loop3A_180, %parallel_loop3A_169, %parallel_loop3A_185 : vector<16xf32>, vector<16xf32>, vector<16xf32>, vector<16xf32>
    } {sc.loop_unroll_factor = 8 : i64, sc.parallel_access}
    %add3A_54 = arith.constant 98304 : i32
    %add3A_55 = arith.addi %mul3A_4, %add3A_54 : i32
    %dma_start3A_56 = tpu.memref_slice %arg2[%add3A_55] : memref<8388608xi32, #tpu.memory_space<hbm>> -> memref<16384xi32, #tpu.memory_space<hbm>>
    %dma_start3A_57 = tpu.memref_slice %arg2[%add3A_55] : memref<8388608xi32, #tpu.memory_space<hbm>> -> memref<16384xi32, #tpu.memory_space<hbm>>
    tpu.enqueue_dma source(%dma_start3A_57 : memref<16384xi32, #tpu.memory_space<hbm>>) target(%arg6 : memref<16384xi32, #tpu.memory_space<vmem>>) target_semaphore(%arg11 : memref<!tpu.dma_semaphore, #tpu.memory_space<semaphore_mem>>)
    %dma_wait3A_58 = tpu.memref_slice %arg2[%add3A_45] : memref<8388608xi32, #tpu.memory_space<hbm>> -> memref<16384xi32, #tpu.memory_space<hbm>>
    %dma_wait3A_59 = tpu.memref_slice %arg2[%add3A_45] : memref<8388608xi32, #tpu.memory_space<hbm>> -> memref<16384xi32, #tpu.memory_space<hbm>>
    tpu.wait_dma2 semaphore(%arg12 : memref<!tpu.dma_semaphore, #tpu.memory_space<semaphore_mem>>) src(%dma_wait3A_59 : memref<16384xi32, #tpu.memory_space<hbm>>) dst(%arg7 : memref<16384xi32, #tpu.memory_space<vmem>>)
    %parallel_loop3A_60 = arith.constant 0 : i32
    %parallel_loop3A_61 = arith.constant 16384 : i32
    %parallel_loop3A_62 = arith.constant 16 : i32
    %parallel_loop3A_63:4 = scf.for %parallel_loop3A_165 = %parallel_loop3A_60 to %parallel_loop3A_61 step %parallel_loop3A_62 iter_args(%parallel_loop3A_166 = %parallel_loop3A_53#0, %parallel_loop3A_167 = %parallel_loop3A_53#1, %parallel_loop3A_168 = %parallel_loop3A_53#2, %parallel_loop3A_169 = %parallel_loop3A_53#3) -> (vector<16xf32>, vector<16xf32>, vector<16xf32>, vector<16xf32>)  : i32 {
      %parallel_loop3A_170 = arith.index_cast %parallel_loop3A_165 : i32 to index
      %parallel_loop3A_171 = tpu.vector_load %arg7[%parallel_loop3A_170] {strides = array<i32>} : memref<16384xi32, #tpu.memory_space<vmem>>, vector<16xi32>,
      %parallel_loop3A_172 = arith.constant 15 : i32
      %parallel_loop3A_173 = vector.broadcast %parallel_loop3A_172 : i32 to vector<16xi32>
      %parallel_loop3A_174 = arith.shrsi %parallel_loop3A_171, %parallel_loop3A_173 : vector<16xi32>
      %parallel_loop3A_175 = vector.bitcast %parallel_loop3A_171 : vector<16xi32> to vector<16xf32>
      %parallel_loop3A_176 = arith.cmpi sgt, %parallel_loop3A_174, %get3A_1 : vector<16xi32>
      %parallel_loop3A_177 = arith.constant 0.000000e+00 : f32
      %parallel_loop3A_178 = vector.broadcast %parallel_loop3A_177 : f32 to vector<16xf32>
      %parallel_loop3A_179 = arith.select %parallel_loop3A_176, %parallel_loop3A_175, %parallel_loop3A_178 : vector<16xi1>, vector<16xf32>
      %parallel_loop3A_180 = arith.addf %parallel_loop3A_166, %parallel_loop3A_179 : vector<16xf32>
      %parallel_loop3A_181 = arith.cmpi eq, %parallel_loop3A_174, %get3A_1 : vector<16xi32>
      %parallel_loop3A_182 = arith.constant 0.000000e+00 : f32
      %parallel_loop3A_183 = vector.broadcast %parallel_loop3A_182 : f32 to vector<16xf32>
      %parallel_loop3A_184 = arith.select %parallel_loop3A_181, %parallel_loop3A_175, %parallel_loop3A_183 : vector<16xi1>, vector<16xf32>
      %parallel_loop3A_185 = arith.addf %parallel_loop3A_168, %parallel_loop3A_184 : vector<16xf32>
      scf.yield %parallel_loop3A_167, %parallel_loop3A_180, %parallel_loop3A_169, %parallel_loop3A_185 : vector<16xf32>, vector<16xf32>, vector<16xf32>, vector<16xf32>
    } {sc.loop_unroll_factor = 8 : i64, sc.parallel_access}
    %add3A_64 = arith.constant 114688 : i32
    %add3A_65 = arith.addi %mul3A_4, %add3A_64 : i32
    %dma_start3A_66 = tpu.memref_slice %arg2[%add3A_65] : memref<8388608xi32, #tpu.memory_space<hbm>> -> memref<16384xi32, #tpu.memory_space<hbm>>
    %dma_start3A_67 = tpu.memref_slice %arg2[%add3A_65] : memref<8388608xi32, #tpu.memory_space<hbm>> -> memref<16384xi32, #tpu.memory_space<hbm>>
    tpu.enqueue_dma source(%dma_start3A_67 : memref<16384xi32, #tpu.memory_space<hbm>>) target(%arg7 : memref<16384xi32, #tpu.memory_space<vmem>>) target_semaphore(%arg12 : memref<!tpu.dma_semaphore, #tpu.memory_space<semaphore_mem>>)
    %dma_wait3A_68 = tpu.memref_slice %arg2[%add3A_55] : memref<8388608xi32, #tpu.memory_space<hbm>> -> memref<16384xi32, #tpu.memory_space<hbm>>
    %dma_wait3A_69 = tpu.memref_slice %arg2[%add3A_55] : memref<8388608xi32, #tpu.memory_space<hbm>> -> memref<16384xi32, #tpu.memory_space<hbm>>
    tpu.wait_dma2 semaphore(%arg11 : memref<!tpu.dma_semaphore, #tpu.memory_space<semaphore_mem>>) src(%dma_wait3A_69 : memref<16384xi32, #tpu.memory_space<hbm>>) dst(%arg6 : memref<16384xi32, #tpu.memory_space<vmem>>)
    %parallel_loop3A_70 = arith.constant 0 : i32
    %parallel_loop3A_71 = arith.constant 16384 : i32
    %parallel_loop3A_72 = arith.constant 16 : i32
    %parallel_loop3A_73:4 = scf.for %parallel_loop3A_165 = %parallel_loop3A_70 to %parallel_loop3A_71 step %parallel_loop3A_72 iter_args(%parallel_loop3A_166 = %parallel_loop3A_63#0, %parallel_loop3A_167 = %parallel_loop3A_63#1, %parallel_loop3A_168 = %parallel_loop3A_63#2, %parallel_loop3A_169 = %parallel_loop3A_63#3) -> (vector<16xf32>, vector<16xf32>, vector<16xf32>, vector<16xf32>)  : i32 {
      %parallel_loop3A_170 = arith.index_cast %parallel_loop3A_165 : i32 to index
      %parallel_loop3A_171 = tpu.vector_load %arg6[%parallel_loop3A_170] {strides = array<i32>} : memref<16384xi32, #tpu.memory_space<vmem>>, vector<16xi32>,
      %parallel_loop3A_172 = arith.constant 15 : i32
      %parallel_loop3A_173 = vector.broadcast %parallel_loop3A_172 : i32 to vector<16xi32>
      %parallel_loop3A_174 = arith.shrsi %parallel_loop3A_171, %parallel_loop3A_173 : vector<16xi32>
      %parallel_loop3A_175 = vector.bitcast %parallel_loop3A_171 : vector<16xi32> to vector<16xf32>
      %parallel_loop3A_176 = arith.cmpi sgt, %parallel_loop3A_174, %get3A_1 : vector<16xi32>
      %parallel_loop3A_177 = arith.constant 0.000000e+00 : f32
      %parallel_loop3A_178 = vector.broadcast %parallel_loop3A_177 : f32 to vector<16xf32>
      %parallel_loop3A_179 = arith.select %parallel_loop3A_176, %parallel_loop3A_175, %parallel_loop3A_178 : vector<16xi1>, vector<16xf32>
      %parallel_loop3A_180 = arith.addf %parallel_loop3A_166, %parallel_loop3A_179 : vector<16xf32>
      %parallel_loop3A_181 = arith.cmpi eq, %parallel_loop3A_174, %get3A_1 : vector<16xi32>
      %parallel_loop3A_182 = arith.constant 0.000000e+00 : f32
      %parallel_loop3A_183 = vector.broadcast %parallel_loop3A_182 : f32 to vector<16xf32>
      %parallel_loop3A_184 = arith.select %parallel_loop3A_181, %parallel_loop3A_175, %parallel_loop3A_183 : vector<16xi1>, vector<16xf32>
      %parallel_loop3A_185 = arith.addf %parallel_loop3A_168, %parallel_loop3A_184 : vector<16xf32>
      scf.yield %parallel_loop3A_167, %parallel_loop3A_180, %parallel_loop3A_169, %parallel_loop3A_185 : vector<16xf32>, vector<16xf32>, vector<16xf32>, vector<16xf32>
    } {sc.loop_unroll_factor = 8 : i64, sc.parallel_access}
    %add3A_74 = arith.constant 131072 : i32
    %add3A_75 = arith.addi %mul3A_4, %add3A_74 : i32
    %dma_start3A_76 = tpu.memref_slice %arg2[%add3A_75] : memref<8388608xi32, #tpu.memory_space<hbm>> -> memref<16384xi32, #tpu.memory_space<hbm>>
    %dma_start3A_77 = tpu.memref_slice %arg2[%add3A_75] : memref<8388608xi32, #tpu.memory_space<hbm>> -> memref<16384xi32, #tpu.memory_space<hbm>>
    tpu.enqueue_dma source(%dma_start3A_77 : memref<16384xi32, #tpu.memory_space<hbm>>) target(%arg6 : memref<16384xi32, #tpu.memory_space<vmem>>) target_semaphore(%arg11 : memref<!tpu.dma_semaphore, #tpu.memory_space<semaphore_mem>>)
    %dma_wait3A_78 = tpu.memref_slice %arg2[%add3A_65] : memref<8388608xi32, #tpu.memory_space<hbm>> -> memref<16384xi32, #tpu.memory_space<hbm>>
    %dma_wait3A_79 = tpu.memref_slice %arg2[%add3A_65] : memref<8388608xi32, #tpu.memory_space<hbm>> -> memref<16384xi32, #tpu.memory_space<hbm>>
    tpu.wait_dma2 semaphore(%arg12 : memref<!tpu.dma_semaphore, #tpu.memory_space<semaphore_mem>>) src(%dma_wait3A_79 : memref<16384xi32, #tpu.memory_space<hbm>>) dst(%arg7 : memref<16384xi32, #tpu.memory_space<vmem>>)
    %parallel_loop3A_80 = arith.constant 0 : i32
    %parallel_loop3A_81 = arith.constant 16384 : i32
    %parallel_loop3A_82 = arith.constant 16 : i32
    %parallel_loop3A_83:4 = scf.for %parallel_loop3A_165 = %parallel_loop3A_80 to %parallel_loop3A_81 step %parallel_loop3A_82 iter_args(%parallel_loop3A_166 = %parallel_loop3A_73#0, %parallel_loop3A_167 = %parallel_loop3A_73#1, %parallel_loop3A_168 = %parallel_loop3A_73#2, %parallel_loop3A_169 = %parallel_loop3A_73#3) -> (vector<16xf32>, vector<16xf32>, vector<16xf32>, vector<16xf32>)  : i32 {
      %parallel_loop3A_170 = arith.index_cast %parallel_loop3A_165 : i32 to index
      %parallel_loop3A_171 = tpu.vector_load %arg7[%parallel_loop3A_170] {strides = array<i32>} : memref<16384xi32, #tpu.memory_space<vmem>>, vector<16xi32>,
      %parallel_loop3A_172 = arith.constant 15 : i32
      %parallel_loop3A_173 = vector.broadcast %parallel_loop3A_172 : i32 to vector<16xi32>
      %parallel_loop3A_174 = arith.shrsi %parallel_loop3A_171, %parallel_loop3A_173 : vector<16xi32>
      %parallel_loop3A_175 = vector.bitcast %parallel_loop3A_171 : vector<16xi32> to vector<16xf32>
      %parallel_loop3A_176 = arith.cmpi sgt, %parallel_loop3A_174, %get3A_1 : vector<16xi32>
      %parallel_loop3A_177 = arith.constant 0.000000e+00 : f32
      %parallel_loop3A_178 = vector.broadcast %parallel_loop3A_177 : f32 to vector<16xf32>
      %parallel_loop3A_179 = arith.select %parallel_loop3A_176, %parallel_loop3A_175, %parallel_loop3A_178 : vector<16xi1>, vector<16xf32>
      %parallel_loop3A_180 = arith.addf %parallel_loop3A_166, %parallel_loop3A_179 : vector<16xf32>
      %parallel_loop3A_181 = arith.cmpi eq, %parallel_loop3A_174, %get3A_1 : vector<16xi32>
      %parallel_loop3A_182 = arith.constant 0.000000e+00 : f32
      %parallel_loop3A_183 = vector.broadcast %parallel_loop3A_182 : f32 to vector<16xf32>
      %parallel_loop3A_184 = arith.select %parallel_loop3A_181, %parallel_loop3A_175, %parallel_loop3A_183 : vector<16xi1>, vector<16xf32>
      %parallel_loop3A_185 = arith.addf %parallel_loop3A_168, %parallel_loop3A_184 : vector<16xf32>
      scf.yield %parallel_loop3A_167, %parallel_loop3A_180, %parallel_loop3A_169, %parallel_loop3A_185 : vector<16xf32>, vector<16xf32>, vector<16xf32>, vector<16xf32>
    } {sc.loop_unroll_factor = 8 : i64, sc.parallel_access}
    %add3A_84 = arith.constant 147456 : i32
    %add3A_85 = arith.addi %mul3A_4, %add3A_84 : i32
    %dma_start3A_86 = tpu.memref_slice %arg2[%add3A_85] : memref<8388608xi32, #tpu.memory_space<hbm>> -> memref<16384xi32, #tpu.memory_space<hbm>>
    %dma_start3A_87 = tpu.memref_slice %arg2[%add3A_85] : memref<8388608xi32, #tpu.memory_space<hbm>> -> memref<16384xi32, #tpu.memory_space<hbm>>
    tpu.enqueue_dma source(%dma_start3A_87 : memref<16384xi32, #tpu.memory_space<hbm>>) target(%arg7 : memref<16384xi32, #tpu.memory_space<vmem>>) target_semaphore(%arg12 : memref<!tpu.dma_semaphore, #tpu.memory_space<semaphore_mem>>)
    %dma_wait3A_88 = tpu.memref_slice %arg2[%add3A_75] : memref<8388608xi32, #tpu.memory_space<hbm>> -> memref<16384xi32, #tpu.memory_space<hbm>>
    %dma_wait3A_89 = tpu.memref_slice %arg2[%add3A_75] : memref<8388608xi32, #tpu.memory_space<hbm>> -> memref<16384xi32, #tpu.memory_space<hbm>>
    tpu.wait_dma2 semaphore(%arg11 : memref<!tpu.dma_semaphore, #tpu.memory_space<semaphore_mem>>) src(%dma_wait3A_89 : memref<16384xi32, #tpu.memory_space<hbm>>) dst(%arg6 : memref<16384xi32, #tpu.memory_space<vmem>>)
    %parallel_loop3A_90 = arith.constant 0 : i32
    %parallel_loop3A_91 = arith.constant 16384 : i32
    %parallel_loop3A_92 = arith.constant 16 : i32
    %parallel_loop3A_93:4 = scf.for %parallel_loop3A_165 = %parallel_loop3A_90 to %parallel_loop3A_91 step %parallel_loop3A_92 iter_args(%parallel_loop3A_166 = %parallel_loop3A_83#0, %parallel_loop3A_167 = %parallel_loop3A_83#1, %parallel_loop3A_168 = %parallel_loop3A_83#2, %parallel_loop3A_169 = %parallel_loop3A_83#3) -> (vector<16xf32>, vector<16xf32>, vector<16xf32>, vector<16xf32>)  : i32 {
      %parallel_loop3A_170 = arith.index_cast %parallel_loop3A_165 : i32 to index
      %parallel_loop3A_171 = tpu.vector_load %arg6[%parallel_loop3A_170] {strides = array<i32>} : memref<16384xi32, #tpu.memory_space<vmem>>, vector<16xi32>,
      %parallel_loop3A_172 = arith.constant 15 : i32
      %parallel_loop3A_173 = vector.broadcast %parallel_loop3A_172 : i32 to vector<16xi32>
      %parallel_loop3A_174 = arith.shrsi %parallel_loop3A_171, %parallel_loop3A_173 : vector<16xi32>
      %parallel_loop3A_175 = vector.bitcast %parallel_loop3A_171 : vector<16xi32> to vector<16xf32>
      %parallel_loop3A_176 = arith.cmpi sgt, %parallel_loop3A_174, %get3A_1 : vector<16xi32>
      %parallel_loop3A_177 = arith.constant 0.000000e+00 : f32
      %parallel_loop3A_178 = vector.broadcast %parallel_loop3A_177 : f32 to vector<16xf32>
      %parallel_loop3A_179 = arith.select %parallel_loop3A_176, %parallel_loop3A_175, %parallel_loop3A_178 : vector<16xi1>, vector<16xf32>
      %parallel_loop3A_180 = arith.addf %parallel_loop3A_166, %parallel_loop3A_179 : vector<16xf32>
      %parallel_loop3A_181 = arith.cmpi eq, %parallel_loop3A_174, %get3A_1 : vector<16xi32>
      %parallel_loop3A_182 = arith.constant 0.000000e+00 : f32
      %parallel_loop3A_183 = vector.broadcast %parallel_loop3A_182 : f32 to vector<16xf32>
      %parallel_loop3A_184 = arith.select %parallel_loop3A_181, %parallel_loop3A_175, %parallel_loop3A_183 : vector<16xi1>, vector<16xf32>
      %parallel_loop3A_185 = arith.addf %parallel_loop3A_168, %parallel_loop3A_184 : vector<16xf32>
      scf.yield %parallel_loop3A_167, %parallel_loop3A_180, %parallel_loop3A_169, %parallel_loop3A_185 : vector<16xf32>, vector<16xf32>, vector<16xf32>, vector<16xf32>
    } {sc.loop_unroll_factor = 8 : i64, sc.parallel_access}
    %add3A_94 = arith.constant 163840 : i32
    %add3A_95 = arith.addi %mul3A_4, %add3A_94 : i32
    %dma_start3A_96 = tpu.memref_slice %arg2[%add3A_95] : memref<8388608xi32, #tpu.memory_space<hbm>> -> memref<16384xi32, #tpu.memory_space<hbm>>
    %dma_start3A_97 = tpu.memref_slice %arg2[%add3A_95] : memref<8388608xi32, #tpu.memory_space<hbm>> -> memref<16384xi32, #tpu.memory_space<hbm>>
    tpu.enqueue_dma source(%dma_start3A_97 : memref<16384xi32, #tpu.memory_space<hbm>>) target(%arg6 : memref<16384xi32, #tpu.memory_space<vmem>>) target_semaphore(%arg11 : memref<!tpu.dma_semaphore, #tpu.memory_space<semaphore_mem>>)
    %dma_wait3A_98 = tpu.memref_slice %arg2[%add3A_85] : memref<8388608xi32, #tpu.memory_space<hbm>> -> memref<16384xi32, #tpu.memory_space<hbm>>
    %dma_wait3A_99 = tpu.memref_slice %arg2[%add3A_85] : memref<8388608xi32, #tpu.memory_space<hbm>> -> memref<16384xi32, #tpu.memory_space<hbm>>
    tpu.wait_dma2 semaphore(%arg12 : memref<!tpu.dma_semaphore, #tpu.memory_space<semaphore_mem>>) src(%dma_wait3A_99 : memref<16384xi32, #tpu.memory_space<hbm>>) dst(%arg7 : memref<16384xi32, #tpu.memory_space<vmem>>)
    %parallel_loop3A_100 = arith.constant 0 : i32
    %parallel_loop3A_101 = arith.constant 16384 : i32
    %parallel_loop3A_102 = arith.constant 16 : i32
    %parallel_loop3A_103:4 = scf.for %parallel_loop3A_165 = %parallel_loop3A_100 to %parallel_loop3A_101 step %parallel_loop3A_102 iter_args(%parallel_loop3A_166 = %parallel_loop3A_93#0, %parallel_loop3A_167 = %parallel_loop3A_93#1, %parallel_loop3A_168 = %parallel_loop3A_93#2, %parallel_loop3A_169 = %parallel_loop3A_93#3) -> (vector<16xf32>, vector<16xf32>, vector<16xf32>, vector<16xf32>)  : i32 {
      %parallel_loop3A_170 = arith.index_cast %parallel_loop3A_165 : i32 to index
      %parallel_loop3A_171 = tpu.vector_load %arg7[%parallel_loop3A_170] {strides = array<i32>} : memref<16384xi32, #tpu.memory_space<vmem>>, vector<16xi32>,
      %parallel_loop3A_172 = arith.constant 15 : i32
      %parallel_loop3A_173 = vector.broadcast %parallel_loop3A_172 : i32 to vector<16xi32>
      %parallel_loop3A_174 = arith.shrsi %parallel_loop3A_171, %parallel_loop3A_173 : vector<16xi32>
      %parallel_loop3A_175 = vector.bitcast %parallel_loop3A_171 : vector<16xi32> to vector<16xf32>
      %parallel_loop3A_176 = arith.cmpi sgt, %parallel_loop3A_174, %get3A_1 : vector<16xi32>
      %parallel_loop3A_177 = arith.constant 0.000000e+00 : f32
      %parallel_loop3A_178 = vector.broadcast %parallel_loop3A_177 : f32 to vector<16xf32>
      %parallel_loop3A_179 = arith.select %parallel_loop3A_176, %parallel_loop3A_175, %parallel_loop3A_178 : vector<16xi1>, vector<16xf32>
      %parallel_loop3A_180 = arith.addf %parallel_loop3A_166, %parallel_loop3A_179 : vector<16xf32>
      %parallel_loop3A_181 = arith.cmpi eq, %parallel_loop3A_174, %get3A_1 : vector<16xi32>
      %parallel_loop3A_182 = arith.constant 0.000000e+00 : f32
      %parallel_loop3A_183 = vector.broadcast %parallel_loop3A_182 : f32 to vector<16xf32>
      %parallel_loop3A_184 = arith.select %parallel_loop3A_181, %parallel_loop3A_175, %parallel_loop3A_183 : vector<16xi1>, vector<16xf32>
      %parallel_loop3A_185 = arith.addf %parallel_loop3A_168, %parallel_loop3A_184 : vector<16xf32>
      scf.yield %parallel_loop3A_167, %parallel_loop3A_180, %parallel_loop3A_169, %parallel_loop3A_185 : vector<16xf32>, vector<16xf32>, vector<16xf32>, vector<16xf32>
    } {sc.loop_unroll_factor = 8 : i64, sc.parallel_access}
    %add3A_104 = arith.constant 180224 : i32
    %add3A_105 = arith.addi %mul3A_4, %add3A_104 : i32
    %dma_start3A_106 = tpu.memref_slice %arg2[%add3A_105] : memref<8388608xi32, #tpu.memory_space<hbm>> -> memref<16384xi32, #tpu.memory_space<hbm>>
    %dma_start3A_107 = tpu.memref_slice %arg2[%add3A_105] : memref<8388608xi32, #tpu.memory_space<hbm>> -> memref<16384xi32, #tpu.memory_space<hbm>>
    tpu.enqueue_dma source(%dma_start3A_107 : memref<16384xi32, #tpu.memory_space<hbm>>) target(%arg7 : memref<16384xi32, #tpu.memory_space<vmem>>) target_semaphore(%arg12 : memref<!tpu.dma_semaphore, #tpu.memory_space<semaphore_mem>>)
    %dma_wait3A_108 = tpu.memref_slice %arg2[%add3A_95] : memref<8388608xi32, #tpu.memory_space<hbm>> -> memref<16384xi32, #tpu.memory_space<hbm>>
    %dma_wait3A_109 = tpu.memref_slice %arg2[%add3A_95] : memref<8388608xi32, #tpu.memory_space<hbm>> -> memref<16384xi32, #tpu.memory_space<hbm>>
    tpu.wait_dma2 semaphore(%arg11 : memref<!tpu.dma_semaphore, #tpu.memory_space<semaphore_mem>>) src(%dma_wait3A_109 : memref<16384xi32, #tpu.memory_space<hbm>>) dst(%arg6 : memref<16384xi32, #tpu.memory_space<vmem>>)
    %parallel_loop3A_110 = arith.constant 0 : i32
    %parallel_loop3A_111 = arith.constant 16384 : i32
    %parallel_loop3A_112 = arith.constant 16 : i32
    %parallel_loop3A_113:4 = scf.for %parallel_loop3A_165 = %parallel_loop3A_110 to %parallel_loop3A_111 step %parallel_loop3A_112 iter_args(%parallel_loop3A_166 = %parallel_loop3A_103#0, %parallel_loop3A_167 = %parallel_loop3A_103#1, %parallel_loop3A_168 = %parallel_loop3A_103#2, %parallel_loop3A_169 = %parallel_loop3A_103#3) -> (vector<16xf32>, vector<16xf32>, vector<16xf32>, vector<16xf32>)  : i32 {
      %parallel_loop3A_170 = arith.index_cast %parallel_loop3A_165 : i32 to index
      %parallel_loop3A_171 = tpu.vector_load %arg6[%parallel_loop3A_170] {strides = array<i32>} : memref<16384xi32, #tpu.memory_space<vmem>>, vector<16xi32>,
      %parallel_loop3A_172 = arith.constant 15 : i32
      %parallel_loop3A_173 = vector.broadcast %parallel_loop3A_172 : i32 to vector<16xi32>
      %parallel_loop3A_174 = arith.shrsi %parallel_loop3A_171, %parallel_loop3A_173 : vector<16xi32>
      %parallel_loop3A_175 = vector.bitcast %parallel_loop3A_171 : vector<16xi32> to vector<16xf32>
      %parallel_loop3A_176 = arith.cmpi sgt, %parallel_loop3A_174, %get3A_1 : vector<16xi32>
      %parallel_loop3A_177 = arith.constant 0.000000e+00 : f32
      %parallel_loop3A_178 = vector.broadcast %parallel_loop3A_177 : f32 to vector<16xf32>
      %parallel_loop3A_179 = arith.select %parallel_loop3A_176, %parallel_loop3A_175, %parallel_loop3A_178 : vector<16xi1>, vector<16xf32>
      %parallel_loop3A_180 = arith.addf %parallel_loop3A_166, %parallel_loop3A_179 : vector<16xf32>
      %parallel_loop3A_181 = arith.cmpi eq, %parallel_loop3A_174, %get3A_1 : vector<16xi32>
      %parallel_loop3A_182 = arith.constant 0.000000e+00 : f32
      %parallel_loop3A_183 = vector.broadcast %parallel_loop3A_182 : f32 to vector<16xf32>
      %parallel_loop3A_184 = arith.select %parallel_loop3A_181, %parallel_loop3A_175, %parallel_loop3A_183 : vector<16xi1>, vector<16xf32>
      %parallel_loop3A_185 = arith.addf %parallel_loop3A_168, %parallel_loop3A_184 : vector<16xf32>
      scf.yield %parallel_loop3A_167, %parallel_loop3A_180, %parallel_loop3A_169, %parallel_loop3A_185 : vector<16xf32>, vector<16xf32>, vector<16xf32>, vector<16xf32>
    } {sc.loop_unroll_factor = 8 : i64, sc.parallel_access}
    %add3A_114 = arith.constant 196608 : i32
    %add3A_115 = arith.addi %mul3A_4, %add3A_114 : i32
    %dma_start3A_116 = tpu.memref_slice %arg2[%add3A_115] : memref<8388608xi32, #tpu.memory_space<hbm>> -> memref<16384xi32, #tpu.memory_space<hbm>>
    %dma_start3A_117 = tpu.memref_slice %arg2[%add3A_115] : memref<8388608xi32, #tpu.memory_space<hbm>> -> memref<16384xi32, #tpu.memory_space<hbm>>
    tpu.enqueue_dma source(%dma_start3A_117 : memref<16384xi32, #tpu.memory_space<hbm>>) target(%arg6 : memref<16384xi32, #tpu.memory_space<vmem>>) target_semaphore(%arg11 : memref<!tpu.dma_semaphore, #tpu.memory_space<semaphore_mem>>)
    %dma_wait3A_118 = tpu.memref_slice %arg2[%add3A_105] : memref<8388608xi32, #tpu.memory_space<hbm>> -> memref<16384xi32, #tpu.memory_space<hbm>>
    %dma_wait3A_119 = tpu.memref_slice %arg2[%add3A_105] : memref<8388608xi32, #tpu.memory_space<hbm>> -> memref<16384xi32, #tpu.memory_space<hbm>>
    tpu.wait_dma2 semaphore(%arg12 : memref<!tpu.dma_semaphore, #tpu.memory_space<semaphore_mem>>) src(%dma_wait3A_119 : memref<16384xi32, #tpu.memory_space<hbm>>) dst(%arg7 : memref<16384xi32, #tpu.memory_space<vmem>>)
    %parallel_loop3A_120 = arith.constant 0 : i32
    %parallel_loop3A_121 = arith.constant 16384 : i32
    %parallel_loop3A_122 = arith.constant 16 : i32
    %parallel_loop3A_123:4 = scf.for %parallel_loop3A_165 = %parallel_loop3A_120 to %parallel_loop3A_121 step %parallel_loop3A_122 iter_args(%parallel_loop3A_166 = %parallel_loop3A_113#0, %parallel_loop3A_167 = %parallel_loop3A_113#1, %parallel_loop3A_168 = %parallel_loop3A_113#2, %parallel_loop3A_169 = %parallel_loop3A_113#3) -> (vector<16xf32>, vector<16xf32>, vector<16xf32>, vector<16xf32>)  : i32 {
      %parallel_loop3A_170 = arith.index_cast %parallel_loop3A_165 : i32 to index
      %parallel_loop3A_171 = tpu.vector_load %arg7[%parallel_loop3A_170] {strides = array<i32>} : memref<16384xi32, #tpu.memory_space<vmem>>, vector<16xi32>,
      %parallel_loop3A_172 = arith.constant 15 : i32
      %parallel_loop3A_173 = vector.broadcast %parallel_loop3A_172 : i32 to vector<16xi32>
      %parallel_loop3A_174 = arith.shrsi %parallel_loop3A_171, %parallel_loop3A_173 : vector<16xi32>
      %parallel_loop3A_175 = vector.bitcast %parallel_loop3A_171 : vector<16xi32> to vector<16xf32>
      %parallel_loop3A_176 = arith.cmpi sgt, %parallel_loop3A_174, %get3A_1 : vector<16xi32>
      %parallel_loop3A_177 = arith.constant 0.000000e+00 : f32
      %parallel_loop3A_178 = vector.broadcast %parallel_loop3A_177 : f32 to vector<16xf32>
      %parallel_loop3A_179 = arith.select %parallel_loop3A_176, %parallel_loop3A_175, %parallel_loop3A_178 : vector<16xi1>, vector<16xf32>
      %parallel_loop3A_180 = arith.addf %parallel_loop3A_166, %parallel_loop3A_179 : vector<16xf32>
      %parallel_loop3A_181 = arith.cmpi eq, %parallel_loop3A_174, %get3A_1 : vector<16xi32>
      %parallel_loop3A_182 = arith.constant 0.000000e+00 : f32
      %parallel_loop3A_183 = vector.broadcast %parallel_loop3A_182 : f32 to vector<16xf32>
      %parallel_loop3A_184 = arith.select %parallel_loop3A_181, %parallel_loop3A_175, %parallel_loop3A_183 : vector<16xi1>, vector<16xf32>
      %parallel_loop3A_185 = arith.addf %parallel_loop3A_168, %parallel_loop3A_184 : vector<16xf32>
      scf.yield %parallel_loop3A_167, %parallel_loop3A_180, %parallel_loop3A_169, %parallel_loop3A_185 : vector<16xf32>, vector<16xf32>, vector<16xf32>, vector<16xf32>
    } {sc.loop_unroll_factor = 8 : i64, sc.parallel_access}
    %add3A_124 = arith.constant 212992 : i32
    %add3A_125 = arith.addi %mul3A_4, %add3A_124 : i32
    %dma_start3A_126 = tpu.memref_slice %arg2[%add3A_125] : memref<8388608xi32, #tpu.memory_space<hbm>> -> memref<16384xi32, #tpu.memory_space<hbm>>
    %dma_start3A_127 = tpu.memref_slice %arg2[%add3A_125] : memref<8388608xi32, #tpu.memory_space<hbm>> -> memref<16384xi32, #tpu.memory_space<hbm>>
    tpu.enqueue_dma source(%dma_start3A_127 : memref<16384xi32, #tpu.memory_space<hbm>>) target(%arg7 : memref<16384xi32, #tpu.memory_space<vmem>>) target_semaphore(%arg12 : memref<!tpu.dma_semaphore, #tpu.memory_space<semaphore_mem>>)
    %dma_wait3A_128 = tpu.memref_slice %arg2[%add3A_115] : memref<8388608xi32, #tpu.memory_space<hbm>> -> memref<16384xi32, #tpu.memory_space<hbm>>
    %dma_wait3A_129 = tpu.memref_slice %arg2[%add3A_115] : memref<8388608xi32, #tpu.memory_space<hbm>> -> memref<16384xi32, #tpu.memory_space<hbm>>
    tpu.wait_dma2 semaphore(%arg11 : memref<!tpu.dma_semaphore, #tpu.memory_space<semaphore_mem>>) src(%dma_wait3A_129 : memref<16384xi32, #tpu.memory_space<hbm>>) dst(%arg6 : memref<16384xi32, #tpu.memory_space<vmem>>)
    %parallel_loop3A_130 = arith.constant 0 : i32
    %parallel_loop3A_131 = arith.constant 16384 : i32
    %parallel_loop3A_132 = arith.constant 16 : i32
    %parallel_loop3A_133:4 = scf.for %parallel_loop3A_165 = %parallel_loop3A_130 to %parallel_loop3A_131 step %parallel_loop3A_132 iter_args(%parallel_loop3A_166 = %parallel_loop3A_123#0, %parallel_loop3A_167 = %parallel_loop3A_123#1, %parallel_loop3A_168 = %parallel_loop3A_123#2, %parallel_loop3A_169 = %parallel_loop3A_123#3) -> (vector<16xf32>, vector<16xf32>, vector<16xf32>, vector<16xf32>)  : i32 {
      %parallel_loop3A_170 = arith.index_cast %parallel_loop3A_165 : i32 to index
      %parallel_loop3A_171 = tpu.vector_load %arg6[%parallel_loop3A_170] {strides = array<i32>} : memref<16384xi32, #tpu.memory_space<vmem>>, vector<16xi32>,
      %parallel_loop3A_172 = arith.constant 15 : i32
      %parallel_loop3A_173 = vector.broadcast %parallel_loop3A_172 : i32 to vector<16xi32>
      %parallel_loop3A_174 = arith.shrsi %parallel_loop3A_171, %parallel_loop3A_173 : vector<16xi32>
      %parallel_loop3A_175 = vector.bitcast %parallel_loop3A_171 : vector<16xi32> to vector<16xf32>
      %parallel_loop3A_176 = arith.cmpi sgt, %parallel_loop3A_174, %get3A_1 : vector<16xi32>
      %parallel_loop3A_177 = arith.constant 0.000000e+00 : f32
      %parallel_loop3A_178 = vector.broadcast %parallel_loop3A_177 : f32 to vector<16xf32>
      %parallel_loop3A_179 = arith.select %parallel_loop3A_176, %parallel_loop3A_175, %parallel_loop3A_178 : vector<16xi1>, vector<16xf32>
      %parallel_loop3A_180 = arith.addf %parallel_loop3A_166, %parallel_loop3A_179 : vector<16xf32>
      %parallel_loop3A_181 = arith.cmpi eq, %parallel_loop3A_174, %get3A_1 : vector<16xi32>
      %parallel_loop3A_182 = arith.constant 0.000000e+00 : f32
      %parallel_loop3A_183 = vector.broadcast %parallel_loop3A_182 : f32 to vector<16xf32>
      %parallel_loop3A_184 = arith.select %parallel_loop3A_181, %parallel_loop3A_175, %parallel_loop3A_183 : vector<16xi1>, vector<16xf32>
      %parallel_loop3A_185 = arith.addf %parallel_loop3A_168, %parallel_loop3A_184 : vector<16xf32>
      scf.yield %parallel_loop3A_167, %parallel_loop3A_180, %parallel_loop3A_169, %parallel_loop3A_185 : vector<16xf32>, vector<16xf32>, vector<16xf32>, vector<16xf32>
    } {sc.loop_unroll_factor = 8 : i64, sc.parallel_access}
    %add3A_134 = arith.constant 229376 : i32
    %add3A_135 = arith.addi %mul3A_4, %add3A_134 : i32
    %dma_start3A_136 = tpu.memref_slice %arg2[%add3A_135] : memref<8388608xi32, #tpu.memory_space<hbm>> -> memref<16384xi32, #tpu.memory_space<hbm>>
    %dma_start3A_137 = tpu.memref_slice %arg2[%add3A_135] : memref<8388608xi32, #tpu.memory_space<hbm>> -> memref<16384xi32, #tpu.memory_space<hbm>>
    tpu.enqueue_dma source(%dma_start3A_137 : memref<16384xi32, #tpu.memory_space<hbm>>) target(%arg6 : memref<16384xi32, #tpu.memory_space<vmem>>) target_semaphore(%arg11 : memref<!tpu.dma_semaphore, #tpu.memory_space<semaphore_mem>>)
    %dma_wait3A_138 = tpu.memref_slice %arg2[%add3A_125] : memref<8388608xi32, #tpu.memory_space<hbm>> -> memref<16384xi32, #tpu.memory_space<hbm>>
    %dma_wait3A_139 = tpu.memref_slice %arg2[%add3A_125] : memref<8388608xi32, #tpu.memory_space<hbm>> -> memref<16384xi32, #tpu.memory_space<hbm>>
    tpu.wait_dma2 semaphore(%arg12 : memref<!tpu.dma_semaphore, #tpu.memory_space<semaphore_mem>>) src(%dma_wait3A_139 : memref<16384xi32, #tpu.memory_space<hbm>>) dst(%arg7 : memref<16384xi32, #tpu.memory_space<vmem>>)
    %parallel_loop3A_140 = arith.constant 0 : i32
    %parallel_loop3A_141 = arith.constant 16384 : i32
    %parallel_loop3A_142 = arith.constant 16 : i32
    %parallel_loop3A_143:4 = scf.for %parallel_loop3A_165 = %parallel_loop3A_140 to %parallel_loop3A_141 step %parallel_loop3A_142 iter_args(%parallel_loop3A_166 = %parallel_loop3A_133#0, %parallel_loop3A_167 = %parallel_loop3A_133#1, %parallel_loop3A_168 = %parallel_loop3A_133#2, %parallel_loop3A_169 = %parallel_loop3A_133#3) -> (vector<16xf32>, vector<16xf32>, vector<16xf32>, vector<16xf32>)  : i32 {
      %parallel_loop3A_170 = arith.index_cast %parallel_loop3A_165 : i32 to index
      %parallel_loop3A_171 = tpu.vector_load %arg7[%parallel_loop3A_170] {strides = array<i32>} : memref<16384xi32, #tpu.memory_space<vmem>>, vector<16xi32>,
      %parallel_loop3A_172 = arith.constant 15 : i32
      %parallel_loop3A_173 = vector.broadcast %parallel_loop3A_172 : i32 to vector<16xi32>
      %parallel_loop3A_174 = arith.shrsi %parallel_loop3A_171, %parallel_loop3A_173 : vector<16xi32>
      %parallel_loop3A_175 = vector.bitcast %parallel_loop3A_171 : vector<16xi32> to vector<16xf32>
      %parallel_loop3A_176 = arith.cmpi sgt, %parallel_loop3A_174, %get3A_1 : vector<16xi32>
      %parallel_loop3A_177 = arith.constant 0.000000e+00 : f32
      %parallel_loop3A_178 = vector.broadcast %parallel_loop3A_177 : f32 to vector<16xf32>
      %parallel_loop3A_179 = arith.select %parallel_loop3A_176, %parallel_loop3A_175, %parallel_loop3A_178 : vector<16xi1>, vector<16xf32>
      %parallel_loop3A_180 = arith.addf %parallel_loop3A_166, %parallel_loop3A_179 : vector<16xf32>
      %parallel_loop3A_181 = arith.cmpi eq, %parallel_loop3A_174, %get3A_1 : vector<16xi32>
      %parallel_loop3A_182 = arith.constant 0.000000e+00 : f32
      %parallel_loop3A_183 = vector.broadcast %parallel_loop3A_182 : f32 to vector<16xf32>
      %parallel_loop3A_184 = arith.select %parallel_loop3A_181, %parallel_loop3A_175, %parallel_loop3A_183 : vector<16xi1>, vector<16xf32>
      %parallel_loop3A_185 = arith.addf %parallel_loop3A_168, %parallel_loop3A_184 : vector<16xf32>
      scf.yield %parallel_loop3A_167, %parallel_loop3A_180, %parallel_loop3A_169, %parallel_loop3A_185 : vector<16xf32>, vector<16xf32>, vector<16xf32>, vector<16xf32>
    } {sc.loop_unroll_factor = 8 : i64, sc.parallel_access}
    %add3A_144 = arith.constant 245760 : i32
    %add3A_145 = arith.addi %mul3A_4, %add3A_144 : i32
    %dma_start3A_146 = tpu.memref_slice %arg2[%add3A_145] : memref<8388608xi32, #tpu.memory_space<hbm>> -> memref<16384xi32, #tpu.memory_space<hbm>>
    %dma_start3A_147 = tpu.memref_slice %arg2[%add3A_145] : memref<8388608xi32, #tpu.memory_space<hbm>> -> memref<16384xi32, #tpu.memory_space<hbm>>
    tpu.enqueue_dma source(%dma_start3A_147 : memref<16384xi32, #tpu.memory_space<hbm>>) target(%arg7 : memref<16384xi32, #tpu.memory_space<vmem>>) target_semaphore(%arg12 : memref<!tpu.dma_semaphore, #tpu.memory_space<semaphore_mem>>)
    %dma_wait3A_148 = tpu.memref_slice %arg2[%add3A_135] : memref<8388608xi32, #tpu.memory_space<hbm>> -> memref<16384xi32, #tpu.memory_space<hbm>>
    %dma_wait3A_149 = tpu.memref_slice %arg2[%add3A_135] : memref<8388608xi32, #tpu.memory_space<hbm>> -> memref<16384xi32, #tpu.memory_space<hbm>>
    tpu.wait_dma2 semaphore(%arg11 : memref<!tpu.dma_semaphore, #tpu.memory_space<semaphore_mem>>) src(%dma_wait3A_149 : memref<16384xi32, #tpu.memory_space<hbm>>) dst(%arg6 : memref<16384xi32, #tpu.memory_space<vmem>>)
    %parallel_loop3A_150 = arith.constant 0 : i32
    %parallel_loop3A_151 = arith.constant 16384 : i32
    %parallel_loop3A_152 = arith.constant 16 : i32
    %parallel_loop3A_153:4 = scf.for %parallel_loop3A_165 = %parallel_loop3A_150 to %parallel_loop3A_151 step %parallel_loop3A_152 iter_args(%parallel_loop3A_166 = %parallel_loop3A_143#0, %parallel_loop3A_167 = %parallel_loop3A_143#1, %parallel_loop3A_168 = %parallel_loop3A_143#2, %parallel_loop3A_169 = %parallel_loop3A_143#3) -> (vector<16xf32>, vector<16xf32>, vector<16xf32>, vector<16xf32>)  : i32 {
      %parallel_loop3A_170 = arith.index_cast %parallel_loop3A_165 : i32 to index
      %parallel_loop3A_171 = tpu.vector_load %arg6[%parallel_loop3A_170] {strides = array<i32>} : memref<16384xi32, #tpu.memory_space<vmem>>, vector<16xi32>,
      %parallel_loop3A_172 = arith.constant 15 : i32
      %parallel_loop3A_173 = vector.broadcast %parallel_loop3A_172 : i32 to vector<16xi32>
      %parallel_loop3A_174 = arith.shrsi %parallel_loop3A_171, %parallel_loop3A_173 : vector<16xi32>
      %parallel_loop3A_175 = vector.bitcast %parallel_loop3A_171 : vector<16xi32> to vector<16xf32>
      %parallel_loop3A_176 = arith.cmpi sgt, %parallel_loop3A_174, %get3A_1 : vector<16xi32>
      %parallel_loop3A_177 = arith.constant 0.000000e+00 : f32
      %parallel_loop3A_178 = vector.broadcast %parallel_loop3A_177 : f32 to vector<16xf32>
      %parallel_loop3A_179 = arith.select %parallel_loop3A_176, %parallel_loop3A_175, %parallel_loop3A_178 : vector<16xi1>, vector<16xf32>
      %parallel_loop3A_180 = arith.addf %parallel_loop3A_166, %parallel_loop3A_179 : vector<16xf32>
      %parallel_loop3A_181 = arith.cmpi eq, %parallel_loop3A_174, %get3A_1 : vector<16xi32>
      %parallel_loop3A_182 = arith.constant 0.000000e+00 : f32
      %parallel_loop3A_183 = vector.broadcast %parallel_loop3A_182 : f32 to vector<16xf32>
      %parallel_loop3A_184 = arith.select %parallel_loop3A_181, %parallel_loop3A_175, %parallel_loop3A_183 : vector<16xi1>, vector<16xf32>
      %parallel_loop3A_185 = arith.addf %parallel_loop3A_168, %parallel_loop3A_184 : vector<16xf32>
      scf.yield %parallel_loop3A_167, %parallel_loop3A_180, %parallel_loop3A_169, %parallel_loop3A_185 : vector<16xf32>, vector<16xf32>, vector<16xf32>, vector<16xf32>
    } {sc.loop_unroll_factor = 8 : i64, sc.parallel_access}
    %dma_wait3A_154 = tpu.memref_slice %arg2[%add3A_145] : memref<8388608xi32, #tpu.memory_space<hbm>> -> memref<16384xi32, #tpu.memory_space<hbm>>
    %dma_wait3A_155 = tpu.memref_slice %arg2[%add3A_145] : memref<8388608xi32, #tpu.memory_space<hbm>> -> memref<16384xi32, #tpu.memory_space<hbm>>
    tpu.wait_dma2 semaphore(%arg12 : memref<!tpu.dma_semaphore, #tpu.memory_space<semaphore_mem>>) src(%dma_wait3A_155 : memref<16384xi32, #tpu.memory_space<hbm>>) dst(%arg7 : memref<16384xi32, #tpu.memory_space<vmem>>)
    %parallel_loop3A_156 = arith.constant 0 : i32
    %parallel_loop3A_157 = arith.constant 16384 : i32
    %parallel_loop3A_158 = arith.constant 16 : i32
    %parallel_loop3A_159:4 = scf.for %parallel_loop3A_165 = %parallel_loop3A_156 to %parallel_loop3A_157 step %parallel_loop3A_158 iter_args(%parallel_loop3A_166 = %parallel_loop3A_153#0, %parallel_loop3A_167 = %parallel_loop3A_153#1, %parallel_loop3A_168 = %parallel_loop3A_153#2, %parallel_loop3A_169 = %parallel_loop3A_153#3) -> (vector<16xf32>, vector<16xf32>, vector<16xf32>, vector<16xf32>)  : i32 {
      %parallel_loop3A_170 = arith.index_cast %parallel_loop3A_165 : i32 to index
      %parallel_loop3A_171 = tpu.vector_load %arg7[%parallel_loop3A_170] {strides = array<i32>} : memref<16384xi32, #tpu.memory_space<vmem>>, vector<16xi32>,
      %parallel_loop3A_172 = arith.constant 15 : i32
      %parallel_loop3A_173 = vector.broadcast %parallel_loop3A_172 : i32 to vector<16xi32>
      %parallel_loop3A_174 = arith.shrsi %parallel_loop3A_171, %parallel_loop3A_173 : vector<16xi32>
      %parallel_loop3A_175 = vector.bitcast %parallel_loop3A_171 : vector<16xi32> to vector<16xf32>
      %parallel_loop3A_176 = arith.cmpi sgt, %parallel_loop3A_174, %get3A_1 : vector<16xi32>
      %parallel_loop3A_177 = arith.constant 0.000000e+00 : f32
      %parallel_loop3A_178 = vector.broadcast %parallel_loop3A_177 : f32 to vector<16xf32>
      %parallel_loop3A_179 = arith.select %parallel_loop3A_176, %parallel_loop3A_175, %parallel_loop3A_178 : vector<16xi1>, vector<16xf32>
      %parallel_loop3A_180 = arith.addf %parallel_loop3A_166, %parallel_loop3A_179 : vector<16xf32>
      %parallel_loop3A_181 = arith.cmpi eq, %parallel_loop3A_174, %get3A_1 : vector<16xi32>
      %parallel_loop3A_182 = arith.constant 0.000000e+00 : f32
      %parallel_loop3A_183 = vector.broadcast %parallel_loop3A_182 : f32 to vector<16xf32>
      %parallel_loop3A_184 = arith.select %parallel_loop3A_181, %parallel_loop3A_175, %parallel_loop3A_183 : vector<16xi1>, vector<16xf32>
      %parallel_loop3A_185 = arith.addf %parallel_loop3A_168, %parallel_loop3A_184 : vector<16xf32>
      scf.yield %parallel_loop3A_167, %parallel_loop3A_180, %parallel_loop3A_169, %parallel_loop3A_185 : vector<16xf32>, vector<16xf32>, vector<16xf32>, vector<16xf32>
    } {sc.loop_unroll_factor = 8 : i64, sc.parallel_access}
    %add3A_160 = arith.addf %parallel_loop3A_159#0, %parallel_loop3A_159#1 : vector<16xf32>
    %swap3A = arith.constant 0 : index
    %swap3A_161 = tpu.vector_load %arg9[%swap3A] {strides = array<i32>} : memref<16xf32, #tpu.memory_space<vmem>>, vector<16xf32>,
    tpu.vector_store %arg9[%swap3A], %add3A_160 {strides = array<i32>} : memref<16xf32, #tpu.memory_space<vmem>>, vector<16xf32>,
    %add3A_162 = arith.addf %parallel_loop3A_159#2, %parallel_loop3A_159#3 : vector<16xf32>
    %swap3A_163 = arith.constant 0 : index
    %swap3A_164 = tpu.vector_load %arg10[%swap3A_163] {strides = array<i32>} : memref<16xf32, #tpu.memory_space<vmem>>, vector<16xf32>,
    tpu.vector_store %arg10[%swap3A_163], %add3A_162 {strides = array<i32>} : memref<16xf32, #tpu.memory_space<vmem>>, vector<16xf32>,
    "tpu.region"() ({
      %run_scoped3A = tpu.sem_alloc : memref<!tpu.dma_semaphore, #tpu.memory_space<semaphore_mem>>
      %dma_start3A_165 = arith.constant 0 : i32
      %dma_start3A_166 = tpu.memref_slice %arg4[%add3A, %dma_start3A_165] : memref<32x16xf32, #tpu.memory_space<hbm>> -> memref<1x16xf32, #tpu.memory_space<hbm>>
      %dma_start3A_167 = tpu.memref_squeeze %dma_start3A_166 : memref<1x16xf32, #tpu.memory_space<hbm>> -> memref<16xf32, #tpu.memory_space<hbm>>
      %dma_start3A_168 = arith.constant 0 : i32
      %dma_start3A_169 = tpu.memref_slice %arg4[%add3A, %dma_start3A_168] : memref<32x16xf32, #tpu.memory_space<hbm>> -> memref<1x16xf32, #tpu.memory_space<hbm>>
      %dma_start3A_170 = tpu.memref_squeeze %dma_start3A_169 : memref<1x16xf32, #tpu.memory_space<hbm>> -> memref<16xf32, #tpu.memory_space<hbm>>
      tpu.enqueue_dma source(%arg9 : memref<16xf32, #tpu.memory_space<vmem>>) target(%dma_start3A_170 : memref<16xf32, #tpu.memory_space<hbm>>) target_semaphore(%run_scoped3A : memref<!tpu.dma_semaphore, #tpu.memory_space<semaphore_mem>>)
      %dma_wait3A_171 = arith.constant 0 : i32
      %dma_wait3A_172 = tpu.memref_slice %arg4[%add3A, %dma_wait3A_171] : memref<32x16xf32, #tpu.memory_space<hbm>> -> memref<1x16xf32, #tpu.memory_space<hbm>>
      %dma_wait3A_173 = tpu.memref_squeeze %dma_wait3A_172 : memref<1x16xf32, #tpu.memory_space<hbm>> -> memref<16xf32, #tpu.memory_space<hbm>>
      %dma_wait3A_174 = arith.constant 0 : i32
      %dma_wait3A_175 = tpu.memref_slice %arg4[%add3A, %dma_wait3A_174] : memref<32x16xf32, #tpu.memory_space<hbm>> -> memref<1x16xf32, #tpu.memory_space<hbm>>
      %dma_wait3A_176 = tpu.memref_squeeze %dma_wait3A_175 : memref<1x16xf32, #tpu.memory_space<hbm>> -> memref<16xf32, #tpu.memory_space<hbm>>
      tpu.wait_dma2 semaphore(%run_scoped3A : memref<!tpu.dma_semaphore, #tpu.memory_space<semaphore_mem>>) src(%arg9 : memref<16xf32, #tpu.memory_space<vmem>>) dst(%dma_wait3A_176 : memref<16xf32, #tpu.memory_space<hbm>>)
      tpu.yield
    }) : () -> ()
    "tpu.region"() ({
      %run_scoped3A = tpu.sem_alloc : memref<!tpu.dma_semaphore, #tpu.memory_space<semaphore_mem>>
      %dma_start3A_165 = arith.constant 0 : i32
      %dma_start3A_166 = tpu.memref_slice %arg5[%add3A, %dma_start3A_165] : memref<32x16xf32, #tpu.memory_space<hbm>> -> memref<1x16xf32, #tpu.memory_space<hbm>>
      %dma_start3A_167 = tpu.memref_squeeze %dma_start3A_166 : memref<1x16xf32, #tpu.memory_space<hbm>> -> memref<16xf32, #tpu.memory_space<hbm>>
      %dma_start3A_168 = arith.constant 0 : i32
      %dma_start3A_169 = tpu.memref_slice %arg5[%add3A, %dma_start3A_168] : memref<32x16xf32, #tpu.memory_space<hbm>> -> memref<1x16xf32, #tpu.memory_space<hbm>>
      %dma_start3A_170 = tpu.memref_squeeze %dma_start3A_169 : memref<1x16xf32, #tpu.memory_space<hbm>> -> memref<16xf32, #tpu.memory_space<hbm>>
      tpu.enqueue_dma source(%arg10 : memref<16xf32, #tpu.memory_space<vmem>>) target(%dma_start3A_170 : memref<16xf32, #tpu.memory_space<hbm>>) target_semaphore(%run_scoped3A : memref<!tpu.dma_semaphore, #tpu.memory_space<semaphore_mem>>)
      %dma_wait3A_171 = arith.constant 0 : i32
      %dma_wait3A_172 = tpu.memref_slice %arg5[%add3A, %dma_wait3A_171] : memref<32x16xf32, #tpu.memory_space<hbm>> -> memref<1x16xf32, #tpu.memory_space<hbm>>
      %dma_wait3A_173 = tpu.memref_squeeze %dma_wait3A_172 : memref<1x16xf32, #tpu.memory_space<hbm>> -> memref<16xf32, #tpu.memory_space<hbm>>
      %dma_wait3A_174 = arith.constant 0 : i32
      %dma_wait3A_175 = tpu.memref_slice %arg5[%add3A, %dma_wait3A_174] : memref<32x16xf32, #tpu.memory_space<hbm>> -> memref<1x16xf32, #tpu.memory_space<hbm>>
      %dma_wait3A_176 = tpu.memref_squeeze %dma_wait3A_175 : memref<1x16xf32, #tpu.memory_space<hbm>> -> memref<16xf32, #tpu.memory_space<hbm>>
      tpu.wait_dma2 semaphore(%run_scoped3A : memref<!tpu.dma_semaphore, #tpu.memory_space<semaphore_mem>>) src(%arg10 : memref<16xf32, #tpu.memory_space<vmem>>) dst(%dma_wait3A_176 : memref<16xf32, #tpu.memory_space<hbm>>)
      tpu.yield
    }) : () -> ()
    return
  }
}

module attributes {stable_mosaic.version = 14 : i64} {
  func.func @_loss_body(%arg0: i32, %arg1: i32, %arg2: memref<1x1x512x512xf32, #tpu.memory_space<vmem>>, %arg3: memref<1x1x512x512xi32, #tpu.memory_space<vmem>>, %arg4: memref<512x512xi32, #tpu.memory_space<vmem>>, %arg5: memref<262144xi32, #tpu.memory_space<vmem>>) attributes {dimension_semantics = [#tpu.dimension_semantics<arbitrary>, #tpu.dimension_semantics<arbitrary>], iteration_bounds = array<i64: 8, 4>, scalar_prefetch = 0 : i64, scratch_operands = 0 : i64, tpu.core_type = #tpu.core_type<tc>, window_params = [{transform_indices = @transform_0, window_bounds = array<i64: 1, 1, 512, 512>}, {transform_indices = @transform_1, window_bounds = array<i64: 1, 1, 512, 512>}, {pipeline_mode = #tpu.pipeline_mode<synchronous>, transform_indices = @transform_2, window_bounds = array<i64: 512, 512>}, {transform_indices = @transform_3, window_bounds = array<i64: 262144>}]} {
    %get3A = arith.constant 0 : index
    %get3A_0 = arith.constant 0 : index
    %get3A_1 = arith.constant 0 : index
    %get3A_2 = arith.constant 0 : index
    %get3A_3 = vector.load %arg2[%get3A, %get3A_0, %get3A_1, %get3A_2] : memref<1x1x512x512xf32, #tpu.memory_space<vmem>>, vector<1x1x512x512xf32>
    %get3A_4 = vector.shape_cast %get3A_3 : vector<1x1x512x512xf32> to vector<512x512xf32>
    %get3A_5 = arith.constant 0 : index
    %get3A_6 = arith.constant 0 : index
    %get3A_7 = arith.constant 0 : index
    %get3A_8 = arith.constant 0 : index
    %get3A_9 = vector.load %arg3[%get3A_5, %get3A_6, %get3A_7, %get3A_8] : memref<1x1x512x512xi32, #tpu.memory_space<vmem>>, vector<1x1x512x512xi32>
    %get3A_10 = vector.shape_cast %get3A_9 : vector<1x1x512x512xi32> to vector<512x512xi32>
    %ne3A = arith.constant 0 : i32
    %ne3A_11 = vector.broadcast %ne3A : i32 to vector<512x512xi32>
    %ne3A_12 = arith.cmpi ne, %get3A_10, %ne3A_11 : vector<512x512xi32>
    %neg3A = arith.constant 0.000000e+00 : f32
    %neg3A_13 = vector.broadcast %neg3A : f32 to vector<512x512xf32>
    %neg3A_14 = arith.subf %neg3A_13, %get3A_4 : vector<512x512xf32>
    %select_n3A = arith.select %ne3A_12, %get3A_4, %neg3A_14 : vector<512x512xi1>, vector<512x512xf32>
    %abs3A = math.absf %get3A_4 : vector<512x512xf32>
    %neg3A_15 = arith.constant 0.000000e+00 : f32
    %neg3A_16 = vector.broadcast %neg3A_15 : f32 to vector<512x512xf32>
    %neg3A_17 = arith.subf %neg3A_16, %abs3A : vector<512x512xf32>
    %exp3A = math.exp %neg3A_17 : vector<512x512xf32>
    %log1p3A = math.log1p %exp3A : vector<512x512xf32>
    %max3A = arith.constant 0.000000e+00 : f32
    %max3A_18 = vector.broadcast %max3A : f32 to vector<512x512xf32>
    %max3A_19 = arith.maximumf %select_n3A, %max3A_18 : vector<512x512xf32>
    %add3A = arith.addf %max3A_19, %log1p3A : vector<512x512xf32>
    %neg3A_20 = arith.constant 0.000000e+00 : f32
    %neg3A_21 = vector.broadcast %neg3A_20 : f32 to vector<512x512xf32>
    %neg3A_22 = arith.subf %neg3A_21, %select_n3A : vector<512x512xf32>
    %max3A_23 = arith.constant 0.000000e+00 : f32
    %max3A_24 = vector.broadcast %max3A_23 : f32 to vector<512x512xf32>
    %max3A_25 = arith.maximumf %neg3A_22, %max3A_24 : vector<512x512xf32>
    %add3A_26 = arith.addf %max3A_25, %log1p3A : vector<512x512xf32>
    %mul3A = arith.constant -2.000000e+00 : f32
    %mul3A_27 = vector.broadcast %mul3A : f32 to vector<512x512xf32>
    %mul3A_28 = arith.mulf %mul3A_27, %add3A : vector<512x512xf32>
    %exp3A_29 = math.exp %mul3A_28 : vector<512x512xf32>
    %jit3A = arith.constant 2.500000e-01 : f32
    %jit3A_30 = arith.constant 7.500000e-01 : f32
    %broadcast_in_dim3A = vector.broadcast %jit3A : f32 to vector<512x512xf32>
    %broadcast_in_dim3A_31 = vector.broadcast %jit3A_30 : f32 to vector<512x512xf32>
    %select_n3A_32 = arith.select %ne3A_12, %broadcast_in_dim3A, %broadcast_in_dim3A_31 : vector<512x512xi1>, vector<512x512xf32>
    %mul3A_33 = arith.mulf %select_n3A_32, %add3A_26 : vector<512x512xf32>
    %mul3A_34 = arith.mulf %mul3A_33, %exp3A_29 : vector<512x512xf32>
    %add3A_35 = arith.constant 0.000000e+00 : f32
    %add3A_36 = vector.broadcast %add3A_35 : f32 to vector<512x512xf32>
    %add3A_37 = arith.addf %mul3A_34, %add3A_36 : vector<512x512xf32>
    %bitcast_convert_type3A = tpu.bitcast %add3A_37 : vector<512x512xf32> -> vector<512x512xi32>
    %get3A_38 = arith.constant 0 : index
    %get3A_39 = arith.constant 0 : index
    %get3A_40 = vector.load %arg4[%get3A_38, %get3A_39] : memref<512x512xi32, #tpu.memory_space<vmem>>, vector<512x512xi32>
    %eq3A = arith.constant 0 : i32
    %eq3A_41 = vector.broadcast %eq3A : i32 to vector<512x512xi32>
    %eq3A_42 = arith.cmpi eq, %get3A_40, %eq3A_41 : vector<512x512xi32>
    %jit3A_43 = arith.constant 0 : i32
    %broadcast_in_dim3A_44 = vector.broadcast %jit3A_43 : i32 to vector<512x512xi32>
    %select_n3A_45 = arith.select %eq3A_42, %bitcast_convert_type3A, %broadcast_in_dim3A_44 : vector<512x512xi1>, vector<512x512xi32>
    %reshape3A = vector.shape_cast %select_n3A_45 : vector<512x512xi32> to vector<262144xi32>
    %swap3A = arith.constant 0 : index
    %swap3A_46 = vector.load %arg5[%swap3A] : memref<262144xi32, #tpu.memory_space<vmem>>, vector<262144xi32>
    tpu.vector_store %arg5[%swap3A], %reshape3A {strides = array<i32>} : memref<262144xi32, #tpu.memory_space<vmem>>, vector<262144xi32>,
    return
  }
  func.func @transform_0(%arg0: i32, %arg1: i32) -> (i32, i32, i32, i32) {
    %c0_i32 = arith.constant 0 : i32
    %c0_i32_0 = arith.constant 0 : i32
    %c0_i32_1 = arith.constant 0 : i32
    return %arg0, %arg1, %c0_i32, %c0_i32_0 : i32, i32, i32, i32
  }
  func.func @transform_1(%arg0: i32, %arg1: i32) -> (i32, i32, i32, i32) {
    %add3A = arith.constant 1 : i32
    %add3A_0 = arith.addi %arg1, %add3A : i32
    %c0_i32 = arith.constant 0 : i32
    %c0_i32_1 = arith.constant 0 : i32
    %c0_i32_2 = arith.constant 0 : i32
    return %arg0, %add3A_0, %c0_i32, %c0_i32_1 : i32, i32, i32, i32
  }
  func.func @transform_2(%arg0: i32, %arg1: i32) -> (i32, i32) {
    %c0_i32 = arith.constant 0 : i32
    %c0_i32_0 = arith.constant 0 : i32
    %c0_i32_1 = arith.constant 0 : i32
    return %c0_i32, %c0_i32_0 : i32, i32
  }
  func.func @transform_3(%arg0: i32, %arg1: i32) -> i32 {
    %mul3A = arith.constant 4 : i32
    %mul3A_0 = arith.muli %arg0, %mul3A : i32
    %add3A = arith.addi %mul3A_0, %arg1 : i32
    %c0_i32 = arith.constant 0 : i32
    return %add3A : i32
  }
}

</mosaic_0001>

<sc_bundles>
// kernel: kernel.5.cloned.1.call-start
scs
__scs_entry_jumppad:
0x0: {  	(pc) =	sbr.rel $0x88, $3  }
0x1: {  	(tag) =	ssettag $0x0;
	lr =	simm.s32 $0x1  }
0x2: {  	[smem:$0x3F9E] =	sst lr;
	_ =	strace $0xD0000000  }
0x3: {  	_ = 	snop  }
0x4: {  	_ = 	snop  }
0x5: {  	_ = 	snop  }
0x6: {  	_ = 	snop  }
0x7: {  	_ = 	snop  }
__scs_overlays_trampoline_lowered:
0x8: {  	[smem:$0x3FAD] =	sst s0  }
0x9: {  	[smem:$0x3FAE] =	sst s1  }
0xa: {  	[smem:$0x3FAF] =	sst s2  }
0xb: {  	[smem:$0x3FB0] =	sst s3  }
0xc: {  	[smem:$0x3FB1] =	sst s4  }
0xd: {  	[smem:$0x3FB2] =	sst s5  }
0xe: {  	[smem:$0x3FB3] =	sst s6  }
0xf: {  	[smem:$0x3FB4] =	sst s7  }
0x10: {  	[smem:$0x3FB5] =	sst s8  }
0x11: {  	[smem:$0x3FB6] =	sst s9;
	s0 =	simm.s32 @!p0 $0x0  }
0x12: {  	s1 =	sld [smem:$0x3F9C];
	s0 =	simm.s32 @p0 $0x1  }
0x13: {  	[smem:$0x3FB7] =	sst s0;
	s0 =	simm.s32 @!p1 $0x0  }
0x14: {  	s2 =	sld [smem:$0x3F9B];
	s0 =	simm.s32 @p1 $0x1  }
0x15: {  	[smem:$0x3FB8] =	sst s0;
	s0 =	simm.s32 @!p2 $0x0  }
0x16: {  	s3 =	sld [smem:$0x3FDB];
	s0 =	simm.s32 @p2 $0x1  }
0x17: {  	s4 =	simm.s32 $0x1BF5;
	[smem:$0x3FBA] =	sst s0  }
0x18: {  	s0 =	sld [smem:$0x3F9D];
	_ =	swait.ge [sflag:s4], $0x0  }
0x19: {  	s7 =	sld [smem:$0x3F9E]  }
0x1a: {  	s8 =	sadd.s32 $0xFFFFE003, lr  }
0x1b: {  	s9 =	sadd.s32 $0xFFFFFEF7, lr;
	s5 =	simm.s32 $0xFFFFFFFF;
	p2 =	slt.u32 s8, $0xFFFFF086  }
0x1c: {  	p1 =	slt.u32 s9, $0xF7A;
	s5 =	simm.s32 @!p2 $0x0  }
0x1d: {  	s5 =	simm.s32 @p1 $0x1;
	p0 =	seq.s32 s7, s2  }
0x1e: {  	s7 =	smul.u32 @!p0 $0xF7A, s2;
	p2 =	seq.s32 @!p0 s5, $0x0  }
0x1f: {  	s9 =	smul.u32 $0xF7A, s1;
	s8 =	simm.s32 @!p0 $0x1BF5;
	p2 =	por !p2, p0  }
0x20: {  	[sflag:s8] =	ssyncset.s32 @!p0 $0xFFFFF086;
	s6 =	sadd.s32 @!p0 s3, s7;
	s7 =	simm.s32 @!p0 $0x108  }
0x21: {  	s3 =	sadd.s32 s3, s9;
	s6 =	sadd.s32 @!p0 $0x88, s6;
	s7 =	simm.s32 @p2 $0x1082  }
0x22: {  	[simem:s7], [sflag:s8] =	dma.local @!p0 [hbm:s6], $0xF7A  }
0x23: {  	s9 =	sor.u32 $0xD0000000, s2;
	s6 =	simm.s32 $0x108;
	_ =	swait.ge @!p0 [sflag:s8], $0x0  }
0x24: {  	s3 =	sadd.s32 $0x88, s3;
	s6 =	simm.s32 @!p1 $0x1082;
	[sflag:s4] =	ssyncset.s32 $0xFFFFF086  }
0x25: {  	[simem:s6], [sflag:s4] =	dma.local [hbm:s3], $0xF7A  }
0x26: {  	[smem:$0x3F9E] =	sst s1;
	(tag) =	ssettag s2;
	_ =	strace s9  }
0x27: {  	s1 =	sld [smem:$0x3FAE]  }
0x28: {  	s2 =	sld [smem:$0x3FAF]  }
0x29: {  	s4 =	sld [smem:$0x3FB1]  }
0x2a: {  	p0 =	seq.s32 s5, $0x0;
	s5 =	sld [smem:$0x3FB2]  }
0x2b: {  	s6 =	sld [smem:$0x3FB3]  }
0x2c: {  	s7 =	sld [smem:$0x3FB4]  }
0x2d: {  	s3 =	simm.s32 $0x108;
	s8 =	sld [smem:$0x3FB5]  }
0x2e: {  	s3 =	simm.s32 @!p0 $0x1082;
	s9 =	sld [smem:$0x3FB6]  }
0x2f: {  	lr =	sadd.s32 s0, s3;
	s0 =	sld [smem:$0x3FAD]  }
0x30: {  	s3 =	sld [smem:$0x3FB0]  }
0x31: {  	[smem:$0x3FB9] =	sst s10  }
0x32: {  	s10 =	sld [smem:$0x3FB7];
	_ =	sdelay $0x3  }
0x33: {  	p0 =	seq.s32 s10, $0x1;
	s10 =	sld [smem:$0x3FB9];
	_ =	sdelay $0x3  }
0x34: {  	[smem:$0x3FB9] =	sst s10  }
0x35: {  	s10 =	sld [smem:$0x3FB8];
	_ =	sdelay $0x3  }
0x36: {  	p1 =	seq.s32 s10, $0x1;
	s10 =	sld [smem:$0x3FB9];
	_ =	sdelay $0x3  }
0x37: {  	[smem:$0x3FB9] =	sst s10  }
0x38: {  	s10 =	sld [smem:$0x3FBA]  }
0x39: {  	_ = 	snop;
	(pc) =	sbr.ind lr, $3  }
0x3a: {  	_ = 	snop  }
0x3b: {  	_ = 	snop  }
0x3c: {  	p2 =	seq.s32 s10, $0x1;
	s10 =	sld [smem:$0x3FB9]  }
0x3d: {  	_ =	shalt  }
0x3e: {  	_ =	shalt  }
0x3f: {  	_ =	shalt  }
0x40: {  	_ =	shalt  }
0x41: {  	_ =	shalt  }
0x42: {  	_ =	shalt  }
0x43: {  	_ =	shalt  }
0x44: {  	_ =	shalt  }
0x45: {  	_ =	shalt  }
0x46: {  	_ =	shalt  }
0x47: {  	_ =	shalt  }
0x48: {  	_ =	shalt  }
0x49: {  	_ =	shalt  }
0x4a: {  	_ =	shalt  }
0x4b: {  	_ =	shalt  }
0x4c: {  	_ =	shalt  }
0x4d: {  	_ =	shalt  }
0x4e: {  	_ =	shalt  }
0x4f: {  	_ =	shalt  }
0x50: {  	_ =	shalt  }
0x51: {  	_ =	shalt  }
0x52: {  	_ =	shalt  }
0x53: {  	_ =	shalt  }
0x54: {  	_ =	shalt  }
0x55: {  	_ =	shalt  }
0x56: {  	_ =	shalt  }
0x57: {  	_ =	shalt  }
0x58: {  	_ =	shalt  }
0x59: {  	_ =	shalt  }
0x5a: {  	_ =	shalt  }
0x5b: {  	_ =	shalt  }
0x5c: {  	_ =	shalt  }
0x5d: {  	_ =	shalt  }
0x5e: {  	_ =	shalt  }
0x5f: {  	_ =	shalt  }
0x60: {  	_ =	shalt  }
0x61: {  	_ =	shalt  }
0x62: {  	_ =	shalt  }
0x63: {  	_ =	shalt  }
0x64: {  	_ =	shalt  }
0x65: {  	_ =	shalt  }
0x66: {  	_ =	shalt  }
0x67: {  	_ =	shalt  }
0x68: {  	_ =	shalt  }
0x69: {  	_ =	shalt  }
0x6a: {  	_ =	shalt  }
0x6b: {  	_ =	shalt  }
0x6c: {  	_ =	shalt  }
0x6d: {  	_ =	shalt  }
0x6e: {  	_ =	shalt  }
0x6f: {  	_ =	shalt  }
0x70: {  	_ =	shalt  }
0x71: {  	_ =	shalt  }
0x72: {  	_ =	shalt  }
0x73: {  	_ =	shalt  }
0x74: {  	_ =	shalt  }
0x75: {  	_ =	shalt  }
0x76: {  	_ =	shalt  }
0x77: {  	_ =	shalt  }
0x78: {  	_ =	shalt  }
0x79: {  	_ =	shalt  }
0x7a: {  	_ =	shalt  }
0x7b: {  	_ =	shalt  }
0x7c: {  	_ =	shalt  }
0x7d: {  	_ =	shalt  }
0x7e: {  	_ =	shalt  }
0x7f: {  	_ =	shalt  }
0x80: {  	_ =	shalt  }
0x81: {  	_ =	shalt  }
0x82: {  	_ =	shalt  }
0x83: {  	_ =	shalt  }
0x84: {  	_ =	shalt  }
0x85: {  	_ =	shalt  }
0x86: {  	_ =	shalt  }
0x87: {  	_ =	shalt  }
.Lfunc_end0:
.L_simem_size_0:
called_computation_lowered:
.L_overlay_start_0:
0x88: {  	s2 =	sld [smem:$0x3FD9]  }
0x89: {  	s3 =	sld [smem:$0x3FFE];
	_ =	sdelay $0x1  }
0x8a: {  	s1 =	srdreg.scid  }
0x8b: {  	s0 =	sand.u32 $0x1, s1  }
0x8c: {  	s16 =	sshll.u32 s0, $0xA;
	s2 =	sadd.s32 s3, s2  }
0x8d: {  	s2 =	sadd.s32 s2, s16  }
0x8e: {  	[smem:$0x3FC5] =	sst s2  }
0x8f: {  	_ = 	snop  }
0x90: {  	(tm) =	ssettm $0x1  }
0x91: {  	s17 =	sld [smem:$0x3FFB];
	_ =	sdelay $0x3  }
0x92: {  	_ =	strace s17  }
0x93: {  	s2 =	sld [smem:$0x3FFC];
	_ =	sdelay $0x3  }
0x94: {  	_ =	strace s2  }
0x95: {  	s2 =	sld [smem:$0x3FFD];
	_ =	sdelay $0x3  }
0x96: {  	_ =	strace s2  }
0x97: {  	_ =	strace $0x8FFFFFFF  }
0x98: {  	s18 =	sld [smem:$0x3FDB];
	_ =	sdelay $0x1  }
0x99: {  	s19 =	simm.s32 $_scs_section_size  }
0x9a: {  	s4 =	simm.s32 $_size__tile_overlayer_lowered;
	s5 =	simm.s32 $_tile_overlayer_lowered  }
0x9b: {  	s22 =	simm.s32 $0x1BFF;
	s21 =	sshll.u32 s5, $0x1;
	s2 =	sadd.s32 s19, s18  }
0x9c: {  	s6 =	simm.s32 $0x0;
	s20 =	sshll.u32 s4, $0x1;
	s4 =	sadd.s32 s21, s2  }
0x9d: {  	[timem:s6], [sflag:s22] =	dma.local [hbm:s4], s20  }
0x9e: {  	_ =	swait.ge [sflag:s22], s20  }
0x9f: {  	s3 =	ssub.s32 $0x0, s20;
	[sflag:s22] =	ssyncset.done $0x0  }
0xa0: {  	[sflag:s22] =	ssyncadd.s32 s3;
	_ =	sdelay $0x1  }
0xa1: {  	s23 =	simm.s32 $0x1B8B  }
0xa2: {  	_ =	swait.ge [sflag:s23], $0x1  }
0xa3: {  	[sflag:s23] =	ssyncset.done $0x0  }
0xa4: {  	s25 =	simm.s32 $0x1B8E;
	s24 =	sld [smem:$0x3FFE];
	[sflag:s23] =	ssyncadd.s32 $0xFFFFFFFF  }
0xa5: {  	s26 =	simm.s32 $execute0_lowered;
	[smem:$0x3FD2] =	sst s25  }
0xa6: {  	s4 =	sshll.u32 s26, $0x1;
	_ =	strace $0x80000046;
	[dreg:$0x1] =	wrdreg $0xFFFFFFFF  }
0xa7: {  	s28 =	simm.s32 $_size_execute0_lowered;
	s2 =	sadd.s32 s2, s4;
	[dreg:$0x0] =	wrdreg $0x0  }
0xa8: {  	s4 =	sshll.u32 s28, $0x1;
	[dreg:$0x2] =	wrdreg s2  }
0xa9: {  	[dreg:$0x3] =	wrdreg s4  }
0xaa: {  	[dreg:$0x4] =	wrdreg $0xC0  }
0xab: {  	_ =	task [dreg:s6], $0x5FFFF  }
0xac: {  	[dreg:$0x1] =	wrdreg $0xFFFFFFFF  }
0xad: {  	[dreg:$0x0] =	wrdreg $0x60  }
0xae: {  	[dreg:$0x2] =	wrdreg s24  }
0xaf: {  	[dreg:$0x3] =	wrdreg $0x9  }
0xb0: {  	_ =	task.clear_ibuf [dreg:s6], $0x4FFFF;
	_ =	strace $0x90000046  }
0xb1: {  	s29 =	simm.s32 $0x9;
	_ =	strace $0x80000048  }
0xb2: {  	_ =	swait.ge [sflag:s29], $0x1  }
0xb3: {  	[sflag:s29] =	ssyncadd.s32 $0xFFFFFFFF  }
0xb4: {  	_ =	strace $0x90000048  }
0xb5: {  	_ =	sfence  }
0xb6: {  	s30 =	sld [smem:$0x0];
	_ =	sdelay $0x2  }
0xb7: {  	s31 =	sshll.u32 s1, $0xD;
	s1 =	sshrl.u32 s1, $0x2  }
0xb8: {  	s3 =	sand.u32 $0x4000, s31;
	s1 =	sadd.s32 s1, s30  }
0xb9: {  	s0 =	sor.u32 s3, s0;
	s1 =	sshll.u32 s1, $0x11  }
0xba: {  	s0 =	sor.u32 s1, s0  }
0xbb: {  	s0 =	sadd.s32 $0x8F2B, s0  }
0xbc: {  	[sflag:s0] =	ssyncadd.remote.s32 $0x1  }
0xbd: {  	_ =	sfence.sel $0xFFFF  }
0xbe: {  	[dreg:$0x0] =	wrdreg $0xFFFFFFFF;
	(pc) =	sbr.abs _section_cstart, $3  }
0xbf: {  	[dreg:$0x1] =	wrdreg $0xFFFFFFFF  }
0xc0: {  	_ =	task.clear_ibuf [dreg:s6], $0x2FFFF;
	_ =	strace $0x9FFFFFFF  }
0xc1: {  	(tm) =	ssettm $0x7FFFFFFF  }
tec
execute0_lowered:
.L_overlay_start_1:
0x0: {  	(tag) =	ssettag $0x1  }
0x1: {  	s4 =	rddreg [dreg:$0x0]  }
0x2: {  	s0 =	rddreg [dreg:$0x1];
	s2 =	simm.s32 $0x0;
	s1 =	stileid.u32  }
0x3: {  	s3 =	srdreg.scid;
	s21 =	simm.s32 $0x4000;
	s22 =	simm.s32 $0x1  }
0x4: {  	s23 =	simm.s32 $0x8000;
	s24 =	simm.s32 $0x2;
	s25 =	simm.s32 $0x80  }
0x5: {  	s26 =	simm.s32 $0x400;
	s28 =	simm.s32 $0x3;
	s29 =	simm.s32 $0x0  }
0x6: {  	[smem:$0x7FF] =	sst s2;
	s3 =	sand.u32 $0x1, s3;
	s5 =	sshll.u32 s1, $0x1  }
0x7: {  	s30 =	sshll.u32 s1, $0xE;
	_ =	strace $0x80000047;
	s13 =	sor.u32 s3, s5  }
0x8: {  	s6 =	ssub.s32 $0x2, s3;
	s5 =	sand.u32 $0x30000, s30;
	s31 =	sshll.u32 s13, $0xF  }
0x9: {  	s7 =	sshrl.u32 s6, $0x1;
	s17 =	sadd.s32 s5, s4;
	s15 =	sshll.u32 s13, $0x4  }
0xa: {  	s3 =	sadd.s32 s4, s31;
	s20 =	ssub.s32 s6, s7;
	s18 =	sand.u32 $0x70, s15  }
0xb: {  	s4 =	sadd.s32 $0x800, s3;
	s5 =	sadd.s32 $0x1000, s3;
	s6 =	sadd.s32 $0x1800, s3  }
0xc: {  	s7 =	sadd.s32 $0x2000, s3;
	s8 =	sadd.s32 $0x2800, s3;
	s9 =	sadd.s32 $0x3000, s3  }
0xd: {  	s10 =	sadd.s32 $0x3800, s3;
	s11 =	sadd.s32 $0x4000, s3;
	s12 =	sadd.s32 $0x4800, s3  }
0xe: {  	s13 =	sadd.s32 $0x5000, s3;
	s14 =	sadd.s32 $0x5800, s3;
	s15 =	sadd.s32 $0x6000, s3  }
0xf: {  	s16 =	sadd.s32 $0x6800, s3;
	s19 =	sadd.s32 s18, s17;
	s17 =	sadd.s32 $0x7000, s3  }
0x10: {  	v0 =	vimm.s32 $0x0;
	v1 =	vimm.s32 $0x1;
	s18 =	sadd.s32 $0x7800, s3;
	s20 =	smax.u32 s20, $0x1;
	s19 =	sadd.s32 $0x100000, s19  }
.LBB2_1:
0x11: {  	s30 =	simm.s32 $0x8040  }
0x12: {  	[tilespmem:s30+$0xFFFFFFC0] =	vst v0  }
0x13: {  	[tilespmem:s30+$0x30] =	vst v0  }
0x14: {  	[tilespmem:s30+$0x20] =	vst v0  }
0x15: {  	[tilespmem:s30+$0x10] =	vst v0  }
0x16: {  	[tilespmem:s30+$0x0] =	vst v0  }
0x17: {  	[tilespmem:s30+$0xFFFFFFF0] =	vst v0  }
0x18: {  	s31 =	simm.s32 $0x0;
	[tilespmem:s30+$0xFFFFFFE0] =	vst v0  }
.LBB2_2:
0x19: {  	s31 =	sadd.s32 $0x80, s31;
	[tilespmem:s30+$0xFFFFFFD0] =	vst v0;
	s30 =	sadd.s32 $0x80, s30  }
0x1a: {  	[tilespmem:s30+$0xFFFFFFC0] =	vst v0;
	p0 =	slt.u32 s31, $0xFF80  }
0x1b: {  	[tilespmem:s30+$0x30] =	vst v0  }
.Ltmp0:
0x1c: {  	[tilespmem:s30+$0x20] =	vst v0;
	(pc) =	sbr.rel @p0 .LBB2_2-.Ltmp0, $4  }
0x1d: {  	[tilespmem:s30+$0x10] =	vst v0  }
0x1e: {  	[tilespmem:s30+$0x0] =	vst v0  }
0x1f: {  	[tilespmem:s30+$0xFFFFFFF0] =	vst v0  }
0x20: {  	[tilespmem:s30+$0xFFFFFFE0] =	vst v0  }
0x21: {  	[tilespmem:s30+$0xFFFFFFD0] =	vst v0  }
0x22: {  	[tilespmem:s2], [sflag:$0x1] =	stream.linear.gather [hbm4b:s3+s2], $0x4000, $0x38;
	[tilespmem:$0x18000] =	vst v63  }
0x23: {  	_ = 	snop  }
0x24: {  	[tilespmem:s21], [sflag:$0x2] =	stream.linear.gather [hbm4b:s4+s2], $0x4000, $0x38;
	[tilespmem:$0x18000] =	vst v63  }
0x25: {  	_ =	swait.ge [sflag:s22], $0x4000  }
0x26: {  	[sflag:s22] =	ssyncset.done $0x0  }
0x27: {  	s30 =	simm.s32 $0x80;
	[sflag:s22] =	ssyncadd.s32 $0xFFFFC000  }
0x28: {  	v2 =	vld [tilespmem:s30+$0x10]  }
0x29: {  	v3 =	vld [tilespmem:s30+$0x0]  }
0x2a: {  	v4 =	vld [tilespmem:s30+$0xFFFFFF80]  }
0x2b: {  	v5 =	vld [tilespmem:s30+$0x70]  }
0x2c: {  	v6 =	vld [tilespmem:s30+$0xFFFFFFA0]  }
0x2d: {  	v7 =	vld [tilespmem:s30+$0xFFFFFFB0]  }
0x2e: {  	v8 =	vld [tilespmem:s30+$0xFFFFFFC0]  }
0x2f: {  	v10 =	vld [tilespmem:s30+$0x50]  }
0x30: {  	v11 =	vld [tilespmem:s30+$0x40];
	v4 =	vshrl.u32 v4, $0xF  }
0x31: {  	v9 =	vld [tilespmem:s30+$0x60];
	v5 =	vshrl.u32 v5, $0xF  }
0x32: {  	v12 =	vld [tilespmem:s30+$0x30]  }
0x33: {  	v13 =	vld [tilespmem:s30+$0x20]  }
0x34: {  	v14 =	vld [tilespmem:s30+$0xFFFFFFD0];
	v59 =	vshrl.u32 v10, $0xF  }
0x35: {  	v60 =	vshrl.u32 v11, $0xF;
	[tilespmem:v4+s23+$0x0] =	vst.idx.add.s32.msk $0xffff, v1  }
0x36: {  	v4 =	vshrl.u32 v9, $0xF;
	[tilespmem:v5+s23+$0x0] =	vst.idx.add.s32.msk $0xffff, v1  }
0x37: {  	v5 =	vld [tilespmem:s30+$0xFFFFFFF0]  }
0x38: {  	v61 =	vld [tilespmem:s30+$0xFFFFFFE0];
	v2 =	vshrl.u32 v2, $0xF  }
0x39: {  	v13 =	vshrl.u32 v13, $0xF;
	[tilespmem:v59+s23+$0x0] =	vst.idx.add.s32.msk $0xffff, v1  }
0x3a: {  	v3 =	vshrl.u32 v3, $0xF;
	[tilespmem:v60+s23+$0x0] =	vst.idx.add.s32.msk $0xffff, v1  }
0x3b: {  	v62 =	vshrl.u32 v12, $0xF;
	[tilespmem:v4+s23+$0x0] =	vst.idx.add.s32.msk $0xffff, v1  }
0x3c: {  	v63 =	vshrl.u32 v14, $0xF;
	v4 =	vshrl.u32 v5, $0xF;
	v5 =	vld [tilespmem:s30+$0xFFFFFF90]  }
0x3d: {  	[tilespmem:v2+s23+$0x0] =	vst.idx.add.s32.msk $0xffff, v1;
	v2 =	vshrl.u32 v7, $0xF  }
0x3e: {  	v8 =	vshrl.u32 v8, $0xF;
	[tilespmem:v13+s23+$0x0] =	vst.idx.add.s32.msk $0xffff, v1  }
0x3f: {  	v6 =	vshrl.u32 v6, $0xF;
	[tilespmem:v3+s23+$0x0] =	vst.idx.add.s32.msk $0xffff, v1  }
0x40: {  	[tilespmem:v62+s23+$0x0] =	vst.idx.add.s32.msk $0xffff, v1  }
0x41: {  	[tilespmem:v63+s23+$0x0] =	vst.idx.add.s32.msk $0xffff, v1;
	v3 =	vshrl.u32 v5, $0xF  }
0x42: {  	[tilespmem:v2+s23+$0x0] =	vst.idx.add.s32.msk $0xffff, v1;
	v2 =	vshrl.u32 v61, $0xF  }
0x43: {  	[tilespmem:v8+s23+$0x0] =	vst.idx.add.s32.msk $0xffff, v1  }
0x44: {  	[tilespmem:v6+s23+$0x0] =	vst.idx.add.s32.msk $0xffff, v1  }
0x45: {  	s31 =	simm.s32 $0x0;
	[tilespmem:v4+s23+$0x0] =	vst.idx.add.s32.msk $0xffff, v1  }
.LBB2_4:
0x46: {  	s31 =	sadd.s32 $0x100, s31;
	[tilespmem:v3+s23+$0x0] =	vst.idx.add.s32.msk $0xffff, v1;
	s30 =	sadd.s32 $0x100, s30  }
0x47: {  	p0 =	slt.u32 s31, $0x3F00;
	[tilespmem:v2+s23+$0x0] =	vst.idx.add.s32.msk $0xffff, v1  }
0x48: {  	v2 =	vld [tilespmem:s30+$0x10]  }
0x49: {  	v3 =	vld [tilespmem:s30+$0x0]  }
0x4a: {  	v4 =	vld [tilespmem:s30+$0xFFFFFF80]  }
0x4b: {  	v5 =	vld [tilespmem:s30+$0x70]  }
0x4c: {  	v6 =	vld [tilespmem:s30+$0xFFFFFFA0]  }
0x4d: {  	v7 =	vld [tilespmem:s30+$0xFFFFFFB0]  }
0x4e: {  	v8 =	vld [tilespmem:s30+$0xFFFFFFC0]  }
0x4f: {  	v4 =	vshrl.u32 v4, $0xF;
	v9 =	vld [tilespmem:s30+$0x60]  }
0x50: {  	v10 =	vld [tilespmem:s30+$0x50];
	v5 =	vshrl.u32 v5, $0xF  }
0x51: {  	v11 =	vld [tilespmem:s30+$0x40]  }
0x52: {  	v12 =	vld [tilespmem:s30+$0x30]  }
0x53: {  	v13 =	vld [tilespmem:s30+$0x20]  }
0x54: {  	[tilespmem:v4+s23+$0x0] =	vst.idx.add.s32.msk $0xffff, v1;
	v4 =	vshrl.u32 v9, $0xF  }
0x55: {  	v9 =	vshrl.u32 v10, $0xF;
	[tilespmem:v5+s23+$0x0] =	vst.idx.add.s32.msk $0xffff, v1  }
0x56: {  	v5 =	vld [tilespmem:s30+$0xFFFFFFF0];
	v10 =	vshrl.u32 v11, $0xF  }
0x57: {  	v11 =	vld [tilespmem:s30+$0xFFFFFFE0]  }
0x58: {  	v14 =	vld [tilespmem:s30+$0xFFFFFFD0];
	v13 =	vshrl.u32 v13, $0xF  }
0x59: {  	v15 =	vshrl.u32 v2, $0xF;
	[tilespmem:v4+s23+$0x0] =	vst.idx.add.s32.msk $0xffff, v1  }
0x5a: {  	v3 =	vshrl.u32 v3, $0xF;
	[tilespmem:v9+s23+$0x0] =	vst.idx.add.s32.msk $0xffff, v1  }
0x5b: {  	v4 =	vshrl.u32 v5, $0xF;
	[tilespmem:v10+s23+$0x0] =	vst.idx.add.s32.msk $0xffff, v1  }
0x5c: {  	v9 =	vshrl.u32 v12, $0xF;
	v5 =	vld [tilespmem:s30+$0xFFFFFF90];
	v2 =	vshrl.u32 v11, $0xF  }
0x5d: {  	v10 =	vshrl.u32 v14, $0xF;
	[tilespmem:v13+s23+$0x0] =	vst.idx.add.s32.msk $0xffff, v1  }
0x5e: {  	v8 =	vshrl.u32 v8, $0xF;
	[tilespmem:v15+s23+$0x0] =	vst.idx.add.s32.msk $0xffff, v1  }
0x5f: {  	v7 =	vshrl.u32 v7, $0xF;
	[tilespmem:v3+s23+$0x0] =	vst.idx.add.s32.msk $0xffff, v1  }
0x60: {  	v6 =	vshrl.u32 v6, $0xF;
	[tilespmem:v4+s23+$0x0] =	vst.idx.add.s32.msk $0xffff, v1  }
.Ltmp1:
0x61: {  	v3 =	vshrl.u32 v5, $0xF;
	[tilespmem:v9+s23+$0x0] =	vst.idx.add.s32.msk $0xffff, v1;
	(pc) =	sbr.rel @p0 .LBB2_4-.Ltmp1, $4  }
0x62: {  	[tilespmem:v10+s23+$0x0] =	vst.idx.add.s32.msk $0xffff, v1  }
0x63: {  	[tilespmem:v8+s23+$0x0] =	vst.idx.add.s32.msk $0xffff, v1  }
0x64: {  	[tilespmem:v7+s23+$0x0] =	vst.idx.add.s32.msk $0xffff, v1  }
0x65: {  	[tilespmem:v6+s23+$0x0] =	vst.idx.add.s32.msk $0xffff, v1  }
0x66: {  	_ =	sdelay $0x3  }
0x67: {  	[tilespmem:v3+s23+$0x0] =	vst.idx.add.s32.msk $0xffff, v1  }
0x68: {  	[tilespmem:v2+s23+$0x0] =	vst.idx.add.s32.msk $0xffff, v1  }
0x69: {  	[tilespmem:s2], [sflag:$0x1] =	stream.linear.gather [hbm4b:s5+s2], $0x4000, $0x38;
	[tilespmem:$0x18000] =	vst v63  }
0x6a: {  	_ =	swait.ge [sflag:s24], $0x4000  }
0x6b: {  	[sflag:s24] =	ssyncset.done $0x0  }
0x6c: {  	s30 =	simm.s32 $0x4080;
	[sflag:s24] =	ssyncadd.s32 $0xFFFFC000  }
0x6d: {  	v2 =	vld [tilespmem:s30+$0x10]  }
0x6e: {  	v3 =	vld [tilespmem:s30+$0x0]  }
0x6f: {  	v4 =	vld [tilespmem:s30+$0xFFFFFF80]  }
0x70: {  	v5 =	vld [tilespmem:s30+$0x70]  }
0x71: {  	v6 =	vld [tilespmem:s30+$0xFFFFFFA0]  }
0x72: {  	v7 =	vld [tilespmem:s30+$0xFFFFFFB0]  }
0x73: {  	v8 =	vld [tilespmem:s30+$0xFFFFFFC0]  }
0x74: {  	v10 =	vld [tilespmem:s30+$0x50]  }
0x75: {  	v11 =	vld [tilespmem:s30+$0x40];
	v4 =	vshrl.u32 v4, $0xF  }
0x76: {  	v9 =	vld [tilespmem:s30+$0x60];
	v5 =	vshrl.u32 v5, $0xF  }
0x77: {  	v12 =	vld [tilespmem:s30+$0x30]  }
0x78: {  	v13 =	vld [tilespmem:s30+$0x20]  }
0x79: {  	v14 =	vld [tilespmem:s30+$0xFFFFFFD0];
	v59 =	vshrl.u32 v10, $0xF  }
0x7a: {  	v60 =	vshrl.u32 v11, $0xF;
	[tilespmem:v4+s23+$0x0] =	vst.idx.add.s32.msk $0xffff, v1  }
0x7b: {  	v4 =	vshrl.u32 v9, $0xF;
	[tilespmem:v5+s23+$0x0] =	vst.idx.add.s32.msk $0xffff, v1  }
0x7c: {  	v5 =	vld [tilespmem:s30+$0xFFFFFFF0]  }
0x7d: {  	v61 =	vld [tilespmem:s30+$0xFFFFFFE0];
	v2 =	vshrl.u32 v2, $0xF  }
0x7e: {  	v13 =	vshrl.u32 v13, $0xF;
	[tilespmem:v59+s23+$0x0] =	vst.idx.add.s32.msk $0xffff, v1  }
0x7f: {  	v3 =	vshrl.u32 v3, $0xF;
	[tilespmem:v60+s23+$0x0] =	vst.idx.add.s32.msk $0xffff, v1  }
0x80: {  	v62 =	vshrl.u32 v12, $0xF;
	[tilespmem:v4+s23+$0x0] =	vst.idx.add.s32.msk $0xffff, v1  }
0x81: {  	v63 =	vshrl.u32 v14, $0xF;
	v4 =	vshrl.u32 v5, $0xF;
	v5 =	vld [tilespmem:s30+$0xFFFFFF90]  }
0x82: {  	[tilespmem:v2+s23+$0x0] =	vst.idx.add.s32.msk $0xffff, v1;
	v2 =	vshrl.u32 v7, $0xF  }
0x83: {  	v8 =	vshrl.u32 v8, $0xF;
	[tilespmem:v13+s23+$0x0] =	vst.idx.add.s32.msk $0xffff, v1  }
0x84: {  	v6 =	vshrl.u32 v6, $0xF;
	[tilespmem:v3+s23+$0x0] =	vst.idx.add.s32.msk $0xffff, v1  }
0x85: {  	[tilespmem:v62+s23+$0x0] =	vst.idx.add.s32.msk $0xffff, v1  }
0x86: {  	[tilespmem:v63+s23+$0x0] =	vst.idx.add.s32.msk $0xffff, v1;
	v3 =	vshrl.u32 v5, $0xF  }
0x87: {  	[tilespmem:v2+s23+$0x0] =	vst.idx.add.s32.msk $0xffff, v1;
	v2 =	vshrl.u32 v61, $0xF  }
0x88: {  	[tilespmem:v8+s23+$0x0] =	vst.idx.add.s32.msk $0xffff, v1  }
0x89: {  	[tilespmem:v6+s23+$0x0] =	vst.idx.add.s32.msk $0xffff, v1  }
0x8a: {  	s31 =	simm.s32 $0x0;
	[tilespmem:v4+s23+$0x0] =	vst.idx.add.s32.msk $0xffff, v1  }
.LBB2_6:
0x8b: {  	s31 =	sadd.s32 $0x100, s31;
	[tilespmem:v3+s23+$0x0] =	vst.idx.add.s32.msk $0xffff, v1;
	s30 =	sadd.s32 $0x100, s30  }
0x8c: {  	p0 =	slt.u32 s31, $0x3F00;
	[tilespmem:v2+s23+$0x0] =	vst.idx.add.s32.msk $0xffff, v1  }
0x8d: {  	v2 =	vld [tilespmem:s30+$0x10]  }
0x8e: {  	v3 =	vld [tilespmem:s30+$0x0]  }
0x8f: {  	v4 =	vld [tilespmem:s30+$0xFFFFFF80]  }
0x90: {  	v5 =	vld [tilespmem:s30+$0x70]  }
0x91: {  	v6 =	vld [tilespmem:s30+$0xFFFFFFA0]  }
0x92: {  	v7 =	vld [tilespmem:s30+$0xFFFFFFB0]  }
0x93: {  	v8 =	vld [tilespmem:s30+$0xFFFFFFC0]  }
0x94: {  	v4 =	vshrl.u32 v4, $0xF;
	v9 =	vld [tilespmem:s30+$0x60]  }
0x95: {  	v10 =	vld [tilespmem:s30+$0x50];
	v5 =	vshrl.u32 v5, $0xF  }
0x96: {  	v11 =	vld [tilespmem:s30+$0x40]  }
0x97: {  	v12 =	vld [tilespmem:s30+$0x30]  }
0x98: {  	v13 =	vld [tilespmem:s30+$0x20]  }
0x99: {  	[tilespmem:v4+s23+$0x0] =	vst.idx.add.s32.msk $0xffff, v1;
	v4 =	vshrl.u32 v9, $0xF  }
0x9a: {  	v9 =	vshrl.u32 v10, $0xF;
	[tilespmem:v5+s23+$0x0] =	vst.idx.add.s32.msk $0xffff, v1  }
0x9b: {  	v5 =	vld [tilespmem:s30+$0xFFFFFFF0];
	v10 =	vshrl.u32 v11, $0xF  }
0x9c: {  	v11 =	vld [tilespmem:s30+$0xFFFFFFE0]  }
0x9d: {  	v14 =	vld [tilespmem:s30+$0xFFFFFFD0];
	v13 =	vshrl.u32 v13, $0xF  }
0x9e: {  	v15 =	vshrl.u32 v2, $0xF;
	[tilespmem:v4+s23+$0x0] =	vst.idx.add.s32.msk $0xffff, v1  }
0x9f: {  	v3 =	vshrl.u32 v3, $0xF;
	[tilespmem:v9+s23+$0x0] =	vst.idx.add.s32.msk $0xffff, v1  }
0xa0: {  	v4 =	vshrl.u32 v5, $0xF;
	[tilespmem:v10+s23+$0x0] =	vst.idx.add.s32.msk $0xffff, v1  }
0xa1: {  	v9 =	vshrl.u32 v12, $0xF;
	v5 =	vld [tilespmem:s30+$0xFFFFFF90];
	v2 =	vshrl.u32 v11, $0xF  }
0xa2: {  	v10 =	vshrl.u32 v14, $0xF;
	[tilespmem:v13+s23+$0x0] =	vst.idx.add.s32.msk $0xffff, v1  }
0xa3: {  	v8 =	vshrl.u32 v8, $0xF;
	[tilespmem:v15+s23+$0x0] =	vst.idx.add.s32.msk $0xffff, v1  }
0xa4: {  	v7 =	vshrl.u32 v7, $0xF;
	[tilespmem:v3+s23+$0x0] =	vst.idx.add.s32.msk $0xffff, v1  }
0xa5: {  	v6 =	vshrl.u32 v6, $0xF;
	[tilespmem:v4+s23+$0x0] =	vst.idx.add.s32.msk $0xffff, v1  }
.Ltmp2:
0xa6: {  	v3 =	vshrl.u32 v5, $0xF;
	[tilespmem:v9+s23+$0x0] =	vst.idx.add.s32.msk $0xffff, v1;
	(pc) =	sbr.rel @p0 .LBB2_6-.Ltmp2, $4  }
0xa7: {  	[tilespmem:v10+s23+$0x0] =	vst.idx.add.s32.msk $0xffff, v1  }
0xa8: {  	[tilespmem:v8+s23+$0x0] =	vst.idx.add.s32.msk $0xffff, v1  }
0xa9: {  	[tilespmem:v7+s23+$0x0] =	vst.idx.add.s32.msk $0xffff, v1  }
0xaa: {  	[tilespmem:v6+s23+$0x0] =	vst.idx.add.s32.msk $0xffff, v1  }
0xab: {  	_ =	sdelay $0x3  }
0xac: {  	[tilespmem:v3+s23+$0x0] =	vst.idx.add.s32.msk $0xffff, v1  }
0xad: {  	[tilespmem:v2+s23+$0x0] =	vst.idx.add.s32.msk $0xffff, v1  }
0xae: {  	[tilespmem:s21], [sflag:$0x2] =	stream.linear.gather [hbm4b:s6+s2], $0x4000, $0x38;
	[tilespmem:$0x18000] =	vst v63  }
0xaf: {  	_ =	swait.ge [sflag:s22], $0x4000  }
0xb0: {  	[sflag:s22] =	ssyncset.done $0x0  }
0xb1: {  	s30 =	simm.s32 $0x80;
	[sflag:s22] =	ssyncadd.s32 $0xFFFFC000  }
0xb2: {  	v2 =	vld [tilespmem:s30+$0x10]  }
0xb3: {  	v3 =	vld [tilespmem:s30+$0x0]  }
0xb4: {  	v4 =	vld [tilespmem:s30+$0xFFFFFF80]  }
0xb5: {  	v5 =	vld [tilespmem:s30+$0x70]  }
0xb6: {  	v6 =	vld [tilespmem:s30+$0xFFFFFFA0]  }
0xb7: {  	v7 =	vld [tilespmem:s30+$0xFFFFFFB0]  }
0xb8: {  	v8 =	vld [tilespmem:s30+$0xFFFFFFC0]  }
0xb9: {  	v10 =	vld [tilespmem:s30+$0x50]  }
0xba: {  	v11 =	vld [tilespmem:s30+$0x40];
	v4 =	vshrl.u32 v4, $0xF  }
0xbb: {  	v9 =	vld [tilespmem:s30+$0x60];
	v5 =	vshrl.u32 v5, $0xF  }
0xbc: {  	v12 =	vld [tilespmem:s30+$0x30]  }
0xbd: {  	v13 =	vld [tilespmem:s30+$0x20]  }
0xbe: {  	v14 =	vld [tilespmem:s30+$0xFFFFFFD0];
	v59 =	vshrl.u32 v10, $0xF  }
0xbf: {  	v60 =	vshrl.u32 v11, $0xF;
	[tilespmem:v4+s23+$0x0] =	vst.idx.add.s32.msk $0xffff, v1  }
0xc0: {  	v4 =	vshrl.u32 v9, $0xF;
	[tilespmem:v5+s23+$0x0] =	vst.idx.add.s32.msk $0xffff, v1  }
0xc1: {  	v5 =	vld [tilespmem:s30+$0xFFFFFFF0]  }
0xc2: {  	v61 =	vld [tilespmem:s30+$0xFFFFFFE0];
	v2 =	vshrl.u32 v2, $0xF  }
0xc3: {  	v13 =	vshrl.u32 v13, $0xF;
	[tilespmem:v59+s23+$0x0] =	vst.idx.add.s32.msk $0xffff, v1  }
0xc4: {  	v3 =	vshrl.u32 v3, $0xF;
	[tilespmem:v60+s23+$0x0] =	vst.idx.add.s32.msk $0xffff, v1  }
0xc5: {  	v62 =	vshrl.u32 v12, $0xF;
	[tilespmem:v4+s23+$0x0] =	vst.idx.add.s32.msk $0xffff, v1  }
0xc6: {  	v63 =	vshrl.u32 v14, $0xF;
	v4 =	vshrl.u32 v5, $0xF;
	v5 =	vld [tilespmem:s30+$0xFFFFFF90]  }
0xc7: {  	[tilespmem:v2+s23+$0x0] =	vst.idx.add.s32.msk $0xffff, v1;
	v2 =	vshrl.u32 v7, $0xF  }
0xc8: {  	v8 =	vshrl.u32 v8, $0xF;
	[tilespmem:v13+s23+$0x0] =	vst.idx.add.s32.msk $0xffff, v1  }
0xc9: {  	v6 =	vshrl.u32 v6, $0xF;
	[tilespmem:v3+s23+$0x0] =	vst.idx.add.s32.msk $0xffff, v1  }
0xca: {  	[tilespmem:v62+s23+$0x0] =	vst.idx.add.s32.msk $0xffff, v1  }
0xcb: {  	[tilespmem:v63+s23+$0x0] =	vst.idx.add.s32.msk $0xffff, v1;
	v3 =	vshrl.u32 v5, $0xF  }
0xcc: {  	[tilespmem:v2+s23+$0x0] =	vst.idx.add.s32.msk $0xffff, v1;
	v2 =	vshrl.u32 v61, $0xF  }
0xcd: {  	[tilespmem:v8+s23+$0x0] =	vst.idx.add.s32.msk $0xffff, v1  }
0xce: {  	[tilespmem:v6+s23+$0x0] =	vst.idx.add.s32.msk $0xffff, v1  }
0xcf: {  	s31 =	simm.s32 $0x0;
	[tilespmem:v4+s23+$0x0] =	vst.idx.add.s32.msk $0xffff, v1  }
.LBB2_8:
0xd0: {  	s31 =	sadd.s32 $0x100, s31;
	[tilespmem:v3+s23+$0x0] =	vst.idx.add.s32.msk $0xffff, v1;
	s30 =	sadd.s32 $0x100, s30  }
0xd1: {  	p0 =	slt.u32 s31, $0x3F00;
	[tilespmem:v2+s23+$0x0] =	vst.idx.add.s32.msk $0xffff, v1  }
0xd2: {  	v2 =	vld [tilespmem:s30+$0x10]  }
0xd3: {  	v3 =	vld [tilespmem:s30+$0x0]  }
0xd4: {  	v4 =	vld [tilespmem:s30+$0xFFFFFF80]  }
0xd5: {  	v5 =	vld [tilespmem:s30+$0x70]  }
0xd6: {  	v6 =	vld [tilespmem:s30+$0xFFFFFFA0]  }
0xd7: {  	v7 =	vld [tilespmem:s30+$0xFFFFFFB0]  }
0xd8: {  	v8 =	vld [tilespmem:s30+$0xFFFFFFC0]  }
0xd9: {  	v4 =	vshrl.u32 v4, $0xF;
	v9 =	vld [tilespmem:s30+$0x60]  }
0xda: {  	v10 =	vld [tilespmem:s30+$0x50];
	v5 =	vshrl.u32 v5, $0xF  }
0xdb: {  	v11 =	vld [tilespmem:s30+$0x40]  }
0xdc: {  	v12 =	vld [tilespmem:s30+$0x30]  }
0xdd: {  	v13 =	vld [tilespmem:s30+$0x20]  }
0xde: {  	[tilespmem:v4+s23+$0x0] =	vst.idx.add.s32.msk $0xffff, v1;
	v4 =	vshrl.u32 v9, $0xF  }
0xdf: {  	v9 =	vshrl.u32 v10, $0xF;
	[tilespmem:v5+s23+$0x0] =	vst.idx.add.s32.msk $0xffff, v1  }
0xe0: {  	v5 =	vld [tilespmem:s30+$0xFFFFFFF0];
	v10 =	vshrl.u32 v11, $0xF  }
0xe1: {  	v11 =	vld [tilespmem:s30+$0xFFFFFFE0]  }
0xe2: {  	v14 =	vld [tilespmem:s30+$0xFFFFFFD0];
	v13 =	vshrl.u32 v13, $0xF  }
0xe3: {  	v15 =	vshrl.u32 v2, $0xF;
	[tilespmem:v4+s23+$0x0] =	vst.idx.add.s32.msk $0xffff, v1  }
0xe4: {  	v3 =	vshrl.u32 v3, $0xF;
	[tilespmem:v9+s23+$0x0] =	vst.idx.add.s32.msk $0xffff, v1  }
0xe5: {  	v4 =	vshrl.u32 v5, $0xF;
	[tilespmem:v10+s23+$0x0] =	vst.idx.add.s32.msk $0xffff, v1  }
0xe6: {  	v9 =	vshrl.u32 v12, $0xF;
	v5 =	vld [tilespmem:s30+$0xFFFFFF90];
	v2 =	vshrl.u32 v11, $0xF  }
0xe7: {  	v10 =	vshrl.u32 v14, $0xF;
	[tilespmem:v13+s23+$0x0] =	vst.idx.add.s32.msk $0xffff, v1  }
0xe8: {  	v8 =	vshrl.u32 v8, $0xF;
	[tilespmem:v15+s23+$0x0] =	vst.idx.add.s32.msk $0xffff, v1  }
0xe9: {  	v7 =	vshrl.u32 v7, $0xF;
	[tilespmem:v3+s23+$0x0] =	vst.idx.add.s32.msk $0xffff, v1  }
0xea: {  	v6 =	vshrl.u32 v6, $0xF;
	[tilespmem:v4+s23+$0x0] =	vst.idx.add.s32.msk $0xffff, v1  }
.Ltmp3:
0xeb: {  	v3 =	vshrl.u32 v5, $0xF;
	[tilespmem:v9+s23+$0x0] =	vst.idx.add.s32.msk $0xffff, v1;
	(pc) =	sbr.rel @p0 .LBB2_8-.Ltmp3, $4  }
0xec: {  	[tilespmem:v10+s23+$0x0] =	vst.idx.add.s32.msk $0xffff, v1  }
0xed: {  	[tilespmem:v8+s23+$0x0] =	vst.idx.add.s32.msk $0xffff, v1  }
0xee: {  	[tilespmem:v7+s23+$0x0] =	vst.idx.add.s32.msk $0xffff, v1  }
0xef: {  	[tilespmem:v6+s23+$0x0] =	vst.idx.add.s32.msk $0xffff, v1  }
0xf0: {  	_ =	sdelay $0x3  }
0xf1: {  	[tilespmem:v3+s23+$0x0] =	vst.idx.add.s32.msk $0xffff, v1  }
0xf2: {  	[tilespmem:v2+s23+$0x0] =	vst.idx.add.s32.msk $0xffff, v1  }
0xf3: {  	[tilespmem:s2], [sflag:$0x1] =	stream.linear.gather [hbm4b:s7+s2], $0x4000, $0x38;
	[tilespmem:$0x18000] =	vst v63  }
0xf4: {  	_ =	swait.ge [sflag:s24], $0x4000  }
0xf5: {  	[sflag:s24] =	ssyncset.done $0x0  }
0xf6: {  	s30 =	simm.s32 $0x4080;
	[sflag:s24] =	ssyncadd.s32 $0xFFFFC000  }
0xf7: {  	v2 =	vld [tilespmem:s30+$0x10]  }
0xf8: {  	v3 =	vld [tilespmem:s30+$0x0]  }
0xf9: {  	v4 =	vld [tilespmem:s30+$0xFFFFFF80]  }
0xfa: {  	v5 =	vld [tilespmem:s30+$0x70]  }
0xfb: {  	v6 =	vld [tilespmem:s30+$0xFFFFFFA0]  }
0xfc: {  	v7 =	vld [tilespmem:s30+$0xFFFFFFB0]  }
0xfd: {  	v8 =	vld [tilespmem:s30+$0xFFFFFFC0]  }
0xfe: {  	v10 =	vld [tilespmem:s30+$0x50]  }
0xff: {  	v11 =	vld [tilespmem:s30+$0x40];
	v4 =	vshrl.u32 v4, $0xF  }
0x100: {  	v9 =	vld [tilespmem:s30+$0x60];
	v5 =	vshrl.u32 v5, $0xF  }
0x101: {  	v12 =	vld [tilespmem:s30+$0x30]  }
0x102: {  	v13 =	vld [tilespmem:s30+$0x20]  }
0x103: {  	v14 =	vld [tilespmem:s30+$0xFFFFFFD0];
	v59 =	vshrl.u32 v10, $0xF  }
0x104: {  	v60 =	vshrl.u32 v11, $0xF;
	[tilespmem:v4+s23+$0x0] =	vst.idx.add.s32.msk $0xffff, v1  }
0x105: {  	v4 =	vshrl.u32 v9, $0xF;
	[tilespmem:v5+s23+$0x0] =	vst.idx.add.s32.msk $0xffff, v1  }
0x106: {  	v5 =	vld [tilespmem:s30+$0xFFFFFFF0]  }
0x107: {  	v61 =	vld [tilespmem:s30+$0xFFFFFFE0];
	v2 =	vshrl.u32 v2, $0xF  }
0x108: {  	v13 =	vshrl.u32 v13, $0xF;
	[tilespmem:v59+s23+$0x0] =	vst.idx.add.s32.msk $0xffff, v1  }
0x109: {  	v3 =	vshrl.u32 v3, $0xF;
	[tilespmem:v60+s23+$0x0] =	vst.idx.add.s32.msk $0xffff, v1  }
0x10a: {  	v62 =	vshrl.u32 v12, $0xF;
	[tilespmem:v4+s23+$0x0] =	vst.idx.add.s32.msk $0xffff, v1  }
0x10b: {  	v63 =	vshrl.u32 v14, $0xF;
	v4 =	vshrl.u32 v5, $0xF;
	v5 =	vld [tilespmem:s30+$0xFFFFFF90]  }
0x10c: {  	[tilespmem:v2+s23+$0x0] =	vst.idx.add.s32.msk $0xffff, v1;
	v2 =	vshrl.u32 v7, $0xF  }
0x10d: {  	v8 =	vshrl.u32 v8, $0xF;
	[tilespmem:v13+s23+$0x0] =	vst.idx.add.s32.msk $0xffff, v1  }
0x10e: {  	v6 =	vshrl.u32 v6, $0xF;
	[tilespmem:v3+s23+$0x0] =	vst.idx.add.s32.msk $0xffff, v1  }
0x10f: {  	[tilespmem:v62+s23+$0x0] =	vst.idx.add.s32.msk $0xffff, v1  }
0x110: {  	[tilespmem:v63+s23+$0x0] =	vst.idx.add.s32.msk $0xffff, v1;
	v3 =	vshrl.u32 v5, $0xF  }
0x111: {  	[tilespmem:v2+s23+$0x0] =	vst.idx.add.s32.msk $0xffff, v1;
	v2 =	vshrl.u32 v61, $0xF  }
0x112: {  	[tilespmem:v8+s23+$0x0] =	vst.idx.add.s32.msk $0xffff, v1  }
0x113: {  	[tilespmem:v6+s23+$0x0] =	vst.idx.add.s32.msk $0xffff, v1  }
0x114: {  	s31 =	simm.s32 $0x0;
	[tilespmem:v4+s23+$0x0] =	vst.idx.add.s32.msk $0xffff, v1  }
.LBB2_10:
0x115: {  	s31 =	sadd.s32 $0x100, s31;
	[tilespmem:v3+s23+$0x0] =	vst.idx.add.s32.msk $0xffff, v1;
	s30 =	sadd.s32 $0x100, s30  }
0x116: {  	p0 =	slt.u32 s31, $0x3F00;
	[tilespmem:v2+s23+$0x0] =	vst.idx.add.s32.msk $0xffff, v1  }
0x117: {  	v2 =	vld [tilespmem:s30+$0x10]  }
0x118: {  	v3 =	vld [tilespmem:s30+$0x0]  }
0x119: {  	v4 =	vld [tilespmem:s30+$0xFFFFFF80]  }
0x11a: {  	v5 =	vld [tilespmem:s30+$0x70]  }
0x11b: {  	v6 =	vld [tilespmem:s30+$0xFFFFFFA0]  }
0x11c: {  	v7 =	vld [tilespmem:s30+$0xFFFFFFB0]  }
0x11d: {  	v8 =	vld [tilespmem:s30+$0xFFFFFFC0]  }
0x11e: {  	v4 =	vshrl.u32 v4, $0xF;
	v9 =	vld [tilespmem:s30+$0x60]  }
0x11f: {  	v10 =	vld [tilespmem:s30+$0x50];
	v5 =	vshrl.u32 v5, $0xF  }
0x120: {  	v11 =	vld [tilespmem:s30+$0x40]  }
0x121: {  	v12 =	vld [tilespmem:s30+$0x30]  }
0x122: {  	v13 =	vld [tilespmem:s30+$0x20]  }
0x123: {  	[tilespmem:v4+s23+$0x0] =	vst.idx.add.s32.msk $0xffff, v1;
	v4 =	vshrl.u32 v9, $0xF  }
0x124: {  	v9 =	vshrl.u32 v10, $0xF;
	[tilespmem:v5+s23+$0x0] =	vst.idx.add.s32.msk $0xffff, v1  }
0x125: {  	v5 =	vld [tilespmem:s30+$0xFFFFFFF0];
	v10 =	vshrl.u32 v11, $0xF  }
0x126: {  	v11 =	vld [tilespmem:s30+$0xFFFFFFE0]  }
0x127: {  	v14 =	vld [tilespmem:s30+$0xFFFFFFD0];
	v13 =	vshrl.u32 v13, $0xF  }
0x128: {  	v15 =	vshrl.u32 v2, $0xF;
	[tilespmem:v4+s23+$0x0] =	vst.idx.add.s32.msk $0xffff, v1  }
0x129: {  	v3 =	vshrl.u32 v3, $0xF;
	[tilespmem:v9+s23+$0x0] =	vst.idx.add.s32.msk $0xffff, v1  }
0x12a: {  	v4 =	vshrl.u32 v5, $0xF;
	[tilespmem:v10+s23+$0x0] =	vst.idx.add.s32.msk $0xffff, v1  }
0x12b: {  	v9 =	vshrl.u32 v12, $0xF;
	v5 =	vld [tilespmem:s30+$0xFFFFFF90];
	v2 =	vshrl.u32 v11, $0xF  }
0x12c: {  	v10 =	vshrl.u32 v14, $0xF;
	[tilespmem:v13+s23+$0x0] =	vst.idx.add.s32.msk $0xffff, v1  }
0x12d: {  	v8 =	vshrl.u32 v8, $0xF;
	[tilespmem:v15+s23+$0x0] =	vst.idx.add.s32.msk $0xffff, v1  }
0x12e: {  	v7 =	vshrl.u32 v7, $0xF;
	[tilespmem:v3+s23+$0x0] =	vst.idx.add.s32.msk $0xffff, v1  }
0x12f: {  	v6 =	vshrl.u32 v6, $0xF;
	[tilespmem:v4+s23+$0x0] =	vst.idx.add.s32.msk $0xffff, v1  }
.Ltmp4:
0x130: {  	v3 =	vshrl.u32 v5, $0xF;
	[tilespmem:v9+s23+$0x0] =	vst.idx.add.s32.msk $0xffff, v1;
	(pc) =	sbr.rel @p0 .LBB2_10-.Ltmp4, $4  }
0x131: {  	[tilespmem:v10+s23+$0x0] =	vst.idx.add.s32.msk $0xffff, v1  }
0x132: {  	[tilespmem:v8+s23+$0x0] =	vst.idx.add.s32.msk $0xffff, v1  }
0x133: {  	[tilespmem:v7+s23+$0x0] =	vst.idx.add.s32.msk $0xffff, v1  }
0x134: {  	[tilespmem:v6+s23+$0x0] =	vst.idx.add.s32.msk $0xffff, v1  }
0x135: {  	_ =	sdelay $0x3  }
0x136: {  	[tilespmem:v3+s23+$0x0] =	vst.idx.add.s32.msk $0xffff, v1  }
0x137: {  	[tilespmem:v2+s23+$0x0] =	vst.idx.add.s32.msk $0xffff, v1  }
0x138: {  	[tilespmem:s21], [sflag:$0x2] =	stream.linear.gather [hbm4b:s8+s2], $0x4000, $0x38;
	[tilespmem:$0x18000] =	vst v63  }
0x139: {  	_ =	swait.ge [sflag:s22], $0x4000  }
0x13a: {  	[sflag:s22] =	ssyncset.done $0x0  }
0x13b: {  	s30 =	simm.s32 $0x80;
	[sflag:s22] =	ssyncadd.s32 $0xFFFFC000  }
0x13c: {  	v2 =	vld [tilespmem:s30+$0x10]  }
0x13d: {  	v3 =	vld [tilespmem:s30+$0x0]  }
0x13e: {  	v4 =	vld [tilespmem:s30+$0xFFFFFF80]  }
0x13f: {  	v5 =	vld [tilespmem:s30+$0x70]  }
0x140: {  	v6 =	vld [tilespmem:s30+$0xFFFFFFA0]  }
0x141: {  	v7 =	vld [tilespmem:s30+$0xFFFFFFB0]  }
0x142: {  	v8 =	vld [tilespmem:s30+$0xFFFFFFC0]  }
0x143: {  	v10 =	vld [tilespmem:s30+$0x50]  }
0x144: {  	v11 =	vld [tilespmem:s30+$0x40];
	v4 =	vshrl.u32 v4, $0xF  }
0x145: {  	v9 =	vld [tilespmem:s30+$0x60];
	v5 =	vshrl.u32 v5, $0xF  }
0x146: {  	v12 =	vld [tilespmem:s30+$0x30]  }
0x147: {  	v13 =	vld [tilespmem:s30+$0x20]  }
0x148: {  	v14 =	vld [tilespmem:s30+$0xFFFFFFD0];
	v59 =	vshrl.u32 v10, $0xF  }
0x149: {  	v60 =	vshrl.u32 v11, $0xF;
	[tilespmem:v4+s23+$0x0] =	vst.idx.add.s32.msk $0xffff, v1  }
0x14a: {  	v4 =	vshrl.u32 v9, $0xF;
	[tilespmem:v5+s23+$0x0] =	vst.idx.add.s32.msk $0xffff, v1  }
0x14b: {  	v5 =	vld [tilespmem:s30+$0xFFFFFFF0]  }
0x14c: {  	v61 =	vld [tilespmem:s30+$0xFFFFFFE0];
	v2 =	vshrl.u32 v2, $0xF  }
0x14d: {  	v13 =	vshrl.u32 v13, $0xF;
	[tilespmem:v59+s23+$0x0] =	vst.idx.add.s32.msk $0xffff, v1  }
0x14e: {  	v3 =	vshrl.u32 v3, $0xF;
	[tilespmem:v60+s23+$0x0] =	vst.idx.add.s32.msk $0xffff, v1  }
0x14f: {  	v62 =	vshrl.u32 v12, $0xF;
	[tilespmem:v4+s23+$0x0] =	vst.idx.add.s32.msk $0xffff, v1  }
0x150: {  	v63 =	vshrl.u32 v14, $0xF;
	v4 =	vshrl.u32 v5, $0xF;
	v5 =	vld [tilespmem:s30+$0xFFFFFF90]  }
0x151: {  	[tilespmem:v2+s23+$0x0] =	vst.idx.add.s32.msk $0xffff, v1;
	v2 =	vshrl.u32 v7, $0xF  }
0x152: {  	v8 =	vshrl.u32 v8, $0xF;
	[tilespmem:v13+s23+$0x0] =	vst.idx.add.s32.msk $0xffff, v1  }
0x153: {  	v6 =	vshrl.u32 v6, $0xF;
	[tilespmem:v3+s23+$0x0] =	vst.idx.add.s32.msk $0xffff, v1  }
0x154: {  	[tilespmem:v62+s23+$0x0] =	vst.idx.add.s32.msk $0xffff, v1  }
0x155: {  	[tilespmem:v63+s23+$0x0] =	vst.idx.add.s32.msk $0xffff, v1;
	v3 =	vshrl.u32 v5, $0xF  }
0x156: {  	[tilespmem:v2+s23+$0x0] =	vst.idx.add.s32.msk $0xffff, v1;
	v2 =	vshrl.u32 v61, $0xF  }
0x157: {  	[tilespmem:v8+s23+$0x0] =	vst.idx.add.s32.msk $0xffff, v1  }
0x158: {  	[tilespmem:v6+s23+$0x0] =	vst.idx.add.s32.msk $0xffff, v1  }
0x159: {  	s31 =	simm.s32 $0x0;
	[tilespmem:v4+s23+$0x0] =	vst.idx.add.s32.msk $0xffff, v1  }
.LBB2_12:
0x15a: {  	s31 =	sadd.s32 $0x100, s31;
	[tilespmem:v3+s23+$0x0] =	vst.idx.add.s32.msk $0xffff, v1;
	s30 =	sadd.s32 $0x100, s30  }
0x15b: {  	p0 =	slt.u32 s31, $0x3F00;
	[tilespmem:v2+s23+$0x0] =	vst.idx.add.s32.msk $0xffff, v1  }
0x15c: {  	v2 =	vld [tilespmem:s30+$0x10]  }
0x15d: {  	v3 =	vld [tilespmem:s30+$0x0]  }
0x15e: {  	v4 =	vld [tilespmem:s30+$0xFFFFFF80]  }
0x15f: {  	v5 =	vld [tilespmem:s30+$0x70]  }
0x160: {  	v6 =	vld [tilespmem:s30+$0xFFFFFFA0]  }
0x161: {  	v7 =	vld [tilespmem:s30+$0xFFFFFFB0]  }
0x162: {  	v8 =	vld [tilespmem:s30+$0xFFFFFFC0]  }
0x163: {  	v4 =	vshrl.u32 v4, $0xF;
	v9 =	vld [tilespmem:s30+$0x60]  }
0x164: {  	v10 =	vld [tilespmem:s30+$0x50];
	v5 =	vshrl.u32 v5, $0xF  }
0x165: {  	v11 =	vld [tilespmem:s30+$0x40]  }
0x166: {  	v12 =	vld [tilespmem:s30+$0x30]  }
0x167: {  	v13 =	vld [tilespmem:s30+$0x20]  }
0x168: {  	[tilespmem:v4+s23+$0x0] =	vst.idx.add.s32.msk $0xffff, v1;
	v4 =	vshrl.u32 v9, $0xF  }
0x169: {  	v9 =	vshrl.u32 v10, $0xF;
	[tilespmem:v5+s23+$0x0] =	vst.idx.add.s32.msk $0xffff, v1  }
0x16a: {  	v5 =	vld [tilespmem:s30+$0xFFFFFFF0];
	v10 =	vshrl.u32 v11, $0xF  }
0x16b: {  	v11 =	vld [tilespmem:s30+$0xFFFFFFE0]  }
0x16c: {  	v14 =	vld [tilespmem:s30+$0xFFFFFFD0];
	v13 =	vshrl.u32 v13, $0xF  }
0x16d: {  	v15 =	vshrl.u32 v2, $0xF;
	[tilespmem:v4+s23+$0x0] =	vst.idx.add.s32.msk $0xffff, v1  }
0x16e: {  	v3 =	vshrl.u32 v3, $0xF;
	[tilespmem:v9+s23+$0x0] =	vst.idx.add.s32.msk $0xffff, v1  }
0x16f: {  	v4 =	vshrl.u32 v5, $0xF;
	[tilespmem:v10+s23+$0x0] =	vst.idx.add.s32.msk $0xffff, v1  }
0x170: {  	v9 =	vshrl.u32 v12, $0xF;
	v5 =	vld [tilespmem:s30+$0xFFFFFF90];
	v2 =	vshrl.u32 v11, $0xF  }
0x171: {  	v10 =	vshrl.u32 v14, $0xF;
	[tilespmem:v13+s23+$0x0] =	vst.idx.add.s32.msk $0xffff, v1  }
0x172: {  	v8 =	vshrl.u32 v8, $0xF;
	[tilespmem:v15+s23+$0x0] =	vst.idx.add.s32.msk $0xffff, v1  }
0x173: {  	v7 =	vshrl.u32 v7, $0xF;
	[tilespmem:v3+s23+$0x0] =	vst.idx.add.s32.msk $0xffff, v1  }
0x174: {  	v6 =	vshrl.u32 v6, $0xF;
	[tilespmem:v4+s23+$0x0] =	vst.idx.add.s32.msk $0xffff, v1  }
.Ltmp5:
0x175: {  	v3 =	vshrl.u32 v5, $0xF;
	[tilespmem:v9+s23+$0x0] =	vst.idx.add.s32.msk $0xffff, v1;
	(pc) =	sbr.rel @p0 .LBB2_12-.Ltmp5, $4  }
0x176: {  	[tilespmem:v10+s23+$0x0] =	vst.idx.add.s32.msk $0xffff, v1  }
0x177: {  	[tilespmem:v8+s23+$0x0] =	vst.idx.add.s32.msk $0xffff, v1  }
0x178: {  	[tilespmem:v7+s23+$0x0] =	vst.idx.add.s32.msk $0xffff, v1  }
0x179: {  	[tilespmem:v6+s23+$0x0] =	vst.idx.add.s32.msk $0xffff, v1  }
0x17a: {  	_ =	sdelay $0x3  }
0x17b: {  	[tilespmem:v3+s23+$0x0] =	vst.idx.add.s32.msk $0xffff, v1  }
0x17c: {  	[tilespmem:v2+s23+$0x0] =	vst.idx.add.s32.msk $0xffff, v1  }
0x17d: {  	[tilespmem:s2], [sflag:$0x1] =	stream.linear.gather [hbm4b:s9+s2], $0x4000, $0x38;
	[tilespmem:$0x18000] =	vst v63  }
0x17e: {  	_ =	swait.ge [sflag:s24], $0x4000  }
0x17f: {  	[sflag:s24] =	ssyncset.done $0x0  }
0x180: {  	s30 =	simm.s32 $0x4080;
	[sflag:s24] =	ssyncadd.s32 $0xFFFFC000  }
0x181: {  	v2 =	vld [tilespmem:s30+$0x10]  }
0x182: {  	v3 =	vld [tilespmem:s30+$0x0]  }
0x183: {  	v4 =	vld [tilespmem:s30+$0xFFFFFF80]  }
0x184: {  	v5 =	vld [tilespmem:s30+$0x70]  }
0x185: {  	v6 =	vld [tilespmem:s30+$0xFFFFFFA0]  }
0x186: {  	v7 =	vld [tilespmem:s30+$0xFFFFFFB0]  }
0x187: {  	v8 =	vld [tilespmem:s30+$0xFFFFFFC0]  }
0x188: {  	v10 =	vld [tilespmem:s30+$0x50]  }
0x189: {  	v11 =	vld [tilespmem:s30+$0x40];
	v4 =	vshrl.u32 v4, $0xF  }
0x18a: {  	v9 =	vld [tilespmem:s30+$0x60];
	v5 =	vshrl.u32 v5, $0xF  }
0x18b: {  	v12 =	vld [tilespmem:s30+$0x30]  }
0x18c: {  	v13 =	vld [tilespmem:s30+$0x20]  }
0x18d: {  	v14 =	vld [tilespmem:s30+$0xFFFFFFD0];
	v59 =	vshrl.u32 v10, $0xF  }
0x18e: {  	v60 =	vshrl.u32 v11, $0xF;
	[tilespmem:v4+s23+$0x0] =	vst.idx.add.s32.msk $0xffff, v1  }
0x18f: {  	v4 =	vshrl.u32 v9, $0xF;
	[tilespmem:v5+s23+$0x0] =	vst.idx.add.s32.msk $0xffff, v1  }
0x190: {  	v5 =	vld [tilespmem:s30+$0xFFFFFFF0]  }
0x191: {  	v61 =	vld [tilespmem:s30+$0xFFFFFFE0];
	v2 =	vshrl.u32 v2, $0xF  }
0x192: {  	v13 =	vshrl.u32 v13, $0xF;
	[tilespmem:v59+s23+$0x0] =	vst.idx.add.s32.msk $0xffff, v1  }
0x193: {  	v3 =	vshrl.u32 v3, $0xF;
	[tilespmem:v60+s23+$0x0] =	vst.idx.add.s32.msk $0xffff, v1  }
0x194: {  	v62 =	vshrl.u32 v12, $0xF;
	[tilespmem:v4+s23+$0x0] =	vst.idx.add.s32.msk $0xffff, v1  }
0x195: {  	v63 =	vshrl.u32 v14, $0xF;
	v4 =	vshrl.u32 v5, $0xF;
	v5 =	vld [tilespmem:s30+$0xFFFFFF90]  }
0x196: {  	[tilespmem:v2+s23+$0x0] =	vst.idx.add.s32.msk $0xffff, v1;
	v2 =	vshrl.u32 v7, $0xF  }
0x197: {  	v8 =	vshrl.u32 v8, $0xF;
	[tilespmem:v13+s23+$0x0] =	vst.idx.add.s32.msk $0xffff, v1  }
0x198: {  	v6 =	vshrl.u32 v6, $0xF;
	[tilespmem:v3+s23+$0x0] =	vst.idx.add.s32.msk $0xffff, v1  }
0x199: {  	[tilespmem:v62+s23+$0x0] =	vst.idx.add.s32.msk $0xffff, v1  }
0x19a: {  	[tilespmem:v63+s23+$0x0] =	vst.idx.add.s32.msk $0xffff, v1;
	v3 =	vshrl.u32 v5, $0xF  }
0x19b: {  	[tilespmem:v2+s23+$0x0] =	vst.idx.add.s32.msk $0xffff, v1;
	v2 =	vshrl.u32 v61, $0xF  }
0x19c: {  	[tilespmem:v8+s23+$0x0] =	vst.idx.add.s32.msk $0xffff, v1  }
0x19d: {  	[tilespmem:v6+s23+$0x0] =	vst.idx.add.s32.msk $0xffff, v1  }
0x19e: {  	s31 =	simm.s32 $0x0;
	[tilespmem:v4+s23+$0x0] =	vst.idx.add.s32.msk $0xffff, v1  }
.LBB2_14:
0x19f: {  	s31 =	sadd.s32 $0x100, s31;
	[tilespmem:v3+s23+$0x0] =	vst.idx.add.s32.msk $0xffff, v1;
	s30 =	sadd.s32 $0x100, s30  }
0x1a0: {  	p0 =	slt.u32 s31, $0x3F00;
	[tilespmem:v2+s23+$0x0] =	vst.idx.add.s32.msk $0xffff, v1  }
0x1a1: {  	v2 =	vld [tilespmem:s30+$0x10]  }
0x1a2: {  	v3 =	vld [tilespmem:s30+$0x0]  }
0x1a3: {  	v4 =	vld [tilespmem:s30+$0xFFFFFF80]  }
0x1a4: {  	v5 =	vld [tilespmem:s30+$0x70]  }
0x1a5: {  	v6 =	vld [tilespmem:s30+$0xFFFFFFA0]  }
0x1a6: {  	v7 =	vld [tilespmem:s30+$0xFFFFFFB0]  }
0x1a7: {  	v8 =	vld [tilespmem:s30+$0xFFFFFFC0]  }
0x1a8: {  	v4 =	vshrl.u32 v4, $0xF;
	v9 =	vld [tilespmem:s30+$0x60]  }
0x1a9: {  	v10 =	vld [tilespmem:s30+$0x50];
	v5 =	vshrl.u32 v5, $0xF  }
0x1aa: {  	v11 =	vld [tilespmem:s30+$0x40]  }
0x1ab: {  	v12 =	vld [tilespmem:s30+$0x30]  }
0x1ac: {  	v13 =	vld [tilespmem:s30+$0x20]  }
0x1ad: {  	[tilespmem:v4+s23+$0x0] =	vst.idx.add.s32.msk $0xffff, v1;
	v4 =	vshrl.u32 v9, $0xF  }
0x1ae: {  	v9 =	vshrl.u32 v10, $0xF;
	[tilespmem:v5+s23+$0x0] =	vst.idx.add.s32.msk $0xffff, v1  }
0x1af: {  	v5 =	vld [tilespmem:s30+$0xFFFFFFF0];
	v10 =	vshrl.u32 v11, $0xF  }
0x1b0: {  	v11 =	vld [tilespmem:s30+$0xFFFFFFE0]  }
0x1b1: {  	v14 =	vld [tilespmem:s30+$0xFFFFFFD0];
	v13 =	vshrl.u32 v13, $0xF  }
0x1b2: {  	v15 =	vshrl.u32 v2, $0xF;
	[tilespmem:v4+s23+$0x0] =	vst.idx.add.s32.msk $0xffff, v1  }
0x1b3: {  	v3 =	vshrl.u32 v3, $0xF;
	[tilespmem:v9+s23+$0x0] =	vst.idx.add.s32.msk $0xffff, v1  }
0x1b4: {  	v4 =	vshrl.u32 v5, $0xF;
	[tilespmem:v10+s23+$0x0] =	vst.idx.add.s32.msk $0xffff, v1  }
0x1b5: {  	v9 =	vshrl.u32 v12, $0xF;
	v5 =	vld [tilespmem:s30+$0xFFFFFF90];
	v2 =	vshrl.u32 v11, $0xF  }
0x1b6: {  	v10 =	vshrl.u32 v14, $0xF;
	[tilespmem:v13+s23+$0x0] =	vst.idx.add.s32.msk $0xffff, v1  }
0x1b7: {  	v8 =	vshrl.u32 v8, $0xF;
	[tilespmem:v15+s23+$0x0] =	vst.idx.add.s32.msk $0xffff, v1  }
0x1b8: {  	v7 =	vshrl.u32 v7, $0xF;
	[tilespmem:v3+s23+$0x0] =	vst.idx.add.s32.msk $0xffff, v1  }
0x1b9: {  	v6 =	vshrl.u32 v6, $0xF;
	[tilespmem:v4+s23+$0x0] =	vst.idx.add.s32.msk $0xffff, v1  }
.Ltmp6:
0x1ba: {  	v3 =	vshrl.u32 v5, $0xF;
	[tilespmem:v9+s23+$0x0] =	vst.idx.add.s32.msk $0xffff, v1;
	(pc) =	sbr.rel @p0 .LBB2_14-.Ltmp6, $4  }
0x1bb: {  	[tilespmem:v10+s23+$0x0] =	vst.idx.add.s32.msk $0xffff, v1  }
0x1bc: {  	[tilespmem:v8+s23+$0x0] =	vst.idx.add.s32.msk $0xffff, v1  }
0x1bd: {  	[tilespmem:v7+s23+$0x0] =	vst.idx.add.s32.msk $0xffff, v1  }
0x1be: {  	[tilespmem:v6+s23+$0x0] =	vst.idx.add.s32.msk $0xffff, v1  }
0x1bf: {  	_ =	sdelay $0x3  }
0x1c0: {  	[tilespmem:v3+s23+$0x0] =	vst.idx.add.s32.msk $0xffff, v1  }
0x1c1: {  	[tilespmem:v2+s23+$0x0] =	vst.idx.add.s32.msk $0xffff, v1  }
0x1c2: {  	[tilespmem:s21], [sflag:$0x2] =	stream.linear.gather [hbm4b:s10+s2], $0x4000, $0x38;
	[tilespmem:$0x18000] =	vst v63  }
0x1c3: {  	_ =	swait.ge [sflag:s22], $0x4000  }
0x1c4: {  	[sflag:s22] =	ssyncset.done $0x0  }
0x1c5: {  	s30 =	simm.s32 $0x80;
	[sflag:s22] =	ssyncadd.s32 $0xFFFFC000  }
0x1c6: {  	v2 =	vld [tilespmem:s30+$0x10]  }
0x1c7: {  	v3 =	vld [tilespmem:s30+$0x0]  }
0x1c8: {  	v4 =	vld [tilespmem:s30+$0xFFFFFF80]  }
0x1c9: {  	v5 =	vld [tilespmem:s30+$0x70]  }
0x1ca: {  	v6 =	vld [tilespmem:s30+$0xFFFFFFA0]  }
0x1cb: {  	v7 =	vld [tilespmem:s30+$0xFFFFFFB0]  }
0x1cc: {  	v8 =	vld [tilespmem:s30+$0xFFFFFFC0]  }
0x1cd: {  	v10 =	vld [tilespmem:s30+$0x50]  }
0x1ce: {  	v11 =	vld [tilespmem:s30+$0x40];
	v4 =	vshrl.u32 v4, $0xF  }
0x1cf: {  	v9 =	vld [tilespmem:s30+$0x60];
	v5 =	vshrl.u32 v5, $0xF  }
0x1d0: {  	v12 =	vld [tilespmem:s30+$0x30]  }
0x1d1: {  	v13 =	vld [tilespmem:s30+$0x20]  }
0x1d2: {  	v14 =	vld [tilespmem:s30+$0xFFFFFFD0];
	v59 =	vshrl.u32 v10, $0xF  }
0x1d3: {  	v60 =	vshrl.u32 v11, $0xF;
	[tilespmem:v4+s23+$0x0] =	vst.idx.add.s32.msk $0xffff, v1  }
0x1d4: {  	v4 =	vshrl.u32 v9, $0xF;
	[tilespmem:v5+s23+$0x0] =	vst.idx.add.s32.msk $0xffff, v1  }
0x1d5: {  	v5 =	vld [tilespmem:s30+$0xFFFFFFF0]  }
0x1d6: {  	v61 =	vld [tilespmem:s30+$0xFFFFFFE0];
	v2 =	vshrl.u32 v2, $0xF  }
0x1d7: {  	v13 =	vshrl.u32 v13, $0xF;
	[tilespmem:v59+s23+$0x0] =	vst.idx.add.s32.msk $0xffff, v1  }
0x1d8: {  	v3 =	vshrl.u32 v3, $0xF;
	[tilespmem:v60+s23+$0x0] =	vst.idx.add.s32.msk $0xffff, v1  }
0x1d9: {  	v62 =	vshrl.u32 v12, $0xF;
	[tilespmem:v4+s23+$0x0] =	vst.idx.add.s32.msk $0xffff, v1  }
0x1da: {  	v63 =	vshrl.u32 v14, $0xF;
	v4 =	vshrl.u32 v5, $0xF;
	v5 =	vld [tilespmem:s30+$0xFFFFFF90]  }
0x1db: {  	[tilespmem:v2+s23+$0x0] =	vst.idx.add.s32.msk $0xffff, v1;
	v2 =	vshrl.u32 v7, $0xF  }
0x1dc: {  	v8 =	vshrl.u32 v8, $0xF;
	[tilespmem:v13+s23+$0x0] =	vst.idx.add.s32.msk $0xffff, v1  }
0x1dd: {  	v6 =	vshrl.u32 v6, $0xF;
	[tilespmem:v3+s23+$0x0] =	vst.idx.add.s32.msk $0xffff, v1  }
0x1de: {  	[tilespmem:v62+s23+$0x0] =	vst.idx.add.s32.msk $0xffff, v1  }
0x1df: {  	[tilespmem:v63+s23+$0x0] =	vst.idx.add.s32.msk $0xffff, v1;
	v3 =	vshrl.u32 v5, $0xF  }
0x1e0: {  	[tilespmem:v2+s23+$0x0] =	vst.idx.add.s32.msk $0xffff, v1;
	v2 =	vshrl.u32 v61, $0xF  }
0x1e1: {  	[tilespmem:v8+s23+$0x0] =	vst.idx.add.s32.msk $0xffff, v1  }
0x1e2: {  	[tilespmem:v6+s23+$0x0] =	vst.idx.add.s32.msk $0xffff, v1  }
0x1e3: {  	s31 =	simm.s32 $0x0;
	[tilespmem:v4+s23+$0x0] =	vst.idx.add.s32.msk $0xffff, v1  }
.LBB2_16:
0x1e4: {  	s31 =	sadd.s32 $0x100, s31;
	[tilespmem:v3+s23+$0x0] =	vst.idx.add.s32.msk $0xffff, v1;
	s30 =	sadd.s32 $0x100, s30  }
0x1e5: {  	p0 =	slt.u32 s31, $0x3F00;
	[tilespmem:v2+s23+$0x0] =	vst.idx.add.s32.msk $0xffff, v1  }
0x1e6: {  	v2 =	vld [tilespmem:s30+$0x10]  }
0x1e7: {  	v3 =	vld [tilespmem:s30+$0x0]  }
0x1e8: {  	v4 =	vld [tilespmem:s30+$0xFFFFFF80]  }
0x1e9: {  	v5 =	vld [tilespmem:s30+$0x70]  }
0x1ea: {  	v6 =	vld [tilespmem:s30+$0xFFFFFFA0]  }
0x1eb: {  	v7 =	vld [tilespmem:s30+$0xFFFFFFB0]  }
0x1ec: {  	v8 =	vld [tilespmem:s30+$0xFFFFFFC0]  }
0x1ed: {  	v4 =	vshrl.u32 v4, $0xF;
	v9 =	vld [tilespmem:s30+$0x60]  }
0x1ee: {  	v10 =	vld [tilespmem:s30+$0x50];
	v5 =	vshrl.u32 v5, $0xF  }
0x1ef: {  	v11 =	vld [tilespmem:s30+$0x40]  }
0x1f0: {  	v12 =	vld [tilespmem:s30+$0x30]  }
0x1f1: {  	v13 =	vld [tilespmem:s30+$0x20]  }
0x1f2: {  	[tilespmem:v4+s23+$0x0] =	vst.idx.add.s32.msk $0xffff, v1;
	v4 =	vshrl.u32 v9, $0xF  }
0x1f3: {  	v9 =	vshrl.u32 v10, $0xF;
	[tilespmem:v5+s23+$0x0] =	vst.idx.add.s32.msk $0xffff, v1  }
0x1f4: {  	v5 =	vld [tilespmem:s30+$0xFFFFFFF0];
	v10 =	vshrl.u32 v11, $0xF  }
0x1f5: {  	v11 =	vld [tilespmem:s30+$0xFFFFFFE0]  }
0x1f6: {  	v14 =	vld [tilespmem:s30+$0xFFFFFFD0];
	v13 =	vshrl.u32 v13, $0xF  }
0x1f7: {  	v15 =	vshrl.u32 v2, $0xF;
	[tilespmem:v4+s23+$0x0] =	vst.idx.add.s32.msk $0xffff, v1  }
0x1f8: {  	v3 =	vshrl.u32 v3, $0xF;
	[tilespmem:v9+s23+$0x0] =	vst.idx.add.s32.msk $0xffff, v1  }
0x1f9: {  	v4 =	vshrl.u32 v5, $0xF;
	[tilespmem:v10+s23+$0x0] =	vst.idx.add.s32.msk $0xffff, v1  }
0x1fa: {  	v9 =	vshrl.u32 v12, $0xF;
	v5 =	vld [tilespmem:s30+$0xFFFFFF90];
	v2 =	vshrl.u32 v11, $0xF  }
0x1fb: {  	v10 =	vshrl.u32 v14, $0xF;
	[tilespmem:v13+s23+$0x0] =	vst.idx.add.s32.msk $0xffff, v1  }
0x1fc: {  	v8 =	vshrl.u32 v8, $0xF;
	[tilespmem:v15+s23+$0x0] =	vst.idx.add.s32.msk $0xffff, v1  }
0x1fd: {  	v7 =	vshrl.u32 v7, $0xF;
	[tilespmem:v3+s23+$0x0] =	vst.idx.add.s32.msk $0xffff, v1  }
0x1fe: {  	v6 =	vshrl.u32 v6, $0xF;
	[tilespmem:v4+s23+$0x0] =	vst.idx.add.s32.msk $0xffff, v1  }
.Ltmp7:
0x1ff: {  	v3 =	vshrl.u32 v5, $0xF;
	[tilespmem:v9+s23+$0x0] =	vst.idx.add.s32.msk $0xffff, v1;
	(pc) =	sbr.rel @p0 .LBB2_16-.Ltmp7, $4  }
0x200: {  	[tilespmem:v10+s23+$0x0] =	vst.idx.add.s32.msk $0xffff, v1  }
0x201: {  	[tilespmem:v8+s23+$0x0] =	vst.idx.add.s32.msk $0xffff, v1  }
0x202: {  	[tilespmem:v7+s23+$0x0] =	vst.idx.add.s32.msk $0xffff, v1  }
0x203: {  	[tilespmem:v6+s23+$0x0] =	vst.idx.add.s32.msk $0xffff, v1  }
0x204: {  	_ =	sdelay $0x3  }
0x205: {  	[tilespmem:v3+s23+$0x0] =	vst.idx.add.s32.msk $0xffff, v1  }
0x206: {  	[tilespmem:v2+s23+$0x0] =	vst.idx.add.s32.msk $0xffff, v1  }
0x207: {  	[tilespmem:s2], [sflag:$0x1] =	stream.linear.gather [hbm4b:s11+s2], $0x4000, $0x38;
	[tilespmem:$0x18000] =	vst v63  }
0x208: {  	_ =	swait.ge [sflag:s24], $0x4000  }
0x209: {  	[sflag:s24] =	ssyncset.done $0x0  }
0x20a: {  	s30 =	simm.s32 $0x4080;
	[sflag:s24] =	ssyncadd.s32 $0xFFFFC000  }
0x20b: {  	v2 =	vld [tilespmem:s30+$0x10]  }
0x20c: {  	v3 =	vld [tilespmem:s30+$0x0]  }
0x20d: {  	v4 =	vld [tilespmem:s30+$0xFFFFFF80]  }
0x20e: {  	v5 =	vld [tilespmem:s30+$0x70]  }
0x20f: {  	v6 =	vld [tilespmem:s30+$0xFFFFFFA0]  }
0x210: {  	v7 =	vld [tilespmem:s30+$0xFFFFFFB0]  }
0x211: {  	v8 =	vld [tilespmem:s30+$0xFFFFFFC0]  }
0x212: {  	v10 =	vld [tilespmem:s30+$0x50]  }
0x213: {  	v11 =	vld [tilespmem:s30+$0x40];
	v4 =	vshrl.u32 v4, $0xF  }
0x214: {  	v9 =	vld [tilespmem:s30+$0x60];
	v5 =	vshrl.u32 v5, $0xF  }
0x215: {  	v12 =	vld [tilespmem:s30+$0x30]  }
0x216: {  	v13 =	vld [tilespmem:s30+$0x20]  }
0x217: {  	v14 =	vld [tilespmem:s30+$0xFFFFFFD0];
	v59 =	vshrl.u32 v10, $0xF  }
0x218: {  	v60 =	vshrl.u32 v11, $0xF;
	[tilespmem:v4+s23+$0x0] =	vst.idx.add.s32.msk $0xffff, v1  }
0x219: {  	v4 =	vshrl.u32 v9, $0xF;
	[tilespmem:v5+s23+$0x0] =	vst.idx.add.s32.msk $0xffff, v1  }
0x21a: {  	v5 =	vld [tilespmem:s30+$0xFFFFFFF0]  }
0x21b: {  	v61 =	vld [tilespmem:s30+$0xFFFFFFE0];
	v2 =	vshrl.u32 v2, $0xF  }
0x21c: {  	v13 =	vshrl.u32 v13, $0xF;
	[tilespmem:v59+s23+$0x0] =	vst.idx.add.s32.msk $0xffff, v1  }
0x21d: {  	v3 =	vshrl.u32 v3, $0xF;
	[tilespmem:v60+s23+$0x0] =	vst.idx.add.s32.msk $0xffff, v1  }
0x21e: {  	v62 =	vshrl.u32 v12, $0xF;
	[tilespmem:v4+s23+$0x0] =	vst.idx.add.s32.msk $0xffff, v1  }
0x21f: {  	v63 =	vshrl.u32 v14, $0xF;
	v4 =	vshrl.u32 v5, $0xF;
	v5 =	vld [tilespmem:s30+$0xFFFFFF90]  }
0x220: {  	[tilespmem:v2+s23+$0x0] =	vst.idx.add.s32.msk $0xffff, v1;
	v2 =	vshrl.u32 v7, $0xF  }
0x221: {  	v8 =	vshrl.u32 v8, $0xF;
	[tilespmem:v13+s23+$0x0] =	vst.idx.add.s32.msk $0xffff, v1  }
0x222: {  	v6 =	vshrl.u32 v6, $0xF;
	[tilespmem:v3+s23+$0x0] =	vst.idx.add.s32.msk $0xffff, v1  }
0x223: {  	[tilespmem:v62+s23+$0x0] =	vst.idx.add.s32.msk $0xffff, v1  }
0x224: {  	[tilespmem:v63+s23+$0x0] =	vst.idx.add.s32.msk $0xffff, v1;
	v3 =	vshrl.u32 v5, $0xF  }
0x225: {  	[tilespmem:v2+s23+$0x0] =	vst.idx.add.s32.msk $0xffff, v1;
	v2 =	vshrl.u32 v61, $0xF  }
0x226: {  	[tilespmem:v8+s23+$0x0] =	vst.idx.add.s32.msk $0xffff, v1  }
0x227: {  	[tilespmem:v6+s23+$0x0] =	vst.idx.add.s32.msk $0xffff, v1  }
0x228: {  	s31 =	simm.s32 $0x0;
	[tilespmem:v4+s23+$0x0] =	vst.idx.add.s32.msk $0xffff, v1  }
.LBB2_18:
0x229: {  	s31 =	sadd.s32 $0x100, s31;
	[tilespmem:v3+s23+$0x0] =	vst.idx.add.s32.msk $0xffff, v1;
	s30 =	sadd.s32 $0x100, s30  }
0x22a: {  	p0 =	slt.u32 s31, $0x3F00;
	[tilespmem:v2+s23+$0x0] =	vst.idx.add.s32.msk $0xffff, v1  }
0x22b: {  	v2 =	vld [tilespmem:s30+$0x10]  }
0x22c: {  	v3 =	vld [tilespmem:s30+$0x0]  }
0x22d: {  	v4 =	vld [tilespmem:s30+$0xFFFFFF80]  }
0x22e: {  	v5 =	vld [tilespmem:s30+$0x70]  }
0x22f: {  	v6 =	vld [tilespmem:s30+$0xFFFFFFA0]  }
0x230: {  	v7 =	vld [tilespmem:s30+$0xFFFFFFB0]  }
0x231: {  	v8 =	vld [tilespmem:s30+$0xFFFFFFC0]  }
0x232: {  	v4 =	vshrl.u32 v4, $0xF;
	v9 =	vld [tilespmem:s30+$0x60]  }
0x233: {  	v10 =	vld [tilespmem:s30+$0x50];
	v5 =	vshrl.u32 v5, $0xF  }
0x234: {  	v11 =	vld [tilespmem:s30+$0x40]  }
0x235: {  	v12 =	vld [tilespmem:s30+$0x30]  }
0x236: {  	v13 =	vld [tilespmem:s30+$0x20]  }
0x237: {  	[tilespmem:v4+s23+$0x0] =	vst.idx.add.s32.msk $0xffff, v1;
	v4 =	vshrl.u32 v9, $0xF  }
0x238: {  	v9 =	vshrl.u32 v10, $0xF;
	[tilespmem:v5+s23+$0x0] =	vst.idx.add.s32.msk $0xffff, v1  }
0x239: {  	v5 =	vld [tilespmem:s30+$0xFFFFFFF0];
	v10 =	vshrl.u32 v11, $0xF  }
0x23a: {  	v11 =	vld [tilespmem:s30+$0xFFFFFFE0]  }
0x23b: {  	v14 =	vld [tilespmem:s30+$0xFFFFFFD0];
	v13 =	vshrl.u32 v13, $0xF  }
0x23c: {  	v15 =	vshrl.u32 v2, $0xF;
	[tilespmem:v4+s23+$0x0] =	vst.idx.add.s32.msk $0xffff, v1  }
0x23d: {  	v3 =	vshrl.u32 v3, $0xF;
	[tilespmem:v9+s23+$0x0] =	vst.idx.add.s32.msk $0xffff, v1  }
0x23e: {  	v4 =	vshrl.u32 v5, $0xF;
	[tilespmem:v10+s23+$0x0] =	vst.idx.add.s32.msk $0xffff, v1  }
0x23f: {  	v9 =	vshrl.u32 v12, $0xF;
	v5 =	vld [tilespmem:s30+$0xFFFFFF90];
	v2 =	vshrl.u32 v11, $0xF  }
0x240: {  	v10 =	vshrl.u32 v14, $0xF;
	[tilespmem:v13+s23+$0x0] =	vst.idx.add.s32.msk $0xffff, v1  }
0x241: {  	v8 =	vshrl.u32 v8, $0xF;
	[tilespmem:v15+s23+$0x0] =	vst.idx.add.s32.msk $0xffff, v1  }
0x242: {  	v7 =	vshrl.u32 v7, $0xF;
	[tilespmem:v3+s23+$0x0] =	vst.idx.add.s32.msk $0xffff, v1  }
0x243: {  	v6 =	vshrl.u32 v6, $0xF;
	[tilespmem:v4+s23+$0x0] =	vst.idx.add.s32.msk $0xffff, v1  }
.Ltmp8:
0x244: {  	v3 =	vshrl.u32 v5, $0xF;
	[tilespmem:v9+s23+$0x0] =	vst.idx.add.s32.msk $0xffff, v1;
	(pc) =	sbr.rel @p0 .LBB2_18-.Ltmp8, $4  }
0x245: {  	[tilespmem:v10+s23+$0x0] =	vst.idx.add.s32.msk $0xffff, v1  }
0x246: {  	[tilespmem:v8+s23+$0x0] =	vst.idx.add.s32.msk $0xffff, v1  }
0x247: {  	[tilespmem:v7+s23+$0x0] =	vst.idx.add.s32.msk $0xffff, v1  }
0x248: {  	[tilespmem:v6+s23+$0x0] =	vst.idx.add.s32.msk $0xffff, v1  }
0x249: {  	_ =	sdelay $0x3  }
0x24a: {  	[tilespmem:v3+s23+$0x0] =	vst.idx.add.s32.msk $0xffff, v1  }
0x24b: {  	[tilespmem:v2+s23+$0x0] =	vst.idx.add.s32.msk $0xffff, v1  }
0x24c: {  	[tilespmem:s21], [sflag:$0x2] =	stream.linear.gather [hbm4b:s12+s2], $0x4000, $0x38;
	[tilespmem:$0x18000] =	vst v63  }
0x24d: {  	_ =	swait.ge [sflag:s22], $0x4000  }
0x24e: {  	[sflag:s22] =	ssyncset.done $0x0  }
0x24f: {  	s30 =	simm.s32 $0x80;
	[sflag:s22] =	ssyncadd.s32 $0xFFFFC000  }
0x250: {  	v2 =	vld [tilespmem:s30+$0x10]  }
0x251: {  	v3 =	vld [tilespmem:s30+$0x0]  }
0x252: {  	v4 =	vld [tilespmem:s30+$0xFFFFFF80]  }
0x253: {  	v5 =	vld [tilespmem:s30+$0x70]  }
0x254: {  	v6 =	vld [tilespmem:s30+$0xFFFFFFA0]  }
0x255: {  	v7 =	vld [tilespmem:s30+$0xFFFFFFB0]  }
0x256: {  	v8 =	vld [tilespmem:s30+$0xFFFFFFC0]  }
0x257: {  	v10 =	vld [tilespmem:s30+$0x50]  }
0x258: {  	v11 =	vld [tilespmem:s30+$0x40];
	v4 =	vshrl.u32 v4, $0xF  }
0x259: {  	v9 =	vld [tilespmem:s30+$0x60];
	v5 =	vshrl.u32 v5, $0xF  }
0x25a: {  	v12 =	vld [tilespmem:s30+$0x30]  }
0x25b: {  	v13 =	vld [tilespmem:s30+$0x20]  }
0x25c: {  	v14 =	vld [tilespmem:s30+$0xFFFFFFD0];
	v59 =	vshrl.u32 v10, $0xF  }
0x25d: {  	v60 =	vshrl.u32 v11, $0xF;
	[tilespmem:v4+s23+$0x0] =	vst.idx.add.s32.msk $0xffff, v1  }
0x25e: {  	v4 =	vshrl.u32 v9, $0xF;
	[tilespmem:v5+s23+$0x0] =	vst.idx.add.s32.msk $0xffff, v1  }
0x25f: {  	v5 =	vld [tilespmem:s30+$0xFFFFFFF0]  }
0x260: {  	v61 =	vld [tilespmem:s30+$0xFFFFFFE0];
	v2 =	vshrl.u32 v2, $0xF  }
0x261: {  	v13 =	vshrl.u32 v13, $0xF;
	[tilespmem:v59+s23+$0x0] =	vst.idx.add.s32.msk $0xffff, v1  }
0x262: {  	v3 =	vshrl.u32 v3, $0xF;
	[tilespmem:v60+s23+$0x0] =	vst.idx.add.s32.msk $0xffff, v1  }
0x263: {  	v62 =	vshrl.u32 v12, $0xF;
	[tilespmem:v4+s23+$0x0] =	vst.idx.add.s32.msk $0xffff, v1  }
0x264: {  	v63 =	vshrl.u32 v14, $0xF;
	v4 =	vshrl.u32 v5, $0xF;
	v5 =	vld [tilespmem:s30+$0xFFFFFF90]  }
0x265: {  	[tilespmem:v2+s23+$0x0] =	vst.idx.add.s32.msk $0xffff, v1;
	v2 =	vshrl.u32 v7, $0xF  }
0x266: {  	v8 =	vshrl.u32 v8, $0xF;
	[tilespmem:v13+s23+$0x0] =	vst.idx.add.s32.msk $0xffff, v1  }
0x267: {  	v6 =	vshrl.u32 v6, $0xF;
	[tilespmem:v3+s23+$0x0] =	vst.idx.add.s32.msk $0xffff, v1  }
0x268: {  	[tilespmem:v62+s23+$0x0] =	vst.idx.add.s32.msk $0xffff, v1  }
0x269: {  	[tilespmem:v63+s23+$0x0] =	vst.idx.add.s32.msk $0xffff, v1;
	v3 =	vshrl.u32 v5, $0xF  }
0x26a: {  	[tilespmem:v2+s23+$0x0] =	vst.idx.add.s32.msk $0xffff, v1;
	v2 =	vshrl.u32 v61, $0xF  }
0x26b: {  	[tilespmem:v8+s23+$0x0] =	vst.idx.add.s32.msk $0xffff, v1  }
0x26c: {  	[tilespmem:v6+s23+$0x0] =	vst.idx.add.s32.msk $0xffff, v1  }
0x26d: {  	s31 =	simm.s32 $0x0;
	[tilespmem:v4+s23+$0x0] =	vst.idx.add.s32.msk $0xffff, v1  }
.LBB2_20:
0x26e: {  	s31 =	sadd.s32 $0x100, s31;
	[tilespmem:v3+s23+$0x0] =	vst.idx.add.s32.msk $0xffff, v1;
	s30 =	sadd.s32 $0x100, s30  }
0x26f: {  	p0 =	slt.u32 s31, $0x3F00;
	[tilespmem:v2+s23+$0x0] =	vst.idx.add.s32.msk $0xffff, v1  }
0x270: {  	v2 =	vld [tilespmem:s30+$0x10]  }
0x271: {  	v3 =	vld [tilespmem:s30+$0x0]  }
0x272: {  	v4 =	vld [tilespmem:s30+$0xFFFFFF80]  }
0x273: {  	v5 =	vld [tilespmem:s30+$0x70]  }
0x274: {  	v6 =	vld [tilespmem:s30+$0xFFFFFFA0]  }
0x275: {  	v7 =	vld [tilespmem:s30+$0xFFFFFFB0]  }
0x276: {  	v8 =	vld [tilespmem:s30+$0xFFFFFFC0]  }
0x277: {  	v4 =	vshrl.u32 v4, $0xF;
	v9 =	vld [tilespmem:s30+$0x60]  }
0x278: {  	v10 =	vld [tilespmem:s30+$0x50];
	v5 =	vshrl.u32 v5, $0xF  }
0x279: {  	v11 =	vld [tilespmem:s30+$0x40]  }
0x27a: {  	v12 =	vld [tilespmem:s30+$0x30]  }
0x27b: {  	v13 =	vld [tilespmem:s30+$0x20]  }
0x27c: {  	[tilespmem:v4+s23+$0x0] =	vst.idx.add.s32.msk $0xffff, v1;
	v4 =	vshrl.u32 v9, $0xF  }
0x27d: {  	v9 =	vshrl.u32 v10, $0xF;
	[tilespmem:v5+s23+$0x0] =	vst.idx.add.s32.msk $0xffff, v1  }
0x27e: {  	v5 =	vld [tilespmem:s30+$0xFFFFFFF0];
	v10 =	vshrl.u32 v11, $0xF  }
0x27f: {  	v11 =	vld [tilespmem:s30+$0xFFFFFFE0]  }
0x280: {  	v14 =	vld [tilespmem:s30+$0xFFFFFFD0];
	v13 =	vshrl.u32 v13, $0xF  }
0x281: {  	v15 =	vshrl.u32 v2, $0xF;
	[tilespmem:v4+s23+$0x0] =	vst.idx.add.s32.msk $0xffff, v1  }
0x282: {  	v3 =	vshrl.u32 v3, $0xF;
	[tilespmem:v9+s23+$0x0] =	vst.idx.add.s32.msk $0xffff, v1  }
0x283: {  	v4 =	vshrl.u32 v5, $0xF;
	[tilespmem:v10+s23+$0x0] =	vst.idx.add.s32.msk $0xffff, v1  }
0x284: {  	v9 =	vshrl.u32 v12, $0xF;
	v5 =	vld [tilespmem:s30+$0xFFFFFF90];
	v2 =	vshrl.u32 v11, $0xF  }
0x285: {  	v10 =	vshrl.u32 v14, $0xF;
	[tilespmem:v13+s23+$0x0] =	vst.idx.add.s32.msk $0xffff, v1  }
0x286: {  	v8 =	vshrl.u32 v8, $0xF;
	[tilespmem:v15+s23+$0x0] =	vst.idx.add.s32.msk $0xffff, v1  }
0x287: {  	v7 =	vshrl.u32 v7, $0xF;
	[tilespmem:v3+s23+$0x0] =	vst.idx.add.s32.msk $0xffff, v1  }
0x288: {  	v6 =	vshrl.u32 v6, $0xF;
	[tilespmem:v4+s23+$0x0] =	vst.idx.add.s32.msk $0xffff, v1  }
.Ltmp9:
0x289: {  	v3 =	vshrl.u32 v5, $0xF;
	[tilespmem:v9+s23+$0x0] =	vst.idx.add.s32.msk $0xffff, v1;
	(pc) =	sbr.rel @p0 .LBB2_20-.Ltmp9, $4  }
0x28a: {  	[tilespmem:v10+s23+$0x0] =	vst.idx.add.s32.msk $0xffff, v1  }
0x28b: {  	[tilespmem:v8+s23+$0x0] =	vst.idx.add.s32.msk $0xffff, v1  }
0x28c: {  	[tilespmem:v7+s23+$0x0] =	vst.idx.add.s32.msk $0xffff, v1  }
0x28d: {  	[tilespmem:v6+s23+$0x0] =	vst.idx.add.s32.msk $0xffff, v1  }
0x28e: {  	_ =	sdelay $0x3  }
0x28f: {  	[tilespmem:v3+s23+$0x0] =	vst.idx.add.s32.msk $0xffff, v1  }
0x290: {  	[tilespmem:v2+s23+$0x0] =	vst.idx.add.s32.msk $0xffff, v1  }
0x291: {  	[tilespmem:s2], [sflag:$0x1] =	stream.linear.gather [hbm4b:s13+s2], $0x4000, $0x38;
	[tilespmem:$0x18000] =	vst v63  }
0x292: {  	_ =	swait.ge [sflag:s24], $0x4000  }
0x293: {  	[sflag:s24] =	ssyncset.done $0x0  }
0x294: {  	s30 =	simm.s32 $0x4080;
	[sflag:s24] =	ssyncadd.s32 $0xFFFFC000  }
0x295: {  	v2 =	vld [tilespmem:s30+$0x10]  }
0x296: {  	v3 =	vld [tilespmem:s30+$0x0]  }
0x297: {  	v4 =	vld [tilespmem:s30+$0xFFFFFF80]  }
0x298: {  	v5 =	vld [tilespmem:s30+$0x70]  }
0x299: {  	v6 =	vld [tilespmem:s30+$0xFFFFFFA0]  }
0x29a: {  	v7 =	vld [tilespmem:s30+$0xFFFFFFB0]  }
0x29b: {  	v8 =	vld [tilespmem:s30+$0xFFFFFFC0]  }
0x29c: {  	v10 =	vld [tilespmem:s30+$0x50]  }
0x29d: {  	v11 =	vld [tilespmem:s30+$0x40];
	v4 =	vshrl.u32 v4, $0xF  }
0x29e: {  	v9 =	vld [tilespmem:s30+$0x60];
	v5 =	vshrl.u32 v5, $0xF  }
0x29f: {  	v12 =	vld [tilespmem:s30+$0x30]  }
0x2a0: {  	v13 =	vld [tilespmem:s30+$0x20]  }
0x2a1: {  	v14 =	vld [tilespmem:s30+$0xFFFFFFD0];
	v59 =	vshrl.u32 v10, $0xF  }
0x2a2: {  	v60 =	vshrl.u32 v11, $0xF;
	[tilespmem:v4+s23+$0x0] =	vst.idx.add.s32.msk $0xffff, v1  }
0x2a3: {  	v4 =	vshrl.u32 v9, $0xF;
	[tilespmem:v5+s23+$0x0] =	vst.idx.add.s32.msk $0xffff, v1  }
0x2a4: {  	v5 =	vld [tilespmem:s30+$0xFFFFFFF0]  }
0x2a5: {  	v61 =	vld [tilespmem:s30+$0xFFFFFFE0];
	v2 =	vshrl.u32 v2, $0xF  }
0x2a6: {  	v13 =	vshrl.u32 v13, $0xF;
	[tilespmem:v59+s23+$0x0] =	vst.idx.add.s32.msk $0xffff, v1  }
0x2a7: {  	v3 =	vshrl.u32 v3, $0xF;
	[tilespmem:v60+s23+$0x0] =	vst.idx.add.s32.msk $0xffff, v1  }
0x2a8: {  	v62 =	vshrl.u32 v12, $0xF;
	[tilespmem:v4+s23+$0x0] =	vst.idx.add.s32.msk $0xffff, v1  }
0x2a9: {  	v63 =	vshrl.u32 v14, $0xF;
	v4 =	vshrl.u32 v5, $0xF;
	v5 =	vld [tilespmem:s30+$0xFFFFFF90]  }
0x2aa: {  	[tilespmem:v2+s23+$0x0] =	vst.idx.add.s32.msk $0xffff, v1;
	v2 =	vshrl.u32 v7, $0xF  }
0x2ab: {  	v8 =	vshrl.u32 v8, $0xF;
	[tilespmem:v13+s23+$0x0] =	vst.idx.add.s32.msk $0xffff, v1  }
0x2ac: {  	v6 =	vshrl.u32 v6, $0xF;
	[tilespmem:v3+s23+$0x0] =	vst.idx.add.s32.msk $0xffff, v1  }
0x2ad: {  	[tilespmem:v62+s23+$0x0] =	vst.idx.add.s32.msk $0xffff, v1  }
0x2ae: {  	[tilespmem:v63+s23+$0x0] =	vst.idx.add.s32.msk $0xffff, v1;
	v3 =	vshrl.u32 v5, $0xF  }
0x2af: {  	[tilespmem:v2+s23+$0x0] =	vst.idx.add.s32.msk $0xffff, v1;
	v2 =	vshrl.u32 v61, $0xF  }
0x2b0: {  	[tilespmem:v8+s23+$0x0] =	vst.idx.add.s32.msk $0xffff, v1  }
0x2b1: {  	[tilespmem:v6+s23+$0x0] =	vst.idx.add.s32.msk $0xffff, v1  }
0x2b2: {  	s31 =	simm.s32 $0x0;
	[tilespmem:v4+s23+$0x0] =	vst.idx.add.s32.msk $0xffff, v1  }
.LBB2_22:
0x2b3: {  	s31 =	sadd.s32 $0x100, s31;
	[tilespmem:v3+s23+$0x0] =	vst.idx.add.s32.msk $0xffff, v1;
	s30 =	sadd.s32 $0x100, s30  }
0x2b4: {  	p0 =	slt.u32 s31, $0x3F00;
	[tilespmem:v2+s23+$0x0] =	vst.idx.add.s32.msk $0xffff, v1  }
0x2b5: {  	v2 =	vld [tilespmem:s30+$0x10]  }
0x2b6: {  	v3 =	vld [tilespmem:s30+$0x0]  }
0x2b7: {  	v4 =	vld [tilespmem:s30+$0xFFFFFF80]  }
0x2b8: {  	v5 =	vld [tilespmem:s30+$0x70]  }
0x2b9: {  	v6 =	vld [tilespmem:s30+$0xFFFFFFA0]  }
0x2ba: {  	v7 =	vld [tilespmem:s30+$0xFFFFFFB0]  }
0x2bb: {  	v8 =	vld [tilespmem:s30+$0xFFFFFFC0]  }
0x2bc: {  	v4 =	vshrl.u32 v4, $0xF;
	v9 =	vld [tilespmem:s30+$0x60]  }
0x2bd: {  	v10 =	vld [tilespmem:s30+$0x50];
	v5 =	vshrl.u32 v5, $0xF  }
0x2be: {  	v11 =	vld [tilespmem:s30+$0x40]  }
0x2bf: {  	v12 =	vld [tilespmem:s30+$0x30]  }
0x2c0: {  	v13 =	vld [tilespmem:s30+$0x20]  }
0x2c1: {  	[tilespmem:v4+s23+$0x0] =	vst.idx.add.s32.msk $0xffff, v1;
	v4 =	vshrl.u32 v9, $0xF  }
0x2c2: {  	v9 =	vshrl.u32 v10, $0xF;
	[tilespmem:v5+s23+$0x0] =	vst.idx.add.s32.msk $0xffff, v1  }
0x2c3: {  	v5 =	vld [tilespmem:s30+$0xFFFFFFF0];
	v10 =	vshrl.u32 v11, $0xF  }
0x2c4: {  	v11 =	vld [tilespmem:s30+$0xFFFFFFE0]  }
0x2c5: {  	v14 =	vld [tilespmem:s30+$0xFFFFFFD0];
	v13 =	vshrl.u32 v13, $0xF  }
0x2c6: {  	v15 =	vshrl.u32 v2, $0xF;
	[tilespmem:v4+s23+$0x0] =	vst.idx.add.s32.msk $0xffff, v1  }
0x2c7: {  	v3 =	vshrl.u32 v3, $0xF;
	[tilespmem:v9+s23+$0x0] =	vst.idx.add.s32.msk $0xffff, v1  }
0x2c8: {  	v4 =	vshrl.u32 v5, $0xF;
	[tilespmem:v10+s23+$0x0] =	vst.idx.add.s32.msk $0xffff, v1  }
0x2c9: {  	v9 =	vshrl.u32 v12, $0xF;
	v5 =	vld [tilespmem:s30+$0xFFFFFF90];
	v2 =	vshrl.u32 v11, $0xF  }
0x2ca: {  	v10 =	vshrl.u32 v14, $0xF;
	[tilespmem:v13+s23+$0x0] =	vst.idx.add.s32.msk $0xffff, v1  }
0x2cb: {  	v8 =	vshrl.u32 v8, $0xF;
	[tilespmem:v15+s23+$0x0] =	vst.idx.add.s32.msk $0xffff, v1  }
0x2cc: {  	v7 =	vshrl.u32 v7, $0xF;
	[tilespmem:v3+s23+$0x0] =	vst.idx.add.s32.msk $0xffff, v1  }
0x2cd: {  	v6 =	vshrl.u32 v6, $0xF;
	[tilespmem:v4+s23+$0x0] =	vst.idx.add.s32.msk $0xffff, v1  }
.Ltmp10:
0x2ce: {  	v3 =	vshrl.u32 v5, $0xF;
	[tilespmem:v9+s23+$0x0] =	vst.idx.add.s32.msk $0xffff, v1;
	(pc) =	sbr.rel @p0 .LBB2_22-.Ltmp10, $4  }
0x2cf: {  	[tilespmem:v10+s23+$0x0] =	vst.idx.add.s32.msk $0xffff, v1  }
0x2d0: {  	[tilespmem:v8+s23+$0x0] =	vst.idx.add.s32.msk $0xffff, v1  }
0x2d1: {  	[tilespmem:v7+s23+$0x0] =	vst.idx.add.s32.msk $0xffff, v1  }
0x2d2: {  	[tilespmem:v6+s23+$0x0] =	vst.idx.add.s32.msk $0xffff, v1  }
0x2d3: {  	_ =	sdelay $0x3  }
0x2d4: {  	[tilespmem:v3+s23+$0x0] =	vst.idx.add.s32.msk $0xffff, v1  }
0x2d5: {  	[tilespmem:v2+s23+$0x0] =	vst.idx.add.s32.msk $0xffff, v1  }
0x2d6: {  	[tilespmem:s21], [sflag:$0x2] =	stream.linear.gather [hbm4b:s14+s2], $0x4000, $0x38;
	[tilespmem:$0x18000] =	vst v63  }
0x2d7: {  	_ =	swait.ge [sflag:s22], $0x4000  }
0x2d8: {  	[sflag:s22] =	ssyncset.done $0x0  }
0x2d9: {  	s30 =	simm.s32 $0x80;
	[sflag:s22] =	ssyncadd.s32 $0xFFFFC000  }
0x2da: {  	v2 =	vld [tilespmem:s30+$0x10]  }
0x2db: {  	v3 =	vld [tilespmem:s30+$0x0]  }
0x2dc: {  	v4 =	vld [tilespmem:s30+$0xFFFFFF80]  }
0x2dd: {  	v5 =	vld [tilespmem:s30+$0x70]  }
0x2de: {  	v6 =	vld [tilespmem:s30+$0xFFFFFFA0]  }
0x2df: {  	v7 =	vld [tilespmem:s30+$0xFFFFFFB0]  }
0x2e0: {  	v8 =	vld [tilespmem:s30+$0xFFFFFFC0]  }
0x2e1: {  	v10 =	vld [tilespmem:s30+$0x50]  }
0x2e2: {  	v11 =	vld [tilespmem:s30+$0x40];
	v4 =	vshrl.u32 v4, $0xF  }
0x2e3: {  	v9 =	vld [tilespmem:s30+$0x60];
	v5 =	vshrl.u32 v5, $0xF  }
0x2e4: {  	v12 =	vld [tilespmem:s30+$0x30]  }
0x2e5: {  	v13 =	vld [tilespmem:s30+$0x20]  }
0x2e6: {  	v14 =	vld [tilespmem:s30+$0xFFFFFFD0];
	v59 =	vshrl.u32 v10, $0xF  }
0x2e7: {  	v60 =	vshrl.u32 v11, $0xF;
	[tilespmem:v4+s23+$0x0] =	vst.idx.add.s32.msk $0xffff, v1  }
0x2e8: {  	v4 =	vshrl.u32 v9, $0xF;
	[tilespmem:v5+s23+$0x0] =	vst.idx.add.s32.msk $0xffff, v1  }
0x2e9: {  	v5 =	vld [tilespmem:s30+$0xFFFFFFF0]  }
0x2ea: {  	v61 =	vld [tilespmem:s30+$0xFFFFFFE0];
	v2 =	vshrl.u32 v2, $0xF  }
0x2eb: {  	v13 =	vshrl.u32 v13, $0xF;
	[tilespmem:v59+s23+$0x0] =	vst.idx.add.s32.msk $0xffff, v1  }
0x2ec: {  	v3 =	vshrl.u32 v3, $0xF;
	[tilespmem:v60+s23+$0x0] =	vst.idx.add.s32.msk $0xffff, v1  }
0x2ed: {  	v62 =	vshrl.u32 v12, $0xF;
	[tilespmem:v4+s23+$0x0] =	vst.idx.add.s32.msk $0xffff, v1  }
0x2ee: {  	v63 =	vshrl.u32 v14, $0xF;
	v4 =	vshrl.u32 v5, $0xF;
	v5 =	vld [tilespmem:s30+$0xFFFFFF90]  }
0x2ef: {  	[tilespmem:v2+s23+$0x0] =	vst.idx.add.s32.msk $0xffff, v1;
	v2 =	vshrl.u32 v7, $0xF  }
0x2f0: {  	v8 =	vshrl.u32 v8, $0xF;
	[tilespmem:v13+s23+$0x0] =	vst.idx.add.s32.msk $0xffff, v1  }
0x2f1: {  	v6 =	vshrl.u32 v6, $0xF;
	[tilespmem:v3+s23+$0x0] =	vst.idx.add.s32.msk $0xffff, v1  }
0x2f2: {  	[tilespmem:v62+s23+$0x0] =	vst.idx.add.s32.msk $0xffff, v1  }
0x2f3: {  	[tilespmem:v63+s23+$0x0] =	vst.idx.add.s32.msk $0xffff, v1;
	v3 =	vshrl.u32 v5, $0xF  }
0x2f4: {  	[tilespmem:v2+s23+$0x0] =	vst.idx.add.s32.msk $0xffff, v1;
	v2 =	vshrl.u32 v61, $0xF  }
0x2f5: {  	[tilespmem:v8+s23+$0x0] =	vst.idx.add.s32.msk $0xffff, v1  }
0x2f6: {  	[tilespmem:v6+s23+$0x0] =	vst.idx.add.s32.msk $0xffff, v1  }
0x2f7: {  	s31 =	simm.s32 $0x0;
	[tilespmem:v4+s23+$0x0] =	vst.idx.add.s32.msk $0xffff, v1  }
.LBB2_24:
0x2f8: {  	s31 =	sadd.s32 $0x100, s31;
	[tilespmem:v3+s23+$0x0] =	vst.idx.add.s32.msk $0xffff, v1;
	s30 =	sadd.s32 $0x100, s30  }
0x2f9: {  	p0 =	slt.u32 s31, $0x3F00;
	[tilespmem:v2+s23+$0x0] =	vst.idx.add.s32.msk $0xffff, v1  }
0x2fa: {  	v2 =	vld [tilespmem:s30+$0x10]  }
0x2fb: {  	v3 =	vld [tilespmem:s30+$0x0]  }
0x2fc: {  	v4 =	vld [tilespmem:s30+$0xFFFFFF80]  }
0x2fd: {  	v5 =	vld [tilespmem:s30+$0x70]  }
0x2fe: {  	v6 =	vld [tilespmem:s30+$0xFFFFFFA0]  }
0x2ff: {  	v7 =	vld [tilespmem:s30+$0xFFFFFFB0]  }
0x300: {  	v8 =	vld [tilespmem:s30+$0xFFFFFFC0]  }
0x301: {  	v4 =	vshrl.u32 v4, $0xF;
	v9 =	vld [tilespmem:s30+$0x60]  }
0x302: {  	v10 =	vld [tilespmem:s30+$0x50];
	v5 =	vshrl.u32 v5, $0xF  }
0x303: {  	v11 =	vld [tilespmem:s30+$0x40]  }
0x304: {  	v12 =	vld [tilespmem:s30+$0x30]  }
0x305: {  	v13 =	vld [tilespmem:s30+$0x20]  }
0x306: {  	[tilespmem:v4+s23+$0x0] =	vst.idx.add.s32.msk $0xffff, v1;
	v4 =	vshrl.u32 v9, $0xF  }
0x307: {  	v9 =	vshrl.u32 v10, $0xF;
	[tilespmem:v5+s23+$0x0] =	vst.idx.add.s32.msk $0xffff, v1  }
0x308: {  	v5 =	vld [tilespmem:s30+$0xFFFFFFF0];
	v10 =	vshrl.u32 v11, $0xF  }
0x309: {  	v11 =	vld [tilespmem:s30+$0xFFFFFFE0]  }
0x30a: {  	v14 =	vld [tilespmem:s30+$0xFFFFFFD0];
	v13 =	vshrl.u32 v13, $0xF  }
0x30b: {  	v15 =	vshrl.u32 v2, $0xF;
	[tilespmem:v4+s23+$0x0] =	vst.idx.add.s32.msk $0xffff, v1  }
0x30c: {  	v3 =	vshrl.u32 v3, $0xF;
	[tilespmem:v9+s23+$0x0] =	vst.idx.add.s32.msk $0xffff, v1  }
0x30d: {  	v4 =	vshrl.u32 v5, $0xF;
	[tilespmem:v10+s23+$0x0] =	vst.idx.add.s32.msk $0xffff, v1  }
0x30e: {  	v9 =	vshrl.u32 v12, $0xF;
	v5 =	vld [tilespmem:s30+$0xFFFFFF90];
	v2 =	vshrl.u32 v11, $0xF  }
0x30f: {  	v10 =	vshrl.u32 v14, $0xF;
	[tilespmem:v13+s23+$0x0] =	vst.idx.add.s32.msk $0xffff, v1  }
0x310: {  	v8 =	vshrl.u32 v8, $0xF;
	[tilespmem:v15+s23+$0x0] =	vst.idx.add.s32.msk $0xffff, v1  }
0x311: {  	v7 =	vshrl.u32 v7, $0xF;
	[tilespmem:v3+s23+$0x0] =	vst.idx.add.s32.msk $0xffff, v1  }
0x312: {  	v6 =	vshrl.u32 v6, $0xF;
	[tilespmem:v4+s23+$0x0] =	vst.idx.add.s32.msk $0xffff, v1  }
.Ltmp11:
0x313: {  	v3 =	vshrl.u32 v5, $0xF;
	[tilespmem:v9+s23+$0x0] =	vst.idx.add.s32.msk $0xffff, v1;
	(pc) =	sbr.rel @p0 .LBB2_24-.Ltmp11, $4  }
0x314: {  	[tilespmem:v10+s23+$0x0] =	vst.idx.add.s32.msk $0xffff, v1  }
0x315: {  	[tilespmem:v8+s23+$0x0] =	vst.idx.add.s32.msk $0xffff, v1  }
0x316: {  	[tilespmem:v7+s23+$0x0] =	vst.idx.add.s32.msk $0xffff, v1  }
0x317: {  	[tilespmem:v6+s23+$0x0] =	vst.idx.add.s32.msk $0xffff, v1  }
0x318: {  	_ =	sdelay $0x3  }
0x319: {  	[tilespmem:v3+s23+$0x0] =	vst.idx.add.s32.msk $0xffff, v1  }
0x31a: {  	[tilespmem:v2+s23+$0x0] =	vst.idx.add.s32.msk $0xffff, v1  }
0x31b: {  	[tilespmem:s2], [sflag:$0x1] =	stream.linear.gather [hbm4b:s15+s2], $0x4000, $0x38;
	[tilespmem:$0x18000] =	vst v63  }
0x31c: {  	_ =	swait.ge [sflag:s24], $0x4000  }
0x31d: {  	[sflag:s24] =	ssyncset.done $0x0  }
0x31e: {  	s30 =	simm.s32 $0x4080;
	[sflag:s24] =	ssyncadd.s32 $0xFFFFC000  }
0x31f: {  	v2 =	vld [tilespmem:s30+$0x10]  }
0x320: {  	v3 =	vld [tilespmem:s30+$0x0]  }
0x321: {  	v4 =	vld [tilespmem:s30+$0xFFFFFF80]  }
0x322: {  	v5 =	vld [tilespmem:s30+$0x70]  }
0x323: {  	v6 =	vld [tilespmem:s30+$0xFFFFFFA0]  }
0x324: {  	v7 =	vld [tilespmem:s30+$0xFFFFFFB0]  }
0x325: {  	v8 =	vld [tilespmem:s30+$0xFFFFFFC0]  }
0x326: {  	v10 =	vld [tilespmem:s30+$0x50]  }
0x327: {  	v11 =	vld [tilespmem:s30+$0x40];
	v4 =	vshrl.u32 v4, $0xF  }
0x328: {  	v9 =	vld [tilespmem:s30+$0x60];
	v5 =	vshrl.u32 v5, $0xF  }
0x329: {  	v12 =	vld [tilespmem:s30+$0x30]  }
0x32a: {  	v13 =	vld [tilespmem:s30+$0x20]  }
0x32b: {  	v14 =	vld [tilespmem:s30+$0xFFFFFFD0];
	v59 =	vshrl.u32 v10, $0xF  }
0x32c: {  	v60 =	vshrl.u32 v11, $0xF;
	[tilespmem:v4+s23+$0x0] =	vst.idx.add.s32.msk $0xffff, v1  }
0x32d: {  	v4 =	vshrl.u32 v9, $0xF;
	[tilespmem:v5+s23+$0x0] =	vst.idx.add.s32.msk $0xffff, v1  }
0x32e: {  	v5 =	vld [tilespmem:s30+$0xFFFFFFF0]  }
0x32f: {  	v61 =	vld [tilespmem:s30+$0xFFFFFFE0];
	v2 =	vshrl.u32 v2, $0xF  }
0x330: {  	v13 =	vshrl.u32 v13, $0xF;
	[tilespmem:v59+s23+$0x0] =	vst.idx.add.s32.msk $0xffff, v1  }
0x331: {  	v3 =	vshrl.u32 v3, $0xF;
	[tilespmem:v60+s23+$0x0] =	vst.idx.add.s32.msk $0xffff, v1  }
0x332: {  	v62 =	vshrl.u32 v12, $0xF;
	[tilespmem:v4+s23+$0x0] =	vst.idx.add.s32.msk $0xffff, v1  }
0x333: {  	v63 =	vshrl.u32 v14, $0xF;
	v4 =	vshrl.u32 v5, $0xF;
	v5 =	vld [tilespmem:s30+$0xFFFFFF90]  }
0x334: {  	[tilespmem:v2+s23+$0x0] =	vst.idx.add.s32.msk $0xffff, v1;
	v2 =	vshrl.u32 v7, $0xF  }
0x335: {  	v8 =	vshrl.u32 v8, $0xF;
	[tilespmem:v13+s23+$0x0] =	vst.idx.add.s32.msk $0xffff, v1  }
0x336: {  	v6 =	vshrl.u32 v6, $0xF;
	[tilespmem:v3+s23+$0x0] =	vst.idx.add.s32.msk $0xffff, v1  }
0x337: {  	[tilespmem:v62+s23+$0x0] =	vst.idx.add.s32.msk $0xffff, v1  }
0x338: {  	[tilespmem:v63+s23+$0x0] =	vst.idx.add.s32.msk $0xffff, v1;
	v3 =	vshrl.u32 v5, $0xF  }
0x339: {  	[tilespmem:v2+s23+$0x0] =	vst.idx.add.s32.msk $0xffff, v1;
	v2 =	vshrl.u32 v61, $0xF  }
0x33a: {  	[tilespmem:v8+s23+$0x0] =	vst.idx.add.s32.msk $0xffff, v1  }
0x33b: {  	[tilespmem:v6+s23+$0x0] =	vst.idx.add.s32.msk $0xffff, v1  }
0x33c: {  	s31 =	simm.s32 $0x0;
	[tilespmem:v4+s23+$0x0] =	vst.idx.add.s32.msk $0xffff, v1  }
.LBB2_26:
0x33d: {  	s31 =	sadd.s32 $0x100, s31;
	[tilespmem:v3+s23+$0x0] =	vst.idx.add.s32.msk $0xffff, v1;
	s30 =	sadd.s32 $0x100, s30  }
0x33e: {  	p0 =	slt.u32 s31, $0x3F00;
	[tilespmem:v2+s23+$0x0] =	vst.idx.add.s32.msk $0xffff, v1  }
0x33f: {  	v2 =	vld [tilespmem:s30+$0x10]  }
0x340: {  	v3 =	vld [tilespmem:s30+$0x0]  }
0x341: {  	v4 =	vld [tilespmem:s30+$0xFFFFFF80]  }
0x342: {  	v5 =	vld [tilespmem:s30+$0x70]  }
0x343: {  	v6 =	vld [tilespmem:s30+$0xFFFFFFA0]  }
0x344: {  	v7 =	vld [tilespmem:s30+$0xFFFFFFB0]  }
0x345: {  	v8 =	vld [tilespmem:s30+$0xFFFFFFC0]  }
0x346: {  	v4 =	vshrl.u32 v4, $0xF;
	v9 =	vld [tilespmem:s30+$0x60]  }
0x347: {  	v10 =	vld [tilespmem:s30+$0x50];
	v5 =	vshrl.u32 v5, $0xF  }
0x348: {  	v11 =	vld [tilespmem:s30+$0x40]  }
0x349: {  	v12 =	vld [tilespmem:s30+$0x30]  }
0x34a: {  	v13 =	vld [tilespmem:s30+$0x20]  }
0x34b: {  	[tilespmem:v4+s23+$0x0] =	vst.idx.add.s32.msk $0xffff, v1;
	v4 =	vshrl.u32 v9, $0xF  }
0x34c: {  	v9 =	vshrl.u32 v10, $0xF;
	[tilespmem:v5+s23+$0x0] =	vst.idx.add.s32.msk $0xffff, v1  }
0x34d: {  	v5 =	vld [tilespmem:s30+$0xFFFFFFF0];
	v10 =	vshrl.u32 v11, $0xF  }
0x34e: {  	v11 =	vld [tilespmem:s30+$0xFFFFFFE0]  }
0x34f: {  	v14 =	vld [tilespmem:s30+$0xFFFFFFD0];
	v13 =	vshrl.u32 v13, $0xF  }
0x350: {  	v15 =	vshrl.u32 v2, $0xF;
	[tilespmem:v4+s23+$0x0] =	vst.idx.add.s32.msk $0xffff, v1  }
0x351: {  	v3 =	vshrl.u32 v3, $0xF;
	[tilespmem:v9+s23+$0x0] =	vst.idx.add.s32.msk $0xffff, v1  }
0x352: {  	v4 =	vshrl.u32 v5, $0xF;
	[tilespmem:v10+s23+$0x0] =	vst.idx.add.s32.msk $0xffff, v1  }
0x353: {  	v9 =	vshrl.u32 v12, $0xF;
	v5 =	vld [tilespmem:s30+$0xFFFFFF90];
	v2 =	vshrl.u32 v11, $0xF  }
0x354: {  	v10 =	vshrl.u32 v14, $0xF;
	[tilespmem:v13+s23+$0x0] =	vst.idx.add.s32.msk $0xffff, v1  }
0x355: {  	v8 =	vshrl.u32 v8, $0xF;
	[tilespmem:v15+s23+$0x0] =	vst.idx.add.s32.msk $0xffff, v1  }
0x356: {  	v7 =	vshrl.u32 v7, $0xF;
	[tilespmem:v3+s23+$0x0] =	vst.idx.add.s32.msk $0xffff, v1  }
0x357: {  	v6 =	vshrl.u32 v6, $0xF;
	[tilespmem:v4+s23+$0x0] =	vst.idx.add.s32.msk $0xffff, v1  }
.Ltmp12:
0x358: {  	v3 =	vshrl.u32 v5, $0xF;
	[tilespmem:v9+s23+$0x0] =	vst.idx.add.s32.msk $0xffff, v1;
	(pc) =	sbr.rel @p0 .LBB2_26-.Ltmp12, $4  }
0x359: {  	[tilespmem:v10+s23+$0x0] =	vst.idx.add.s32.msk $0xffff, v1  }
0x35a: {  	[tilespmem:v8+s23+$0x0] =	vst.idx.add.s32.msk $0xffff, v1  }
0x35b: {  	[tilespmem:v7+s23+$0x0] =	vst.idx.add.s32.msk $0xffff, v1  }
0x35c: {  	[tilespmem:v6+s23+$0x0] =	vst.idx.add.s32.msk $0xffff, v1  }
0x35d: {  	_ =	sdelay $0x3  }
0x35e: {  	[tilespmem:v3+s23+$0x0] =	vst.idx.add.s32.msk $0xffff, v1  }
0x35f: {  	[tilespmem:v2+s23+$0x0] =	vst.idx.add.s32.msk $0xffff, v1  }
0x360: {  	[tilespmem:s21], [sflag:$0x2] =	stream.linear.gather [hbm4b:s16+s2], $0x4000, $0x38;
	[tilespmem:$0x18000] =	vst v63  }
0x361: {  	_ =	swait.ge [sflag:s22], $0x4000  }
0x362: {  	[sflag:s22] =	ssyncset.done $0x0  }
0x363: {  	s30 =	simm.s32 $0x80;
	[sflag:s22] =	ssyncadd.s32 $0xFFFFC000  }
0x364: {  	v2 =	vld [tilespmem:s30+$0x10]  }
0x365: {  	v3 =	vld [tilespmem:s30+$0x0]  }
0x366: {  	v4 =	vld [tilespmem:s30+$0xFFFFFF80]  }
0x367: {  	v5 =	vld [tilespmem:s30+$0x70]  }
0x368: {  	v6 =	vld [tilespmem:s30+$0xFFFFFFA0]  }
0x369: {  	v7 =	vld [tilespmem:s30+$0xFFFFFFB0]  }
0x36a: {  	v8 =	vld [tilespmem:s30+$0xFFFFFFC0]  }
0x36b: {  	v10 =	vld [tilespmem:s30+$0x50]  }
0x36c: {  	v11 =	vld [tilespmem:s30+$0x40];
	v4 =	vshrl.u32 v4, $0xF  }
0x36d: {  	v9 =	vld [tilespmem:s30+$0x60];
	v5 =	vshrl.u32 v5, $0xF  }
0x36e: {  	v12 =	vld [tilespmem:s30+$0x30]  }
0x36f: {  	v13 =	vld [tilespmem:s30+$0x20]  }
0x370: {  	v14 =	vld [tilespmem:s30+$0xFFFFFFD0];
	v59 =	vshrl.u32 v10, $0xF  }
0x371: {  	v60 =	vshrl.u32 v11, $0xF;
	[tilespmem:v4+s23+$0x0] =	vst.idx.add.s32.msk $0xffff, v1  }
0x372: {  	v4 =	vshrl.u32 v9, $0xF;
	[tilespmem:v5+s23+$0x0] =	vst.idx.add.s32.msk $0xffff, v1  }
0x373: {  	v5 =	vld [tilespmem:s30+$0xFFFFFFF0]  }
0x374: {  	v61 =	vld [tilespmem:s30+$0xFFFFFFE0];
	v2 =	vshrl.u32 v2, $0xF  }
0x375: {  	v13 =	vshrl.u32 v13, $0xF;
	[tilespmem:v59+s23+$0x0] =	vst.idx.add.s32.msk $0xffff, v1  }
0x376: {  	v3 =	vshrl.u32 v3, $0xF;
	[tilespmem:v60+s23+$0x0] =	vst.idx.add.s32.msk $0xffff, v1  }
0x377: {  	v62 =	vshrl.u32 v12, $0xF;
	[tilespmem:v4+s23+$0x0] =	vst.idx.add.s32.msk $0xffff, v1  }
0x378: {  	v63 =	vshrl.u32 v14, $0xF;
	v4 =	vshrl.u32 v5, $0xF;
	v5 =	vld [tilespmem:s30+$0xFFFFFF90]  }
0x379: {  	[tilespmem:v2+s23+$0x0] =	vst.idx.add.s32.msk $0xffff, v1;
	v2 =	vshrl.u32 v7, $0xF  }
0x37a: {  	v8 =	vshrl.u32 v8, $0xF;
	[tilespmem:v13+s23+$0x0] =	vst.idx.add.s32.msk $0xffff, v1  }
0x37b: {  	v6 =	vshrl.u32 v6, $0xF;
	[tilespmem:v3+s23+$0x0] =	vst.idx.add.s32.msk $0xffff, v1  }
0x37c: {  	[tilespmem:v62+s23+$0x0] =	vst.idx.add.s32.msk $0xffff, v1  }
0x37d: {  	[tilespmem:v63+s23+$0x0] =	vst.idx.add.s32.msk $0xffff, v1;
	v3 =	vshrl.u32 v5, $0xF  }
0x37e: {  	[tilespmem:v2+s23+$0x0] =	vst.idx.add.s32.msk $0xffff, v1;
	v2 =	vshrl.u32 v61, $0xF  }
0x37f: {  	[tilespmem:v8+s23+$0x0] =	vst.idx.add.s32.msk $0xffff, v1  }
0x380: {  	[tilespmem:v6+s23+$0x0] =	vst.idx.add.s32.msk $0xffff, v1  }
0x381: {  	s31 =	simm.s32 $0x0;
	[tilespmem:v4+s23+$0x0] =	vst.idx.add.s32.msk $0xffff, v1  }
.LBB2_28:
0x382: {  	s31 =	sadd.s32 $0x100, s31;
	[tilespmem:v3+s23+$0x0] =	vst.idx.add.s32.msk $0xffff, v1;
	s30 =	sadd.s32 $0x100, s30  }
0x383: {  	p0 =	slt.u32 s31, $0x3F00;
	[tilespmem:v2+s23+$0x0] =	vst.idx.add.s32.msk $0xffff, v1  }
0x384: {  	v2 =	vld [tilespmem:s30+$0x10]  }
0x385: {  	v3 =	vld [tilespmem:s30+$0x0]  }
0x386: {  	v4 =	vld [tilespmem:s30+$0xFFFFFF80]  }
0x387: {  	v5 =	vld [tilespmem:s30+$0x70]  }
0x388: {  	v6 =	vld [tilespmem:s30+$0xFFFFFFA0]  }
0x389: {  	v7 =	vld [tilespmem:s30+$0xFFFFFFB0]  }
0x38a: {  	v8 =	vld [tilespmem:s30+$0xFFFFFFC0]  }
0x38b: {  	v4 =	vshrl.u32 v4, $0xF;
	v9 =	vld [tilespmem:s30+$0x60]  }
0x38c: {  	v10 =	vld [tilespmem:s30+$0x50];
	v5 =	vshrl.u32 v5, $0xF  }
0x38d: {  	v11 =	vld [tilespmem:s30+$0x40]  }
0x38e: {  	v12 =	vld [tilespmem:s30+$0x30]  }
0x38f: {  	v13 =	vld [tilespmem:s30+$0x20]  }
0x390: {  	[tilespmem:v4+s23+$0x0] =	vst.idx.add.s32.msk $0xffff, v1;
	v4 =	vshrl.u32 v9, $0xF  }
0x391: {  	v9 =	vshrl.u32 v10, $0xF;
	[tilespmem:v5+s23+$0x0] =	vst.idx.add.s32.msk $0xffff, v1  }
0x392: {  	v5 =	vld [tilespmem:s30+$0xFFFFFFF0];
	v10 =	vshrl.u32 v11, $0xF  }
0x393: {  	v11 =	vld [tilespmem:s30+$0xFFFFFFE0]  }
0x394: {  	v14 =	vld [tilespmem:s30+$0xFFFFFFD0];
	v13 =	vshrl.u32 v13, $0xF  }
0x395: {  	v15 =	vshrl.u32 v2, $0xF;
	[tilespmem:v4+s23+$0x0] =	vst.idx.add.s32.msk $0xffff, v1  }
0x396: {  	v3 =	vshrl.u32 v3, $0xF;
	[tilespmem:v9+s23+$0x0] =	vst.idx.add.s32.msk $0xffff, v1  }
0x397: {  	v4 =	vshrl.u32 v5, $0xF;
	[tilespmem:v10+s23+$0x0] =	vst.idx.add.s32.msk $0xffff, v1  }
0x398: {  	v9 =	vshrl.u32 v12, $0xF;
	v5 =	vld [tilespmem:s30+$0xFFFFFF90];
	v2 =	vshrl.u32 v11, $0xF  }
0x399: {  	v10 =	vshrl.u32 v14, $0xF;
	[tilespmem:v13+s23+$0x0] =	vst.idx.add.s32.msk $0xffff, v1  }
0x39a: {  	v8 =	vshrl.u32 v8, $0xF;
	[tilespmem:v15+s23+$0x0] =	vst.idx.add.s32.msk $0xffff, v1  }
0x39b: {  	v7 =	vshrl.u32 v7, $0xF;
	[tilespmem:v3+s23+$0x0] =	vst.idx.add.s32.msk $0xffff, v1  }
0x39c: {  	v6 =	vshrl.u32 v6, $0xF;
	[tilespmem:v4+s23+$0x0] =	vst.idx.add.s32.msk $0xffff, v1  }
.Ltmp13:
0x39d: {  	v3 =	vshrl.u32 v5, $0xF;
	[tilespmem:v9+s23+$0x0] =	vst.idx.add.s32.msk $0xffff, v1;
	(pc) =	sbr.rel @p0 .LBB2_28-.Ltmp13, $4  }
0x39e: {  	[tilespmem:v10+s23+$0x0] =	vst.idx.add.s32.msk $0xffff, v1  }
0x39f: {  	[tilespmem:v8+s23+$0x0] =	vst.idx.add.s32.msk $0xffff, v1  }
0x3a0: {  	[tilespmem:v7+s23+$0x0] =	vst.idx.add.s32.msk $0xffff, v1  }
0x3a1: {  	[tilespmem:v6+s23+$0x0] =	vst.idx.add.s32.msk $0xffff, v1  }
0x3a2: {  	_ =	sdelay $0x3  }
0x3a3: {  	[tilespmem:v3+s23+$0x0] =	vst.idx.add.s32.msk $0xffff, v1  }
0x3a4: {  	[tilespmem:v2+s23+$0x0] =	vst.idx.add.s32.msk $0xffff, v1  }
0x3a5: {  	[tilespmem:s2], [sflag:$0x1] =	stream.linear.gather [hbm4b:s17+s2], $0x4000, $0x38;
	[tilespmem:$0x18000] =	vst v63  }
0x3a6: {  	_ =	swait.ge [sflag:s24], $0x4000  }
0x3a7: {  	[sflag:s24] =	ssyncset.done $0x0  }
0x3a8: {  	s30 =	simm.s32 $0x4080;
	[sflag:s24] =	ssyncadd.s32 $0xFFFFC000  }
0x3a9: {  	v2 =	vld [tilespmem:s30+$0x10]  }
0x3aa: {  	v3 =	vld [tilespmem:s30+$0x0]  }
0x3ab: {  	v4 =	vld [tilespmem:s30+$0xFFFFFF80]  }
0x3ac: {  	v5 =	vld [tilespmem:s30+$0x70]  }
0x3ad: {  	v6 =	vld [tilespmem:s30+$0xFFFFFFA0]  }
0x3ae: {  	v7 =	vld [tilespmem:s30+$0xFFFFFFB0]  }
0x3af: {  	v8 =	vld [tilespmem:s30+$0xFFFFFFC0]  }
0x3b0: {  	v10 =	vld [tilespmem:s30+$0x50]  }
0x3b1: {  	v11 =	vld [tilespmem:s30+$0x40];
	v4 =	vshrl.u32 v4, $0xF  }
0x3b2: {  	v9 =	vld [tilespmem:s30+$0x60];
	v5 =	vshrl.u32 v5, $0xF  }
0x3b3: {  	v12 =	vld [tilespmem:s30+$0x30]  }
0x3b4: {  	v13 =	vld [tilespmem:s30+$0x20]  }
0x3b5: {  	v14 =	vld [tilespmem:s30+$0xFFFFFFD0];
	v59 =	vshrl.u32 v10, $0xF  }
0x3b6: {  	v60 =	vshrl.u32 v11, $0xF;
	[tilespmem:v4+s23+$0x0] =	vst.idx.add.s32.msk $0xffff, v1  }
0x3b7: {  	v4 =	vshrl.u32 v9, $0xF;
	[tilespmem:v5+s23+$0x0] =	vst.idx.add.s32.msk $0xffff, v1  }
0x3b8: {  	v5 =	vld [tilespmem:s30+$0xFFFFFFF0]  }
0x3b9: {  	v61 =	vld [tilespmem:s30+$0xFFFFFFE0];
	v2 =	vshrl.u32 v2, $0xF  }
0x3ba: {  	v13 =	vshrl.u32 v13, $0xF;
	[tilespmem:v59+s23+$0x0] =	vst.idx.add.s32.msk $0xffff, v1  }
0x3bb: {  	v3 =	vshrl.u32 v3, $0xF;
	[tilespmem:v60+s23+$0x0] =	vst.idx.add.s32.msk $0xffff, v1  }
0x3bc: {  	v62 =	vshrl.u32 v12, $0xF;
	[tilespmem:v4+s23+$0x0] =	vst.idx.add.s32.msk $0xffff, v1  }
0x3bd: {  	v63 =	vshrl.u32 v14, $0xF;
	v4 =	vshrl.u32 v5, $0xF;
	v5 =	vld [tilespmem:s30+$0xFFFFFF90]  }
0x3be: {  	[tilespmem:v2+s23+$0x0] =	vst.idx.add.s32.msk $0xffff, v1;
	v2 =	vshrl.u32 v7, $0xF  }
0x3bf: {  	v8 =	vshrl.u32 v8, $0xF;
	[tilespmem:v13+s23+$0x0] =	vst.idx.add.s32.msk $0xffff, v1  }
0x3c0: {  	v6 =	vshrl.u32 v6, $0xF;
	[tilespmem:v3+s23+$0x0] =	vst.idx.add.s32.msk $0xffff, v1  }
0x3c1: {  	[tilespmem:v62+s23+$0x0] =	vst.idx.add.s32.msk $0xffff, v1  }
0x3c2: {  	[tilespmem:v63+s23+$0x0] =	vst.idx.add.s32.msk $0xffff, v1;
	v3 =	vshrl.u32 v5, $0xF  }
0x3c3: {  	[tilespmem:v2+s23+$0x0] =	vst.idx.add.s32.msk $0xffff, v1;
	v2 =	vshrl.u32 v61, $0xF  }
0x3c4: {  	[tilespmem:v8+s23+$0x0] =	vst.idx.add.s32.msk $0xffff, v1  }
0x3c5: {  	[tilespmem:v6+s23+$0x0] =	vst.idx.add.s32.msk $0xffff, v1  }
0x3c6: {  	s31 =	simm.s32 $0x0;
	[tilespmem:v4+s23+$0x0] =	vst.idx.add.s32.msk $0xffff, v1  }
.LBB2_30:
0x3c7: {  	s31 =	sadd.s32 $0x100, s31;
	[tilespmem:v3+s23+$0x0] =	vst.idx.add.s32.msk $0xffff, v1;
	s30 =	sadd.s32 $0x100, s30  }
0x3c8: {  	p0 =	slt.u32 s31, $0x3F00;
	[tilespmem:v2+s23+$0x0] =	vst.idx.add.s32.msk $0xffff, v1  }
0x3c9: {  	v2 =	vld [tilespmem:s30+$0x10]  }
0x3ca: {  	v3 =	vld [tilespmem:s30+$0x0]  }
0x3cb: {  	v4 =	vld [tilespmem:s30+$0xFFFFFF80]  }
0x3cc: {  	v5 =	vld [tilespmem:s30+$0x70]  }
0x3cd: {  	v6 =	vld [tilespmem:s30+$0xFFFFFFA0]  }
0x3ce: {  	v7 =	vld [tilespmem:s30+$0xFFFFFFB0]  }
0x3cf: {  	v8 =	vld [tilespmem:s30+$0xFFFFFFC0]  }
0x3d0: {  	v4 =	vshrl.u32 v4, $0xF;
	v9 =	vld [tilespmem:s30+$0x60]  }
0x3d1: {  	v10 =	vld [tilespmem:s30+$0x50];
	v5 =	vshrl.u32 v5, $0xF  }
0x3d2: {  	v11 =	vld [tilespmem:s30+$0x40]  }
0x3d3: {  	v12 =	vld [tilespmem:s30+$0x30]  }
0x3d4: {  	v13 =	vld [tilespmem:s30+$0x20]  }
0x3d5: {  	[tilespmem:v4+s23+$0x0] =	vst.idx.add.s32.msk $0xffff, v1;
	v4 =	vshrl.u32 v9, $0xF  }
0x3d6: {  	v9 =	vshrl.u32 v10, $0xF;
	[tilespmem:v5+s23+$0x0] =	vst.idx.add.s32.msk $0xffff, v1  }
0x3d7: {  	v5 =	vld [tilespmem:s30+$0xFFFFFFF0];
	v10 =	vshrl.u32 v11, $0xF  }
0x3d8: {  	v11 =	vld [tilespmem:s30+$0xFFFFFFE0]  }
0x3d9: {  	v14 =	vld [tilespmem:s30+$0xFFFFFFD0];
	v13 =	vshrl.u32 v13, $0xF  }
0x3da: {  	v15 =	vshrl.u32 v2, $0xF;
	[tilespmem:v4+s23+$0x0] =	vst.idx.add.s32.msk $0xffff, v1  }
0x3db: {  	v3 =	vshrl.u32 v3, $0xF;
	[tilespmem:v9+s23+$0x0] =	vst.idx.add.s32.msk $0xffff, v1  }
0x3dc: {  	v4 =	vshrl.u32 v5, $0xF;
	[tilespmem:v10+s23+$0x0] =	vst.idx.add.s32.msk $0xffff, v1  }
0x3dd: {  	v9 =	vshrl.u32 v12, $0xF;
	v5 =	vld [tilespmem:s30+$0xFFFFFF90];
	v2 =	vshrl.u32 v11, $0xF  }
0x3de: {  	v10 =	vshrl.u32 v14, $0xF;
	[tilespmem:v13+s23+$0x0] =	vst.idx.add.s32.msk $0xffff, v1  }
0x3df: {  	v8 =	vshrl.u32 v8, $0xF;
	[tilespmem:v15+s23+$0x0] =	vst.idx.add.s32.msk $0xffff, v1  }
0x3e0: {  	v7 =	vshrl.u32 v7, $0xF;
	[tilespmem:v3+s23+$0x0] =	vst.idx.add.s32.msk $0xffff, v1  }
0x3e1: {  	v6 =	vshrl.u32 v6, $0xF;
	[tilespmem:v4+s23+$0x0] =	vst.idx.add.s32.msk $0xffff, v1  }
.Ltmp14:
0x3e2: {  	v3 =	vshrl.u32 v5, $0xF;
	[tilespmem:v9+s23+$0x0] =	vst.idx.add.s32.msk $0xffff, v1;
	(pc) =	sbr.rel @p0 .LBB2_30-.Ltmp14, $4  }
0x3e3: {  	[tilespmem:v10+s23+$0x0] =	vst.idx.add.s32.msk $0xffff, v1  }
0x3e4: {  	[tilespmem:v8+s23+$0x0] =	vst.idx.add.s32.msk $0xffff, v1  }
0x3e5: {  	[tilespmem:v7+s23+$0x0] =	vst.idx.add.s32.msk $0xffff, v1  }
0x3e6: {  	[tilespmem:v6+s23+$0x0] =	vst.idx.add.s32.msk $0xffff, v1  }
0x3e7: {  	_ =	sdelay $0x3  }
0x3e8: {  	[tilespmem:v3+s23+$0x0] =	vst.idx.add.s32.msk $0xffff, v1  }
0x3e9: {  	[tilespmem:v2+s23+$0x0] =	vst.idx.add.s32.msk $0xffff, v1  }
0x3ea: {  	[tilespmem:s21], [sflag:$0x2] =	stream.linear.gather [hbm4b:s18+s2], $0x4000, $0x38;
	[tilespmem:$0x18000] =	vst v63  }
0x3eb: {  	_ =	swait.ge [sflag:s22], $0x4000  }
0x3ec: {  	[sflag:s22] =	ssyncset.done $0x0  }
0x3ed: {  	s30 =	simm.s32 $0x80;
	[sflag:s22] =	ssyncadd.s32 $0xFFFFC000  }
0x3ee: {  	v2 =	vld [tilespmem:s30+$0x10]  }
0x3ef: {  	v3 =	vld [tilespmem:s30+$0x0]  }
0x3f0: {  	v4 =	vld [tilespmem:s30+$0xFFFFFF80]  }
0x3f1: {  	v5 =	vld [tilespmem:s30+$0x70]  }
0x3f2: {  	v6 =	vld [tilespmem:s30+$0xFFFFFFA0]  }
0x3f3: {  	v7 =	vld [tilespmem:s30+$0xFFFFFFB0]  }
0x3f4: {  	v8 =	vld [tilespmem:s30+$0xFFFFFFC0]  }
0x3f5: {  	v10 =	vld [tilespmem:s30+$0x50]  }
0x3f6: {  	v11 =	vld [tilespmem:s30+$0x40];
	v4 =	vshrl.u32 v4, $0xF  }
0x3f7: {  	v9 =	vld [tilespmem:s30+$0x60];
	v5 =	vshrl.u32 v5, $0xF  }
0x3f8: {  	v12 =	vld [tilespmem:s30+$0x30]  }
0x3f9: {  	v13 =	vld [tilespmem:s30+$0x20]  }
0x3fa: {  	v14 =	vld [tilespmem:s30+$0xFFFFFFD0];
	v59 =	vshrl.u32 v10, $0xF  }
0x3fb: {  	v60 =	vshrl.u32 v11, $0xF;
	[tilespmem:v4+s23+$0x0] =	vst.idx.add.s32.msk $0xffff, v1  }
0x3fc: {  	v4 =	vshrl.u32 v9, $0xF;
	[tilespmem:v5+s23+$0x0] =	vst.idx.add.s32.msk $0xffff, v1  }
0x3fd: {  	v5 =	vld [tilespmem:s30+$0xFFFFFFF0]  }
0x3fe: {  	v61 =	vld [tilespmem:s30+$0xFFFFFFE0];
	v2 =	vshrl.u32 v2, $0xF  }
0x3ff: {  	v13 =	vshrl.u32 v13, $0xF;
	[tilespmem:v59+s23+$0x0] =	vst.idx.add.s32.msk $0xffff, v1  }
0x400: {  	v3 =	vshrl.u32 v3, $0xF;
	[tilespmem:v60+s23+$0x0] =	vst.idx.add.s32.msk $0xffff, v1  }
0x401: {  	v62 =	vshrl.u32 v12, $0xF;
	[tilespmem:v4+s23+$0x0] =	vst.idx.add.s32.msk $0xffff, v1  }
0x402: {  	v63 =	vshrl.u32 v14, $0xF;
	v4 =	vshrl.u32 v5, $0xF;
	v5 =	vld [tilespmem:s30+$0xFFFFFF90]  }
0x403: {  	[tilespmem:v2+s23+$0x0] =	vst.idx.add.s32.msk $0xffff, v1;
	v2 =	vshrl.u32 v7, $0xF  }
0x404: {  	v8 =	vshrl.u32 v8, $0xF;
	[tilespmem:v13+s23+$0x0] =	vst.idx.add.s32.msk $0xffff, v1  }
0x405: {  	v6 =	vshrl.u32 v6, $0xF;
	[tilespmem:v3+s23+$0x0] =	vst.idx.add.s32.msk $0xffff, v1  }
0x406: {  	[tilespmem:v62+s23+$0x0] =	vst.idx.add.s32.msk $0xffff, v1  }
0x407: {  	[tilespmem:v63+s23+$0x0] =	vst.idx.add.s32.msk $0xffff, v1;
	v3 =	vshrl.u32 v5, $0xF  }
0x408: {  	[tilespmem:v2+s23+$0x0] =	vst.idx.add.s32.msk $0xffff, v1;
	v2 =	vshrl.u32 v61, $0xF  }
0x409: {  	[tilespmem:v8+s23+$0x0] =	vst.idx.add.s32.msk $0xffff, v1  }
0x40a: {  	[tilespmem:v6+s23+$0x0] =	vst.idx.add.s32.msk $0xffff, v1  }
0x40b: {  	s31 =	simm.s32 $0x0;
	[tilespmem:v4+s23+$0x0] =	vst.idx.add.s32.msk $0xffff, v1  }
.LBB2_32:
0x40c: {  	s31 =	sadd.s32 $0x100, s31;
	[tilespmem:v3+s23+$0x0] =	vst.idx.add.s32.msk $0xffff, v1;
	s30 =	sadd.s32 $0x100, s30  }
0x40d: {  	p0 =	slt.u32 s31, $0x3F00;
	[tilespmem:v2+s23+$0x0] =	vst.idx.add.s32.msk $0xffff, v1  }
0x40e: {  	v2 =	vld [tilespmem:s30+$0x10]  }
0x40f: {  	v3 =	vld [tilespmem:s30+$0x0]  }
0x410: {  	v4 =	vld [tilespmem:s30+$0xFFFFFF80]  }
0x411: {  	v5 =	vld [tilespmem:s30+$0x70]  }
0x412: {  	v6 =	vld [tilespmem:s30+$0xFFFFFFA0]  }
0x413: {  	v7 =	vld [tilespmem:s30+$0xFFFFFFB0]  }
0x414: {  	v8 =	vld [tilespmem:s30+$0xFFFFFFC0]  }
0x415: {  	v4 =	vshrl.u32 v4, $0xF;
	v9 =	vld [tilespmem:s30+$0x60]  }
0x416: {  	v10 =	vld [tilespmem:s30+$0x50];
	v5 =	vshrl.u32 v5, $0xF  }
0x417: {  	v11 =	vld [tilespmem:s30+$0x40]  }
0x418: {  	v12 =	vld [tilespmem:s30+$0x30]  }
0x419: {  	v13 =	vld [tilespmem:s30+$0x20]  }
0x41a: {  	[tilespmem:v4+s23+$0x0] =	vst.idx.add.s32.msk $0xffff, v1;
	v4 =	vshrl.u32 v9, $0xF  }
0x41b: {  	v9 =	vshrl.u32 v10, $0xF;
	[tilespmem:v5+s23+$0x0] =	vst.idx.add.s32.msk $0xffff, v1  }
0x41c: {  	v5 =	vld [tilespmem:s30+$0xFFFFFFF0];
	v10 =	vshrl.u32 v11, $0xF  }
0x41d: {  	v11 =	vld [tilespmem:s30+$0xFFFFFFE0]  }
0x41e: {  	v14 =	vld [tilespmem:s30+$0xFFFFFFD0];
	v13 =	vshrl.u32 v13, $0xF  }
0x41f: {  	v15 =	vshrl.u32 v2, $0xF;
	[tilespmem:v4+s23+$0x0] =	vst.idx.add.s32.msk $0xffff, v1  }
0x420: {  	v3 =	vshrl.u32 v3, $0xF;
	[tilespmem:v9+s23+$0x0] =	vst.idx.add.s32.msk $0xffff, v1  }
0x421: {  	v4 =	vshrl.u32 v5, $0xF;
	[tilespmem:v10+s23+$0x0] =	vst.idx.add.s32.msk $0xffff, v1  }
0x422: {  	v9 =	vshrl.u32 v12, $0xF;
	v5 =	vld [tilespmem:s30+$0xFFFFFF90];
	v2 =	vshrl.u32 v11, $0xF  }
0x423: {  	v10 =	vshrl.u32 v14, $0xF;
	[tilespmem:v13+s23+$0x0] =	vst.idx.add.s32.msk $0xffff, v1  }
0x424: {  	v8 =	vshrl.u32 v8, $0xF;
	[tilespmem:v15+s23+$0x0] =	vst.idx.add.s32.msk $0xffff, v1  }
0x425: {  	v7 =	vshrl.u32 v7, $0xF;
	[tilespmem:v3+s23+$0x0] =	vst.idx.add.s32.msk $0xffff, v1  }
0x426: {  	v6 =	vshrl.u32 v6, $0xF;
	[tilespmem:v4+s23+$0x0] =	vst.idx.add.s32.msk $0xffff, v1  }
.Ltmp15:
0x427: {  	v3 =	vshrl.u32 v5, $0xF;
	[tilespmem:v9+s23+$0x0] =	vst.idx.add.s32.msk $0xffff, v1;
	(pc) =	sbr.rel @p0 .LBB2_32-.Ltmp15, $4  }
0x428: {  	[tilespmem:v10+s23+$0x0] =	vst.idx.add.s32.msk $0xffff, v1  }
0x429: {  	[tilespmem:v8+s23+$0x0] =	vst.idx.add.s32.msk $0xffff, v1  }
0x42a: {  	[tilespmem:v7+s23+$0x0] =	vst.idx.add.s32.msk $0xffff, v1  }
0x42b: {  	[tilespmem:v6+s23+$0x0] =	vst.idx.add.s32.msk $0xffff, v1  }
0x42c: {  	_ =	sdelay $0x3  }
0x42d: {  	[tilespmem:v3+s23+$0x0] =	vst.idx.add.s32.msk $0xffff, v1  }
0x42e: {  	[tilespmem:v2+s23+$0x0] =	vst.idx.add.s32.msk $0xffff, v1  }
0x42f: {  	_ =	swait.ge [sflag:s24], $0x4000  }
0x430: {  	[sflag:s24] =	ssyncset.done $0x0  }
0x431: {  	s30 =	simm.s32 $0x4080;
	[sflag:s24] =	ssyncadd.s32 $0xFFFFC000  }
0x432: {  	v2 =	vld [tilespmem:s30+$0x10]  }
0x433: {  	v3 =	vld [tilespmem:s30+$0x0]  }
0x434: {  	v4 =	vld [tilespmem:s30+$0xFFFFFF80]  }
0x435: {  	v5 =	vld [tilespmem:s30+$0x70]  }
0x436: {  	v6 =	vld [tilespmem:s30+$0xFFFFFFA0]  }
0x437: {  	v7 =	vld [tilespmem:s30+$0xFFFFFFB0]  }
0x438: {  	v8 =	vld [tilespmem:s30+$0xFFFFFFC0]  }
0x439: {  	v10 =	vld [tilespmem:s30+$0x50]  }
0x43a: {  	v11 =	vld [tilespmem:s30+$0x40];
	v4 =	vshrl.u32 v4, $0xF  }
0x43b: {  	v9 =	vld [tilespmem:s30+$0x60];
	v5 =	vshrl.u32 v5, $0xF  }
0x43c: {  	v12 =	vld [tilespmem:s30+$0x30]  }
0x43d: {  	v13 =	vld [tilespmem:s30+$0x20]  }
0x43e: {  	v14 =	vld [tilespmem:s30+$0xFFFFFFD0];
	v59 =	vshrl.u32 v10, $0xF  }
0x43f: {  	v60 =	vshrl.u32 v11, $0xF;
	[tilespmem:v4+s23+$0x0] =	vst.idx.add.s32.msk $0xffff, v1  }
0x440: {  	v4 =	vshrl.u32 v9, $0xF;
	[tilespmem:v5+s23+$0x0] =	vst.idx.add.s32.msk $0xffff, v1  }
0x441: {  	v5 =	vld [tilespmem:s30+$0xFFFFFFF0]  }
0x442: {  	v61 =	vld [tilespmem:s30+$0xFFFFFFE0];
	v2 =	vshrl.u32 v2, $0xF  }
0x443: {  	v13 =	vshrl.u32 v13, $0xF;
	[tilespmem:v59+s23+$0x0] =	vst.idx.add.s32.msk $0xffff, v1  }
0x444: {  	v3 =	vshrl.u32 v3, $0xF;
	[tilespmem:v60+s23+$0x0] =	vst.idx.add.s32.msk $0xffff, v1  }
0x445: {  	v62 =	vshrl.u32 v12, $0xF;
	[tilespmem:v4+s23+$0x0] =	vst.idx.add.s32.msk $0xffff, v1  }
0x446: {  	v63 =	vshrl.u32 v14, $0xF;
	v4 =	vshrl.u32 v5, $0xF;
	v5 =	vld [tilespmem:s30+$0xFFFFFF90]  }
0x447: {  	[tilespmem:v2+s23+$0x0] =	vst.idx.add.s32.msk $0xffff, v1;
	v2 =	vshrl.u32 v7, $0xF  }
0x448: {  	v8 =	vshrl.u32 v8, $0xF;
	[tilespmem:v13+s23+$0x0] =	vst.idx.add.s32.msk $0xffff, v1  }
0x449: {  	v6 =	vshrl.u32 v6, $0xF;
	[tilespmem:v3+s23+$0x0] =	vst.idx.add.s32.msk $0xffff, v1  }
0x44a: {  	[tilespmem:v62+s23+$0x0] =	vst.idx.add.s32.msk $0xffff, v1  }
0x44b: {  	[tilespmem:v63+s23+$0x0] =	vst.idx.add.s32.msk $0xffff, v1;
	v3 =	vshrl.u32 v5, $0xF  }
0x44c: {  	[tilespmem:v2+s23+$0x0] =	vst.idx.add.s32.msk $0xffff, v1;
	v2 =	vshrl.u32 v61, $0xF  }
0x44d: {  	[tilespmem:v8+s23+$0x0] =	vst.idx.add.s32.msk $0xffff, v1  }
0x44e: {  	[tilespmem:v6+s23+$0x0] =	vst.idx.add.s32.msk $0xffff, v1  }
0x44f: {  	s31 =	simm.s32 $0x0;
	[tilespmem:v4+s23+$0x0] =	vst.idx.add.s32.msk $0xffff, v1  }
.LBB2_34:
0x450: {  	s31 =	sadd.s32 $0x100, s31;
	[tilespmem:v3+s23+$0x0] =	vst.idx.add.s32.msk $0xffff, v1;
	s30 =	sadd.s32 $0x100, s30  }
0x451: {  	p0 =	slt.u32 s31, $0x3F00;
	[tilespmem:v2+s23+$0x0] =	vst.idx.add.s32.msk $0xffff, v1  }
0x452: {  	v2 =	vld [tilespmem:s30+$0x10]  }
0x453: {  	v3 =	vld [tilespmem:s30+$0x0]  }
0x454: {  	v4 =	vld [tilespmem:s30+$0xFFFFFF80]  }
0x455: {  	v5 =	vld [tilespmem:s30+$0x70]  }
0x456: {  	v6 =	vld [tilespmem:s30+$0xFFFFFFA0]  }
0x457: {  	v7 =	vld [tilespmem:s30+$0xFFFFFFB0]  }
0x458: {  	v8 =	vld [tilespmem:s30+$0xFFFFFFC0]  }
0x459: {  	v4 =	vshrl.u32 v4, $0xF;
	v9 =	vld [tilespmem:s30+$0x60]  }
0x45a: {  	v10 =	vld [tilespmem:s30+$0x50];
	v5 =	vshrl.u32 v5, $0xF  }
0x45b: {  	v11 =	vld [tilespmem:s30+$0x40]  }
0x45c: {  	v12 =	vld [tilespmem:s30+$0x30]  }
0x45d: {  	v13 =	vld [tilespmem:s30+$0x20]  }
0x45e: {  	[tilespmem:v4+s23+$0x0] =	vst.idx.add.s32.msk $0xffff, v1;
	v4 =	vshrl.u32 v9, $0xF  }
0x45f: {  	v9 =	vshrl.u32 v10, $0xF;
	[tilespmem:v5+s23+$0x0] =	vst.idx.add.s32.msk $0xffff, v1  }
0x460: {  	v5 =	vld [tilespmem:s30+$0xFFFFFFF0];
	v10 =	vshrl.u32 v11, $0xF  }
0x461: {  	v11 =	vld [tilespmem:s30+$0xFFFFFFE0]  }
0x462: {  	v14 =	vld [tilespmem:s30+$0xFFFFFFD0];
	v13 =	vshrl.u32 v13, $0xF  }
0x463: {  	v15 =	vshrl.u32 v2, $0xF;
	[tilespmem:v4+s23+$0x0] =	vst.idx.add.s32.msk $0xffff, v1  }
0x464: {  	v3 =	vshrl.u32 v3, $0xF;
	[tilespmem:v9+s23+$0x0] =	vst.idx.add.s32.msk $0xffff, v1  }
0x465: {  	v4 =	vshrl.u32 v5, $0xF;
	[tilespmem:v10+s23+$0x0] =	vst.idx.add.s32.msk $0xffff, v1  }
0x466: {  	v9 =	vshrl.u32 v12, $0xF;
	v5 =	vld [tilespmem:s30+$0xFFFFFF90];
	v2 =	vshrl.u32 v11, $0xF  }
0x467: {  	v10 =	vshrl.u32 v14, $0xF;
	[tilespmem:v13+s23+$0x0] =	vst.idx.add.s32.msk $0xffff, v1  }
0x468: {  	v8 =	vshrl.u32 v8, $0xF;
	[tilespmem:v15+s23+$0x0] =	vst.idx.add.s32.msk $0xffff, v1  }
0x469: {  	v7 =	vshrl.u32 v7, $0xF;
	[tilespmem:v3+s23+$0x0] =	vst.idx.add.s32.msk $0xffff, v1  }
0x46a: {  	v6 =	vshrl.u32 v6, $0xF;
	[tilespmem:v4+s23+$0x0] =	vst.idx.add.s32.msk $0xffff, v1  }
.Ltmp16:
0x46b: {  	v3 =	vshrl.u32 v5, $0xF;
	[tilespmem:v9+s23+$0x0] =	vst.idx.add.s32.msk $0xffff, v1;
	(pc) =	sbr.rel @p0 .LBB2_34-.Ltmp16, $4  }
0x46c: {  	[tilespmem:v10+s23+$0x0] =	vst.idx.add.s32.msk $0xffff, v1  }
0x46d: {  	[tilespmem:v8+s23+$0x0] =	vst.idx.add.s32.msk $0xffff, v1  }
0x46e: {  	[tilespmem:v7+s23+$0x0] =	vst.idx.add.s32.msk $0xffff, v1  }
0x46f: {  	[tilespmem:v6+s23+$0x0] =	vst.idx.add.s32.msk $0xffff, v1  }
0x470: {  	_ =	sdelay $0x2  }
0x471: {  	s29 =	sadd.s32 $0x1, s29  }
0x472: {  	[tilespmem:v3+s23+$0x0] =	vst.idx.add.s32.msk $0xffff, v1;
	p0 =	sne.s32 s29, s20  }
.Ltmp17:
0x473: {  	[tilespmem:v2+s23+$0x0] =	vst.idx.add.s32.msk $0xffff, v1;
	(pc) =	sbr.rel @p0 .LBB2_1-.Ltmp17, $4  }
0x474: {  	[hbm4b:s19+s25] =	stream.strided.scatter [tilespmem:s23], [sflag:$0x3], $0x10000, s26, s25, $0x38;
	[tilespmem:$0x18000] =	vst v63  }
0x475: {  	_ =	swait.ge [sflag:s28], $0x10000  }
0x476: {  	[sflag:s28] =	ssyncset.done $0x0  }
0x477: {  	[sflag:s28] =	ssyncadd.s32 $0xFFFF0000  }
0x478: {  	_ =	sfence.sel $0x180000  }
0x479: {  	[bflag:$0x0] =	sbarrier.arrive $0xFFFF  }
0x47a: {  	p0 =	sne.s32 s1, $0x0;
	_ =	strace $0x90000047  }
0x47b: {  	s0 =	sadd.s32 @!p0 $0x100000, s0;
	[bflag:$0x2] =	sbarrier.arrive $0xFFFF  }
0x47c: {  	[sflag:s0] =	ssyncadd.tile.s32 @!p0 $0x1;
	_ =	shalt  }
.Lfunc_end2:
_tile_overlayer_lowered:
.L_overlay_start_2:
0x47d: {  	(tag) =	ssettag $0x2  }
0x47e: {  	s0 =	rddreg [dreg:$0x0];
	s2 =	stileid.u32  }
0x47f: {  	s1 =	rddreg [dreg:$0x1];
	p0 =	sne.s32 s2, $0x0  }
0x480: {  	s3 =	rddreg [dreg:$0x2];
	[bflag:$0x3] =	sbarrier.arrive $0xFFFF;
	s2 =	simm.s32 @!p0 $0x1C03  }
0x481: {  	[timem:s3], [sflag:s2] =	dma.local @!p0 [hbm:s0], s1  }
0x482: {  	s0 =	simm.s32 @!p0 $0x3  }
0x483: {  	_ =	swait.ge @!p0 [sflag:s0], s1  }
0x484: {  	s1 =	ssub.s32 @!p0 $0x0, s1;
	[sflag:s0] =	ssyncset.done @!p0 $0x0  }
0x485: {  	[sflag:s0] =	ssyncadd.s32 @!p0 s1  }
0x486: {  	[bflag:$0x3] =	sbarrier.arrive $0xFFFF  }
0x487: {  	_ =	shalt  }

// kernel: kernel.8.cloned.1.call-start
scs
__scs_entry_jumppad:
0x0: {  	(pc) =	sbr.rel $0x88, $3  }
0x1: {  	(tag) =	ssettag $0x0;
	lr =	simm.s32 $0x1  }
0x2: {  	[smem:$0x3F9E] =	sst lr;
	_ =	strace $0xD0000000  }
0x3: {  	_ = 	snop  }
0x4: {  	_ = 	snop  }
0x5: {  	_ = 	snop  }
0x6: {  	_ = 	snop  }
0x7: {  	_ = 	snop  }
__scs_overlays_trampoline_lowered:
0x8: {  	[smem:$0x3FAD] =	sst s0  }
0x9: {  	[smem:$0x3FAE] =	sst s1  }
0xa: {  	[smem:$0x3FAF] =	sst s2  }
0xb: {  	[smem:$0x3FB0] =	sst s3  }
0xc: {  	[smem:$0x3FB1] =	sst s4  }
0xd: {  	[smem:$0x3FB2] =	sst s5  }
0xe: {  	[smem:$0x3FB3] =	sst s6  }
0xf: {  	[smem:$0x3FB4] =	sst s7  }
0x10: {  	[smem:$0x3FB5] =	sst s8  }
0x11: {  	[smem:$0x3FB6] =	sst s9;
	s0 =	simm.s32 @!p0 $0x0  }
0x12: {  	s1 =	sld [smem:$0x3F9C];
	s0 =	simm.s32 @p0 $0x1  }
0x13: {  	[smem:$0x3FB7] =	sst s0;
	s0 =	simm.s32 @!p1 $0x0  }
0x14: {  	s2 =	sld [smem:$0x3F9B];
	s0 =	simm.s32 @p1 $0x1  }
0x15: {  	[smem:$0x3FB8] =	sst s0;
	s0 =	simm.s32 @!p2 $0x0  }
0x16: {  	s3 =	sld [smem:$0x3FDB];
	s0 =	simm.s32 @p2 $0x1  }
0x17: {  	s4 =	simm.s32 $0x1BF5;
	[smem:$0x3FBA] =	sst s0  }
0x18: {  	s0 =	sld [smem:$0x3F9D];
	_ =	swait.ge [sflag:s4], $0x0  }
0x19: {  	s7 =	sld [smem:$0x3F9E]  }
0x1a: {  	s8 =	sadd.s32 $0xFFFFE003, lr  }
0x1b: {  	s9 =	sadd.s32 $0xFFFFFEF7, lr;
	s5 =	simm.s32 $0xFFFFFFFF;
	p2 =	slt.u32 s8, $0xFFFFF086  }
0x1c: {  	p1 =	slt.u32 s9, $0xF7A;
	s5 =	simm.s32 @!p2 $0x0  }
0x1d: {  	s5 =	simm.s32 @p1 $0x1;
	p0 =	seq.s32 s7, s2  }
0x1e: {  	s7 =	smul.u32 @!p0 $0xF7A, s2;
	p2 =	seq.s32 @!p0 s5, $0x0  }
0x1f: {  	s9 =	smul.u32 $0xF7A, s1;
	s8 =	simm.s32 @!p0 $0x1BF5;
	p2 =	por !p2, p0  }
0x20: {  	[sflag:s8] =	ssyncset.s32 @!p0 $0xFFFFF086;
	s6 =	sadd.s32 @!p0 s3, s7;
	s7 =	simm.s32 @!p0 $0x108  }
0x21: {  	s3 =	sadd.s32 s3, s9;
	s6 =	sadd.s32 @!p0 $0x88, s6;
	s7 =	simm.s32 @p2 $0x1082  }
0x22: {  	[simem:s7], [sflag:s8] =	dma.local @!p0 [hbm:s6], $0xF7A  }
0x23: {  	s9 =	sor.u32 $0xD0000000, s2;
	s6 =	simm.s32 $0x108;
	_ =	swait.ge @!p0 [sflag:s8], $0x0  }
0x24: {  	s3 =	sadd.s32 $0x88, s3;
	s6 =	simm.s32 @!p1 $0x1082;
	[sflag:s4] =	ssyncset.s32 $0xFFFFF086  }
0x25: {  	[simem:s6], [sflag:s4] =	dma.local [hbm:s3], $0xF7A  }
0x26: {  	[smem:$0x3F9E] =	sst s1;
	(tag) =	ssettag s2;
	_ =	strace s9  }
0x27: {  	s1 =	sld [smem:$0x3FAE]  }
0x28: {  	s2 =	sld [smem:$0x3FAF]  }
0x29: {  	s4 =	sld [smem:$0x3FB1]  }
0x2a: {  	p0 =	seq.s32 s5, $0x0;
	s5 =	sld [smem:$0x3FB2]  }
0x2b: {  	s6 =	sld [smem:$0x3FB3]  }
0x2c: {  	s7 =	sld [smem:$0x3FB4]  }
0x2d: {  	s3 =	simm.s32 $0x108;
	s8 =	sld [smem:$0x3FB5]  }
0x2e: {  	s3 =	simm.s32 @!p0 $0x1082;
	s9 =	sld [smem:$0x3FB6]  }
0x2f: {  	lr =	sadd.s32 s0, s3;
	s0 =	sld [smem:$0x3FAD]  }
0x30: {  	s3 =	sld [smem:$0x3FB0]  }
0x31: {  	[smem:$0x3FB9] =	sst s10  }
0x32: {  	s10 =	sld [smem:$0x3FB7];
	_ =	sdelay $0x3  }
0x33: {  	p0 =	seq.s32 s10, $0x1;
	s10 =	sld [smem:$0x3FB9];
	_ =	sdelay $0x3  }
0x34: {  	[smem:$0x3FB9] =	sst s10  }
0x35: {  	s10 =	sld [smem:$0x3FB8];
	_ =	sdelay $0x3  }
0x36: {  	p1 =	seq.s32 s10, $0x1;
	s10 =	sld [smem:$0x3FB9];
	_ =	sdelay $0x3  }
0x37: {  	[smem:$0x3FB9] =	sst s10  }
0x38: {  	s10 =	sld [smem:$0x3FBA]  }
0x39: {  	_ = 	snop;
	(pc) =	sbr.ind lr, $3  }
0x3a: {  	_ = 	snop  }
0x3b: {  	_ = 	snop  }
0x3c: {  	p2 =	seq.s32 s10, $0x1;
	s10 =	sld [smem:$0x3FB9]  }
0x3d: {  	_ =	shalt  }
0x3e: {  	_ =	shalt  }
0x3f: {  	_ =	shalt  }
0x40: {  	_ =	shalt  }
0x41: {  	_ =	shalt  }
0x42: {  	_ =	shalt  }
0x43: {  	_ =	shalt  }
0x44: {  	_ =	shalt  }
0x45: {  	_ =	shalt  }
0x46: {  	_ =	shalt  }
0x47: {  	_ =	shalt  }
0x48: {  	_ =	shalt  }
0x49: {  	_ =	shalt  }
0x4a: {  	_ =	shalt  }
0x4b: {  	_ =	shalt  }
0x4c: {  	_ =	shalt  }
0x4d: {  	_ =	shalt  }
0x4e: {  	_ =	shalt  }
0x4f: {  	_ =	shalt  }
0x50: {  	_ =	shalt  }
0x51: {  	_ =	shalt  }
0x52: {  	_ =	shalt  }
0x53: {  	_ =	shalt  }
0x54: {  	_ =	shalt  }
0x55: {  	_ =	shalt  }
0x56: {  	_ =	shalt  }
0x57: {  	_ =	shalt  }
0x58: {  	_ =	shalt  }
0x59: {  	_ =	shalt  }
0x5a: {  	_ =	shalt  }
0x5b: {  	_ =	shalt  }
0x5c: {  	_ =	shalt  }
0x5d: {  	_ =	shalt  }
0x5e: {  	_ =	shalt  }
0x5f: {  	_ =	shalt  }
0x60: {  	_ =	shalt  }
0x61: {  	_ =	shalt  }
0x62: {  	_ =	shalt  }
0x63: {  	_ =	shalt  }
0x64: {  	_ =	shalt  }
0x65: {  	_ =	shalt  }
0x66: {  	_ =	shalt  }
0x67: {  	_ =	shalt  }
0x68: {  	_ =	shalt  }
0x69: {  	_ =	shalt  }
0x6a: {  	_ =	shalt  }
0x6b: {  	_ =	shalt  }
0x6c: {  	_ =	shalt  }
0x6d: {  	_ =	shalt  }
0x6e: {  	_ =	shalt  }
0x6f: {  	_ =	shalt  }
0x70: {  	_ =	shalt  }
0x71: {  	_ =	shalt  }
0x72: {  	_ =	shalt  }
0x73: {  	_ =	shalt  }
0x74: {  	_ =	shalt  }
0x75: {  	_ =	shalt  }
0x76: {  	_ =	shalt  }
0x77: {  	_ =	shalt  }
0x78: {  	_ =	shalt  }
0x79: {  	_ =	shalt  }
0x7a: {  	_ =	shalt  }
0x7b: {  	_ =	shalt  }
0x7c: {  	_ =	shalt  }
0x7d: {  	_ =	shalt  }
0x7e: {  	_ =	shalt  }
0x7f: {  	_ =	shalt  }
0x80: {  	_ =	shalt  }
0x81: {  	_ =	shalt  }
0x82: {  	_ =	shalt  }
0x83: {  	_ =	shalt  }
0x84: {  	_ =	shalt  }
0x85: {  	_ =	shalt  }
0x86: {  	_ =	shalt  }
0x87: {  	_ =	shalt  }
.Lfunc_end0:
.L_simem_size_0:
called_computation.1_lowered:
.L_overlay_start_0:
0x88: {  	s2 =	sld [smem:$0x3FD9]  }
0x89: {  	s3 =	sld [smem:$0x3FFE];
	_ =	sdelay $0x1  }
0x8a: {  	s1 =	srdreg.scid  }
0x8b: {  	s0 =	sand.u32 $0x1, s1  }
0x8c: {  	s16 =	sshll.u32 s0, $0xA;
	s2 =	sadd.s32 s3, s2  }
0x8d: {  	s2 =	sadd.s32 s2, s16  }
0x8e: {  	[smem:$0x3FC5] =	sst s2  }
0x8f: {  	_ = 	snop  }
0x90: {  	(tm) =	ssettm $0x1  }
0x91: {  	s17 =	sld [smem:$0x3FFB];
	_ =	sdelay $0x3  }
0x92: {  	_ =	strace s17  }
0x93: {  	s2 =	sld [smem:$0x3FFC];
	_ =	sdelay $0x3  }
0x94: {  	_ =	strace s2  }
0x95: {  	s2 =	sld [smem:$0x3FFD];
	_ =	sdelay $0x3  }
0x96: {  	_ =	strace s2  }
0x97: {  	_ =	strace $0x8FFFFFFF  }
0x98: {  	s18 =	sld [smem:$0x3FDB];
	_ =	sdelay $0x1  }
0x99: {  	s19 =	simm.s32 $_scs_section_size  }
0x9a: {  	s4 =	simm.s32 $_size__tile_overlayer_lowered;
	s5 =	simm.s32 $_tile_overlayer_lowered  }
0x9b: {  	s22 =	simm.s32 $0x1BFF;
	s21 =	sshll.u32 s5, $0x1;
	s2 =	sadd.s32 s19, s18  }
0x9c: {  	s6 =	simm.s32 $0x0;
	s20 =	sshll.u32 s4, $0x1;
	s4 =	sadd.s32 s21, s2  }
0x9d: {  	[timem:s6], [sflag:s22] =	dma.local [hbm:s4], s20  }
0x9e: {  	_ =	swait.ge [sflag:s22], s20  }
0x9f: {  	s3 =	ssub.s32 $0x0, s20;
	[sflag:s22] =	ssyncset.done $0x0  }
0xa0: {  	[sflag:s22] =	ssyncadd.s32 s3;
	_ =	sdelay $0x1  }
0xa1: {  	s23 =	simm.s32 $0x1B8B  }
0xa2: {  	_ =	swait.ge [sflag:s23], $0x1  }
0xa3: {  	[sflag:s23] =	ssyncset.done $0x0  }
0xa4: {  	s25 =	simm.s32 $0x1B8E;
	s24 =	sld [smem:$0x3FFE];
	[sflag:s23] =	ssyncadd.s32 $0xFFFFFFFF  }
0xa5: {  	s26 =	simm.s32 $execute0_lowered;
	[smem:$0x3FD2] =	sst s25  }
0xa6: {  	s4 =	sshll.u32 s26, $0x1;
	_ =	strace $0x80000049;
	[dreg:$0x1] =	wrdreg $0xFFFFFFFF  }
0xa7: {  	s28 =	simm.s32 $_size_execute0_lowered;
	s2 =	sadd.s32 s2, s4;
	[dreg:$0x0] =	wrdreg $0x0  }
0xa8: {  	s4 =	sshll.u32 s28, $0x1;
	[dreg:$0x2] =	wrdreg s2  }
0xa9: {  	[dreg:$0x3] =	wrdreg s4  }
0xaa: {  	[dreg:$0x4] =	wrdreg $0xC0  }
0xab: {  	_ =	task [dreg:s6], $0x5FFFF  }
0xac: {  	[dreg:$0x1] =	wrdreg $0xFFFFFFFF  }
0xad: {  	[dreg:$0x0] =	wrdreg $0x60  }
0xae: {  	[dreg:$0x2] =	wrdreg s24  }
0xaf: {  	[dreg:$0x3] =	wrdreg $0x9  }
0xb0: {  	_ =	task.clear_ibuf [dreg:s6], $0x4FFFF;
	_ =	strace $0x90000049  }
0xb1: {  	s29 =	simm.s32 $0x9;
	_ =	strace $0x8000004B  }
0xb2: {  	_ =	swait.ge [sflag:s29], $0x1  }
0xb3: {  	[sflag:s29] =	ssyncadd.s32 $0xFFFFFFFF  }
0xb4: {  	_ =	strace $0x9000004B  }
0xb5: {  	_ =	sfence  }
0xb6: {  	s30 =	sld [smem:$0x0];
	_ =	sdelay $0x2  }
0xb7: {  	s31 =	sshll.u32 s1, $0xD;
	s1 =	sshrl.u32 s1, $0x2  }
0xb8: {  	s3 =	sand.u32 $0x4000, s31;
	s1 =	sadd.s32 s1, s30  }
0xb9: {  	s0 =	sor.u32 s3, s0;
	s1 =	sshll.u32 s1, $0x11  }
0xba: {  	s0 =	sor.u32 s1, s0  }
0xbb: {  	s0 =	sadd.s32 $0x8F2B, s0  }
0xbc: {  	[sflag:s0] =	ssyncadd.remote.s32 $0x1  }
0xbd: {  	_ =	sfence.sel $0xFFFF  }
0xbe: {  	[dreg:$0x0] =	wrdreg $0xFFFFFFFF;
	(pc) =	sbr.abs _section_cstart, $3  }
0xbf: {  	[dreg:$0x1] =	wrdreg $0xFFFFFFFF  }
0xc0: {  	_ =	task.clear_ibuf [dreg:s6], $0x2FFFF;
	_ =	strace $0x9FFFFFFF  }
0xc1: {  	(tm) =	ssettm $0x7FFFFFFF  }
tec
execute0_lowered:
.L_overlay_start_1:
0x0: {  	(tag) =	ssettag $0x1  }
0x1: {  	s0 =	rddreg [dreg:$0x0]  }
0x2: {  	s2 =	simm.s32 $0x0;
	s1 =	srdreg.scid;
	s3 =	stileid.u32  }
0x3: {  	s23 =	simm.s32 $0x8000;
	s24 =	simm.s32 $0x3;
	s25 =	simm.s32 $0x4000  }
0x4: {  	s28 =	simm.s32 $0x2;
	s29 =	simm.s32 $0x8080;
	s30 =	simm.s32 $0x8100  }
0x5: {  	s31 =	simm.s32 $0x0;
	s1 =	sand.u32 $0x1, s1;
	s4 =	sshll.u32 s3, $0x1  }
0x6: {  	[smem:$0x7FF] =	sst s2;
	s3 =	sadd.s32 $0x100000, s0;
	s4 =	sor.u32 s1, s4  }
0x7: {  	s1 =	ssub.s32 $0x2, s1;
	s5 =	sshll.u32 s4, $0x4;
	s4 =	sshll.u32 s4, $0xF  }
0x8: {  	_ =	strace $0x8000004A;
	s20 =	sshrl.u32 s1, $0x1;
	s4 =	sadd.s32 s0, s4  }
0x9: {  	s21 =	sadd.s32 s5, s0;
	s26 =	ssub.s32 s1, s20;
	s5 =	sadd.s32 $0x800, s4  }
0xa: {  	s6 =	sadd.s32 $0x1000, s4;
	s7 =	sadd.s32 $0x1800, s4;
	s8 =	sadd.s32 $0x2000, s4  }
0xb: {  	s9 =	sadd.s32 $0x2800, s4;
	s10 =	sadd.s32 $0x3000, s4;
	s11 =	sadd.s32 $0x3800, s4  }
0xc: {  	s12 =	sadd.s32 $0x4000, s4;
	s13 =	sadd.s32 $0x4800, s4;
	s14 =	sadd.s32 $0x5000, s4  }
0xd: {  	s15 =	sadd.s32 $0x5800, s4;
	s16 =	sadd.s32 $0x6000, s4;
	s17 =	sadd.s32 $0x6800, s4  }
0xe: {  	s18 =	sadd.s32 $0x7000, s4;
	s19 =	sadd.s32 $0x7800, s4;
	s20 =	sadd.s32 $0x100600, s21  }
0xf: {  	s21 =	sadd.s32 $0x100400, s21;
	s22 =	smax.u32 s26, $0x1;
	s26 =	simm.s32 $0x1  }
.LBB2_1:
0x10: {  	[tilespmem:s23], [sflag:$0x3] =	stream.linear.gather [hbm4b:s3+s2], $0x80, $0x38;
	[tilespmem:$0x8180] =	vst v63  }
0x11: {  	_ =	swait.ge [sflag:s24], $0x80  }
0x12: {  	[sflag:s24] =	ssyncset.done $0x0  }
0x13: {  	[sflag:s24] =	ssyncadd.s32 $0xFFFFFF80  }
0x14: {  	v0 =	vld [tilespmem:$0x8000];
	[tilespmem:s2], [sflag:$0x1] =	stream.linear.gather [hbm4b:s4+s2], $0x4000, $0x38  }
0x15: {  	_ = 	snop  }
0x16: {  	[tilespmem:s25], [sflag:$0x2] =	stream.linear.gather [hbm4b:s5+s2], $0x4000, $0x38;
	[tilespmem:$0x8180] =	vst v63  }
0x17: {  	_ =	swait.ge [sflag:s26], $0x4000  }
0x18: {  	[sflag:s26] =	ssyncset.done $0x0  }
0x19: {  	s0 =	simm.s32 $0x40;
	[sflag:s26] =	ssyncadd.s32 $0xFFFFC000  }
0x1a: {  	v10 =	vld [tilespmem:s0+$0x20]  }
0x1b: {  	v2 =	vld [tilespmem:s0+$0x30]  }
0x1c: {  	v1 =	vld [tilespmem:s0+$0x0]  }
0x1d: {  	v4 =	vld [tilespmem:s0+$0x10]  }
0x1e: {  	v6 =	vld [tilespmem:s0+$0xFFFFFFE0]  }
0x1f: {  	v5 =	vld [tilespmem:s0+$0xFFFFFFF0]  }
0x20: {  	v7 =	vld [tilespmem:s0+$0xFFFFFFC0]  }
0x21: {  	v3 =	vld [tilespmem:s0+$0xFFFFFFD0];
	_ =	sdelay $0x1  }
0x22: {  	v8 =	vimm.f32 $0.0e+00  }
0x23: {  	v9 =	vshra.s32 v1, $0xF;
	v11 =	vshra.s32 v10, $0xF;
	v12 =	vshra.s32 v2, $0xF  }
0x24: {  	v13 =	vshra.s32 v6, $0xF;
	v14 =	vshra.s32 v5, $0xF;
	v15 =	vshra.s32 v4, $0xF  }
0x25: {  	v16 =	vshra.s32 v7, $0xF;
	v17 =	vshra.s32 v3, $0xF;
	vm13 =	vgt.s32 v11, v0  }
0x26: {  	vm14 =	veq.s32 v11, v0;
	vm1 =	vgt.s32 v12, v0;
	vm0 =	veq.s32 v12, v0  }
0x27: {  	vm15 =	vgt.s32 v9, v0;
	vm6 =	veq.s32 v9, v0;
	vm3 =	vgt.s32 v15, v0  }
0x28: {  	vm9 =	vgt.s32 v13, v0;
	vm10 =	veq.s32 v13, v0;
	vm2 =	veq.s32 v15, v0  }
0x29: {  	vm8 =	vgt.s32 v16, v0;
	vm5 =	vgt.s32 v14, v0;
	vm4 =	veq.s32 v14, v0  }
0x2a: {  	vm11 =	veq.s32 v16, v0;
	vm12 =	vgt.s32 v17, v0;
	vm7 =	veq.s32 v17, v0  }
0x2b: {  	v13 =	vimm.f32 $0.0e+00;
	v11 =	vimm.f32 $0.0e+00;
	v12 =	vimm.f32 $0.0e+00  }
0x2c: {  	s1 =	simm.s32 $0xC0;
	s0 =	simm.s32 $0x0;
	v14 =	vnsel vm15, $0x0, v1;
	v9 =	vnsel vm13, $0x0, v10;
	v10 =	vnsel vm14, $0x0, v10  }
.LBB2_2:
0x2d: {  	v15 =	vld [tilespmem:s1+$0x20];
	v16 =	vnsel vm9, $0x0, v6;
	v17 =	vnsel vm10, $0x0, v6;
	v18 =	vnsel vm6, $0x0, v1  }
0x2e: {  	v6 =	vnsel vm8, $0x0, v7;
	v7 =	vnsel vm11, $0x0, v7;
	v20 =	vnsel vm12, $0x0, v3;
	v19 =	vld [tilespmem:s1+$0x30]  }
0x2f: {  	v3 =	vnsel vm7, $0x0, v3;
	v8 =	vadd.f32 v6, v8;
	v7 =	vadd.f32 v7, v13;
	v1 =	vld [tilespmem:s1+$0x0]  }
0x30: {  	v11 =	vadd.f32 v20, v11;
	v3 =	vadd.f32 v3, v12;
	v12 =	vnsel vm5, $0x0, v5;
	v21 =	vld [tilespmem:s1+$0x10]  }
0x31: {  	v8 =	vadd.f32 v16, v8;
	v13 =	vadd.f32 v17, v7;
	v7 =	vnsel vm4, $0x0, v5;
	v6 =	vld [tilespmem:s1+$0xFFFFFFE0]  }
0x32: {  	v11 =	vadd.f32 v12, v11;
	v16 =	vnsel vm3, $0x0, v4;
	v12 =	vadd.f32 v7, v3;
	v5 =	vld [tilespmem:s1+$0xFFFFFFF0]  }
0x33: {  	v17 =	vnsel vm2, $0x0, v4;
	v8 =	vadd.f32 v14, v8;
	v13 =	vadd.f32 v18, v13;
	v7 =	vld [tilespmem:s1+$0xFFFFFFC0]  }
0x34: {  	v11 =	vadd.f32 v16, v11;
	v14 =	vnsel vm1, $0x0, v2;
	v12 =	vadd.f32 v17, v12;
	v3 =	vld [tilespmem:s1+$0xFFFFFFD0]  }
0x35: {  	v8 =	vadd.f32 v9, v8;
	v13 =	vadd.f32 v10, v13;
	v9 =	vnsel vm0, $0x0, v2;
	v2 =	vmovc v19;
	v4 =	vmovc v21  }
0x36: {  	v11 =	vadd.f32 v14, v11;
	v12 =	vadd.f32 v9, v12  }
0x37: {  	v10 =	vshra.s32 v15, $0xF;
	v9 =	vshra.s32 v1, $0xF;
	v14 =	vshra.s32 v2, $0xF  }
0x38: {  	v16 =	vshra.s32 v6, $0xF;
	v18 =	vshra.s32 v4, $0xF;
	v17 =	vshra.s32 v5, $0xF  }
0x39: {  	s0 =	sadd.s32 $0x80, s0;
	vm13 =	vgt.s32 v10, v0;
	v19 =	vshra.s32 v7, $0xF;
	v20 =	vshra.s32 v3, $0xF  }
0x3a: {  	p0 =	slt.u32 s0, $0x3F80;
	vm14 =	veq.s32 v10, v0;
	vm1 =	vgt.s32 v14, v0;
	vm0 =	veq.s32 v14, v0  }
.Ltmp0:
0x3b: {  	vm15 =	vgt.s32 v9, v0;
	vm6 =	veq.s32 v9, v0;
	vm3 =	vgt.s32 v18, v0;
	(pc) =	sbr.rel @p0 .LBB2_2-.Ltmp0, $4  }
0x3c: {  	vm9 =	vgt.s32 v16, v0;
	vm10 =	veq.s32 v16, v0;
	vm2 =	veq.s32 v18, v0  }
0x3d: {  	vm5 =	vgt.s32 v17, v0;
	vm4 =	veq.s32 v17, v0;
	vm8 =	vgt.s32 v19, v0  }
0x3e: {  	vm11 =	veq.s32 v19, v0;
	vm12 =	vgt.s32 v20, v0;
	vm7 =	veq.s32 v20, v0  }
0x3f: {  	s1 =	sadd.s32 $0x80, s1;
	v9 =	vnsel vm13, $0x0, v15;
	v10 =	vnsel vm14, $0x0, v15;
	v14 =	vnsel vm15, $0x0, v1  }
0x40: {  	[tilespmem:s2], [sflag:$0x1] =	stream.linear.gather [hbm4b:s6+s2], $0x4000, $0x38;
	[tilespmem:$0x8180] =	vst v63  }
0x41: {  	_ =	swait.ge [sflag:s28], $0x4000  }
0x42: {  	[sflag:s28] =	ssyncset.done $0x0  }
0x43: {  	s0 =	simm.s32 $0x4040;
	[sflag:s28] =	ssyncadd.s32 $0xFFFFC000  }
0x44: {  	v15 =	vnsel vm9, $0x0, v6;
	v16 =	vnsel vm10, $0x0, v6;
	v17 =	vnsel vm6, $0x0, v1;
	v18 =	vld [tilespmem:s0+$0x20]  }
0x45: {  	v6 =	vnsel vm8, $0x0, v7;
	v7 =	vnsel vm11, $0x0, v7;
	v19 =	vnsel vm12, $0x0, v3;
	v1 =	vld [tilespmem:s0+$0x30]  }
0x46: {  	v3 =	vnsel vm7, $0x0, v3;
	v8 =	vadd.f32 v6, v8;
	v7 =	vadd.f32 v7, v13;
	v6 =	vld [tilespmem:s0+$0x0]  }
0x47: {  	v11 =	vadd.f32 v19, v11;
	v12 =	vadd.f32 v3, v12;
	v13 =	vnsel vm5, $0x0, v5;
	v3 =	vld [tilespmem:s0+$0x10]  }
0x48: {  	v5 =	vnsel vm4, $0x0, v5;
	v8 =	vadd.f32 v15, v8;
	v15 =	vadd.f32 v16, v7;
	v7 =	vld [tilespmem:s0+$0xFFFFFFE0]  }
0x49: {  	v11 =	vadd.f32 v13, v11;
	v12 =	vadd.f32 v5, v12;
	v13 =	vnsel vm3, $0x0, v4;
	v5 =	vld [tilespmem:s0+$0xFFFFFFF0]  }
0x4a: {  	v4 =	vnsel vm2, $0x0, v4;
	v14 =	vadd.f32 v14, v8;
	v15 =	vadd.f32 v17, v15;
	v8 =	vld [tilespmem:s0+$0xFFFFFFC0]  }
0x4b: {  	v11 =	vadd.f32 v13, v11;
	v12 =	vadd.f32 v4, v12;
	v13 =	vnsel vm1, $0x0, v2;
	v4 =	vld [tilespmem:s0+$0xFFFFFFD0]  }
0x4c: {  	v2 =	vnsel vm0, $0x0, v2;
	v9 =	vadd.f32 v9, v14;
	v10 =	vadd.f32 v10, v15  }
0x4d: {  	v11 =	vadd.f32 v13, v11;
	v12 =	vadd.f32 v2, v12  }
0x4e: {  	v2 =	vshra.s32 v6, $0xF;
	v13 =	vshra.s32 v18, $0xF;
	v14 =	vshra.s32 v1, $0xF  }
0x4f: {  	v15 =	vshra.s32 v7, $0xF;
	v16 =	vshra.s32 v5, $0xF;
	v17 =	vshra.s32 v3, $0xF  }
0x50: {  	v63 =	vshra.s32 v8, $0xF;
	v20 =	vshra.s32 v4, $0xF;
	vm13 =	vgt.s32 v13, v0  }
0x51: {  	vm14 =	veq.s32 v13, v0;
	vm1 =	vgt.s32 v14, v0;
	vm0 =	veq.s32 v14, v0  }
0x52: {  	vm15 =	vgt.s32 v2, v0;
	vm6 =	veq.s32 v2, v0;
	vm3 =	vgt.s32 v17, v0  }
0x53: {  	vm9 =	vgt.s32 v15, v0;
	vm10 =	veq.s32 v15, v0;
	vm2 =	veq.s32 v17, v0  }
0x54: {  	vm5 =	vgt.s32 v16, v0;
	vm4 =	veq.s32 v16, v0;
	vm8 =	vgt.s32 v63, v0  }
0x55: {  	vm11 =	veq.s32 v63, v0;
	vm12 =	vgt.s32 v20, v0;
	vm7 =	veq.s32 v20, v0  }
0x56: {  	s1 =	simm.s32 $0x40C0;
	s0 =	simm.s32 $0x0;
	v15 =	vnsel vm15, $0x0, v6;
	v13 =	vnsel vm13, $0x0, v18;
	v14 =	vnsel vm14, $0x0, v18  }
.LBB2_4:
0x57: {  	v2 =	vld [tilespmem:s1+$0x20];
	v16 =	vnsel vm9, $0x0, v7;
	v17 =	vnsel vm10, $0x0, v7;
	v18 =	vnsel vm6, $0x0, v6  }
0x58: {  	v7 =	vnsel vm8, $0x0, v8;
	v8 =	vnsel vm11, $0x0, v8;
	v20 =	vnsel vm12, $0x0, v4;
	v19 =	vld [tilespmem:s1+$0x30]  }
0x59: {  	v4 =	vnsel vm7, $0x0, v4;
	v9 =	vadd.f32 v7, v9;
	v8 =	vadd.f32 v8, v10;
	v6 =	vld [tilespmem:s1+$0x0]  }
0x5a: {  	v10 =	vadd.f32 v20, v11;
	v4 =	vadd.f32 v4, v12;
	v11 =	vnsel vm5, $0x0, v5;
	v21 =	vld [tilespmem:s1+$0x10]  }
0x5b: {  	v9 =	vadd.f32 v16, v9;
	v12 =	vadd.f32 v17, v8;
	v8 =	vnsel vm4, $0x0, v5;
	v7 =	vld [tilespmem:s1+$0xFFFFFFE0]  }
0x5c: {  	v10 =	vadd.f32 v11, v10;
	v16 =	vnsel vm3, $0x0, v3;
	v11 =	vadd.f32 v8, v4;
	v5 =	vld [tilespmem:s1+$0xFFFFFFF0]  }
0x5d: {  	v17 =	vnsel vm2, $0x0, v3;
	v9 =	vadd.f32 v15, v9;
	v12 =	vadd.f32 v18, v12;
	v8 =	vld [tilespmem:s1+$0xFFFFFFC0]  }
0x5e: {  	v15 =	vadd.f32 v16, v10;
	v16 =	vadd.f32 v17, v11;
	v11 =	vnsel vm1, $0x0, v1;
	v4 =	vld [tilespmem:s1+$0xFFFFFFD0]  }
0x5f: {  	v9 =	vadd.f32 v13, v9;
	v10 =	vadd.f32 v14, v12;
	v12 =	vnsel vm0, $0x0, v1;
	v1 =	vmovc v19;
	v3 =	vmovc v21  }
0x60: {  	v11 =	vadd.f32 v11, v15;
	v12 =	vadd.f32 v12, v16  }
0x61: {  	v13 =	vshra.s32 v6, $0xF;
	v14 =	vshra.s32 v2, $0xF;
	v15 =	vshra.s32 v1, $0xF  }
0x62: {  	v16 =	vshra.s32 v7, $0xF;
	v18 =	vshra.s32 v3, $0xF;
	v17 =	vshra.s32 v5, $0xF  }
0x63: {  	s0 =	sadd.s32 $0x80, s0;
	vm13 =	vgt.s32 v14, v0;
	v19 =	vshra.s32 v8, $0xF;
	v20 =	vshra.s32 v4, $0xF  }
0x64: {  	p0 =	slt.u32 s0, $0x3F80;
	vm14 =	veq.s32 v14, v0;
	vm1 =	vgt.s32 v15, v0;
	vm0 =	veq.s32 v15, v0  }
.Ltmp1:
0x65: {  	vm15 =	vgt.s32 v13, v0;
	vm6 =	veq.s32 v13, v0;
	vm3 =	vgt.s32 v18, v0;
	(pc) =	sbr.rel @p0 .LBB2_4-.Ltmp1, $4  }
0x66: {  	vm9 =	vgt.s32 v16, v0;
	vm10 =	veq.s32 v16, v0;
	vm2 =	veq.s32 v18, v0  }
0x67: {  	vm5 =	vgt.s32 v17, v0;
	vm4 =	veq.s32 v17, v0;
	vm8 =	vgt.s32 v19, v0  }
0x68: {  	vm11 =	veq.s32 v19, v0;
	vm12 =	vgt.s32 v20, v0;
	vm7 =	veq.s32 v20, v0  }
0x69: {  	s1 =	sadd.s32 $0x80, s1;
	v15 =	vnsel vm15, $0x0, v6;
	v13 =	vnsel vm13, $0x0, v2;
	v14 =	vnsel vm14, $0x0, v2  }
0x6a: {  	[tilespmem:s25], [sflag:$0x2] =	stream.linear.gather [hbm4b:s7+s2], $0x4000, $0x38;
	[tilespmem:$0x8180] =	vst v63  }
0x6b: {  	_ =	swait.ge [sflag:s26], $0x4000  }
0x6c: {  	[sflag:s26] =	ssyncset.done $0x0  }
0x6d: {  	s0 =	simm.s32 $0x40;
	[sflag:s26] =	ssyncadd.s32 $0xFFFFC000  }
0x6e: {  	v16 =	vnsel vm9, $0x0, v7;
	v7 =	vnsel vm10, $0x0, v7;
	v17 =	vnsel vm6, $0x0, v6;
	v18 =	vld [tilespmem:s0+$0x20]  }
0x6f: {  	v6 =	vnsel vm8, $0x0, v8;
	v8 =	vnsel vm11, $0x0, v8;
	v19 =	vnsel vm12, $0x0, v4;
	v2 =	vld [tilespmem:s0+$0x30]  }
0x70: {  	v4 =	vnsel vm7, $0x0, v4;
	v9 =	vadd.f32 v6, v9;
	v8 =	vadd.f32 v8, v10;
	v6 =	vld [tilespmem:s0+$0x0]  }
0x71: {  	v10 =	vadd.f32 v19, v11;
	v11 =	vadd.f32 v4, v12;
	v12 =	vnsel vm5, $0x0, v5;
	v4 =	vld [tilespmem:s0+$0x10]  }
0x72: {  	v5 =	vnsel vm4, $0x0, v5;
	v9 =	vadd.f32 v16, v9;
	v8 =	vadd.f32 v7, v8;
	v7 =	vld [tilespmem:s0+$0xFFFFFFE0]  }
0x73: {  	v10 =	vadd.f32 v12, v10;
	v11 =	vadd.f32 v5, v11;
	v12 =	vnsel vm3, $0x0, v3;
	v5 =	vld [tilespmem:s0+$0xFFFFFFF0]  }
0x74: {  	v3 =	vnsel vm2, $0x0, v3;
	v9 =	vadd.f32 v15, v9;
	v15 =	vadd.f32 v17, v8;
	v8 =	vld [tilespmem:s0+$0xFFFFFFC0]  }
0x75: {  	v12 =	vadd.f32 v12, v10;
	v16 =	vadd.f32 v3, v11;
	v11 =	vnsel vm1, $0x0, v1;
	v3 =	vld [tilespmem:s0+$0xFFFFFFD0]  }
0x76: {  	v1 =	vnsel vm0, $0x0, v1;
	v9 =	vadd.f32 v13, v9;
	v10 =	vadd.f32 v14, v15  }
0x77: {  	v11 =	vadd.f32 v11, v12;
	v12 =	vadd.f32 v1, v16  }
0x78: {  	v1 =	vshra.s32 v6, $0xF;
	v13 =	vshra.s32 v18, $0xF;
	v14 =	vshra.s32 v2, $0xF  }
0x79: {  	v15 =	vshra.s32 v7, $0xF;
	v16 =	vshra.s32 v5, $0xF;
	v17 =	vshra.s32 v4, $0xF  }
0x7a: {  	v63 =	vshra.s32 v8, $0xF;
	v20 =	vshra.s32 v3, $0xF;
	vm13 =	vgt.s32 v13, v0  }
0x7b: {  	vm14 =	veq.s32 v13, v0;
	vm1 =	vgt.s32 v14, v0;
	vm0 =	veq.s32 v14, v0  }
0x7c: {  	vm15 =	vgt.s32 v1, v0;
	vm6 =	veq.s32 v1, v0;
	vm3 =	vgt.s32 v17, v0  }
0x7d: {  	vm9 =	vgt.s32 v15, v0;
	vm10 =	veq.s32 v15, v0;
	vm2 =	veq.s32 v17, v0  }
0x7e: {  	vm5 =	vgt.s32 v16, v0;
	vm4 =	veq.s32 v16, v0;
	vm8 =	vgt.s32 v63, v0  }
0x7f: {  	vm11 =	veq.s32 v63, v0;
	vm12 =	vgt.s32 v20, v0;
	vm7 =	veq.s32 v20, v0  }
0x80: {  	s1 =	simm.s32 $0xC0;
	s0 =	simm.s32 $0x0;
	v15 =	vnsel vm15, $0x0, v6;
	v13 =	vnsel vm13, $0x0, v18;
	v14 =	vnsel vm14, $0x0, v18  }
.LBB2_6:
0x81: {  	v1 =	vld [tilespmem:s1+$0x20];
	v16 =	vnsel vm9, $0x0, v7;
	v17 =	vnsel vm10, $0x0, v7;
	v18 =	vnsel vm6, $0x0, v6  }
0x82: {  	v7 =	vnsel vm8, $0x0, v8;
	v8 =	vnsel vm11, $0x0, v8;
	v20 =	vnsel vm12, $0x0, v3;
	v19 =	vld [tilespmem:s1+$0x30]  }
0x83: {  	v3 =	vnsel vm7, $0x0, v3;
	v9 =	vadd.f32 v7, v9;
	v8 =	vadd.f32 v8, v10;
	v6 =	vld [tilespmem:s1+$0x0]  }
0x84: {  	v10 =	vadd.f32 v20, v11;
	v3 =	vadd.f32 v3, v12;
	v11 =	vnsel vm5, $0x0, v5;
	v21 =	vld [tilespmem:s1+$0x10]  }
0x85: {  	v9 =	vadd.f32 v16, v9;
	v12 =	vadd.f32 v17, v8;
	v8 =	vnsel vm4, $0x0, v5;
	v7 =	vld [tilespmem:s1+$0xFFFFFFE0]  }
0x86: {  	v10 =	vadd.f32 v11, v10;
	v16 =	vnsel vm3, $0x0, v4;
	v11 =	vadd.f32 v8, v3;
	v5 =	vld [tilespmem:s1+$0xFFFFFFF0]  }
0x87: {  	v17 =	vnsel vm2, $0x0, v4;
	v9 =	vadd.f32 v15, v9;
	v12 =	vadd.f32 v18, v12;
	v8 =	vld [tilespmem:s1+$0xFFFFFFC0]  }
0x88: {  	v15 =	vadd.f32 v16, v10;
	v16 =	vadd.f32 v17, v11;
	v11 =	vnsel vm1, $0x0, v2;
	v3 =	vld [tilespmem:s1+$0xFFFFFFD0]  }
0x89: {  	v9 =	vadd.f32 v13, v9;
	v10 =	vadd.f32 v14, v12;
	v12 =	vnsel vm0, $0x0, v2;
	v2 =	vmovc v19;
	v4 =	vmovc v21  }
0x8a: {  	v11 =	vadd.f32 v11, v15;
	v12 =	vadd.f32 v12, v16  }
0x8b: {  	v13 =	vshra.s32 v6, $0xF;
	v14 =	vshra.s32 v1, $0xF;
	v15 =	vshra.s32 v2, $0xF  }
0x8c: {  	v16 =	vshra.s32 v7, $0xF;
	v18 =	vshra.s32 v4, $0xF;
	v17 =	vshra.s32 v5, $0xF  }
0x8d: {  	s0 =	sadd.s32 $0x80, s0;
	vm13 =	vgt.s32 v14, v0;
	v19 =	vshra.s32 v8, $0xF;
	v20 =	vshra.s32 v3, $0xF  }
0x8e: {  	p0 =	slt.u32 s0, $0x3F80;
	vm14 =	veq.s32 v14, v0;
	vm1 =	vgt.s32 v15, v0;
	vm0 =	veq.s32 v15, v0  }
.Ltmp2:
0x8f: {  	vm15 =	vgt.s32 v13, v0;
	vm6 =	veq.s32 v13, v0;
	vm3 =	vgt.s32 v18, v0;
	(pc) =	sbr.rel @p0 .LBB2_6-.Ltmp2, $4  }
0x90: {  	vm9 =	vgt.s32 v16, v0;
	vm10 =	veq.s32 v16, v0;
	vm2 =	veq.s32 v18, v0  }
0x91: {  	vm5 =	vgt.s32 v17, v0;
	vm4 =	veq.s32 v17, v0;
	vm8 =	vgt.s32 v19, v0  }
0x92: {  	vm11 =	veq.s32 v19, v0;
	vm12 =	vgt.s32 v20, v0;
	vm7 =	veq.s32 v20, v0  }
0x93: {  	s1 =	sadd.s32 $0x80, s1;
	v15 =	vnsel vm15, $0x0, v6;
	v13 =	vnsel vm13, $0x0, v1;
	v14 =	vnsel vm14, $0x0, v1  }
0x94: {  	[tilespmem:s2], [sflag:$0x1] =	stream.linear.gather [hbm4b:s8+s2], $0x4000, $0x38;
	[tilespmem:$0x8180] =	vst v63  }
0x95: {  	_ =	swait.ge [sflag:s28], $0x4000  }
0x96: {  	[sflag:s28] =	ssyncset.done $0x0  }
0x97: {  	s0 =	simm.s32 $0x4040;
	[sflag:s28] =	ssyncadd.s32 $0xFFFFC000  }
0x98: {  	v16 =	vnsel vm9, $0x0, v7;
	v7 =	vnsel vm10, $0x0, v7;
	v17 =	vnsel vm6, $0x0, v6;
	v18 =	vld [tilespmem:s0+$0x20]  }
0x99: {  	v6 =	vnsel vm8, $0x0, v8;
	v8 =	vnsel vm11, $0x0, v8;
	v19 =	vnsel vm12, $0x0, v3;
	v1 =	vld [tilespmem:s0+$0x30]  }
0x9a: {  	v3 =	vnsel vm7, $0x0, v3;
	v9 =	vadd.f32 v6, v9;
	v8 =	vadd.f32 v8, v10;
	v6 =	vld [tilespmem:s0+$0x0]  }
0x9b: {  	v10 =	vadd.f32 v19, v11;
	v11 =	vadd.f32 v3, v12;
	v12 =	vnsel vm5, $0x0, v5;
	v3 =	vld [tilespmem:s0+$0x10]  }
0x9c: {  	v5 =	vnsel vm4, $0x0, v5;
	v9 =	vadd.f32 v16, v9;
	v8 =	vadd.f32 v7, v8;
	v7 =	vld [tilespmem:s0+$0xFFFFFFE0]  }
0x9d: {  	v10 =	vadd.f32 v12, v10;
	v11 =	vadd.f32 v5, v11;
	v12 =	vnsel vm3, $0x0, v4;
	v5 =	vld [tilespmem:s0+$0xFFFFFFF0]  }
0x9e: {  	v4 =	vnsel vm2, $0x0, v4;
	v9 =	vadd.f32 v15, v9;
	v15 =	vadd.f32 v17, v8;
	v8 =	vld [tilespmem:s0+$0xFFFFFFC0]  }
0x9f: {  	v12 =	vadd.f32 v12, v10;
	v16 =	vadd.f32 v4, v11;
	v11 =	vnsel vm1, $0x0, v2;
	v4 =	vld [tilespmem:s0+$0xFFFFFFD0]  }
0xa0: {  	v2 =	vnsel vm0, $0x0, v2;
	v9 =	vadd.f32 v13, v9;
	v10 =	vadd.f32 v14, v15  }
0xa1: {  	v11 =	vadd.f32 v11, v12;
	v12 =	vadd.f32 v2, v16  }
0xa2: {  	v2 =	vshra.s32 v6, $0xF;
	v13 =	vshra.s32 v18, $0xF;
	v14 =	vshra.s32 v1, $0xF  }
0xa3: {  	v15 =	vshra.s32 v7, $0xF;
	v16 =	vshra.s32 v5, $0xF;
	v17 =	vshra.s32 v3, $0xF  }
0xa4: {  	v63 =	vshra.s32 v8, $0xF;
	v20 =	vshra.s32 v4, $0xF;
	vm13 =	vgt.s32 v13, v0  }
0xa5: {  	vm14 =	veq.s32 v13, v0;
	vm1 =	vgt.s32 v14, v0;
	vm0 =	veq.s32 v14, v0  }
0xa6: {  	vm15 =	vgt.s32 v2, v0;
	vm6 =	veq.s32 v2, v0;
	vm3 =	vgt.s32 v17, v0  }
0xa7: {  	vm9 =	vgt.s32 v15, v0;
	vm10 =	veq.s32 v15, v0;
	vm2 =	veq.s32 v17, v0  }
0xa8: {  	vm5 =	vgt.s32 v16, v0;
	vm4 =	veq.s32 v16, v0;
	vm8 =	vgt.s32 v63, v0  }
0xa9: {  	vm11 =	veq.s32 v63, v0;
	vm12 =	vgt.s32 v20, v0;
	vm7 =	veq.s32 v20, v0  }
0xaa: {  	s1 =	simm.s32 $0x40C0;
	s0 =	simm.s32 $0x0;
	v15 =	vnsel vm15, $0x0, v6;
	v13 =	vnsel vm13, $0x0, v18;
	v14 =	vnsel vm14, $0x0, v18  }
.LBB2_8:
0xab: {  	v2 =	vld [tilespmem:s1+$0x20];
	v16 =	vnsel vm9, $0x0, v7;
	v17 =	vnsel vm10, $0x0, v7;
	v18 =	vnsel vm6, $0x0, v6  }
0xac: {  	v7 =	vnsel vm8, $0x0, v8;
	v8 =	vnsel vm11, $0x0, v8;
	v20 =	vnsel vm12, $0x0, v4;
	v19 =	vld [tilespmem:s1+$0x30]  }
0xad: {  	v4 =	vnsel vm7, $0x0, v4;
	v9 =	vadd.f32 v7, v9;
	v8 =	vadd.f32 v8, v10;
	v6 =	vld [tilespmem:s1+$0x0]  }
0xae: {  	v10 =	vadd.f32 v20, v11;
	v4 =	vadd.f32 v4, v12;
	v11 =	vnsel vm5, $0x0, v5;
	v21 =	vld [tilespmem:s1+$0x10]  }
0xaf: {  	v9 =	vadd.f32 v16, v9;
	v12 =	vadd.f32 v17, v8;
	v8 =	vnsel vm4, $0x0, v5;
	v7 =	vld [tilespmem:s1+$0xFFFFFFE0]  }
0xb0: {  	v10 =	vadd.f32 v11, v10;
	v16 =	vnsel vm3, $0x0, v3;
	v11 =	vadd.f32 v8, v4;
	v5 =	vld [tilespmem:s1+$0xFFFFFFF0]  }
0xb1: {  	v17 =	vnsel vm2, $0x0, v3;
	v9 =	vadd.f32 v15, v9;
	v12 =	vadd.f32 v18, v12;
	v8 =	vld [tilespmem:s1+$0xFFFFFFC0]  }
0xb2: {  	v15 =	vadd.f32 v16, v10;
	v16 =	vadd.f32 v17, v11;
	v11 =	vnsel vm1, $0x0, v1;
	v4 =	vld [tilespmem:s1+$0xFFFFFFD0]  }
0xb3: {  	v9 =	vadd.f32 v13, v9;
	v10 =	vadd.f32 v14, v12;
	v12 =	vnsel vm0, $0x0, v1;
	v1 =	vmovc v19;
	v3 =	vmovc v21  }
0xb4: {  	v11 =	vadd.f32 v11, v15;
	v12 =	vadd.f32 v12, v16  }
0xb5: {  	v13 =	vshra.s32 v6, $0xF;
	v14 =	vshra.s32 v2, $0xF;
	v15 =	vshra.s32 v1, $0xF  }
0xb6: {  	v16 =	vshra.s32 v7, $0xF;
	v18 =	vshra.s32 v3, $0xF;
	v17 =	vshra.s32 v5, $0xF  }
0xb7: {  	s0 =	sadd.s32 $0x80, s0;
	vm13 =	vgt.s32 v14, v0;
	v19 =	vshra.s32 v8, $0xF;
	v20 =	vshra.s32 v4, $0xF  }
0xb8: {  	p0 =	slt.u32 s0, $0x3F80;
	vm14 =	veq.s32 v14, v0;
	vm1 =	vgt.s32 v15, v0;
	vm0 =	veq.s32 v15, v0  }
.Ltmp3:
0xb9: {  	vm15 =	vgt.s32 v13, v0;
	vm6 =	veq.s32 v13, v0;
	vm3 =	vgt.s32 v18, v0;
	(pc) =	sbr.rel @p0 .LBB2_8-.Ltmp3, $4  }
0xba: {  	vm9 =	vgt.s32 v16, v0;
	vm10 =	veq.s32 v16, v0;
	vm2 =	veq.s32 v18, v0  }
0xbb: {  	vm5 =	vgt.s32 v17, v0;
	vm4 =	veq.s32 v17, v0;
	vm8 =	vgt.s32 v19, v0  }
0xbc: {  	vm11 =	veq.s32 v19, v0;
	vm12 =	vgt.s32 v20, v0;
	vm7 =	veq.s32 v20, v0  }
0xbd: {  	s1 =	sadd.s32 $0x80, s1;
	v15 =	vnsel vm15, $0x0, v6;
	v13 =	vnsel vm13, $0x0, v2;
	v14 =	vnsel vm14, $0x0, v2  }
0xbe: {  	[tilespmem:s25], [sflag:$0x2] =	stream.linear.gather [hbm4b:s9+s2], $0x4000, $0x38;
	[tilespmem:$0x8180] =	vst v63  }
0xbf: {  	_ =	swait.ge [sflag:s26], $0x4000  }
0xc0: {  	[sflag:s26] =	ssyncset.done $0x0  }
0xc1: {  	s0 =	simm.s32 $0x40;
	[sflag:s26] =	ssyncadd.s32 $0xFFFFC000  }
0xc2: {  	v16 =	vnsel vm9, $0x0, v7;
	v7 =	vnsel vm10, $0x0, v7;
	v17 =	vnsel vm6, $0x0, v6;
	v18 =	vld [tilespmem:s0+$0x20]  }
0xc3: {  	v6 =	vnsel vm8, $0x0, v8;
	v8 =	vnsel vm11, $0x0, v8;
	v19 =	vnsel vm12, $0x0, v4;
	v2 =	vld [tilespmem:s0+$0x30]  }
0xc4: {  	v4 =	vnsel vm7, $0x0, v4;
	v9 =	vadd.f32 v6, v9;
	v8 =	vadd.f32 v8, v10;
	v6 =	vld [tilespmem:s0+$0x0]  }
0xc5: {  	v10 =	vadd.f32 v19, v11;
	v11 =	vadd.f32 v4, v12;
	v12 =	vnsel vm5, $0x0, v5;
	v4 =	vld [tilespmem:s0+$0x10]  }
0xc6: {  	v5 =	vnsel vm4, $0x0, v5;
	v9 =	vadd.f32 v16, v9;
	v8 =	vadd.f32 v7, v8;
	v7 =	vld [tilespmem:s0+$0xFFFFFFE0]  }
0xc7: {  	v10 =	vadd.f32 v12, v10;
	v11 =	vadd.f32 v5, v11;
	v12 =	vnsel vm3, $0x0, v3;
	v5 =	vld [tilespmem:s0+$0xFFFFFFF0]  }
0xc8: {  	v3 =	vnsel vm2, $0x0, v3;
	v9 =	vadd.f32 v15, v9;
	v15 =	vadd.f32 v17, v8;
	v8 =	vld [tilespmem:s0+$0xFFFFFFC0]  }
0xc9: {  	v12 =	vadd.f32 v12, v10;
	v16 =	vadd.f32 v3, v11;
	v11 =	vnsel vm1, $0x0, v1;
	v3 =	vld [tilespmem:s0+$0xFFFFFFD0]  }
0xca: {  	v1 =	vnsel vm0, $0x0, v1;
	v9 =	vadd.f32 v13, v9;
	v10 =	vadd.f32 v14, v15  }
0xcb: {  	v11 =	vadd.f32 v11, v12;
	v12 =	vadd.f32 v1, v16  }
0xcc: {  	v1 =	vshra.s32 v6, $0xF;
	v13 =	vshra.s32 v18, $0xF;
	v14 =	vshra.s32 v2, $0xF  }
0xcd: {  	v15 =	vshra.s32 v7, $0xF;
	v16 =	vshra.s32 v5, $0xF;
	v17 =	vshra.s32 v4, $0xF  }
0xce: {  	v63 =	vshra.s32 v8, $0xF;
	v20 =	vshra.s32 v3, $0xF;
	vm13 =	vgt.s32 v13, v0  }
0xcf: {  	vm14 =	veq.s32 v13, v0;
	vm1 =	vgt.s32 v14, v0;
	vm0 =	veq.s32 v14, v0  }
0xd0: {  	vm15 =	vgt.s32 v1, v0;
	vm6 =	veq.s32 v1, v0;
	vm3 =	vgt.s32 v17, v0  }
0xd1: {  	vm9 =	vgt.s32 v15, v0;
	vm10 =	veq.s32 v15, v0;
	vm2 =	veq.s32 v17, v0  }
0xd2: {  	vm5 =	vgt.s32 v16, v0;
	vm4 =	veq.s32 v16, v0;
	vm8 =	vgt.s32 v63, v0  }
0xd3: {  	vm11 =	veq.s32 v63, v0;
	vm12 =	vgt.s32 v20, v0;
	vm7 =	veq.s32 v20, v0  }
0xd4: {  	s1 =	simm.s32 $0xC0;
	s0 =	simm.s32 $0x0;
	v15 =	vnsel vm15, $0x0, v6;
	v13 =	vnsel vm13, $0x0, v18;
	v14 =	vnsel vm14, $0x0, v18  }
.LBB2_10:
0xd5: {  	v1 =	vld [tilespmem:s1+$0x20];
	v16 =	vnsel vm9, $0x0, v7;
	v17 =	vnsel vm10, $0x0, v7;
	v18 =	vnsel vm6, $0x0, v6  }
0xd6: {  	v7 =	vnsel vm8, $0x0, v8;
	v8 =	vnsel vm11, $0x0, v8;
	v20 =	vnsel vm12, $0x0, v3;
	v19 =	vld [tilespmem:s1+$0x30]  }
0xd7: {  	v3 =	vnsel vm7, $0x0, v3;
	v9 =	vadd.f32 v7, v9;
	v8 =	vadd.f32 v8, v10;
	v6 =	vld [tilespmem:s1+$0x0]  }
0xd8: {  	v10 =	vadd.f32 v20, v11;
	v3 =	vadd.f32 v3, v12;
	v11 =	vnsel vm5, $0x0, v5;
	v21 =	vld [tilespmem:s1+$0x10]  }
0xd9: {  	v9 =	vadd.f32 v16, v9;
	v12 =	vadd.f32 v17, v8;
	v8 =	vnsel vm4, $0x0, v5;
	v7 =	vld [tilespmem:s1+$0xFFFFFFE0]  }
0xda: {  	v10 =	vadd.f32 v11, v10;
	v16 =	vnsel vm3, $0x0, v4;
	v11 =	vadd.f32 v8, v3;
	v5 =	vld [tilespmem:s1+$0xFFFFFFF0]  }
0xdb: {  	v17 =	vnsel vm2, $0x0, v4;
	v9 =	vadd.f32 v15, v9;
	v12 =	vadd.f32 v18, v12;
	v8 =	vld [tilespmem:s1+$0xFFFFFFC0]  }
0xdc: {  	v15 =	vadd.f32 v16, v10;
	v16 =	vadd.f32 v17, v11;
	v11 =	vnsel vm1, $0x0, v2;
	v3 =	vld [tilespmem:s1+$0xFFFFFFD0]  }
0xdd: {  	v9 =	vadd.f32 v13, v9;
	v10 =	vadd.f32 v14, v12;
	v12 =	vnsel vm0, $0x0, v2;
	v2 =	vmovc v19;
	v4 =	vmovc v21  }
0xde: {  	v11 =	vadd.f32 v11, v15;
	v12 =	vadd.f32 v12, v16  }
0xdf: {  	v13 =	vshra.s32 v6, $0xF;
	v14 =	vshra.s32 v1, $0xF;
	v15 =	vshra.s32 v2, $0xF  }
0xe0: {  	v16 =	vshra.s32 v7, $0xF;
	v18 =	vshra.s32 v4, $0xF;
	v17 =	vshra.s32 v5, $0xF  }
0xe1: {  	s0 =	sadd.s32 $0x80, s0;
	vm13 =	vgt.s32 v14, v0;
	v19 =	vshra.s32 v8, $0xF;
	v20 =	vshra.s32 v3, $0xF  }
0xe2: {  	p0 =	slt.u32 s0, $0x3F80;
	vm14 =	veq.s32 v14, v0;
	vm1 =	vgt.s32 v15, v0;
	vm0 =	veq.s32 v15, v0  }
.Ltmp4:
0xe3: {  	vm15 =	vgt.s32 v13, v0;
	vm6 =	veq.s32 v13, v0;
	vm3 =	vgt.s32 v18, v0;
	(pc) =	sbr.rel @p0 .LBB2_10-.Ltmp4, $4  }
0xe4: {  	vm9 =	vgt.s32 v16, v0;
	vm10 =	veq.s32 v16, v0;
	vm2 =	veq.s32 v18, v0  }
0xe5: {  	vm5 =	vgt.s32 v17, v0;
	vm4 =	veq.s32 v17, v0;
	vm8 =	vgt.s32 v19, v0  }
0xe6: {  	vm11 =	veq.s32 v19, v0;
	vm12 =	vgt.s32 v20, v0;
	vm7 =	veq.s32 v20, v0  }
0xe7: {  	s1 =	sadd.s32 $0x80, s1;
	v15 =	vnsel vm15, $0x0, v6;
	v13 =	vnsel vm13, $0x0, v1;
	v14 =	vnsel vm14, $0x0, v1  }
0xe8: {  	[tilespmem:s2], [sflag:$0x1] =	stream.linear.gather [hbm4b:s10+s2], $0x4000, $0x38;
	[tilespmem:$0x8180] =	vst v63  }
0xe9: {  	_ =	swait.ge [sflag:s28], $0x4000  }
0xea: {  	[sflag:s28] =	ssyncset.done $0x0  }
0xeb: {  	s0 =	simm.s32 $0x4040;
	[sflag:s28] =	ssyncadd.s32 $0xFFFFC000  }
0xec: {  	v16 =	vnsel vm9, $0x0, v7;
	v7 =	vnsel vm10, $0x0, v7;
	v17 =	vnsel vm6, $0x0, v6;
	v18 =	vld [tilespmem:s0+$0x20]  }
0xed: {  	v6 =	vnsel vm8, $0x0, v8;
	v8 =	vnsel vm11, $0x0, v8;
	v19 =	vnsel vm12, $0x0, v3;
	v1 =	vld [tilespmem:s0+$0x30]  }
0xee: {  	v3 =	vnsel vm7, $0x0, v3;
	v9 =	vadd.f32 v6, v9;
	v8 =	vadd.f32 v8, v10;
	v6 =	vld [tilespmem:s0+$0x0]  }
0xef: {  	v10 =	vadd.f32 v19, v11;
	v11 =	vadd.f32 v3, v12;
	v12 =	vnsel vm5, $0x0, v5;
	v3 =	vld [tilespmem:s0+$0x10]  }
0xf0: {  	v5 =	vnsel vm4, $0x0, v5;
	v9 =	vadd.f32 v16, v9;
	v8 =	vadd.f32 v7, v8;
	v7 =	vld [tilespmem:s0+$0xFFFFFFE0]  }
0xf1: {  	v10 =	vadd.f32 v12, v10;
	v11 =	vadd.f32 v5, v11;
	v12 =	vnsel vm3, $0x0, v4;
	v5 =	vld [tilespmem:s0+$0xFFFFFFF0]  }
0xf2: {  	v4 =	vnsel vm2, $0x0, v4;
	v9 =	vadd.f32 v15, v9;
	v15 =	vadd.f32 v17, v8;
	v8 =	vld [tilespmem:s0+$0xFFFFFFC0]  }
0xf3: {  	v12 =	vadd.f32 v12, v10;
	v16 =	vadd.f32 v4, v11;
	v11 =	vnsel vm1, $0x0, v2;
	v4 =	vld [tilespmem:s0+$0xFFFFFFD0]  }
0xf4: {  	v2 =	vnsel vm0, $0x0, v2;
	v9 =	vadd.f32 v13, v9;
	v10 =	vadd.f32 v14, v15  }
0xf5: {  	v11 =	vadd.f32 v11, v12;
	v12 =	vadd.f32 v2, v16  }
0xf6: {  	v2 =	vshra.s32 v6, $0xF;
	v13 =	vshra.s32 v18, $0xF;
	v14 =	vshra.s32 v1, $0xF  }
0xf7: {  	v15 =	vshra.s32 v7, $0xF;
	v16 =	vshra.s32 v5, $0xF;
	v17 =	vshra.s32 v3, $0xF  }
0xf8: {  	v63 =	vshra.s32 v8, $0xF;
	v20 =	vshra.s32 v4, $0xF;
	vm13 =	vgt.s32 v13, v0  }
0xf9: {  	vm14 =	veq.s32 v13, v0;
	vm1 =	vgt.s32 v14, v0;
	vm0 =	veq.s32 v14, v0  }
0xfa: {  	vm15 =	vgt.s32 v2, v0;
	vm6 =	veq.s32 v2, v0;
	vm3 =	vgt.s32 v17, v0  }
0xfb: {  	vm9 =	vgt.s32 v15, v0;
	vm10 =	veq.s32 v15, v0;
	vm2 =	veq.s32 v17, v0  }
0xfc: {  	vm5 =	vgt.s32 v16, v0;
	vm4 =	veq.s32 v16, v0;
	vm8 =	vgt.s32 v63, v0  }
0xfd: {  	vm11 =	veq.s32 v63, v0;
	vm12 =	vgt.s32 v20, v0;
	vm7 =	veq.s32 v20, v0  }
0xfe: {  	s1 =	simm.s32 $0x40C0;
	s0 =	simm.s32 $0x0;
	v15 =	vnsel vm15, $0x0, v6;
	v13 =	vnsel vm13, $0x0, v18;
	v14 =	vnsel vm14, $0x0, v18  }
.LBB2_12:
0xff: {  	v2 =	vld [tilespmem:s1+$0x20];
	v16 =	vnsel vm9, $0x0, v7;
	v17 =	vnsel vm10, $0x0, v7;
	v18 =	vnsel vm6, $0x0, v6  }
0x100: {  	v7 =	vnsel vm8, $0x0, v8;
	v8 =	vnsel vm11, $0x0, v8;
	v20 =	vnsel vm12, $0x0, v4;
	v19 =	vld [tilespmem:s1+$0x30]  }
0x101: {  	v4 =	vnsel vm7, $0x0, v4;
	v9 =	vadd.f32 v7, v9;
	v8 =	vadd.f32 v8, v10;
	v6 =	vld [tilespmem:s1+$0x0]  }
0x102: {  	v10 =	vadd.f32 v20, v11;
	v4 =	vadd.f32 v4, v12;
	v11 =	vnsel vm5, $0x0, v5;
	v21 =	vld [tilespmem:s1+$0x10]  }
0x103: {  	v9 =	vadd.f32 v16, v9;
	v12 =	vadd.f32 v17, v8;
	v8 =	vnsel vm4, $0x0, v5;
	v7 =	vld [tilespmem:s1+$0xFFFFFFE0]  }
0x104: {  	v10 =	vadd.f32 v11, v10;
	v16 =	vnsel vm3, $0x0, v3;
	v11 =	vadd.f32 v8, v4;
	v5 =	vld [tilespmem:s1+$0xFFFFFFF0]  }
0x105: {  	v17 =	vnsel vm2, $0x0, v3;
	v9 =	vadd.f32 v15, v9;
	v12 =	vadd.f32 v18, v12;
	v8 =	vld [tilespmem:s1+$0xFFFFFFC0]  }
0x106: {  	v15 =	vadd.f32 v16, v10;
	v16 =	vadd.f32 v17, v11;
	v11 =	vnsel vm1, $0x0, v1;
	v4 =	vld [tilespmem:s1+$0xFFFFFFD0]  }
0x107: {  	v9 =	vadd.f32 v13, v9;
	v10 =	vadd.f32 v14, v12;
	v12 =	vnsel vm0, $0x0, v1;
	v1 =	vmovc v19;
	v3 =	vmovc v21  }
0x108: {  	v11 =	vadd.f32 v11, v15;
	v12 =	vadd.f32 v12, v16  }
0x109: {  	v13 =	vshra.s32 v6, $0xF;
	v14 =	vshra.s32 v2, $0xF;
	v15 =	vshra.s32 v1, $0xF  }
0x10a: {  	v16 =	vshra.s32 v7, $0xF;
	v18 =	vshra.s32 v3, $0xF;
	v17 =	vshra.s32 v5, $0xF  }
0x10b: {  	s0 =	sadd.s32 $0x80, s0;
	vm13 =	vgt.s32 v14, v0;
	v19 =	vshra.s32 v8, $0xF;
	v20 =	vshra.s32 v4, $0xF  }
0x10c: {  	p0 =	slt.u32 s0, $0x3F80;
	vm14 =	veq.s32 v14, v0;
	vm1 =	vgt.s32 v15, v0;
	vm0 =	veq.s32 v15, v0  }
.Ltmp5:
0x10d: {  	vm15 =	vgt.s32 v13, v0;
	vm6 =	veq.s32 v13, v0;
	vm3 =	vgt.s32 v18, v0;
	(pc) =	sbr.rel @p0 .LBB2_12-.Ltmp5, $4  }
0x10e: {  	vm9 =	vgt.s32 v16, v0;
	vm10 =	veq.s32 v16, v0;
	vm2 =	veq.s32 v18, v0  }
0x10f: {  	vm5 =	vgt.s32 v17, v0;
	vm4 =	veq.s32 v17, v0;
	vm8 =	vgt.s32 v19, v0  }
0x110: {  	vm11 =	veq.s32 v19, v0;
	vm12 =	vgt.s32 v20, v0;
	vm7 =	veq.s32 v20, v0  }
0x111: {  	s1 =	sadd.s32 $0x80, s1;
	v15 =	vnsel vm15, $0x0, v6;
	v13 =	vnsel vm13, $0x0, v2;
	v14 =	vnsel vm14, $0x0, v2  }
0x112: {  	[tilespmem:s25], [sflag:$0x2] =	stream.linear.gather [hbm4b:s11+s2], $0x4000, $0x38;
	[tilespmem:$0x8180] =	vst v63  }
0x113: {  	_ =	swait.ge [sflag:s26], $0x4000  }
0x114: {  	[sflag:s26] =	ssyncset.done $0x0  }
0x115: {  	s0 =	simm.s32 $0x40;
	[sflag:s26] =	ssyncadd.s32 $0xFFFFC000  }
0x116: {  	v16 =	vnsel vm9, $0x0, v7;
	v7 =	vnsel vm10, $0x0, v7;
	v17 =	vnsel vm6, $0x0, v6;
	v18 =	vld [tilespmem:s0+$0x20]  }
0x117: {  	v6 =	vnsel vm8, $0x0, v8;
	v8 =	vnsel vm11, $0x0, v8;
	v19 =	vnsel vm12, $0x0, v4;
	v2 =	vld [tilespmem:s0+$0x30]  }
0x118: {  	v4 =	vnsel vm7, $0x0, v4;
	v9 =	vadd.f32 v6, v9;
	v8 =	vadd.f32 v8, v10;
	v6 =	vld [tilespmem:s0+$0x0]  }
0x119: {  	v10 =	vadd.f32 v19, v11;
	v11 =	vadd.f32 v4, v12;
	v12 =	vnsel vm5, $0x0, v5;
	v4 =	vld [tilespmem:s0+$0x10]  }
0x11a: {  	v5 =	vnsel vm4, $0x0, v5;
	v9 =	vadd.f32 v16, v9;
	v8 =	vadd.f32 v7, v8;
	v7 =	vld [tilespmem:s0+$0xFFFFFFE0]  }
0x11b: {  	v10 =	vadd.f32 v12, v10;
	v11 =	vadd.f32 v5, v11;
	v12 =	vnsel vm3, $0x0, v3;
	v5 =	vld [tilespmem:s0+$0xFFFFFFF0]  }
0x11c: {  	v3 =	vnsel vm2, $0x0, v3;
	v9 =	vadd.f32 v15, v9;
	v15 =	vadd.f32 v17, v8;
	v8 =	vld [tilespmem:s0+$0xFFFFFFC0]  }
0x11d: {  	v12 =	vadd.f32 v12, v10;
	v16 =	vadd.f32 v3, v11;
	v11 =	vnsel vm1, $0x0, v1;
	v3 =	vld [tilespmem:s0+$0xFFFFFFD0]  }
0x11e: {  	v1 =	vnsel vm0, $0x0, v1;
	v9 =	vadd.f32 v13, v9;
	v10 =	vadd.f32 v14, v15  }
0x11f: {  	v11 =	vadd.f32 v11, v12;
	v12 =	vadd.f32 v1, v16  }
0x120: {  	v1 =	vshra.s32 v6, $0xF;
	v13 =	vshra.s32 v18, $0xF;
	v14 =	vshra.s32 v2, $0xF  }
0x121: {  	v15 =	vshra.s32 v7, $0xF;
	v16 =	vshra.s32 v5, $0xF;
	v17 =	vshra.s32 v4, $0xF  }
0x122: {  	v63 =	vshra.s32 v8, $0xF;
	v20 =	vshra.s32 v3, $0xF;
	vm13 =	vgt.s32 v13, v0  }
0x123: {  	vm14 =	veq.s32 v13, v0;
	vm1 =	vgt.s32 v14, v0;
	vm0 =	veq.s32 v14, v0  }
0x124: {  	vm15 =	vgt.s32 v1, v0;
	vm6 =	veq.s32 v1, v0;
	vm3 =	vgt.s32 v17, v0  }
0x125: {  	vm9 =	vgt.s32 v15, v0;
	vm10 =	veq.s32 v15, v0;
	vm2 =	veq.s32 v17, v0  }
0x126: {  	vm5 =	vgt.s32 v16, v0;
	vm4 =	veq.s32 v16, v0;
	vm8 =	vgt.s32 v63, v0  }
0x127: {  	vm11 =	veq.s32 v63, v0;
	vm12 =	vgt.s32 v20, v0;
	vm7 =	veq.s32 v20, v0  }
0x128: {  	s1 =	simm.s32 $0xC0;
	s0 =	simm.s32 $0x0;
	v15 =	vnsel vm15, $0x0, v6;
	v13 =	vnsel vm13, $0x0, v18;
	v14 =	vnsel vm14, $0x0, v18  }
.LBB2_14:
0x129: {  	v1 =	vld [tilespmem:s1+$0x20];
	v16 =	vnsel vm9, $0x0, v7;
	v17 =	vnsel vm10, $0x0, v7;
	v18 =	vnsel vm6, $0x0, v6  }
0x12a: {  	v7 =	vnsel vm8, $0x0, v8;
	v8 =	vnsel vm11, $0x0, v8;
	v20 =	vnsel vm12, $0x0, v3;
	v19 =	vld [tilespmem:s1+$0x30]  }
0x12b: {  	v3 =	vnsel vm7, $0x0, v3;
	v9 =	vadd.f32 v7, v9;
	v8 =	vadd.f32 v8, v10;
	v6 =	vld [tilespmem:s1+$0x0]  }
0x12c: {  	v10 =	vadd.f32 v20, v11;
	v3 =	vadd.f32 v3, v12;
	v11 =	vnsel vm5, $0x0, v5;
	v21 =	vld [tilespmem:s1+$0x10]  }
0x12d: {  	v9 =	vadd.f32 v16, v9;
	v12 =	vadd.f32 v17, v8;
	v8 =	vnsel vm4, $0x0, v5;
	v7 =	vld [tilespmem:s1+$0xFFFFFFE0]  }
0x12e: {  	v10 =	vadd.f32 v11, v10;
	v16 =	vnsel vm3, $0x0, v4;
	v11 =	vadd.f32 v8, v3;
	v5 =	vld [tilespmem:s1+$0xFFFFFFF0]  }
0x12f: {  	v17 =	vnsel vm2, $0x0, v4;
	v9 =	vadd.f32 v15, v9;
	v12 =	vadd.f32 v18, v12;
	v8 =	vld [tilespmem:s1+$0xFFFFFFC0]  }
0x130: {  	v15 =	vadd.f32 v16, v10;
	v16 =	vadd.f32 v17, v11;
	v11 =	vnsel vm1, $0x0, v2;
	v3 =	vld [tilespmem:s1+$0xFFFFFFD0]  }
0x131: {  	v9 =	vadd.f32 v13, v9;
	v10 =	vadd.f32 v14, v12;
	v12 =	vnsel vm0, $0x0, v2;
	v2 =	vmovc v19;
	v4 =	vmovc v21  }
0x132: {  	v11 =	vadd.f32 v11, v15;
	v12 =	vadd.f32 v12, v16  }
0x133: {  	v13 =	vshra.s32 v6, $0xF;
	v14 =	vshra.s32 v1, $0xF;
	v15 =	vshra.s32 v2, $0xF  }
0x134: {  	v16 =	vshra.s32 v7, $0xF;
	v18 =	vshra.s32 v4, $0xF;
	v17 =	vshra.s32 v5, $0xF  }
0x135: {  	s0 =	sadd.s32 $0x80, s0;
	vm13 =	vgt.s32 v14, v0;
	v19 =	vshra.s32 v8, $0xF;
	v20 =	vshra.s32 v3, $0xF  }
0x136: {  	p0 =	slt.u32 s0, $0x3F80;
	vm14 =	veq.s32 v14, v0;
	vm1 =	vgt.s32 v15, v0;
	vm0 =	veq.s32 v15, v0  }
.Ltmp6:
0x137: {  	vm15 =	vgt.s32 v13, v0;
	vm6 =	veq.s32 v13, v0;
	vm3 =	vgt.s32 v18, v0;
	(pc) =	sbr.rel @p0 .LBB2_14-.Ltmp6, $4  }
0x138: {  	vm9 =	vgt.s32 v16, v0;
	vm10 =	veq.s32 v16, v0;
	vm2 =	veq.s32 v18, v0  }
0x139: {  	vm5 =	vgt.s32 v17, v0;
	vm4 =	veq.s32 v17, v0;
	vm8 =	vgt.s32 v19, v0  }
0x13a: {  	vm11 =	veq.s32 v19, v0;
	vm12 =	vgt.s32 v20, v0;
	vm7 =	veq.s32 v20, v0  }
0x13b: {  	s1 =	sadd.s32 $0x80, s1;
	v15 =	vnsel vm15, $0x0, v6;
	v13 =	vnsel vm13, $0x0, v1;
	v14 =	vnsel vm14, $0x0, v1  }
0x13c: {  	[tilespmem:s2], [sflag:$0x1] =	stream.linear.gather [hbm4b:s12+s2], $0x4000, $0x38;
	[tilespmem:$0x8180] =	vst v63  }
0x13d: {  	_ =	swait.ge [sflag:s28], $0x4000  }
0x13e: {  	[sflag:s28] =	ssyncset.done $0x0  }
0x13f: {  	s0 =	simm.s32 $0x4040;
	[sflag:s28] =	ssyncadd.s32 $0xFFFFC000  }
0x140: {  	v16 =	vnsel vm9, $0x0, v7;
	v7 =	vnsel vm10, $0x0, v7;
	v17 =	vnsel vm6, $0x0, v6;
	v18 =	vld [tilespmem:s0+$0x20]  }
0x141: {  	v6 =	vnsel vm8, $0x0, v8;
	v8 =	vnsel vm11, $0x0, v8;
	v19 =	vnsel vm12, $0x0, v3;
	v1 =	vld [tilespmem:s0+$0x30]  }
0x142: {  	v3 =	vnsel vm7, $0x0, v3;
	v9 =	vadd.f32 v6, v9;
	v8 =	vadd.f32 v8, v10;
	v6 =	vld [tilespmem:s0+$0x0]  }
0x143: {  	v10 =	vadd.f32 v19, v11;
	v11 =	vadd.f32 v3, v12;
	v12 =	vnsel vm5, $0x0, v5;
	v3 =	vld [tilespmem:s0+$0x10]  }
0x144: {  	v5 =	vnsel vm4, $0x0, v5;
	v9 =	vadd.f32 v16, v9;
	v8 =	vadd.f32 v7, v8;
	v7 =	vld [tilespmem:s0+$0xFFFFFFE0]  }
0x145: {  	v10 =	vadd.f32 v12, v10;
	v11 =	vadd.f32 v5, v11;
	v12 =	vnsel vm3, $0x0, v4;
	v5 =	vld [tilespmem:s0+$0xFFFFFFF0]  }
0x146: {  	v4 =	vnsel vm2, $0x0, v4;
	v9 =	vadd.f32 v15, v9;
	v15 =	vadd.f32 v17, v8;
	v8 =	vld [tilespmem:s0+$0xFFFFFFC0]  }
0x147: {  	v12 =	vadd.f32 v12, v10;
	v16 =	vadd.f32 v4, v11;
	v11 =	vnsel vm1, $0x0, v2;
	v4 =	vld [tilespmem:s0+$0xFFFFFFD0]  }
0x148: {  	v2 =	vnsel vm0, $0x0, v2;
	v9 =	vadd.f32 v13, v9;
	v10 =	vadd.f32 v14, v15  }
0x149: {  	v11 =	vadd.f32 v11, v12;
	v12 =	vadd.f32 v2, v16  }
0x14a: {  	v2 =	vshra.s32 v6, $0xF;
	v13 =	vshra.s32 v18, $0xF;
	v14 =	vshra.s32 v1, $0xF  }
0x14b: {  	v15 =	vshra.s32 v7, $0xF;
	v16 =	vshra.s32 v5, $0xF;
	v17 =	vshra.s32 v3, $0xF  }
0x14c: {  	v63 =	vshra.s32 v8, $0xF;
	v20 =	vshra.s32 v4, $0xF;
	vm13 =	vgt.s32 v13, v0  }
0x14d: {  	vm14 =	veq.s32 v13, v0;
	vm1 =	vgt.s32 v14, v0;
	vm0 =	veq.s32 v14, v0  }
0x14e: {  	vm15 =	vgt.s32 v2, v0;
	vm6 =	veq.s32 v2, v0;
	vm3 =	vgt.s32 v17, v0  }
0x14f: {  	vm9 =	vgt.s32 v15, v0;
	vm10 =	veq.s32 v15, v0;
	vm2 =	veq.s32 v17, v0  }
0x150: {  	vm5 =	vgt.s32 v16, v0;
	vm4 =	veq.s32 v16, v0;
	vm8 =	vgt.s32 v63, v0  }
0x151: {  	vm11 =	veq.s32 v63, v0;
	vm12 =	vgt.s32 v20, v0;
	vm7 =	veq.s32 v20, v0  }
0x152: {  	s1 =	simm.s32 $0x40C0;
	s0 =	simm.s32 $0x0;
	v15 =	vnsel vm15, $0x0, v6;
	v13 =	vnsel vm13, $0x0, v18;
	v14 =	vnsel vm14, $0x0, v18  }
.LBB2_16:
0x153: {  	v2 =	vld [tilespmem:s1+$0x20];
	v16 =	vnsel vm9, $0x0, v7;
	v17 =	vnsel vm10, $0x0, v7;
	v18 =	vnsel vm6, $0x0, v6  }
0x154: {  	v7 =	vnsel vm8, $0x0, v8;
	v8 =	vnsel vm11, $0x0, v8;
	v20 =	vnsel vm12, $0x0, v4;
	v19 =	vld [tilespmem:s1+$0x30]  }
0x155: {  	v4 =	vnsel vm7, $0x0, v4;
	v9 =	vadd.f32 v7, v9;
	v8 =	vadd.f32 v8, v10;
	v6 =	vld [tilespmem:s1+$0x0]  }
0x156: {  	v10 =	vadd.f32 v20, v11;
	v4 =	vadd.f32 v4, v12;
	v11 =	vnsel vm5, $0x0, v5;
	v21 =	vld [tilespmem:s1+$0x10]  }
0x157: {  	v9 =	vadd.f32 v16, v9;
	v12 =	vadd.f32 v17, v8;
	v8 =	vnsel vm4, $0x0, v5;
	v7 =	vld [tilespmem:s1+$0xFFFFFFE0]  }
0x158: {  	v10 =	vadd.f32 v11, v10;
	v16 =	vnsel vm3, $0x0, v3;
	v11 =	vadd.f32 v8, v4;
	v5 =	vld [tilespmem:s1+$0xFFFFFFF0]  }
0x159: {  	v17 =	vnsel vm2, $0x0, v3;
	v9 =	vadd.f32 v15, v9;
	v12 =	vadd.f32 v18, v12;
	v8 =	vld [tilespmem:s1+$0xFFFFFFC0]  }
0x15a: {  	v15 =	vadd.f32 v16, v10;
	v16 =	vadd.f32 v17, v11;
	v11 =	vnsel vm1, $0x0, v1;
	v4 =	vld [tilespmem:s1+$0xFFFFFFD0]  }
0x15b: {  	v9 =	vadd.f32 v13, v9;
	v10 =	vadd.f32 v14, v12;
	v12 =	vnsel vm0, $0x0, v1;
	v1 =	vmovc v19;
	v3 =	vmovc v21  }
0x15c: {  	v11 =	vadd.f32 v11, v15;
	v12 =	vadd.f32 v12, v16  }
0x15d: {  	v13 =	vshra.s32 v6, $0xF;
	v14 =	vshra.s32 v2, $0xF;
	v15 =	vshra.s32 v1, $0xF  }
0x15e: {  	v16 =	vshra.s32 v7, $0xF;
	v18 =	vshra.s32 v3, $0xF;
	v17 =	vshra.s32 v5, $0xF  }
0x15f: {  	s0 =	sadd.s32 $0x80, s0;
	vm13 =	vgt.s32 v14, v0;
	v19 =	vshra.s32 v8, $0xF;
	v20 =	vshra.s32 v4, $0xF  }
0x160: {  	p0 =	slt.u32 s0, $0x3F80;
	vm14 =	veq.s32 v14, v0;
	vm1 =	vgt.s32 v15, v0;
	vm0 =	veq.s32 v15, v0  }
.Ltmp7:
0x161: {  	vm15 =	vgt.s32 v13, v0;
	vm6 =	veq.s32 v13, v0;
	vm3 =	vgt.s32 v18, v0;
	(pc) =	sbr.rel @p0 .LBB2_16-.Ltmp7, $4  }
0x162: {  	vm9 =	vgt.s32 v16, v0;
	vm10 =	veq.s32 v16, v0;
	vm2 =	veq.s32 v18, v0  }
0x163: {  	vm5 =	vgt.s32 v17, v0;
	vm4 =	veq.s32 v17, v0;
	vm8 =	vgt.s32 v19, v0  }
0x164: {  	vm11 =	veq.s32 v19, v0;
	vm12 =	vgt.s32 v20, v0;
	vm7 =	veq.s32 v20, v0  }
0x165: {  	s1 =	sadd.s32 $0x80, s1;
	v15 =	vnsel vm15, $0x0, v6;
	v13 =	vnsel vm13, $0x0, v2;
	v14 =	vnsel vm14, $0x0, v2  }
0x166: {  	[tilespmem:s25], [sflag:$0x2] =	stream.linear.gather [hbm4b:s13+s2], $0x4000, $0x38;
	[tilespmem:$0x8180] =	vst v63  }
0x167: {  	_ =	swait.ge [sflag:s26], $0x4000  }
0x168: {  	[sflag:s26] =	ssyncset.done $0x0  }
0x169: {  	s0 =	simm.s32 $0x40;
	[sflag:s26] =	ssyncadd.s32 $0xFFFFC000  }
0x16a: {  	v16 =	vnsel vm9, $0x0, v7;
	v7 =	vnsel vm10, $0x0, v7;
	v17 =	vnsel vm6, $0x0, v6;
	v18 =	vld [tilespmem:s0+$0x20]  }
0x16b: {  	v6 =	vnsel vm8, $0x0, v8;
	v8 =	vnsel vm11, $0x0, v8;
	v19 =	vnsel vm12, $0x0, v4;
	v2 =	vld [tilespmem:s0+$0x30]  }
0x16c: {  	v4 =	vnsel vm7, $0x0, v4;
	v9 =	vadd.f32 v6, v9;
	v8 =	vadd.f32 v8, v10;
	v6 =	vld [tilespmem:s0+$0x0]  }
0x16d: {  	v10 =	vadd.f32 v19, v11;
	v11 =	vadd.f32 v4, v12;
	v12 =	vnsel vm5, $0x0, v5;
	v4 =	vld [tilespmem:s0+$0x10]  }
0x16e: {  	v5 =	vnsel vm4, $0x0, v5;
	v9 =	vadd.f32 v16, v9;
	v8 =	vadd.f32 v7, v8;
	v7 =	vld [tilespmem:s0+$0xFFFFFFE0]  }
0x16f: {  	v10 =	vadd.f32 v12, v10;
	v11 =	vadd.f32 v5, v11;
	v12 =	vnsel vm3, $0x0, v3;
	v5 =	vld [tilespmem:s0+$0xFFFFFFF0]  }
0x170: {  	v3 =	vnsel vm2, $0x0, v3;
	v9 =	vadd.f32 v15, v9;
	v15 =	vadd.f32 v17, v8;
	v8 =	vld [tilespmem:s0+$0xFFFFFFC0]  }
0x171: {  	v12 =	vadd.f32 v12, v10;
	v16 =	vadd.f32 v3, v11;
	v11 =	vnsel vm1, $0x0, v1;
	v3 =	vld [tilespmem:s0+$0xFFFFFFD0]  }
0x172: {  	v1 =	vnsel vm0, $0x0, v1;
	v9 =	vadd.f32 v13, v9;
	v10 =	vadd.f32 v14, v15  }
0x173: {  	v11 =	vadd.f32 v11, v12;
	v12 =	vadd.f32 v1, v16  }
0x174: {  	v1 =	vshra.s32 v6, $0xF;
	v13 =	vshra.s32 v18, $0xF;
	v14 =	vshra.s32 v2, $0xF  }
0x175: {  	v15 =	vshra.s32 v7, $0xF;
	v16 =	vshra.s32 v5, $0xF;
	v17 =	vshra.s32 v4, $0xF  }
0x176: {  	v63 =	vshra.s32 v8, $0xF;
	v20 =	vshra.s32 v3, $0xF;
	vm13 =	vgt.s32 v13, v0  }
0x177: {  	vm14 =	veq.s32 v13, v0;
	vm1 =	vgt.s32 v14, v0;
	vm0 =	veq.s32 v14, v0  }
0x178: {  	vm15 =	vgt.s32 v1, v0;
	vm6 =	veq.s32 v1, v0;
	vm3 =	vgt.s32 v17, v0  }
0x179: {  	vm9 =	vgt.s32 v15, v0;
	vm10 =	veq.s32 v15, v0;
	vm2 =	veq.s32 v17, v0  }
0x17a: {  	vm5 =	vgt.s32 v16, v0;
	vm4 =	veq.s32 v16, v0;
	vm8 =	vgt.s32 v63, v0  }
0x17b: {  	vm11 =	veq.s32 v63, v0;
	vm12 =	vgt.s32 v20, v0;
	vm7 =	veq.s32 v20, v0  }
0x17c: {  	s1 =	simm.s32 $0xC0;
	s0 =	simm.s32 $0x0;
	v15 =	vnsel vm15, $0x0, v6;
	v13 =	vnsel vm13, $0x0, v18;
	v14 =	vnsel vm14, $0x0, v18  }
.LBB2_18:
0x17d: {  	v1 =	vld [tilespmem:s1+$0x20];
	v16 =	vnsel vm9, $0x0, v7;
	v17 =	vnsel vm10, $0x0, v7;
	v18 =	vnsel vm6, $0x0, v6  }
0x17e: {  	v7 =	vnsel vm8, $0x0, v8;
	v8 =	vnsel vm11, $0x0, v8;
	v20 =	vnsel vm12, $0x0, v3;
	v19 =	vld [tilespmem:s1+$0x30]  }
0x17f: {  	v3 =	vnsel vm7, $0x0, v3;
	v9 =	vadd.f32 v7, v9;
	v8 =	vadd.f32 v8, v10;
	v6 =	vld [tilespmem:s1+$0x0]  }
0x180: {  	v10 =	vadd.f32 v20, v11;
	v3 =	vadd.f32 v3, v12;
	v11 =	vnsel vm5, $0x0, v5;
	v21 =	vld [tilespmem:s1+$0x10]  }
0x181: {  	v9 =	vadd.f32 v16, v9;
	v12 =	vadd.f32 v17, v8;
	v8 =	vnsel vm4, $0x0, v5;
	v7 =	vld [tilespmem:s1+$0xFFFFFFE0]  }
0x182: {  	v10 =	vadd.f32 v11, v10;
	v16 =	vnsel vm3, $0x0, v4;
	v11 =	vadd.f32 v8, v3;
	v5 =	vld [tilespmem:s1+$0xFFFFFFF0]  }
0x183: {  	v17 =	vnsel vm2, $0x0, v4;
	v9 =	vadd.f32 v15, v9;
	v12 =	vadd.f32 v18, v12;
	v8 =	vld [tilespmem:s1+$0xFFFFFFC0]  }
0x184: {  	v15 =	vadd.f32 v16, v10;
	v16 =	vadd.f32 v17, v11;
	v11 =	vnsel vm1, $0x0, v2;
	v3 =	vld [tilespmem:s1+$0xFFFFFFD0]  }
0x185: {  	v9 =	vadd.f32 v13, v9;
	v10 =	vadd.f32 v14, v12;
	v12 =	vnsel vm0, $0x0, v2;
	v2 =	vmovc v19;
	v4 =	vmovc v21  }
0x186: {  	v11 =	vadd.f32 v11, v15;
	v12 =	vadd.f32 v12, v16  }
0x187: {  	v13 =	vshra.s32 v6, $0xF;
	v14 =	vshra.s32 v1, $0xF;
	v15 =	vshra.s32 v2, $0xF  }
0x188: {  	v16 =	vshra.s32 v7, $0xF;
	v18 =	vshra.s32 v4, $0xF;
	v17 =	vshra.s32 v5, $0xF  }
0x189: {  	s0 =	sadd.s32 $0x80, s0;
	vm13 =	vgt.s32 v14, v0;
	v19 =	vshra.s32 v8, $0xF;
	v20 =	vshra.s32 v3, $0xF  }
0x18a: {  	p0 =	slt.u32 s0, $0x3F80;
	vm14 =	veq.s32 v14, v0;
	vm1 =	vgt.s32 v15, v0;
	vm0 =	veq.s32 v15, v0  }
.Ltmp8:
0x18b: {  	vm15 =	vgt.s32 v13, v0;
	vm6 =	veq.s32 v13, v0;
	vm3 =	vgt.s32 v18, v0;
	(pc) =	sbr.rel @p0 .LBB2_18-.Ltmp8, $4  }
0x18c: {  	vm9 =	vgt.s32 v16, v0;
	vm10 =	veq.s32 v16, v0;
	vm2 =	veq.s32 v18, v0  }
0x18d: {  	vm5 =	vgt.s32 v17, v0;
	vm4 =	veq.s32 v17, v0;
	vm8 =	vgt.s32 v19, v0  }
0x18e: {  	vm11 =	veq.s32 v19, v0;
	vm12 =	vgt.s32 v20, v0;
	vm7 =	veq.s32 v20, v0  }
0x18f: {  	s1 =	sadd.s32 $0x80, s1;
	v15 =	vnsel vm15, $0x0, v6;
	v13 =	vnsel vm13, $0x0, v1;
	v14 =	vnsel vm14, $0x0, v1  }
0x190: {  	[tilespmem:s2], [sflag:$0x1] =	stream.linear.gather [hbm4b:s14+s2], $0x4000, $0x38;
	[tilespmem:$0x8180] =	vst v63  }
0x191: {  	_ =	swait.ge [sflag:s28], $0x4000  }
0x192: {  	[sflag:s28] =	ssyncset.done $0x0  }
0x193: {  	s0 =	simm.s32 $0x4040;
	[sflag:s28] =	ssyncadd.s32 $0xFFFFC000  }
0x194: {  	v16 =	vnsel vm9, $0x0, v7;
	v7 =	vnsel vm10, $0x0, v7;
	v17 =	vnsel vm6, $0x0, v6;
	v18 =	vld [tilespmem:s0+$0x20]  }
0x195: {  	v6 =	vnsel vm8, $0x0, v8;
	v8 =	vnsel vm11, $0x0, v8;
	v19 =	vnsel vm12, $0x0, v3;
	v1 =	vld [tilespmem:s0+$0x30]  }
0x196: {  	v3 =	vnsel vm7, $0x0, v3;
	v9 =	vadd.f32 v6, v9;
	v8 =	vadd.f32 v8, v10;
	v6 =	vld [tilespmem:s0+$0x0]  }
0x197: {  	v10 =	vadd.f32 v19, v11;
	v11 =	vadd.f32 v3, v12;
	v12 =	vnsel vm5, $0x0, v5;
	v3 =	vld [tilespmem:s0+$0x10]  }
0x198: {  	v5 =	vnsel vm4, $0x0, v5;
	v9 =	vadd.f32 v16, v9;
	v8 =	vadd.f32 v7, v8;
	v7 =	vld [tilespmem:s0+$0xFFFFFFE0]  }
0x199: {  	v10 =	vadd.f32 v12, v10;
	v11 =	vadd.f32 v5, v11;
	v12 =	vnsel vm3, $0x0, v4;
	v5 =	vld [tilespmem:s0+$0xFFFFFFF0]  }
0x19a: {  	v4 =	vnsel vm2, $0x0, v4;
	v9 =	vadd.f32 v15, v9;
	v15 =	vadd.f32 v17, v8;
	v8 =	vld [tilespmem:s0+$0xFFFFFFC0]  }
0x19b: {  	v12 =	vadd.f32 v12, v10;
	v16 =	vadd.f32 v4, v11;
	v11 =	vnsel vm1, $0x0, v2;
	v4 =	vld [tilespmem:s0+$0xFFFFFFD0]  }
0x19c: {  	v2 =	vnsel vm0, $0x0, v2;
	v9 =	vadd.f32 v13, v9;
	v10 =	vadd.f32 v14, v15  }
0x19d: {  	v11 =	vadd.f32 v11, v12;
	v12 =	vadd.f32 v2, v16  }
0x19e: {  	v2 =	vshra.s32 v6, $0xF;
	v13 =	vshra.s32 v18, $0xF;
	v14 =	vshra.s32 v1, $0xF  }
0x19f: {  	v15 =	vshra.s32 v7, $0xF;
	v16 =	vshra.s32 v5, $0xF;
	v17 =	vshra.s32 v3, $0xF  }
0x1a0: {  	v63 =	vshra.s32 v8, $0xF;
	v20 =	vshra.s32 v4, $0xF;
	vm13 =	vgt.s32 v13, v0  }
0x1a1: {  	vm14 =	veq.s32 v13, v0;
	vm1 =	vgt.s32 v14, v0;
	vm0 =	veq.s32 v14, v0  }
0x1a2: {  	vm15 =	vgt.s32 v2, v0;
	vm6 =	veq.s32 v2, v0;
	vm3 =	vgt.s32 v17, v0  }
0x1a3: {  	vm9 =	vgt.s32 v15, v0;
	vm10 =	veq.s32 v15, v0;
	vm2 =	veq.s32 v17, v0  }
0x1a4: {  	vm5 =	vgt.s32 v16, v0;
	vm4 =	veq.s32 v16, v0;
	vm8 =	vgt.s32 v63, v0  }
0x1a5: {  	vm11 =	veq.s32 v63, v0;
	vm12 =	vgt.s32 v20, v0;
	vm7 =	veq.s32 v20, v0  }
0x1a6: {  	s1 =	simm.s32 $0x40C0;
	s0 =	simm.s32 $0x0;
	v15 =	vnsel vm15, $0x0, v6;
	v13 =	vnsel vm13, $0x0, v18;
	v14 =	vnsel vm14, $0x0, v18  }
.LBB2_20:
0x1a7: {  	v2 =	vld [tilespmem:s1+$0x20];
	v16 =	vnsel vm9, $0x0, v7;
	v17 =	vnsel vm10, $0x0, v7;
	v18 =	vnsel vm6, $0x0, v6  }
0x1a8: {  	v7 =	vnsel vm8, $0x0, v8;
	v8 =	vnsel vm11, $0x0, v8;
	v20 =	vnsel vm12, $0x0, v4;
	v19 =	vld [tilespmem:s1+$0x30]  }
0x1a9: {  	v4 =	vnsel vm7, $0x0, v4;
	v9 =	vadd.f32 v7, v9;
	v8 =	vadd.f32 v8, v10;
	v6 =	vld [tilespmem:s1+$0x0]  }
0x1aa: {  	v10 =	vadd.f32 v20, v11;
	v4 =	vadd.f32 v4, v12;
	v11 =	vnsel vm5, $0x0, v5;
	v21 =	vld [tilespmem:s1+$0x10]  }
0x1ab: {  	v9 =	vadd.f32 v16, v9;
	v12 =	vadd.f32 v17, v8;
	v8 =	vnsel vm4, $0x0, v5;
	v7 =	vld [tilespmem:s1+$0xFFFFFFE0]  }
0x1ac: {  	v10 =	vadd.f32 v11, v10;
	v16 =	vnsel vm3, $0x0, v3;
	v11 =	vadd.f32 v8, v4;
	v5 =	vld [tilespmem:s1+$0xFFFFFFF0]  }
0x1ad: {  	v17 =	vnsel vm2, $0x0, v3;
	v9 =	vadd.f32 v15, v9;
	v12 =	vadd.f32 v18, v12;
	v8 =	vld [tilespmem:s1+$0xFFFFFFC0]  }
0x1ae: {  	v15 =	vadd.f32 v16, v10;
	v16 =	vadd.f32 v17, v11;
	v11 =	vnsel vm1, $0x0, v1;
	v4 =	vld [tilespmem:s1+$0xFFFFFFD0]  }
0x1af: {  	v9 =	vadd.f32 v13, v9;
	v10 =	vadd.f32 v14, v12;
	v12 =	vnsel vm0, $0x0, v1;
	v1 =	vmovc v19;
	v3 =	vmovc v21  }
0x1b0: {  	v11 =	vadd.f32 v11, v15;
	v12 =	vadd.f32 v12, v16  }
0x1b1: {  	v13 =	vshra.s32 v6, $0xF;
	v14 =	vshra.s32 v2, $0xF;
	v15 =	vshra.s32 v1, $0xF  }
0x1b2: {  	v16 =	vshra.s32 v7, $0xF;
	v18 =	vshra.s32 v3, $0xF;
	v17 =	vshra.s32 v5, $0xF  }
0x1b3: {  	s0 =	sadd.s32 $0x80, s0;
	vm13 =	vgt.s32 v14, v0;
	v19 =	vshra.s32 v8, $0xF;
	v20 =	vshra.s32 v4, $0xF  }
0x1b4: {  	p0 =	slt.u32 s0, $0x3F80;
	vm14 =	veq.s32 v14, v0;
	vm1 =	vgt.s32 v15, v0;
	vm0 =	veq.s32 v15, v0  }
.Ltmp9:
0x1b5: {  	vm15 =	vgt.s32 v13, v0;
	vm6 =	veq.s32 v13, v0;
	vm3 =	vgt.s32 v18, v0;
	(pc) =	sbr.rel @p0 .LBB2_20-.Ltmp9, $4  }
0x1b6: {  	vm9 =	vgt.s32 v16, v0;
	vm10 =	veq.s32 v16, v0;
	vm2 =	veq.s32 v18, v0  }
0x1b7: {  	vm5 =	vgt.s32 v17, v0;
	vm4 =	veq.s32 v17, v0;
	vm8 =	vgt.s32 v19, v0  }
0x1b8: {  	vm11 =	veq.s32 v19, v0;
	vm12 =	vgt.s32 v20, v0;
	vm7 =	veq.s32 v20, v0  }
0x1b9: {  	s1 =	sadd.s32 $0x80, s1;
	v15 =	vnsel vm15, $0x0, v6;
	v13 =	vnsel vm13, $0x0, v2;
	v14 =	vnsel vm14, $0x0, v2  }
0x1ba: {  	[tilespmem:s25], [sflag:$0x2] =	stream.linear.gather [hbm4b:s15+s2], $0x4000, $0x38;
	[tilespmem:$0x8180] =	vst v63  }
0x1bb: {  	_ =	swait.ge [sflag:s26], $0x4000  }
0x1bc: {  	[sflag:s26] =	ssyncset.done $0x0  }
0x1bd: {  	s0 =	simm.s32 $0x40;
	[sflag:s26] =	ssyncadd.s32 $0xFFFFC000  }
0x1be: {  	v16 =	vnsel vm9, $0x0, v7;
	v7 =	vnsel vm10, $0x0, v7;
	v17 =	vnsel vm6, $0x0, v6;
	v18 =	vld [tilespmem:s0+$0x20]  }
0x1bf: {  	v6 =	vnsel vm8, $0x0, v8;
	v8 =	vnsel vm11, $0x0, v8;
	v19 =	vnsel vm12, $0x0, v4;
	v2 =	vld [tilespmem:s0+$0x30]  }
0x1c0: {  	v4 =	vnsel vm7, $0x0, v4;
	v9 =	vadd.f32 v6, v9;
	v8 =	vadd.f32 v8, v10;
	v6 =	vld [tilespmem:s0+$0x0]  }
0x1c1: {  	v10 =	vadd.f32 v19, v11;
	v11 =	vadd.f32 v4, v12;
	v12 =	vnsel vm5, $0x0, v5;
	v4 =	vld [tilespmem:s0+$0x10]  }
0x1c2: {  	v5 =	vnsel vm4, $0x0, v5;
	v9 =	vadd.f32 v16, v9;
	v8 =	vadd.f32 v7, v8;
	v7 =	vld [tilespmem:s0+$0xFFFFFFE0]  }
0x1c3: {  	v10 =	vadd.f32 v12, v10;
	v11 =	vadd.f32 v5, v11;
	v12 =	vnsel vm3, $0x0, v3;
	v5 =	vld [tilespmem:s0+$0xFFFFFFF0]  }
0x1c4: {  	v3 =	vnsel vm2, $0x0, v3;
	v9 =	vadd.f32 v15, v9;
	v15 =	vadd.f32 v17, v8;
	v8 =	vld [tilespmem:s0+$0xFFFFFFC0]  }
0x1c5: {  	v12 =	vadd.f32 v12, v10;
	v16 =	vadd.f32 v3, v11;
	v11 =	vnsel vm1, $0x0, v1;
	v3 =	vld [tilespmem:s0+$0xFFFFFFD0]  }
0x1c6: {  	v1 =	vnsel vm0, $0x0, v1;
	v9 =	vadd.f32 v13, v9;
	v10 =	vadd.f32 v14, v15  }
0x1c7: {  	v11 =	vadd.f32 v11, v12;
	v12 =	vadd.f32 v1, v16  }
0x1c8: {  	v1 =	vshra.s32 v6, $0xF;
	v13 =	vshra.s32 v18, $0xF;
	v14 =	vshra.s32 v2, $0xF  }
0x1c9: {  	v15 =	vshra.s32 v7, $0xF;
	v16 =	vshra.s32 v5, $0xF;
	v17 =	vshra.s32 v4, $0xF  }
0x1ca: {  	v63 =	vshra.s32 v8, $0xF;
	v20 =	vshra.s32 v3, $0xF;
	vm13 =	vgt.s32 v13, v0  }
0x1cb: {  	vm14 =	veq.s32 v13, v0;
	vm1 =	vgt.s32 v14, v0;
	vm0 =	veq.s32 v14, v0  }
0x1cc: {  	vm15 =	vgt.s32 v1, v0;
	vm6 =	veq.s32 v1, v0;
	vm3 =	vgt.s32 v17, v0  }
0x1cd: {  	vm9 =	vgt.s32 v15, v0;
	vm10 =	veq.s32 v15, v0;
	vm2 =	veq.s32 v17, v0  }
0x1ce: {  	vm5 =	vgt.s32 v16, v0;
	vm4 =	veq.s32 v16, v0;
	vm8 =	vgt.s32 v63, v0  }
0x1cf: {  	vm11 =	veq.s32 v63, v0;
	vm12 =	vgt.s32 v20, v0;
	vm7 =	veq.s32 v20, v0  }
0x1d0: {  	s1 =	simm.s32 $0xC0;
	s0 =	simm.s32 $0x0;
	v15 =	vnsel vm15, $0x0, v6;
	v13 =	vnsel vm13, $0x0, v18;
	v14 =	vnsel vm14, $0x0, v18  }
.LBB2_22:
0x1d1: {  	v1 =	vld [tilespmem:s1+$0x20];
	v16 =	vnsel vm9, $0x0, v7;
	v17 =	vnsel vm10, $0x0, v7;
	v18 =	vnsel vm6, $0x0, v6  }
0x1d2: {  	v7 =	vnsel vm8, $0x0, v8;
	v8 =	vnsel vm11, $0x0, v8;
	v20 =	vnsel vm12, $0x0, v3;
	v19 =	vld [tilespmem:s1+$0x30]  }
0x1d3: {  	v3 =	vnsel vm7, $0x0, v3;
	v9 =	vadd.f32 v7, v9;
	v8 =	vadd.f32 v8, v10;
	v6 =	vld [tilespmem:s1+$0x0]  }
0x1d4: {  	v10 =	vadd.f32 v20, v11;
	v3 =	vadd.f32 v3, v12;
	v11 =	vnsel vm5, $0x0, v5;
	v21 =	vld [tilespmem:s1+$0x10]  }
0x1d5: {  	v9 =	vadd.f32 v16, v9;
	v12 =	vadd.f32 v17, v8;
	v8 =	vnsel vm4, $0x0, v5;
	v7 =	vld [tilespmem:s1+$0xFFFFFFE0]  }
0x1d6: {  	v10 =	vadd.f32 v11, v10;
	v16 =	vnsel vm3, $0x0, v4;
	v11 =	vadd.f32 v8, v3;
	v5 =	vld [tilespmem:s1+$0xFFFFFFF0]  }
0x1d7: {  	v17 =	vnsel vm2, $0x0, v4;
	v9 =	vadd.f32 v15, v9;
	v12 =	vadd.f32 v18, v12;
	v8 =	vld [tilespmem:s1+$0xFFFFFFC0]  }
0x1d8: {  	v15 =	vadd.f32 v16, v10;
	v16 =	vadd.f32 v17, v11;
	v11 =	vnsel vm1, $0x0, v2;
	v3 =	vld [tilespmem:s1+$0xFFFFFFD0]  }
0x1d9: {  	v9 =	vadd.f32 v13, v9;
	v10 =	vadd.f32 v14, v12;
	v12 =	vnsel vm0, $0x0, v2;
	v2 =	vmovc v19;
	v4 =	vmovc v21  }
0x1da: {  	v11 =	vadd.f32 v11, v15;
	v12 =	vadd.f32 v12, v16  }
0x1db: {  	v13 =	vshra.s32 v6, $0xF;
	v14 =	vshra.s32 v1, $0xF;
	v15 =	vshra.s32 v2, $0xF  }
0x1dc: {  	v16 =	vshra.s32 v7, $0xF;
	v18 =	vshra.s32 v4, $0xF;
	v17 =	vshra.s32 v5, $0xF  }
0x1dd: {  	s0 =	sadd.s32 $0x80, s0;
	vm13 =	vgt.s32 v14, v0;
	v19 =	vshra.s32 v8, $0xF;
	v20 =	vshra.s32 v3, $0xF  }
0x1de: {  	p0 =	slt.u32 s0, $0x3F80;
	vm14 =	veq.s32 v14, v0;
	vm1 =	vgt.s32 v15, v0;
	vm0 =	veq.s32 v15, v0  }
.Ltmp10:
0x1df: {  	vm15 =	vgt.s32 v13, v0;
	vm6 =	veq.s32 v13, v0;
	vm3 =	vgt.s32 v18, v0;
	(pc) =	sbr.rel @p0 .LBB2_22-.Ltmp10, $4  }
0x1e0: {  	vm9 =	vgt.s32 v16, v0;
	vm10 =	veq.s32 v16, v0;
	vm2 =	veq.s32 v18, v0  }
0x1e1: {  	vm5 =	vgt.s32 v17, v0;
	vm4 =	veq.s32 v17, v0;
	vm8 =	vgt.s32 v19, v0  }
0x1e2: {  	vm11 =	veq.s32 v19, v0;
	vm12 =	vgt.s32 v20, v0;
	vm7 =	veq.s32 v20, v0  }
0x1e3: {  	s1 =	sadd.s32 $0x80, s1;
	v15 =	vnsel vm15, $0x0, v6;
	v13 =	vnsel vm13, $0x0, v1;
	v14 =	vnsel vm14, $0x0, v1  }
0x1e4: {  	[tilespmem:s2], [sflag:$0x1] =	stream.linear.gather [hbm4b:s16+s2], $0x4000, $0x38;
	[tilespmem:$0x8180] =	vst v63  }
0x1e5: {  	_ =	swait.ge [sflag:s28], $0x4000  }
0x1e6: {  	[sflag:s28] =	ssyncset.done $0x0  }
0x1e7: {  	s0 =	simm.s32 $0x4040;
	[sflag:s28] =	ssyncadd.s32 $0xFFFFC000  }
0x1e8: {  	v16 =	vnsel vm9, $0x0, v7;
	v7 =	vnsel vm10, $0x0, v7;
	v17 =	vnsel vm6, $0x0, v6;
	v18 =	vld [tilespmem:s0+$0x20]  }
0x1e9: {  	v6 =	vnsel vm8, $0x0, v8;
	v8 =	vnsel vm11, $0x0, v8;
	v19 =	vnsel vm12, $0x0, v3;
	v1 =	vld [tilespmem:s0+$0x30]  }
0x1ea: {  	v3 =	vnsel vm7, $0x0, v3;
	v9 =	vadd.f32 v6, v9;
	v8 =	vadd.f32 v8, v10;
	v6 =	vld [tilespmem:s0+$0x0]  }
0x1eb: {  	v10 =	vadd.f32 v19, v11;
	v11 =	vadd.f32 v3, v12;
	v12 =	vnsel vm5, $0x0, v5;
	v3 =	vld [tilespmem:s0+$0x10]  }
0x1ec: {  	v5 =	vnsel vm4, $0x0, v5;
	v9 =	vadd.f32 v16, v9;
	v8 =	vadd.f32 v7, v8;
	v7 =	vld [tilespmem:s0+$0xFFFFFFE0]  }
0x1ed: {  	v10 =	vadd.f32 v12, v10;
	v11 =	vadd.f32 v5, v11;
	v12 =	vnsel vm3, $0x0, v4;
	v5 =	vld [tilespmem:s0+$0xFFFFFFF0]  }
0x1ee: {  	v4 =	vnsel vm2, $0x0, v4;
	v9 =	vadd.f32 v15, v9;
	v15 =	vadd.f32 v17, v8;
	v8 =	vld [tilespmem:s0+$0xFFFFFFC0]  }
0x1ef: {  	v12 =	vadd.f32 v12, v10;
	v16 =	vadd.f32 v4, v11;
	v11 =	vnsel vm1, $0x0, v2;
	v4 =	vld [tilespmem:s0+$0xFFFFFFD0]  }
0x1f0: {  	v2 =	vnsel vm0, $0x0, v2;
	v9 =	vadd.f32 v13, v9;
	v10 =	vadd.f32 v14, v15  }
0x1f1: {  	v11 =	vadd.f32 v11, v12;
	v12 =	vadd.f32 v2, v16  }
0x1f2: {  	v2 =	vshra.s32 v6, $0xF;
	v13 =	vshra.s32 v18, $0xF;
	v14 =	vshra.s32 v1, $0xF  }
0x1f3: {  	v15 =	vshra.s32 v7, $0xF;
	v16 =	vshra.s32 v5, $0xF;
	v17 =	vshra.s32 v3, $0xF  }
0x1f4: {  	v63 =	vshra.s32 v8, $0xF;
	v20 =	vshra.s32 v4, $0xF;
	vm13 =	vgt.s32 v13, v0  }
0x1f5: {  	vm14 =	veq.s32 v13, v0;
	vm1 =	vgt.s32 v14, v0;
	vm0 =	veq.s32 v14, v0  }
0x1f6: {  	vm15 =	vgt.s32 v2, v0;
	vm6 =	veq.s32 v2, v0;
	vm3 =	vgt.s32 v17, v0  }
0x1f7: {  	vm9 =	vgt.s32 v15, v0;
	vm10 =	veq.s32 v15, v0;
	vm2 =	veq.s32 v17, v0  }
0x1f8: {  	vm5 =	vgt.s32 v16, v0;
	vm4 =	veq.s32 v16, v0;
	vm8 =	vgt.s32 v63, v0  }
0x1f9: {  	vm11 =	veq.s32 v63, v0;
	vm12 =	vgt.s32 v20, v0;
	vm7 =	veq.s32 v20, v0  }
0x1fa: {  	s1 =	simm.s32 $0x40C0;
	s0 =	simm.s32 $0x0;
	v15 =	vnsel vm15, $0x0, v6;
	v13 =	vnsel vm13, $0x0, v18;
	v14 =	vnsel vm14, $0x0, v18  }
.LBB2_24:
0x1fb: {  	v2 =	vld [tilespmem:s1+$0x20];
	v16 =	vnsel vm9, $0x0, v7;
	v17 =	vnsel vm10, $0x0, v7;
	v18 =	vnsel vm6, $0x0, v6  }
0x1fc: {  	v7 =	vnsel vm8, $0x0, v8;
	v8 =	vnsel vm11, $0x0, v8;
	v20 =	vnsel vm12, $0x0, v4;
	v19 =	vld [tilespmem:s1+$0x30]  }
0x1fd: {  	v4 =	vnsel vm7, $0x0, v4;
	v9 =	vadd.f32 v7, v9;
	v8 =	vadd.f32 v8, v10;
	v6 =	vld [tilespmem:s1+$0x0]  }
0x1fe: {  	v10 =	vadd.f32 v20, v11;
	v4 =	vadd.f32 v4, v12;
	v11 =	vnsel vm5, $0x0, v5;
	v21 =	vld [tilespmem:s1+$0x10]  }
0x1ff: {  	v9 =	vadd.f32 v16, v9;
	v12 =	vadd.f32 v17, v8;
	v8 =	vnsel vm4, $0x0, v5;
	v7 =	vld [tilespmem:s1+$0xFFFFFFE0]  }
0x200: {  	v10 =	vadd.f32 v11, v10;
	v16 =	vnsel vm3, $0x0, v3;
	v11 =	vadd.f32 v8, v4;
	v5 =	vld [tilespmem:s1+$0xFFFFFFF0]  }
0x201: {  	v17 =	vnsel vm2, $0x0, v3;
	v9 =	vadd.f32 v15, v9;
	v12 =	vadd.f32 v18, v12;
	v8 =	vld [tilespmem:s1+$0xFFFFFFC0]  }
0x202: {  	v15 =	vadd.f32 v16, v10;
	v16 =	vadd.f32 v17, v11;
	v11 =	vnsel vm1, $0x0, v1;
	v4 =	vld [tilespmem:s1+$0xFFFFFFD0]  }
0x203: {  	v9 =	vadd.f32 v13, v9;
	v10 =	vadd.f32 v14, v12;
	v12 =	vnsel vm0, $0x0, v1;
	v1 =	vmovc v19;
	v3 =	vmovc v21  }
0x204: {  	v11 =	vadd.f32 v11, v15;
	v12 =	vadd.f32 v12, v16  }
0x205: {  	v13 =	vshra.s32 v6, $0xF;
	v14 =	vshra.s32 v2, $0xF;
	v15 =	vshra.s32 v1, $0xF  }
0x206: {  	v16 =	vshra.s32 v7, $0xF;
	v18 =	vshra.s32 v3, $0xF;
	v17 =	vshra.s32 v5, $0xF  }
0x207: {  	s0 =	sadd.s32 $0x80, s0;
	vm13 =	vgt.s32 v14, v0;
	v19 =	vshra.s32 v8, $0xF;
	v20 =	vshra.s32 v4, $0xF  }
0x208: {  	p0 =	slt.u32 s0, $0x3F80;
	vm14 =	veq.s32 v14, v0;
	vm1 =	vgt.s32 v15, v0;
	vm0 =	veq.s32 v15, v0  }
.Ltmp11:
0x209: {  	vm15 =	vgt.s32 v13, v0;
	vm6 =	veq.s32 v13, v0;
	vm3 =	vgt.s32 v18, v0;
	(pc) =	sbr.rel @p0 .LBB2_24-.Ltmp11, $4  }
0x20a: {  	vm9 =	vgt.s32 v16, v0;
	vm10 =	veq.s32 v16, v0;
	vm2 =	veq.s32 v18, v0  }
0x20b: {  	vm5 =	vgt.s32 v17, v0;
	vm4 =	veq.s32 v17, v0;
	vm8 =	vgt.s32 v19, v0  }
0x20c: {  	vm11 =	veq.s32 v19, v0;
	vm12 =	vgt.s32 v20, v0;
	vm7 =	veq.s32 v20, v0  }
0x20d: {  	s1 =	sadd.s32 $0x80, s1;
	v15 =	vnsel vm15, $0x0, v6;
	v13 =	vnsel vm13, $0x0, v2;
	v14 =	vnsel vm14, $0x0, v2  }
0x20e: {  	[tilespmem:s25], [sflag:$0x2] =	stream.linear.gather [hbm4b:s17+s2], $0x4000, $0x38;
	[tilespmem:$0x8180] =	vst v63  }
0x20f: {  	_ =	swait.ge [sflag:s26], $0x4000  }
0x210: {  	[sflag:s26] =	ssyncset.done $0x0  }
0x211: {  	s0 =	simm.s32 $0x40;
	[sflag:s26] =	ssyncadd.s32 $0xFFFFC000  }
0x212: {  	v16 =	vnsel vm9, $0x0, v7;
	v7 =	vnsel vm10, $0x0, v7;
	v17 =	vnsel vm6, $0x0, v6;
	v18 =	vld [tilespmem:s0+$0x20]  }
0x213: {  	v6 =	vnsel vm8, $0x0, v8;
	v8 =	vnsel vm11, $0x0, v8;
	v19 =	vnsel vm12, $0x0, v4;
	v2 =	vld [tilespmem:s0+$0x30]  }
0x214: {  	v4 =	vnsel vm7, $0x0, v4;
	v9 =	vadd.f32 v6, v9;
	v8 =	vadd.f32 v8, v10;
	v6 =	vld [tilespmem:s0+$0x0]  }
0x215: {  	v10 =	vadd.f32 v19, v11;
	v11 =	vadd.f32 v4, v12;
	v12 =	vnsel vm5, $0x0, v5;
	v4 =	vld [tilespmem:s0+$0x10]  }
0x216: {  	v5 =	vnsel vm4, $0x0, v5;
	v9 =	vadd.f32 v16, v9;
	v8 =	vadd.f32 v7, v8;
	v7 =	vld [tilespmem:s0+$0xFFFFFFE0]  }
0x217: {  	v10 =	vadd.f32 v12, v10;
	v11 =	vadd.f32 v5, v11;
	v12 =	vnsel vm3, $0x0, v3;
	v5 =	vld [tilespmem:s0+$0xFFFFFFF0]  }
0x218: {  	v3 =	vnsel vm2, $0x0, v3;
	v9 =	vadd.f32 v15, v9;
	v15 =	vadd.f32 v17, v8;
	v8 =	vld [tilespmem:s0+$0xFFFFFFC0]  }
0x219: {  	v12 =	vadd.f32 v12, v10;
	v16 =	vadd.f32 v3, v11;
	v11 =	vnsel vm1, $0x0, v1;
	v3 =	vld [tilespmem:s0+$0xFFFFFFD0]  }
0x21a: {  	v1 =	vnsel vm0, $0x0, v1;
	v9 =	vadd.f32 v13, v9;
	v10 =	vadd.f32 v14, v15  }
0x21b: {  	v11 =	vadd.f32 v11, v12;
	v12 =	vadd.f32 v1, v16  }
0x21c: {  	v1 =	vshra.s32 v6, $0xF;
	v13 =	vshra.s32 v18, $0xF;
	v14 =	vshra.s32 v2, $0xF  }
0x21d: {  	v15 =	vshra.s32 v7, $0xF;
	v16 =	vshra.s32 v5, $0xF;
	v17 =	vshra.s32 v4, $0xF  }
0x21e: {  	v63 =	vshra.s32 v8, $0xF;
	v20 =	vshra.s32 v3, $0xF;
	vm13 =	vgt.s32 v13, v0  }
0x21f: {  	vm14 =	veq.s32 v13, v0;
	vm1 =	vgt.s32 v14, v0;
	vm0 =	veq.s32 v14, v0  }
0x220: {  	vm15 =	vgt.s32 v1, v0;
	vm6 =	veq.s32 v1, v0;
	vm3 =	vgt.s32 v17, v0  }
0x221: {  	vm9 =	vgt.s32 v15, v0;
	vm10 =	veq.s32 v15, v0;
	vm2 =	veq.s32 v17, v0  }
0x222: {  	vm5 =	vgt.s32 v16, v0;
	vm4 =	veq.s32 v16, v0;
	vm8 =	vgt.s32 v63, v0  }
0x223: {  	vm11 =	veq.s32 v63, v0;
	vm12 =	vgt.s32 v20, v0;
	vm7 =	veq.s32 v20, v0  }
0x224: {  	s1 =	simm.s32 $0xC0;
	s0 =	simm.s32 $0x0;
	v15 =	vnsel vm15, $0x0, v6;
	v13 =	vnsel vm13, $0x0, v18;
	v14 =	vnsel vm14, $0x0, v18  }
.LBB2_26:
0x225: {  	v1 =	vld [tilespmem:s1+$0x20];
	v16 =	vnsel vm9, $0x0, v7;
	v17 =	vnsel vm10, $0x0, v7;
	v18 =	vnsel vm6, $0x0, v6  }
0x226: {  	v7 =	vnsel vm8, $0x0, v8;
	v8 =	vnsel vm11, $0x0, v8;
	v20 =	vnsel vm12, $0x0, v3;
	v19 =	vld [tilespmem:s1+$0x30]  }
0x227: {  	v3 =	vnsel vm7, $0x0, v3;
	v9 =	vadd.f32 v7, v9;
	v8 =	vadd.f32 v8, v10;
	v6 =	vld [tilespmem:s1+$0x0]  }
0x228: {  	v10 =	vadd.f32 v20, v11;
	v3 =	vadd.f32 v3, v12;
	v11 =	vnsel vm5, $0x0, v5;
	v21 =	vld [tilespmem:s1+$0x10]  }
0x229: {  	v9 =	vadd.f32 v16, v9;
	v12 =	vadd.f32 v17, v8;
	v8 =	vnsel vm4, $0x0, v5;
	v7 =	vld [tilespmem:s1+$0xFFFFFFE0]  }
0x22a: {  	v10 =	vadd.f32 v11, v10;
	v16 =	vnsel vm3, $0x0, v4;
	v11 =	vadd.f32 v8, v3;
	v5 =	vld [tilespmem:s1+$0xFFFFFFF0]  }
0x22b: {  	v17 =	vnsel vm2, $0x0, v4;
	v9 =	vadd.f32 v15, v9;
	v12 =	vadd.f32 v18, v12;
	v8 =	vld [tilespmem:s1+$0xFFFFFFC0]  }
0x22c: {  	v15 =	vadd.f32 v16, v10;
	v16 =	vadd.f32 v17, v11;
	v11 =	vnsel vm1, $0x0, v2;
	v3 =	vld [tilespmem:s1+$0xFFFFFFD0]  }
0x22d: {  	v9 =	vadd.f32 v13, v9;
	v10 =	vadd.f32 v14, v12;
	v12 =	vnsel vm0, $0x0, v2;
	v2 =	vmovc v19;
	v4 =	vmovc v21  }
0x22e: {  	v11 =	vadd.f32 v11, v15;
	v12 =	vadd.f32 v12, v16  }
0x22f: {  	v13 =	vshra.s32 v6, $0xF;
	v14 =	vshra.s32 v1, $0xF;
	v15 =	vshra.s32 v2, $0xF  }
0x230: {  	v16 =	vshra.s32 v7, $0xF;
	v18 =	vshra.s32 v4, $0xF;
	v17 =	vshra.s32 v5, $0xF  }
0x231: {  	s0 =	sadd.s32 $0x80, s0;
	vm13 =	vgt.s32 v14, v0;
	v19 =	vshra.s32 v8, $0xF;
	v20 =	vshra.s32 v3, $0xF  }
0x232: {  	p0 =	slt.u32 s0, $0x3F80;
	vm14 =	veq.s32 v14, v0;
	vm1 =	vgt.s32 v15, v0;
	vm0 =	veq.s32 v15, v0  }
.Ltmp12:
0x233: {  	vm15 =	vgt.s32 v13, v0;
	vm6 =	veq.s32 v13, v0;
	vm3 =	vgt.s32 v18, v0;
	(pc) =	sbr.rel @p0 .LBB2_26-.Ltmp12, $4  }
0x234: {  	vm9 =	vgt.s32 v16, v0;
	vm10 =	veq.s32 v16, v0;
	vm2 =	veq.s32 v18, v0  }
0x235: {  	vm5 =	vgt.s32 v17, v0;
	vm4 =	veq.s32 v17, v0;
	vm8 =	vgt.s32 v19, v0  }
0x236: {  	vm11 =	veq.s32 v19, v0;
	vm12 =	vgt.s32 v20, v0;
	vm7 =	veq.s32 v20, v0  }
0x237: {  	s1 =	sadd.s32 $0x80, s1;
	v15 =	vnsel vm15, $0x0, v6;
	v13 =	vnsel vm13, $0x0, v1;
	v14 =	vnsel vm14, $0x0, v1  }
0x238: {  	[tilespmem:s2], [sflag:$0x1] =	stream.linear.gather [hbm4b:s18+s2], $0x4000, $0x38;
	[tilespmem:$0x8180] =	vst v63  }
0x239: {  	_ =	swait.ge [sflag:s28], $0x4000  }
0x23a: {  	[sflag:s28] =	ssyncset.done $0x0  }
0x23b: {  	s0 =	simm.s32 $0x4040;
	[sflag:s28] =	ssyncadd.s32 $0xFFFFC000  }
0x23c: {  	v16 =	vnsel vm9, $0x0, v7;
	v7 =	vnsel vm10, $0x0, v7;
	v17 =	vnsel vm6, $0x0, v6;
	v18 =	vld [tilespmem:s0+$0x20]  }
0x23d: {  	v6 =	vnsel vm8, $0x0, v8;
	v8 =	vnsel vm11, $0x0, v8;
	v19 =	vnsel vm12, $0x0, v3;
	v1 =	vld [tilespmem:s0+$0x30]  }
0x23e: {  	v3 =	vnsel vm7, $0x0, v3;
	v9 =	vadd.f32 v6, v9;
	v8 =	vadd.f32 v8, v10;
	v6 =	vld [tilespmem:s0+$0x0]  }
0x23f: {  	v10 =	vadd.f32 v19, v11;
	v11 =	vadd.f32 v3, v12;
	v12 =	vnsel vm5, $0x0, v5;
	v3 =	vld [tilespmem:s0+$0x10]  }
0x240: {  	v5 =	vnsel vm4, $0x0, v5;
	v9 =	vadd.f32 v16, v9;
	v8 =	vadd.f32 v7, v8;
	v7 =	vld [tilespmem:s0+$0xFFFFFFE0]  }
0x241: {  	v10 =	vadd.f32 v12, v10;
	v11 =	vadd.f32 v5, v11;
	v12 =	vnsel vm3, $0x0, v4;
	v5 =	vld [tilespmem:s0+$0xFFFFFFF0]  }
0x242: {  	v4 =	vnsel vm2, $0x0, v4;
	v9 =	vadd.f32 v15, v9;
	v15 =	vadd.f32 v17, v8;
	v8 =	vld [tilespmem:s0+$0xFFFFFFC0]  }
0x243: {  	v12 =	vadd.f32 v12, v10;
	v16 =	vadd.f32 v4, v11;
	v11 =	vnsel vm1, $0x0, v2;
	v4 =	vld [tilespmem:s0+$0xFFFFFFD0]  }
0x244: {  	v2 =	vnsel vm0, $0x0, v2;
	v9 =	vadd.f32 v13, v9;
	v10 =	vadd.f32 v14, v15  }
0x245: {  	v11 =	vadd.f32 v11, v12;
	v12 =	vadd.f32 v2, v16  }
0x246: {  	v2 =	vshra.s32 v6, $0xF;
	v13 =	vshra.s32 v18, $0xF;
	v14 =	vshra.s32 v1, $0xF  }
0x247: {  	v15 =	vshra.s32 v7, $0xF;
	v16 =	vshra.s32 v5, $0xF;
	v17 =	vshra.s32 v3, $0xF  }
0x248: {  	v63 =	vshra.s32 v8, $0xF;
	v20 =	vshra.s32 v4, $0xF;
	vm13 =	vgt.s32 v13, v0  }
0x249: {  	vm14 =	veq.s32 v13, v0;
	vm1 =	vgt.s32 v14, v0;
	vm0 =	veq.s32 v14, v0  }
0x24a: {  	vm15 =	vgt.s32 v2, v0;
	vm6 =	veq.s32 v2, v0;
	vm3 =	vgt.s32 v17, v0  }
0x24b: {  	vm9 =	vgt.s32 v15, v0;
	vm10 =	veq.s32 v15, v0;
	vm2 =	veq.s32 v17, v0  }
0x24c: {  	vm5 =	vgt.s32 v16, v0;
	vm4 =	veq.s32 v16, v0;
	vm8 =	vgt.s32 v63, v0  }
0x24d: {  	vm11 =	veq.s32 v63, v0;
	vm12 =	vgt.s32 v20, v0;
	vm7 =	veq.s32 v20, v0  }
0x24e: {  	s1 =	simm.s32 $0x40C0;
	s0 =	simm.s32 $0x0;
	v15 =	vnsel vm15, $0x0, v6;
	v13 =	vnsel vm13, $0x0, v18;
	v14 =	vnsel vm14, $0x0, v18  }
.LBB2_28:
0x24f: {  	v2 =	vld [tilespmem:s1+$0x20];
	v16 =	vnsel vm9, $0x0, v7;
	v17 =	vnsel vm10, $0x0, v7;
	v18 =	vnsel vm6, $0x0, v6  }
0x250: {  	v7 =	vnsel vm8, $0x0, v8;
	v8 =	vnsel vm11, $0x0, v8;
	v20 =	vnsel vm12, $0x0, v4;
	v19 =	vld [tilespmem:s1+$0x30]  }
0x251: {  	v4 =	vnsel vm7, $0x0, v4;
	v9 =	vadd.f32 v7, v9;
	v8 =	vadd.f32 v8, v10;
	v6 =	vld [tilespmem:s1+$0x0]  }
0x252: {  	v10 =	vadd.f32 v20, v11;
	v4 =	vadd.f32 v4, v12;
	v11 =	vnsel vm5, $0x0, v5;
	v21 =	vld [tilespmem:s1+$0x10]  }
0x253: {  	v9 =	vadd.f32 v16, v9;
	v12 =	vadd.f32 v17, v8;
	v8 =	vnsel vm4, $0x0, v5;
	v7 =	vld [tilespmem:s1+$0xFFFFFFE0]  }
0x254: {  	v10 =	vadd.f32 v11, v10;
	v16 =	vnsel vm3, $0x0, v3;
	v11 =	vadd.f32 v8, v4;
	v5 =	vld [tilespmem:s1+$0xFFFFFFF0]  }
0x255: {  	v17 =	vnsel vm2, $0x0, v3;
	v9 =	vadd.f32 v15, v9;
	v12 =	vadd.f32 v18, v12;
	v8 =	vld [tilespmem:s1+$0xFFFFFFC0]  }
0x256: {  	v15 =	vadd.f32 v16, v10;
	v16 =	vadd.f32 v17, v11;
	v11 =	vnsel vm1, $0x0, v1;
	v4 =	vld [tilespmem:s1+$0xFFFFFFD0]  }
0x257: {  	v9 =	vadd.f32 v13, v9;
	v10 =	vadd.f32 v14, v12;
	v12 =	vnsel vm0, $0x0, v1;
	v1 =	vmovc v19;
	v3 =	vmovc v21  }
0x258: {  	v11 =	vadd.f32 v11, v15;
	v12 =	vadd.f32 v12, v16  }
0x259: {  	v13 =	vshra.s32 v6, $0xF;
	v14 =	vshra.s32 v2, $0xF;
	v15 =	vshra.s32 v1, $0xF  }
0x25a: {  	v16 =	vshra.s32 v7, $0xF;
	v18 =	vshra.s32 v3, $0xF;
	v17 =	vshra.s32 v5, $0xF  }
0x25b: {  	s0 =	sadd.s32 $0x80, s0;
	vm13 =	vgt.s32 v14, v0;
	v19 =	vshra.s32 v8, $0xF;
	v20 =	vshra.s32 v4, $0xF  }
0x25c: {  	p0 =	slt.u32 s0, $0x3F80;
	vm14 =	veq.s32 v14, v0;
	vm1 =	vgt.s32 v15, v0;
	vm0 =	veq.s32 v15, v0  }
.Ltmp13:
0x25d: {  	vm15 =	vgt.s32 v13, v0;
	vm6 =	veq.s32 v13, v0;
	vm3 =	vgt.s32 v18, v0;
	(pc) =	sbr.rel @p0 .LBB2_28-.Ltmp13, $4  }
0x25e: {  	vm9 =	vgt.s32 v16, v0;
	vm10 =	veq.s32 v16, v0;
	vm2 =	veq.s32 v18, v0  }
0x25f: {  	vm5 =	vgt.s32 v17, v0;
	vm4 =	veq.s32 v17, v0;
	vm8 =	vgt.s32 v19, v0  }
0x260: {  	vm11 =	veq.s32 v19, v0;
	vm12 =	vgt.s32 v20, v0;
	vm7 =	veq.s32 v20, v0  }
0x261: {  	s1 =	sadd.s32 $0x80, s1;
	v15 =	vnsel vm15, $0x0, v6;
	v13 =	vnsel vm13, $0x0, v2;
	v14 =	vnsel vm14, $0x0, v2  }
0x262: {  	[tilespmem:s25], [sflag:$0x2] =	stream.linear.gather [hbm4b:s19+s2], $0x4000, $0x38;
	[tilespmem:$0x8180] =	vst v63  }
0x263: {  	_ =	swait.ge [sflag:s26], $0x4000  }
0x264: {  	[sflag:s26] =	ssyncset.done $0x0  }
0x265: {  	s0 =	simm.s32 $0x40;
	[sflag:s26] =	ssyncadd.s32 $0xFFFFC000  }
0x266: {  	v16 =	vnsel vm9, $0x0, v7;
	v7 =	vnsel vm10, $0x0, v7;
	v17 =	vnsel vm6, $0x0, v6;
	v18 =	vld [tilespmem:s0+$0x20]  }
0x267: {  	v6 =	vnsel vm8, $0x0, v8;
	v8 =	vnsel vm11, $0x0, v8;
	v19 =	vnsel vm12, $0x0, v4;
	v2 =	vld [tilespmem:s0+$0x30]  }
0x268: {  	v4 =	vnsel vm7, $0x0, v4;
	v9 =	vadd.f32 v6, v9;
	v8 =	vadd.f32 v8, v10;
	v6 =	vld [tilespmem:s0+$0x0]  }
0x269: {  	v10 =	vadd.f32 v19, v11;
	v11 =	vadd.f32 v4, v12;
	v12 =	vnsel vm5, $0x0, v5;
	v4 =	vld [tilespmem:s0+$0x10]  }
0x26a: {  	v5 =	vnsel vm4, $0x0, v5;
	v9 =	vadd.f32 v16, v9;
	v8 =	vadd.f32 v7, v8;
	v7 =	vld [tilespmem:s0+$0xFFFFFFE0]  }
0x26b: {  	v10 =	vadd.f32 v12, v10;
	v11 =	vadd.f32 v5, v11;
	v12 =	vnsel vm3, $0x0, v3;
	v5 =	vld [tilespmem:s0+$0xFFFFFFF0]  }
0x26c: {  	v3 =	vnsel vm2, $0x0, v3;
	v9 =	vadd.f32 v15, v9;
	v15 =	vadd.f32 v17, v8;
	v8 =	vld [tilespmem:s0+$0xFFFFFFC0]  }
0x26d: {  	v12 =	vadd.f32 v12, v10;
	v16 =	vadd.f32 v3, v11;
	v11 =	vnsel vm1, $0x0, v1;
	v3 =	vld [tilespmem:s0+$0xFFFFFFD0]  }
0x26e: {  	v1 =	vnsel vm0, $0x0, v1;
	v9 =	vadd.f32 v13, v9;
	v10 =	vadd.f32 v14, v15  }
0x26f: {  	v11 =	vadd.f32 v11, v12;
	v12 =	vadd.f32 v1, v16  }
0x270: {  	v1 =	vshra.s32 v6, $0xF;
	v13 =	vshra.s32 v18, $0xF;
	v14 =	vshra.s32 v2, $0xF  }
0x271: {  	v15 =	vshra.s32 v7, $0xF;
	v16 =	vshra.s32 v5, $0xF;
	v17 =	vshra.s32 v4, $0xF  }
0x272: {  	v63 =	vshra.s32 v8, $0xF;
	v20 =	vshra.s32 v3, $0xF;
	vm13 =	vgt.s32 v13, v0  }
0x273: {  	vm14 =	veq.s32 v13, v0;
	vm1 =	vgt.s32 v14, v0;
	vm0 =	veq.s32 v14, v0  }
0x274: {  	vm15 =	vgt.s32 v1, v0;
	vm6 =	veq.s32 v1, v0;
	vm3 =	vgt.s32 v17, v0  }
0x275: {  	vm9 =	vgt.s32 v15, v0;
	vm10 =	veq.s32 v15, v0;
	vm2 =	veq.s32 v17, v0  }
0x276: {  	vm5 =	vgt.s32 v16, v0;
	vm4 =	veq.s32 v16, v0;
	vm8 =	vgt.s32 v63, v0  }
0x277: {  	vm11 =	veq.s32 v63, v0;
	vm12 =	vgt.s32 v20, v0;
	vm7 =	veq.s32 v20, v0  }
0x278: {  	s1 =	simm.s32 $0xC0;
	s0 =	simm.s32 $0x0;
	v15 =	vnsel vm15, $0x0, v6;
	v13 =	vnsel vm13, $0x0, v18;
	v14 =	vnsel vm14, $0x0, v18  }
.LBB2_30:
0x279: {  	v1 =	vld [tilespmem:s1+$0x20];
	v16 =	vnsel vm9, $0x0, v7;
	v17 =	vnsel vm10, $0x0, v7;
	v18 =	vnsel vm6, $0x0, v6  }
0x27a: {  	v7 =	vnsel vm8, $0x0, v8;
	v8 =	vnsel vm11, $0x0, v8;
	v20 =	vnsel vm12, $0x0, v3;
	v19 =	vld [tilespmem:s1+$0x30]  }
0x27b: {  	v3 =	vnsel vm7, $0x0, v3;
	v9 =	vadd.f32 v7, v9;
	v8 =	vadd.f32 v8, v10;
	v6 =	vld [tilespmem:s1+$0x0]  }
0x27c: {  	v10 =	vadd.f32 v20, v11;
	v3 =	vadd.f32 v3, v12;
	v11 =	vnsel vm5, $0x0, v5;
	v21 =	vld [tilespmem:s1+$0x10]  }
0x27d: {  	v9 =	vadd.f32 v16, v9;
	v12 =	vadd.f32 v17, v8;
	v8 =	vnsel vm4, $0x0, v5;
	v7 =	vld [tilespmem:s1+$0xFFFFFFE0]  }
0x27e: {  	v10 =	vadd.f32 v11, v10;
	v16 =	vnsel vm3, $0x0, v4;
	v11 =	vadd.f32 v8, v3;
	v5 =	vld [tilespmem:s1+$0xFFFFFFF0]  }
0x27f: {  	v17 =	vnsel vm2, $0x0, v4;
	v9 =	vadd.f32 v15, v9;
	v12 =	vadd.f32 v18, v12;
	v8 =	vld [tilespmem:s1+$0xFFFFFFC0]  }
0x280: {  	v15 =	vadd.f32 v16, v10;
	v16 =	vadd.f32 v17, v11;
	v11 =	vnsel vm1, $0x0, v2;
	v3 =	vld [tilespmem:s1+$0xFFFFFFD0]  }
0x281: {  	v9 =	vadd.f32 v13, v9;
	v10 =	vadd.f32 v14, v12;
	v12 =	vnsel vm0, $0x0, v2;
	v2 =	vmovc v19;
	v4 =	vmovc v21  }
0x282: {  	v11 =	vadd.f32 v11, v15;
	v12 =	vadd.f32 v12, v16  }
0x283: {  	v13 =	vshra.s32 v6, $0xF;
	v14 =	vshra.s32 v1, $0xF;
	v15 =	vshra.s32 v2, $0xF  }
0x284: {  	v16 =	vshra.s32 v7, $0xF;
	v18 =	vshra.s32 v4, $0xF;
	v17 =	vshra.s32 v5, $0xF  }
0x285: {  	s0 =	sadd.s32 $0x80, s0;
	vm13 =	vgt.s32 v14, v0;
	v19 =	vshra.s32 v8, $0xF;
	v20 =	vshra.s32 v3, $0xF  }
0x286: {  	p0 =	slt.u32 s0, $0x3F80;
	vm14 =	veq.s32 v14, v0;
	vm1 =	vgt.s32 v15, v0;
	vm0 =	veq.s32 v15, v0  }
.Ltmp14:
0x287: {  	vm15 =	vgt.s32 v13, v0;
	vm6 =	veq.s32 v13, v0;
	vm3 =	vgt.s32 v18, v0;
	(pc) =	sbr.rel @p0 .LBB2_30-.Ltmp14, $4  }
0x288: {  	vm9 =	vgt.s32 v16, v0;
	vm10 =	veq.s32 v16, v0;
	vm2 =	veq.s32 v18, v0  }
0x289: {  	vm5 =	vgt.s32 v17, v0;
	vm4 =	veq.s32 v17, v0;
	vm8 =	vgt.s32 v19, v0  }
0x28a: {  	vm11 =	veq.s32 v19, v0;
	vm12 =	vgt.s32 v20, v0;
	vm7 =	veq.s32 v20, v0  }
0x28b: {  	s1 =	sadd.s32 $0x80, s1;
	v15 =	vnsel vm15, $0x0, v6;
	v13 =	vnsel vm13, $0x0, v1;
	v14 =	vnsel vm14, $0x0, v1  }
0x28c: {  	_ =	swait.ge [sflag:s28], $0x4000  }
0x28d: {  	[sflag:s28] =	ssyncset.done $0x0  }
0x28e: {  	s0 =	simm.s32 $0x4040;
	v16 =	vnsel vm9, $0x0, v7;
	v7 =	vnsel vm10, $0x0, v7;
	v17 =	vnsel vm6, $0x0, v6;
	[sflag:s28] =	ssyncadd.s32 $0xFFFFC000  }
0x28f: {  	v6 =	vnsel vm8, $0x0, v8;
	v8 =	vnsel vm11, $0x0, v8;
	v19 =	vnsel vm12, $0x0, v3;
	v18 =	vld [tilespmem:s0+$0x20]  }
0x290: {  	v3 =	vnsel vm7, $0x0, v3;
	v9 =	vadd.f32 v6, v9;
	v8 =	vadd.f32 v8, v10;
	v1 =	vld [tilespmem:s0+$0x30]  }
0x291: {  	v10 =	vadd.f32 v19, v11;
	v11 =	vadd.f32 v3, v12;
	v12 =	vnsel vm5, $0x0, v5;
	v6 =	vld [tilespmem:s0+$0x0]  }
0x292: {  	v5 =	vnsel vm4, $0x0, v5;
	v3 =	vld [tilespmem:s0+$0x10];
	v9 =	vadd.f32 v16, v9;
	v8 =	vadd.f32 v7, v8  }
0x293: {  	v7 =	vld [tilespmem:s0+$0xFFFFFFE0];
	v10 =	vadd.f32 v12, v10;
	v11 =	vadd.f32 v5, v11;
	v12 =	vnsel vm3, $0x0, v4  }
0x294: {  	v5 =	vld [tilespmem:s0+$0xFFFFFFF0];
	v9 =	vadd.f32 v15, v9;
	v15 =	vadd.f32 v17, v8;
	v8 =	vnsel vm2, $0x0, v4  }
0x295: {  	v12 =	vadd.f32 v12, v10;
	v60 =	vadd.f32 v8, v11;
	v11 =	vnsel vm1, $0x0, v2  }
0x296: {  	v2 =	vnsel vm0, $0x0, v2;
	v10 =	vadd.f32 v13, v9;
	v9 =	vadd.f32 v14, v15  }
0x297: {  	v11 =	vadd.f32 v11, v12;
	v2 =	vadd.f32 v2, v60  }
0x298: {  	v12 =	vshra.s32 v6, $0xF;
	v13 =	vshra.s32 v18, $0xF;
	v14 =	vshra.s32 v1, $0xF  }
0x299: {  	v4 =	vld [tilespmem:s0+$0xFFFFFFC0];
	v15 =	vshra.s32 v7, $0xF;
	v61 =	vshra.s32 v5, $0xF;
	v62 =	vshra.s32 v3, $0xF  }
0x29a: {  	v8 =	vld [tilespmem:s0+$0xFFFFFFD0];
	vm13 =	vgt.s32 v13, v0;
	vm14 =	veq.s32 v13, v0;
	vm1 =	vgt.s32 v14, v0  }
0x29b: {  	vm0 =	veq.s32 v14, v0;
	vm15 =	vgt.s32 v12, v0;
	vm6 =	veq.s32 v12, v0  }
0x29c: {  	vm2 =	vgt.s32 v62, v0;
	vm7 =	vgt.s32 v15, v0;
	vm8 =	veq.s32 v15, v0  }
0x29d: {  	vm3 =	veq.s32 v62, v0;
	vm5 =	vgt.s32 v61, v0;
	vm4 =	veq.s32 v61, v0  }
0x29e: {  	v63 =	vshra.s32 v4, $0xF;
	v14 =	vnsel vm15, $0x0, v6;
	v13 =	vnsel vm13, $0x0, v18  }
0x29f: {  	v12 =	vnsel vm14, $0x0, v18;
	v20 =	vshra.s32 v8, $0xF;
	vm9 =	vgt.s32 v63, v0  }
0x2a0: {  	s1 =	simm.s32 $0x40C0;
	s0 =	simm.s32 $0x0;
	vm11 =	veq.s32 v63, v0;
	vm12 =	vgt.s32 v20, v0;
	vm10 =	veq.s32 v20, v0  }
.LBB2_32:
0x2a1: {  	v15 =	vld [tilespmem:s1+$0x20];
	v16 =	vnsel vm7, $0x0, v7;
	v17 =	vnsel vm8, $0x0, v7;
	v18 =	vnsel vm6, $0x0, v6  }
0x2a2: {  	v7 =	vnsel vm9, $0x0, v4;
	v4 =	vnsel vm11, $0x0, v4;
	v20 =	vnsel vm12, $0x0, v8;
	v19 =	vld [tilespmem:s1+$0x30]  }
0x2a3: {  	v10 =	vadd.f32 v7, v10;
	v4 =	vadd.f32 v4, v9;
	v7 =	vnsel vm10, $0x0, v8;
	v6 =	vld [tilespmem:s1+$0x0]  }
0x2a4: {  	v8 =	vadd.f32 v20, v11;
	v9 =	vnsel vm5, $0x0, v5;
	v2 =	vadd.f32 v7, v2;
	v21 =	vld [tilespmem:s1+$0x10]  }
0x2a5: {  	v10 =	vadd.f32 v16, v10;
	v11 =	vadd.f32 v17, v4;
	v4 =	vnsel vm4, $0x0, v5;
	v7 =	vld [tilespmem:s1+$0xFFFFFFE0]  }
0x2a6: {  	v9 =	vadd.f32 v9, v8;
	v16 =	vnsel vm2, $0x0, v3;
	v2 =	vadd.f32 v4, v2;
	v5 =	vld [tilespmem:s1+$0xFFFFFFF0]  }
0x2a7: {  	v17 =	vnsel vm3, $0x0, v3;
	v10 =	vadd.f32 v14, v10;
	v11 =	vadd.f32 v18, v11;
	v4 =	vld [tilespmem:s1+$0xFFFFFFC0]  }
0x2a8: {  	v14 =	vadd.f32 v16, v9;
	v16 =	vnsel vm1, $0x0, v1;
	v2 =	vadd.f32 v17, v2;
	v8 =	vld [tilespmem:s1+$0xFFFFFFD0]  }
0x2a9: {  	v10 =	vadd.f32 v13, v10;
	v9 =	vadd.f32 v12, v11;
	v12 =	vnsel vm0, $0x0, v1;
	v1 =	vmovc v19;
	v3 =	vmovc v21  }
0x2aa: {  	v11 =	vadd.f32 v16, v14;
	v2 =	vadd.f32 v12, v2  }
0x2ab: {  	v13 =	vshra.s32 v15, $0xF;
	v12 =	vshra.s32 v6, $0xF;
	v14 =	vshra.s32 v1, $0xF  }
0x2ac: {  	v16 =	vshra.s32 v7, $0xF;
	v18 =	vshra.s32 v3, $0xF;
	v17 =	vshra.s32 v5, $0xF  }
0x2ad: {  	s0 =	sadd.s32 $0x80, s0;
	vm13 =	vgt.s32 v13, v0;
	v19 =	vshra.s32 v4, $0xF;
	v20 =	vshra.s32 v8, $0xF  }
0x2ae: {  	p0 =	slt.u32 s0, $0x3F80;
	vm14 =	veq.s32 v13, v0;
	vm1 =	vgt.s32 v14, v0;
	vm0 =	veq.s32 v14, v0  }
.Ltmp15:
0x2af: {  	vm15 =	vgt.s32 v12, v0;
	vm6 =	veq.s32 v12, v0;
	vm2 =	vgt.s32 v18, v0;
	(pc) =	sbr.rel @p0 .LBB2_32-.Ltmp15, $4  }
0x2b0: {  	vm7 =	vgt.s32 v16, v0;
	vm8 =	veq.s32 v16, v0;
	vm3 =	veq.s32 v18, v0  }
0x2b1: {  	vm5 =	vgt.s32 v17, v0;
	vm4 =	veq.s32 v17, v0;
	vm9 =	vgt.s32 v19, v0  }
0x2b2: {  	vm11 =	veq.s32 v19, v0;
	vm12 =	vgt.s32 v20, v0;
	vm10 =	veq.s32 v20, v0  }
0x2b3: {  	s1 =	sadd.s32 $0x80, s1;
	v13 =	vnsel vm13, $0x0, v15;
	v12 =	vnsel vm14, $0x0, v15;
	v14 =	vnsel vm15, $0x0, v6  }
0x2b4: {  	v0 =	vnsel vm7, $0x0, v7;
	v55 =	vnsel vm8, $0x0, v7;
	v6 =	vnsel vm6, $0x0, v6  }
0x2b5: {  	v15 =	vnsel vm9, $0x0, v4;
	v56 =	vnsel vm11, $0x0, v4;
	v16 =	vnsel vm12, $0x0, v8  }
0x2b6: {  	v57 =	vnsel vm10, $0x0, v8;
	v10 =	vadd.f32 v15, v10;
	v11 =	vadd.f32 v16, v11  }
0x2b7: {  	v58 =	vnsel vm5, $0x0, v5;
	v4 =	vadd.f32 v56, v9;
	v2 =	vadd.f32 v57, v2  }
0x2b8: {  	v59 =	vnsel vm4, $0x0, v5;
	v0 =	vadd.f32 v0, v10;
	v8 =	vadd.f32 v58, v11  }
0x2b9: {  	v60 =	vnsel vm2, $0x0, v3;
	v4 =	vadd.f32 v55, v4;
	v2 =	vadd.f32 v59, v2  }
0x2ba: {  	v61 =	vnsel vm3, $0x0, v3;
	v0 =	vadd.f32 v14, v0;
	v5 =	vadd.f32 v60, v8  }
0x2bb: {  	v62 =	vnsel vm1, $0x0, v1;
	v4 =	vadd.f32 v6, v4;
	v2 =	vadd.f32 v61, v2  }
0x2bc: {  	v63 =	vnsel vm0, $0x0, v1;
	v0 =	vadd.f32 v13, v0;
	v3 =	vadd.f32 v62, v5  }
0x2bd: {  	v4 =	vadd.f32 v12, v4;
	v1 =	vadd.f32 v63, v2  }
0x2be: {  	v0 =	vadd.f32 v3, v0  }
0x2bf: {  	v1 =	vadd.f32 v1, v4  }
0x2c0: {  	[tilespmem:$0x8080] =	vst v0  }
0x2c1: {  	[tilespmem:$0x8100] =	vst v1  }
0x2c2: {  	[hbm4b:s20+s2] =	stream.linear.scatter [tilespmem:s29], [sflag:$0x3], $0x80, $0x38;
	[tilespmem:$0x8180] =	vst v63  }
0x2c3: {  	s31 =	sadd.s32 $0x1, s31;
	_ =	swait.ge [sflag:s24], $0x80  }
0x2c4: {  	p0 =	sne.s32 s31, s22;
	[sflag:s24] =	ssyncset.done $0x0  }
.Ltmp16:
0x2c5: {  	[sflag:s24] =	ssyncadd.s32 $0xFFFFFF80;
	(pc) =	sbr.rel @p0 .LBB2_1-.Ltmp16, $4  }
0x2c6: {  	[hbm4b:s21+s2] =	stream.linear.scatter [tilespmem:s30], [sflag:$0x3], $0x80, $0x38;
	[tilespmem:$0x8180] =	vst v63  }
0x2c7: {  	_ =	swait.ge [sflag:s24], $0x80  }
0x2c8: {  	[sflag:s24] =	ssyncset.done $0x0  }
0x2c9: {  	[sflag:s24] =	ssyncadd.s32 $0xFFFFFF80  }
0x2ca: {  	_ =	sfence.sel $0x180000  }
0x2cb: {  	[bflag:$0x0] =	sbarrier.arrive $0xFFFF  }
0x2cc: {  	_ =	strace $0x9000004A  }
0x2cd: {  	s0 =	stileid.u32;
	[bflag:$0x2] =	sbarrier.arrive $0xFFFF  }
0x2ce: {  	p0 =	sne.s32 s0, $0x0;
	s0 =	rddreg [dreg:$0x1]  }
0x2cf: {  	s0 =	sadd.s32 @!p0 $0x100000, s0  }
0x2d0: {  	[sflag:s0] =	ssyncadd.tile.s32 @!p0 $0x1;
	_ =	shalt  }
.Lfunc_end2:
_tile_overlayer_lowered:
.L_overlay_start_2:
0x2d1: {  	(tag) =	ssettag $0x2  }
0x2d2: {  	s0 =	rddreg [dreg:$0x0];
	s2 =	stileid.u32  }
0x2d3: {  	s1 =	rddreg [dreg:$0x1];
	p0 =	sne.s32 s2, $0x0  }
0x2d4: {  	s3 =	rddreg [dreg:$0x2];
	[bflag:$0x3] =	sbarrier.arrive $0xFFFF;
	s2 =	simm.s32 @!p0 $0x1C03  }
0x2d5: {  	[timem:s3], [sflag:s2] =	dma.local @!p0 [hbm:s0], s1  }
0x2d6: {  	s0 =	simm.s32 @!p0 $0x3  }
0x2d7: {  	_ =	swait.ge @!p0 [sflag:s0], s1  }
0x2d8: {  	s1 =	ssub.s32 @!p0 $0x0, s1;
	[sflag:s0] =	ssyncset.done @!p0 $0x0  }
0x2d9: {  	[sflag:s0] =	ssyncadd.s32 @!p0 s1  }
0x2da: {  	[bflag:$0x3] =	sbarrier.arrive $0xFFFF  }
0x2db: {  	_ =	shalt  }

</sc_bundles>
